<compile_context>
chip_gen: v7x
topology: tpu7x:2x2x1
jax: 0.10.2.dev20260603
libtpu: 0.0.44.dev20260713+nightly
codegen_flags: <defaults>
</compile_context>

<pallas_src>
import functools

import jax
import jax.numpy as jnp
from jax import lax
from jax.experimental import pallas as pl
from jax.experimental.pallas import tpu as pltpu
from jax.experimental.pallas import tpu_sc as plsc

N = 10000
E = 320000
D = 128
G = 64
BN_EPS = 1e-5

NC = 2
NS = 16
NW = NC * NS
EPT = E // NW
CH = 40
NBUF = 5
NSTEP = EPT // CH
NROW = N
RPS = 624
TAIL = N - NS * RPS

_MESH = plsc.VectorSubcoreMesh(core_axis_name="c", subcore_axis_name="s")


@functools.partial(
    pl.kernel,
    out_type=jax.ShapeDtypeStruct((NC, N, D), jnp.float32),
    mesh=_MESH,
    scratch_types=[
        pltpu.VMEM((EPT,), jnp.int32),
        pltpu.VMEM((NBUF, CH), jnp.int32),
        pltpu.VMEM((NBUF, CH, D), jnp.float32),
        pltpu.VMEM_SHARED((NROW, D), jnp.float32),
        pltpu.SemaphoreType.DMA((NBUF,)),
        pltpu.SemaphoreType.DMA((NBUF,)),
        pltpu.SemaphoreType.DMA((NBUF,)),
    ],
)
def _sc_aggr_kernel(x_hbm, src_hbm, dst_hbm, z_hbm, out_hbm,
                    sidx, didxr, rows, accum, gsem, ssem, isem):
    c = lax.axis_index("c")
    s = lax.axis_index("s")
    wid = s * NC + c
    ebase = wid * EPT
    pltpu.sync_copy(src_hbm.at[pl.ds(ebase, EPT)], sidx)

    def start_gather(step, b):
        pltpu.async_copy(x_hbm.at[sidx.at[pl.ds(step * CH, CH)]],
                         rows.at[b], gsem.at[b])
        pltpu.async_copy(dst_hbm.at[pl.ds(ebase + step * CH, CH)],
                         didxr.at[b], isem.at[b])

    def wait_gather(b):
        pltpu.make_async_copy(x_hbm.at[pl.ds(0, CH)], rows.at[b],
                              gsem.at[b]).wait()
        pltpu.make_async_copy(dst_hbm.at[pl.ds(0, CH)], didxr.at[b],
                              isem.at[b]).wait()

    def wait_scatter(b):
        pltpu.make_async_copy(rows.at[b], accum.at[pl.ds(0, CH)],
                              ssem.at[b]).wait()

    for b in range(NBUF):
        start_gather(b, b)

    pltpu.sync_copy(z_hbm, accum.at[pl.ds(s * RPS, RPS)])

    @pl.when(s == NS - 1)
    def _():
        pltpu.sync_copy(z_hbm.at[pl.ds(0, TAIL)],
                        accum.at[pl.ds(NS * RPS, TAIL)])

    plsc.subcore_barrier()

    @pl.loop(0, NSTEP, step=NBUF)
    def _(i0):
        for b in range(NBUF):
            wait_gather(b)
            pltpu.async_copy(rows.at[b], accum.at[didxr.at[b]],
                             ssem.at[b], add=True)
        for b in range(NBUF):
            @pl.when(i0 + b + NBUF < NSTEP)
            def _():
                wait_scatter(b)
                start_gather(i0 + b + NBUF, b)

    for b in range(NBUF):
        wait_scatter(b)

    plsc.subcore_barrier()
    pltpu.sync_copy(accum.at[pl.ds(s * RPS, RPS)],
                    out_hbm.at[c, pl.ds(s * RPS, RPS)])

    @pl.when(s == NS - 1)
    def _():
        pltpu.sync_copy(accum.at[pl.ds(NS * RPS, TAIL)],
                        out_hbm.at[c, pl.ds(NS * RPS, TAIL)])


_BR = 1000


def _mlp_core(x_ref, a_ref, w1_ref, b1_ref, w2_ref, b2_ref):
    h = x_ref[...] + a_ref[0] + a_ref[1]
    h = jnp.dot(h, w1_ref[...], preferred_element_type=jnp.float32) + b1_ref[...]
    h = jnp.maximum(h, 0.0)
    h = jnp.dot(h, w2_ref[...], preferred_element_type=jnp.float32) + b2_ref[...]
    return jnp.maximum(h, 0.0)


def _mlp_body(x_ref, a_ref, w1_ref, b1_ref, w2_ref, b2_ref, o_ref):
    o_ref[...] = _mlp_core(x_ref, a_ref, w1_ref, b1_ref, w2_ref, b2_ref)


_ROW = pl.BlockSpec((_BR, D), lambda i: (i, 0))
_AGG = pl.BlockSpec((NC, _BR, D), lambda i: (0, i, 0))
_MAT = pl.BlockSpec((D, D), lambda i: (0, 0))
_VEC = pl.BlockSpec((1, D), lambda i: (0, 0))


def _mlp(x, agg, w1, b1, w2, b2):
    return pl.pallas_call(
        _mlp_body,
        grid=(N // _BR,),
        in_specs=[_ROW, _AGG, _MAT, _VEC, _MAT, _VEC],
        out_specs=_ROW,
        out_shape=jax.ShapeDtypeStruct((N, D), jnp.float32),
    )(x, agg, w1, b1.reshape(1, D), w2, b2.reshape(1, D))


def _mlp_pool_body(x_ref, a_ref, w1_ref, b1_ref, w2_ref, b2_ref,
                   batch_ref, w_ref, bb_ref, o_ref, acc_ref):
    i = pl.program_id(0)
    h = _mlp_core(x_ref, a_ref, w1_ref, b1_ref, w2_ref, b2_ref)
    seg = batch_ref[...].reshape(1, _BR)
    gids = lax.broadcasted_iota(jnp.int32, (G, _BR), 0)
    onehot = (gids == seg).astype(jnp.float32)
    part = jnp.dot(onehot, h, preferred_element_type=jnp.float32)

    @pl.when(i == 0)
    def _():
        acc_ref[...] = jnp.zeros_like(acc_ref)

    acc_ref[...] += part

    @pl.when(i == pl.num_programs(0) - 1)
    def _():
        o_ref[...] = jnp.dot(acc_ref[...], w_ref[...],
                             preferred_element_type=jnp.float32) + bb_ref[...]


def _mlp_pool(x, agg, w1, b1, w2, b2, batch3d, lin_w, lin_b):
    return pl.pallas_call(
        _mlp_pool_body,
        grid=(N // _BR,),
        in_specs=[_ROW, _AGG, _MAT, _VEC, _MAT, _VEC,
                  pl.BlockSpec((1, 1, _BR), lambda i: (i, 0, 0)),
                  pl.BlockSpec((D, 1), lambda i: (0, 0)),
                  pl.BlockSpec((1, 1), lambda i: (0, 0))],
        out_specs=pl.BlockSpec((G, 1), lambda i: (0, 0)),
        out_shape=jax.ShapeDtypeStruct((G, 1), jnp.float32),
        scratch_shapes=[pltpu.VMEM((G, D), jnp.float32)],
    )(x, agg, w1, b1.reshape(1, D), w2, b2.reshape(1, D),
      batch3d, lin_w, lin_b.reshape(1, 1))


def kernel(x, edge_index, batch,
           c1_W1, c1_b1, c1_g, c1_be, c1_W2, c1_b2,
           c2_W1, c2_b1, c2_g, c2_be, c2_W2, c2_b2,
           c3_W1, c3_b1, c3_g, c3_be, c3_W2, c3_b2,
           lin_W, lin_b):
    src = edge_index[0]
    dst = edge_index[1]
    zrows = jnp.zeros((RPS, D), jnp.float32)

    def fold_bn(w1, b1, g, be):
        s = g * (1.0 / jnp.sqrt(jnp.float32(1.0 + BN_EPS)))
        return w1 * s[None, :], b1 * s + be

    h = x
    for w1, b1, g, be, w2, b2 in (
        (c1_W1, c1_b1, c1_g, c1_be, c1_W2, c1_b2),
        (c2_W1, c2_b1, c2_g, c2_be, c2_W2, c2_b2),
    ):
        w1f, b1f = fold_bn(w1, b1, g, be)
        agg = _sc_aggr_kernel(h, src, dst, zrows)
        h = _mlp(h, agg, w1f, b1f, w2, b2)

    w1f, b1f = fold_bn(c3_W1, c3_b1, c3_g, c3_be)
    agg = _sc_aggr_kernel(h, src, dst, zrows)
    return _mlp_pool(h, agg, w1f, b1f, c3_W2, c3_b2,
                     batch.reshape(N // _BR, 1, _BR), lin_W, lin_b)

# --- scband reference (transcript-rebuilt; emitter-appended) ---
"""Pipeline reference for scband-gin-16312285790930 (READ-ONLY COPY).

The authoritative reference and input builder live on the scoring server;
editing this copy changes nothing except your own understanding.
"""

import jax, jax.numpy as jnp
import numpy as np

N = 10000
E = 320000
D = 128
H = 128
G = 64
BN_EPS = 1e-5


def _lin_init(k, fan_in, fan_out):
    return jax.random.normal(k, (fan_in, fan_out), dtype=jnp.float32) * (1.0 / np.sqrt(fan_in))


def setup_inputs(seed: int = 0) -> dict:
    key = jax.random.key(seed)
    ks = jax.random.split(key, 20)
    x = jax.random.normal(ks[0], (N, D), dtype=jnp.float32)
    edge_index = jax.random.randint(ks[1], (2, E), 0, N, dtype=jnp.int32)
    batch = jnp.sort(jax.random.randint(ks[2], (N,), 0, G, dtype=jnp.int32))
    inp = {"x": x, "edge_index": edge_index, "batch": batch}
    dims = [(D, H), (H, H), (H, H)]
    ki = 3
    for i, (din, dh) in enumerate(dims, start=1):
        inp[f"c{i}_W1"] = _lin_init(ks[ki], din, dh); ki += 1
        inp[f"c{i}_b1"] = jnp.zeros((dh,), dtype=jnp.float32)
        inp[f"c{i}_g"] = jnp.ones((dh,), dtype=jnp.float32)
        inp[f"c{i}_be"] = jnp.zeros((dh,), dtype=jnp.float32)
        inp[f"c{i}_W2"] = _lin_init(ks[ki], dh, dh); ki += 1
        inp[f"c{i}_b2"] = jnp.zeros((dh,), dtype=jnp.float32)
    inp["lin_W"] = _lin_init(ks[ki], H, 1)
    inp["lin_b"] = jnp.zeros((1,), dtype=jnp.float32)
    return inp


def _gin_layer(x, edge_index, W1, b1, g, be, W2, b2):
    src = edge_index[0]
    dst = edge_index[1]
    # message passing: gather source features, scatter-add to destinations
    aggr = jax.ops.segment_sum(jnp.take(x, src, axis=0), dst, num_segments=N)
    h = x + aggr  # GINConv with eps=0: (1+eps)*x + sum_j x_j
    h = h @ W1 + b1
    # BatchNorm1d in eval mode: running_mean=0, running_var=1
    h = g * (h / jnp.sqrt(1.0 + BN_EPS)) + be
    h = jax.nn.relu(h)
    h = h @ W2 + b2
    h = jax.nn.relu(h)
    return h


def reference(x, edge_index, batch,
              c1_W1, c1_b1, c1_g, c1_be, c1_W2, c1_b2,
              c2_W1, c2_b1, c2_g, c2_be, c2_W2, c2_b2,
              c3_W1, c3_b1, c3_g, c3_be, c3_W2, c3_b2,
              lin_W, lin_b):
    h = _gin_layer(x, edge_index, c1_W1, c1_b1, c1_g, c1_be, c1_W2, c1_b2)
    h = jax.nn.relu(h)
    h = _gin_layer(h, edge_index, c2_W1, c2_b1, c2_g, c2_be, c2_W2, c2_b2)
    h = jax.nn.relu(h)
    h = _gin_layer(h, edge_index, c3_W1, c3_b1, c3_g, c3_be, c3_W2, c3_b2)
    pooled = jax.ops.segment_sum(h, batch, num_segments=G)  # global_add_pool
    # dropout p=0.35 is identity in eval mode
    out = pooled @ lin_W + lin_b
    return out

if __name__ == "__main__":
    import jax
    _d = setup_inputs()
    print(jax.jit(kernel)(*tuple(_d.values())))

</pallas_src>

<mosaic_0001>
#map = affine_map<(d0, d1) -> (0, 0)>
#map1 = affine_map<(d0, d1) -> (0)>
#map2 = affine_map<(d0, d1) -> (0, 0, 0)>
module attributes {stable_mosaic.version = 14 : i64} {
  func.func @_sc_aggr_kernel(%arg0: i32, %arg1: i32, %arg2: memref<10000x128xf32, #tpu.memory_space<hbm>>, %arg3: memref<320000xi32, #tpu.memory_space<hbm>>, %arg4: memref<320000xi32, #tpu.memory_space<hbm>>, %arg5: memref<624x128xf32, #tpu.memory_space<hbm>>, %arg6: memref<2x10000x128xf32, #tpu.memory_space<hbm>>, %arg7: memref<10000xi32, #tpu.memory_space<vmem>>, %arg8: memref<5x40xi32, #tpu.memory_space<vmem>>, %arg9: memref<5x40x128xf32, #tpu.memory_space<vmem>>, %arg10: memref<10000x128xf32, #tpu.memory_space<vmem_shared>>, %arg11: memref<5x!tpu.dma_semaphore, #tpu.memory_space<semaphore_mem>>, %arg12: memref<5x!tpu.dma_semaphore, #tpu.memory_space<semaphore_mem>>, %arg13: memref<5x!tpu.dma_semaphore, #tpu.memory_space<semaphore_mem>>) attributes {dimension_semantics = [#tpu.dimension_semantics<core_parallel>, #tpu.dimension_semantics<subcore_parallel>], iteration_bounds = array<i64: 2, 16>, scalar_prefetch = 0 : i64, scratch_operands = 7 : i64, tpu.core_type = #tpu.core_type<sc_vector_subcore>, window_params = [{transform_indices = #map}, {transform_indices = #map1}, {transform_indices = #map1}, {transform_indices = #map}, {transform_indices = #map2}]} {
    %mul3A = arith.constant 2 : i32
    %mul3A_0 = arith.muli %arg1, %mul3A : i32
    %add3A = arith.addi %mul3A_0, %arg0 : i32
    %mul3A_1 = arith.constant 10000 : i32
    %mul3A_2 = arith.muli %add3A, %mul3A_1 : i32
    "tpu.region"() ({
      %run_scoped3A = tpu.sem_alloc : memref<!tpu.dma_semaphore, #tpu.memory_space<semaphore_mem>>
      %dma_start3A_244 = tpu.memref_slice %arg3[%mul3A_2] : memref<320000xi32, #tpu.memory_space<hbm>> -> memref<10000xi32, #tpu.memory_space<hbm>>
      %dma_start3A_245 = tpu.memref_slice %arg3[%mul3A_2] : memref<320000xi32, #tpu.memory_space<hbm>> -> memref<10000xi32, #tpu.memory_space<hbm>>
      tpu.enqueue_dma source(%dma_start3A_245 : memref<10000xi32, #tpu.memory_space<hbm>>) target(%arg7 : memref<10000xi32, #tpu.memory_space<vmem>>) target_semaphore(%run_scoped3A : memref<!tpu.dma_semaphore, #tpu.memory_space<semaphore_mem>>)
      %dma_wait3A_246 = tpu.memref_slice %arg3[%mul3A_2] : memref<320000xi32, #tpu.memory_space<hbm>> -> memref<10000xi32, #tpu.memory_space<hbm>>
      %dma_wait3A_247 = tpu.memref_slice %arg3[%mul3A_2] : memref<320000xi32, #tpu.memory_space<hbm>> -> memref<10000xi32, #tpu.memory_space<hbm>>
      tpu.wait_dma2 semaphore(%run_scoped3A : memref<!tpu.dma_semaphore, #tpu.memory_space<semaphore_mem>>) src(%dma_wait3A_247 : memref<10000xi32, #tpu.memory_space<hbm>>) dst(%arg7 : memref<10000xi32, #tpu.memory_space<vmem>>)
      tpu.yield
    }) : () -> ()
    %dma_start3A = arith.constant 0 : i32
    %dma_start3A_3 = arith.constant 0 : i32
    %dma_start3A_4 = arith.constant 0 : i32
    %dma_start3A_5 = arith.constant 0 : i32
    %dma_start3A_6 = tpu.memref_slice %arg9[%dma_start3A, %dma_start3A_4, %dma_start3A_5] : memref<5x40x128xf32, #tpu.memory_space<vmem>> -> memref<1x40x128xf32, #tpu.memory_space<vmem>>
    %dma_start3A_7 = tpu.memref_squeeze %dma_start3A_6 : memref<1x40x128xf32, #tpu.memory_space<vmem>> -> memref<40x128xf32, #tpu.memory_space<vmem>>
    %dma_start3A_8 = arith.constant 0 : i32
    %dma_start3A_9 = tpu.memref_slice %arg7[%dma_start3A_8] : memref<10000xi32, #tpu.memory_space<vmem>> -> memref<40xi32, #tpu.memory_space<vmem>>
    %dma_start3A_10 = arith.constant 0 : i32
    %dma_start3A_11 = arith.constant 0 : i32
    %dma_start3A_12 = tpu.memref_slice %arg2[%dma_start3A_10, %dma_start3A_11] : memref<10000x128xf32, #tpu.memory_space<hbm>> -> memref<10000x128xf32, #tpu.memory_space<hbm>>
    %dma_start3A_13 = tpu.memref_slice %arg11[%dma_start3A_3] : memref<5x!tpu.dma_semaphore, #tpu.memory_space<semaphore_mem>> -> memref<1x!tpu.dma_semaphore, #tpu.memory_space<semaphore_mem>>
    %dma_start3A_14 = tpu.memref_squeeze %dma_start3A_13 : memref<1x!tpu.dma_semaphore, #tpu.memory_space<semaphore_mem>> -> memref<!tpu.dma_semaphore, #tpu.memory_space<semaphore_mem>>
    tpu.enqueue_indirect_dma source(%dma_start3A_12 : memref<10000x128xf32, #tpu.memory_space<hbm>>) target(%dma_start3A_7 : memref<40x128xf32, #tpu.memory_space<vmem>>) offsets(%dma_start3A_9 : memref<40xi32, #tpu.memory_space<vmem>>) semaphore(%dma_start3A_14 : memref<!tpu.dma_semaphore, #tpu.memory_space<semaphore_mem>>)
    %add3A_15 = arith.constant 0 : i32
    %add3A_16 = arith.addi %mul3A_2, %add3A_15 : i32
    %dma_start3A_17 = arith.constant 0 : i32
    %dma_start3A_18 = arith.constant 0 : i32
    %dma_start3A_19 = arith.constant 0 : i32
    %dma_start3A_20 = tpu.memref_slice %arg8[%dma_start3A_17, %dma_start3A_19] : memref<5x40xi32, #tpu.memory_space<vmem>> -> memref<1x40xi32, #tpu.memory_space<vmem>>
    %dma_start3A_21 = tpu.memref_squeeze %dma_start3A_20 : memref<1x40xi32, #tpu.memory_space<vmem>> -> memref<40xi32, #tpu.memory_space<vmem>>
    %dma_start3A_22 = tpu.memref_slice %arg4[%add3A_16] : memref<320000xi32, #tpu.memory_space<hbm>> -> memref<40xi32, #tpu.memory_space<hbm>>
    %dma_start3A_23 = tpu.memref_slice %arg13[%dma_start3A_18] : memref<5x!tpu.dma_semaphore, #tpu.memory_space<semaphore_mem>> -> memref<1x!tpu.dma_semaphore, #tpu.memory_space<semaphore_mem>>
    %dma_start3A_24 = tpu.memref_squeeze %dma_start3A_23 : memref<1x!tpu.dma_semaphore, #tpu.memory_space<semaphore_mem>> -> memref<!tpu.dma_semaphore, #tpu.memory_space<semaphore_mem>>
    %dma_start3A_25 = arith.constant 0 : i32
    %dma_start3A_26 = tpu.memref_slice %arg8[%dma_start3A_17, %dma_start3A_25] : memref<5x40xi32, #tpu.memory_space<vmem>> -> memref<1x40xi32, #tpu.memory_space<vmem>>
    %dma_start3A_27 = tpu.memref_squeeze %dma_start3A_26 : memref<1x40xi32, #tpu.memory_space<vmem>> -> memref<40xi32, #tpu.memory_space<vmem>>
    %dma_start3A_28 = tpu.memref_slice %arg4[%add3A_16] : memref<320000xi32, #tpu.memory_space<hbm>> -> memref<40xi32, #tpu.memory_space<hbm>>
    tpu.enqueue_dma source(%dma_start3A_28 : memref<40xi32, #tpu.memory_space<hbm>>) target(%dma_start3A_27 : memref<40xi32, #tpu.memory_space<vmem>>) target_semaphore(%dma_start3A_24 : memref<!tpu.dma_semaphore, #tpu.memory_space<semaphore_mem>>)
    %dma_start3A_29 = arith.constant 1 : i32
    %dma_start3A_30 = arith.constant 1 : i32
    %dma_start3A_31 = arith.constant 0 : i32
    %dma_start3A_32 = arith.constant 0 : i32
    %dma_start3A_33 = tpu.memref_slice %arg9[%dma_start3A_29, %dma_start3A_31, %dma_start3A_32] : memref<5x40x128xf32, #tpu.memory_space<vmem>> -> memref<1x40x128xf32, #tpu.memory_space<vmem>>
    %dma_start3A_34 = tpu.memref_squeeze %dma_start3A_33 : memref<1x40x128xf32, #tpu.memory_space<vmem>> -> memref<40x128xf32, #tpu.memory_space<vmem>>
    %dma_start3A_35 = arith.constant 40 : i32
    %dma_start3A_36 = tpu.memref_slice %arg7[%dma_start3A_35] : memref<10000xi32, #tpu.memory_space<vmem>> -> memref<40xi32, #tpu.memory_space<vmem>>
    %dma_start3A_37 = arith.constant 0 : i32
    %dma_start3A_38 = arith.constant 0 : i32
    %dma_start3A_39 = tpu.memref_slice %arg2[%dma_start3A_37, %dma_start3A_38] : memref<10000x128xf32, #tpu.memory_space<hbm>> -> memref<10000x128xf32, #tpu.memory_space<hbm>>
    %dma_start3A_40 = tpu.memref_slice %arg11[%dma_start3A_30] : memref<5x!tpu.dma_semaphore, #tpu.memory_space<semaphore_mem>> -> memref<1x!tpu.dma_semaphore, #tpu.memory_space<semaphore_mem>>
    %dma_start3A_41 = tpu.memref_squeeze %dma_start3A_40 : memref<1x!tpu.dma_semaphore, #tpu.memory_space<semaphore_mem>> -> memref<!tpu.dma_semaphore, #tpu.memory_space<semaphore_mem>>
    tpu.enqueue_indirect_dma source(%dma_start3A_39 : memref<10000x128xf32, #tpu.memory_space<hbm>>) target(%dma_start3A_34 : memref<40x128xf32, #tpu.memory_space<vmem>>) offsets(%dma_start3A_36 : memref<40xi32, #tpu.memory_space<vmem>>) semaphore(%dma_start3A_41 : memref<!tpu.dma_semaphore, #tpu.memory_space<semaphore_mem>>)
    %add3A_42 = arith.constant 40 : i32
    %add3A_43 = arith.addi %mul3A_2, %add3A_42 : i32
    %dma_start3A_44 = arith.constant 1 : i32
    %dma_start3A_45 = arith.constant 1 : i32
    %dma_start3A_46 = arith.constant 0 : i32
    %dma_start3A_47 = tpu.memref_slice %arg8[%dma_start3A_44, %dma_start3A_46] : memref<5x40xi32, #tpu.memory_space<vmem>> -> memref<1x40xi32, #tpu.memory_space<vmem>>
    %dma_start3A_48 = tpu.memref_squeeze %dma_start3A_47 : memref<1x40xi32, #tpu.memory_space<vmem>> -> memref<40xi32, #tpu.memory_space<vmem>>
    %dma_start3A_49 = tpu.memref_slice %arg4[%add3A_43] : memref<320000xi32, #tpu.memory_space<hbm>> -> memref<40xi32, #tpu.memory_space<hbm>>
    %dma_start3A_50 = tpu.memref_slice %arg13[%dma_start3A_45] : memref<5x!tpu.dma_semaphore, #tpu.memory_space<semaphore_mem>> -> memref<1x!tpu.dma_semaphore, #tpu.memory_space<semaphore_mem>>
    %dma_start3A_51 = tpu.memref_squeeze %dma_start3A_50 : memref<1x!tpu.dma_semaphore, #tpu.memory_space<semaphore_mem>> -> memref<!tpu.dma_semaphore, #tpu.memory_space<semaphore_mem>>
    %dma_start3A_52 = arith.constant 0 : i32
    %dma_start3A_53 = tpu.memref_slice %arg8[%dma_start3A_44, %dma_start3A_52] : memref<5x40xi32, #tpu.memory_space<vmem>> -> memref<1x40xi32, #tpu.memory_space<vmem>>
    %dma_start3A_54 = tpu.memref_squeeze %dma_start3A_53 : memref<1x40xi32, #tpu.memory_space<vmem>> -> memref<40xi32, #tpu.memory_space<vmem>>
    %dma_start3A_55 = tpu.memref_slice %arg4[%add3A_43] : memref<320000xi32, #tpu.memory_space<hbm>> -> memref<40xi32, #tpu.memory_space<hbm>>
    tpu.enqueue_dma source(%dma_start3A_55 : memref<40xi32, #tpu.memory_space<hbm>>) target(%dma_start3A_54 : memref<40xi32, #tpu.memory_space<vmem>>) target_semaphore(%dma_start3A_51 : memref<!tpu.dma_semaphore, #tpu.memory_space<semaphore_mem>>)
    %dma_start3A_56 = arith.constant 2 : i32
    %dma_start3A_57 = arith.constant 2 : i32
    %dma_start3A_58 = arith.constant 0 : i32
    %dma_start3A_59 = arith.constant 0 : i32
    %dma_start3A_60 = tpu.memref_slice %arg9[%dma_start3A_56, %dma_start3A_58, %dma_start3A_59] : memref<5x40x128xf32, #tpu.memory_space<vmem>> -> memref<1x40x128xf32, #tpu.memory_space<vmem>>
    %dma_start3A_61 = tpu.memref_squeeze %dma_start3A_60 : memref<1x40x128xf32, #tpu.memory_space<vmem>> -> memref<40x128xf32, #tpu.memory_space<vmem>>
    %dma_start3A_62 = arith.constant 80 : i32
    %dma_start3A_63 = tpu.memref_slice %arg7[%dma_start3A_62] : memref<10000xi32, #tpu.memory_space<vmem>> -> memref<40xi32, #tpu.memory_space<vmem>>
    %dma_start3A_64 = arith.constant 0 : i32
    %dma_start3A_65 = arith.constant 0 : i32
    %dma_start3A_66 = tpu.memref_slice %arg2[%dma_start3A_64, %dma_start3A_65] : memref<10000x128xf32, #tpu.memory_space<hbm>> -> memref<10000x128xf32, #tpu.memory_space<hbm>>
    %dma_start3A_67 = tpu.memref_slice %arg11[%dma_start3A_57] : memref<5x!tpu.dma_semaphore, #tpu.memory_space<semaphore_mem>> -> memref<1x!tpu.dma_semaphore, #tpu.memory_space<semaphore_mem>>
    %dma_start3A_68 = tpu.memref_squeeze %dma_start3A_67 : memref<1x!tpu.dma_semaphore, #tpu.memory_space<semaphore_mem>> -> memref<!tpu.dma_semaphore, #tpu.memory_space<semaphore_mem>>
    tpu.enqueue_indirect_dma source(%dma_start3A_66 : memref<10000x128xf32, #tpu.memory_space<hbm>>) target(%dma_start3A_61 : memref<40x128xf32, #tpu.memory_space<vmem>>) offsets(%dma_start3A_63 : memref<40xi32, #tpu.memory_space<vmem>>) semaphore(%dma_start3A_68 : memref<!tpu.dma_semaphore, #tpu.memory_space<semaphore_mem>>)
    %add3A_69 = arith.constant 80 : i32
    %add3A_70 = arith.addi %mul3A_2, %add3A_69 : i32
    %dma_start3A_71 = arith.constant 2 : i32
    %dma_start3A_72 = arith.constant 2 : i32
    %dma_start3A_73 = arith.constant 0 : i32
    %dma_start3A_74 = tpu.memref_slice %arg8[%dma_start3A_71, %dma_start3A_73] : memref<5x40xi32, #tpu.memory_space<vmem>> -> memref<1x40xi32, #tpu.memory_space<vmem>>
    %dma_start3A_75 = tpu.memref_squeeze %dma_start3A_74 : memref<1x40xi32, #tpu.memory_space<vmem>> -> memref<40xi32, #tpu.memory_space<vmem>>
    %dma_start3A_76 = tpu.memref_slice %arg4[%add3A_70] : memref<320000xi32, #tpu.memory_space<hbm>> -> memref<40xi32, #tpu.memory_space<hbm>>
    %dma_start3A_77 = tpu.memref_slice %arg13[%dma_start3A_72] : memref<5x!tpu.dma_semaphore, #tpu.memory_space<semaphore_mem>> -> memref<1x!tpu.dma_semaphore, #tpu.memory_space<semaphore_mem>>
    %dma_start3A_78 = tpu.memref_squeeze %dma_start3A_77 : memref<1x!tpu.dma_semaphore, #tpu.memory_space<semaphore_mem>> -> memref<!tpu.dma_semaphore, #tpu.memory_space<semaphore_mem>>
    %dma_start3A_79 = arith.constant 0 : i32
    %dma_start3A_80 = tpu.memref_slice %arg8[%dma_start3A_71, %dma_start3A_79] : memref<5x40xi32, #tpu.memory_space<vmem>> -> memref<1x40xi32, #tpu.memory_space<vmem>>
    %dma_start3A_81 = tpu.memref_squeeze %dma_start3A_80 : memref<1x40xi32, #tpu.memory_space<vmem>> -> memref<40xi32, #tpu.memory_space<vmem>>
    %dma_start3A_82 = tpu.memref_slice %arg4[%add3A_70] : memref<320000xi32, #tpu.memory_space<hbm>> -> memref<40xi32, #tpu.memory_space<hbm>>
    tpu.enqueue_dma source(%dma_start3A_82 : memref<40xi32, #tpu.memory_space<hbm>>) target(%dma_start3A_81 : memref<40xi32, #tpu.memory_space<vmem>>) target_semaphore(%dma_start3A_78 : memref<!tpu.dma_semaphore, #tpu.memory_space<semaphore_mem>>)
    %dma_start3A_83 = arith.constant 3 : i32
    %dma_start3A_84 = arith.constant 3 : i32
    %dma_start3A_85 = arith.constant 0 : i32
    %dma_start3A_86 = arith.constant 0 : i32
    %dma_start3A_87 = tpu.memref_slice %arg9[%dma_start3A_83, %dma_start3A_85, %dma_start3A_86] : memref<5x40x128xf32, #tpu.memory_space<vmem>> -> memref<1x40x128xf32, #tpu.memory_space<vmem>>
    %dma_start3A_88 = tpu.memref_squeeze %dma_start3A_87 : memref<1x40x128xf32, #tpu.memory_space<vmem>> -> memref<40x128xf32, #tpu.memory_space<vmem>>
    %dma_start3A_89 = arith.constant 120 : i32
    %dma_start3A_90 = tpu.memref_slice %arg7[%dma_start3A_89] : memref<10000xi32, #tpu.memory_space<vmem>> -> memref<40xi32, #tpu.memory_space<vmem>>
    %dma_start3A_91 = arith.constant 0 : i32
    %dma_start3A_92 = arith.constant 0 : i32
    %dma_start3A_93 = tpu.memref_slice %arg2[%dma_start3A_91, %dma_start3A_92] : memref<10000x128xf32, #tpu.memory_space<hbm>> -> memref<10000x128xf32, #tpu.memory_space<hbm>>
    %dma_start3A_94 = tpu.memref_slice %arg11[%dma_start3A_84] : memref<5x!tpu.dma_semaphore, #tpu.memory_space<semaphore_mem>> -> memref<1x!tpu.dma_semaphore, #tpu.memory_space<semaphore_mem>>
    %dma_start3A_95 = tpu.memref_squeeze %dma_start3A_94 : memref<1x!tpu.dma_semaphore, #tpu.memory_space<semaphore_mem>> -> memref<!tpu.dma_semaphore, #tpu.memory_space<semaphore_mem>>
    tpu.enqueue_indirect_dma source(%dma_start3A_93 : memref<10000x128xf32, #tpu.memory_space<hbm>>) target(%dma_start3A_88 : memref<40x128xf32, #tpu.memory_space<vmem>>) offsets(%dma_start3A_90 : memref<40xi32, #tpu.memory_space<vmem>>) semaphore(%dma_start3A_95 : memref<!tpu.dma_semaphore, #tpu.memory_space<semaphore_mem>>)
    %add3A_96 = arith.constant 120 : i32
    %add3A_97 = arith.addi %mul3A_2, %add3A_96 : i32
    %dma_start3A_98 = arith.constant 3 : i32
    %dma_start3A_99 = arith.constant 3 : i32
    %dma_start3A_100 = arith.constant 0 : i32
    %dma_start3A_101 = tpu.memref_slice %arg8[%dma_start3A_98, %dma_start3A_100] : memref<5x40xi32, #tpu.memory_space<vmem>> -> memref<1x40xi32, #tpu.memory_space<vmem>>
    %dma_start3A_102 = tpu.memref_squeeze %dma_start3A_101 : memref<1x40xi32, #tpu.memory_space<vmem>> -> memref<40xi32, #tpu.memory_space<vmem>>
    %dma_start3A_103 = tpu.memref_slice %arg4[%add3A_97] : memref<320000xi32, #tpu.memory_space<hbm>> -> memref<40xi32, #tpu.memory_space<hbm>>
    %dma_start3A_104 = tpu.memref_slice %arg13[%dma_start3A_99] : memref<5x!tpu.dma_semaphore, #tpu.memory_space<semaphore_mem>> -> memref<1x!tpu.dma_semaphore, #tpu.memory_space<semaphore_mem>>
    %dma_start3A_105 = tpu.memref_squeeze %dma_start3A_104 : memref<1x!tpu.dma_semaphore, #tpu.memory_space<semaphore_mem>> -> memref<!tpu.dma_semaphore, #tpu.memory_space<semaphore_mem>>
    %dma_start3A_106 = arith.constant 0 : i32
    %dma_start3A_107 = tpu.memref_slice %arg8[%dma_start3A_98, %dma_start3A_106] : memref<5x40xi32, #tpu.memory_space<vmem>> -> memref<1x40xi32, #tpu.memory_space<vmem>>
    %dma_start3A_108 = tpu.memref_squeeze %dma_start3A_107 : memref<1x40xi32, #tpu.memory_space<vmem>> -> memref<40xi32, #tpu.memory_space<vmem>>
    %dma_start3A_109 = tpu.memref_slice %arg4[%add3A_97] : memref<320000xi32, #tpu.memory_space<hbm>> -> memref<40xi32, #tpu.memory_space<hbm>>
    tpu.enqueue_dma source(%dma_start3A_109 : memref<40xi32, #tpu.memory_space<hbm>>) target(%dma_start3A_108 : memref<40xi32, #tpu.memory_space<vmem>>) target_semaphore(%dma_start3A_105 : memref<!tpu.dma_semaphore, #tpu.memory_space<semaphore_mem>>)
    %dma_start3A_110 = arith.constant 4 : i32
    %dma_start3A_111 = arith.constant 4 : i32
    %dma_start3A_112 = arith.constant 0 : i32
    %dma_start3A_113 = arith.constant 0 : i32
    %dma_start3A_114 = tpu.memref_slice %arg9[%dma_start3A_110, %dma_start3A_112, %dma_start3A_113] : memref<5x40x128xf32, #tpu.memory_space<vmem>> -> memref<1x40x128xf32, #tpu.memory_space<vmem>>
    %dma_start3A_115 = tpu.memref_squeeze %dma_start3A_114 : memref<1x40x128xf32, #tpu.memory_space<vmem>> -> memref<40x128xf32, #tpu.memory_space<vmem>>
    %dma_start3A_116 = arith.constant 160 : i32
    %dma_start3A_117 = tpu.memref_slice %arg7[%dma_start3A_116] : memref<10000xi32, #tpu.memory_space<vmem>> -> memref<40xi32, #tpu.memory_space<vmem>>
    %dma_start3A_118 = arith.constant 0 : i32
    %dma_start3A_119 = arith.constant 0 : i32
    %dma_start3A_120 = tpu.memref_slice %arg2[%dma_start3A_118, %dma_start3A_119] : memref<10000x128xf32, #tpu.memory_space<hbm>> -> memref<10000x128xf32, #tpu.memory_space<hbm>>
    %dma_start3A_121 = tpu.memref_slice %arg11[%dma_start3A_111] : memref<5x!tpu.dma_semaphore, #tpu.memory_space<semaphore_mem>> -> memref<1x!tpu.dma_semaphore, #tpu.memory_space<semaphore_mem>>
    %dma_start3A_122 = tpu.memref_squeeze %dma_start3A_121 : memref<1x!tpu.dma_semaphore, #tpu.memory_space<semaphore_mem>> -> memref<!tpu.dma_semaphore, #tpu.memory_space<semaphore_mem>>
    tpu.enqueue_indirect_dma source(%dma_start3A_120 : memref<10000x128xf32, #tpu.memory_space<hbm>>) target(%dma_start3A_115 : memref<40x128xf32, #tpu.memory_space<vmem>>) offsets(%dma_start3A_117 : memref<40xi32, #tpu.memory_space<vmem>>) semaphore(%dma_start3A_122 : memref<!tpu.dma_semaphore, #tpu.memory_space<semaphore_mem>>)
    %add3A_123 = arith.constant 160 : i32
    %add3A_124 = arith.addi %mul3A_2, %add3A_123 : i32
    %dma_start3A_125 = arith.constant 4 : i32
    %dma_start3A_126 = arith.constant 4 : i32
    %dma_start3A_127 = arith.constant 0 : i32
    %dma_start3A_128 = tpu.memref_slice %arg8[%dma_start3A_125, %dma_start3A_127] : memref<5x40xi32, #tpu.memory_space<vmem>> -> memref<1x40xi32, #tpu.memory_space<vmem>>
    %dma_start3A_129 = tpu.memref_squeeze %dma_start3A_128 : memref<1x40xi32, #tpu.memory_space<vmem>> -> memref<40xi32, #tpu.memory_space<vmem>>
    %dma_start3A_130 = tpu.memref_slice %arg4[%add3A_124] : memref<320000xi32, #tpu.memory_space<hbm>> -> memref<40xi32, #tpu.memory_space<hbm>>
    %dma_start3A_131 = tpu.memref_slice %arg13[%dma_start3A_126] : memref<5x!tpu.dma_semaphore, #tpu.memory_space<semaphore_mem>> -> memref<1x!tpu.dma_semaphore, #tpu.memory_space<semaphore_mem>>
    %dma_start3A_132 = tpu.memref_squeeze %dma_start3A_131 : memref<1x!tpu.dma_semaphore, #tpu.memory_space<semaphore_mem>> -> memref<!tpu.dma_semaphore, #tpu.memory_space<semaphore_mem>>
    %dma_start3A_133 = arith.constant 0 : i32
    %dma_start3A_134 = tpu.memref_slice %arg8[%dma_start3A_125, %dma_start3A_133] : memref<5x40xi32, #tpu.memory_space<vmem>> -> memref<1x40xi32, #tpu.memory_space<vmem>>
    %dma_start3A_135 = tpu.memref_squeeze %dma_start3A_134 : memref<1x40xi32, #tpu.memory_space<vmem>> -> memref<40xi32, #tpu.memory_space<vmem>>
    %dma_start3A_136 = tpu.memref_slice %arg4[%add3A_124] : memref<320000xi32, #tpu.memory_space<hbm>> -> memref<40xi32, #tpu.memory_space<hbm>>
    tpu.enqueue_dma source(%dma_start3A_136 : memref<40xi32, #tpu.memory_space<hbm>>) target(%dma_start3A_135 : memref<40xi32, #tpu.memory_space<vmem>>) target_semaphore(%dma_start3A_132 : memref<!tpu.dma_semaphore, #tpu.memory_space<semaphore_mem>>)
    %mul3A_137 = arith.constant 624 : i32
    %mul3A_138 = arith.muli %arg1, %mul3A_137 : i32
    "tpu.region"() ({
      %run_scoped3A = tpu.sem_alloc : memref<!tpu.dma_semaphore, #tpu.memory_space<semaphore_mem>>
      %dma_start3A_244 = arith.constant 0 : i32
      %dma_start3A_245 = tpu.memref_slice %arg10[%mul3A_138, %dma_start3A_244] : memref<10000x128xf32, #tpu.memory_space<vmem_shared>> -> memref<624x128xf32, #tpu.memory_space<vmem_shared>>
      tpu.enqueue_dma source(%arg5 : memref<624x128xf32, #tpu.memory_space<hbm>>) target(%dma_start3A_245 : memref<624x128xf32, #tpu.memory_space<vmem_shared>>) target_semaphore(%run_scoped3A : memref<!tpu.dma_semaphore, #tpu.memory_space<semaphore_mem>>)
      %dma_wait3A_246 = arith.constant 0 : i32
      %dma_wait3A_247 = tpu.memref_slice %arg10[%mul3A_138, %dma_wait3A_246] : memref<10000x128xf32, #tpu.memory_space<vmem_shared>> -> memref<624x128xf32, #tpu.memory_space<vmem_shared>>
      tpu.wait_dma2 semaphore(%run_scoped3A : memref<!tpu.dma_semaphore, #tpu.memory_space<semaphore_mem>>) src(%arg5 : memref<624x128xf32, #tpu.memory_space<hbm>>) dst(%dma_wait3A_247 : memref<624x128xf32, #tpu.memory_space<vmem_shared>>)
      tpu.yield
    }) : () -> ()
    %eq3A = arith.constant 15 : i32
    %eq3A_139 = arith.cmpi eq, %arg1, %eq3A : i32
    %convert_element_type3A = arith.extui %eq3A_139 : i1 to i32
    %cond3A = arith.constant 0 : i32
    %cond3A_140 = arith.cmpi ne, %convert_element_type3A, %cond3A : i32
    scf.if %cond3A_140 {
      "tpu.region"() ({
        %run_scoped3A = tpu.sem_alloc : memref<!tpu.dma_semaphore, #tpu.memory_space<semaphore_mem>>
        %dma_start3A_244 = arith.constant 9984 : i32
        %dma_start3A_245 = arith.constant 0 : i32
        %dma_start3A_246 = tpu.memref_slice %arg10[%dma_start3A_244, %dma_start3A_245] : memref<10000x128xf32, #tpu.memory_space<vmem_shared>> -> memref<16x128xf32, #tpu.memory_space<vmem_shared>>
        %dma_start3A_247 = arith.constant 0 : i32
        %dma_start3A_248 = arith.constant 0 : i32
        %dma_start3A_249 = tpu.memref_slice %arg5[%dma_start3A_247, %dma_start3A_248] : memref<624x128xf32, #tpu.memory_space<hbm>> -> memref<16x128xf32, #tpu.memory_space<hbm>>
        tpu.enqueue_dma source(%dma_start3A_249 : memref<16x128xf32, #tpu.memory_space<hbm>>) target(%dma_start3A_246 : memref<16x128xf32, #tpu.memory_space<vmem_shared>>) target_semaphore(%run_scoped3A : memref<!tpu.dma_semaphore, #tpu.memory_space<semaphore_mem>>)
        %dma_wait3A_250 = arith.constant 9984 : i32
        %dma_wait3A_251 = arith.constant 0 : i32
        %dma_wait3A_252 = tpu.memref_slice %arg10[%dma_wait3A_250, %dma_wait3A_251] : memref<10000x128xf32, #tpu.memory_space<vmem_shared>> -> memref<16x128xf32, #tpu.memory_space<vmem_shared>>
        %dma_wait3A_253 = arith.constant 0 : i32
        %dma_wait3A_254 = arith.constant 0 : i32
        %dma_wait3A_255 = tpu.memref_slice %arg5[%dma_wait3A_253, %dma_wait3A_254] : memref<624x128xf32, #tpu.memory_space<hbm>> -> memref<16x128xf32, #tpu.memory_space<hbm>>
        tpu.wait_dma2 semaphore(%run_scoped3A : memref<!tpu.dma_semaphore, #tpu.memory_space<semaphore_mem>>) src(%dma_wait3A_255 : memref<16x128xf32, #tpu.memory_space<hbm>>) dst(%dma_wait3A_252 : memref<16x128xf32, #tpu.memory_space<vmem_shared>>)
        tpu.yield
      }) : () -> ()
    } else {
    }
    %barrier3A = arith.constant 0 : index
    tpu.barrier barrier_id(%barrier3A)
    %scan3A = arith.constant 0 : i32
    %scan3A_141 = arith.constant 50 : i32
    %scan3A_142 = arith.addi %scan3A, %scan3A_141 : i32
    %scan3A_143 = arith.constant 1 : i32
    scf.for %scan3A_244 = %scan3A to %scan3A_142 step %scan3A_143  : i32 {
      %mul3A_245 = arith.constant 5 : i32
      %mul3A_246 = arith.muli %scan3A_244, %mul3A_245 : i32
      %add3A_247 = arith.constant 0 : i32
      %add3A_248 = arith.addi %add3A_247, %mul3A_246 : i32
      %dma_wait3A_249 = arith.constant 0 : i32
      %dma_wait3A_250 = arith.constant 0 : i32
      %dma_wait3A_251 = arith.constant 0 : i32
      %dma_wait3A_252 = arith.constant 0 : i32
      %dma_wait3A_253 = tpu.memref_slice %arg9[%dma_wait3A_249, %dma_wait3A_251, %dma_wait3A_252] : memref<5x40x128xf32, #tpu.memory_space<vmem>> -> memref<1x40x128xf32, #tpu.memory_space<vmem>>
      %dma_wait3A_254 = tpu.memref_squeeze %dma_wait3A_253 : memref<1x40x128xf32, #tpu.memory_space<vmem>> -> memref<40x128xf32, #tpu.memory_space<vmem>>
      %dma_wait3A_255 = arith.constant 0 : i32
      %dma_wait3A_256 = arith.constant 0 : i32
      %dma_wait3A_257 = tpu.memref_slice %arg2[%dma_wait3A_255, %dma_wait3A_256] : memref<10000x128xf32, #tpu.memory_space<hbm>> -> memref<40x128xf32, #tpu.memory_space<hbm>>
      %dma_wait3A_258 = tpu.memref_slice %arg11[%dma_wait3A_250] : memref<5x!tpu.dma_semaphore, #tpu.memory_space<semaphore_mem>> -> memref<1x!tpu.dma_semaphore, #tpu.memory_space<semaphore_mem>>
      %dma_wait3A_259 = tpu.memref_squeeze %dma_wait3A_258 : memref<1x!tpu.dma_semaphore, #tpu.memory_space<semaphore_mem>> -> memref<!tpu.dma_semaphore, #tpu.memory_space<semaphore_mem>>
      %dma_wait3A_260 = arith.constant 0 : i32
      %dma_wait3A_261 = arith.constant 0 : i32
      %dma_wait3A_262 = tpu.memref_slice %arg9[%dma_wait3A_249, %dma_wait3A_260, %dma_wait3A_261] : memref<5x40x128xf32, #tpu.memory_space<vmem>> -> memref<1x40x128xf32, #tpu.memory_space<vmem>>
      %dma_wait3A_263 = tpu.memref_squeeze %dma_wait3A_262 : memref<1x40x128xf32, #tpu.memory_space<vmem>> -> memref<40x128xf32, #tpu.memory_space<vmem>>
      %dma_wait3A_264 = arith.constant 0 : i32
      %dma_wait3A_265 = arith.constant 0 : i32
      %dma_wait3A_266 = tpu.memref_slice %arg2[%dma_wait3A_264, %dma_wait3A_265] : memref<10000x128xf32, #tpu.memory_space<hbm>> -> memref<40x128xf32, #tpu.memory_space<hbm>>
      tpu.wait_dma2 semaphore(%dma_wait3A_259 : memref<!tpu.dma_semaphore, #tpu.memory_space<semaphore_mem>>) src(%dma_wait3A_266 : memref<40x128xf32, #tpu.memory_space<hbm>>) dst(%dma_wait3A_263 : memref<40x128xf32, #tpu.memory_space<vmem>>)
      %dma_wait3A_267 = arith.constant 0 : i32
      %dma_wait3A_268 = arith.constant 0 : i32
      %dma_wait3A_269 = arith.constant 0 : i32
      %dma_wait3A_270 = tpu.memref_slice %arg8[%dma_wait3A_267, %dma_wait3A_269] : memref<5x40xi32, #tpu.memory_space<vmem>> -> memref<1x40xi32, #tpu.memory_space<vmem>>
      %dma_wait3A_271 = tpu.memref_squeeze %dma_wait3A_270 : memref<1x40xi32, #tpu.memory_space<vmem>> -> memref<40xi32, #tpu.memory_space<vmem>>
      %dma_wait3A_272 = arith.constant 0 : i32
      %dma_wait3A_273 = tpu.memref_slice %arg4[%dma_wait3A_272] : memref<320000xi32, #tpu.memory_space<hbm>> -> memref<40xi32, #tpu.memory_space<hbm>>
      %dma_wait3A_274 = tpu.memref_slice %arg13[%dma_wait3A_268] : memref<5x!tpu.dma_semaphore, #tpu.memory_space<semaphore_mem>> -> memref<1x!tpu.dma_semaphore, #tpu.memory_space<semaphore_mem>>
      %dma_wait3A_275 = tpu.memref_squeeze %dma_wait3A_274 : memref<1x!tpu.dma_semaphore, #tpu.memory_space<semaphore_mem>> -> memref<!tpu.dma_semaphore, #tpu.memory_space<semaphore_mem>>
      %dma_wait3A_276 = arith.constant 0 : i32
      %dma_wait3A_277 = tpu.memref_slice %arg8[%dma_wait3A_267, %dma_wait3A_276] : memref<5x40xi32, #tpu.memory_space<vmem>> -> memref<1x40xi32, #tpu.memory_space<vmem>>
      %dma_wait3A_278 = tpu.memref_squeeze %dma_wait3A_277 : memref<1x40xi32, #tpu.memory_space<vmem>> -> memref<40xi32, #tpu.memory_space<vmem>>
      %dma_wait3A_279 = arith.constant 0 : i32
      %dma_wait3A_280 = tpu.memref_slice %arg4[%dma_wait3A_279] : memref<320000xi32, #tpu.memory_space<hbm>> -> memref<40xi32, #tpu.memory_space<hbm>>
      tpu.wait_dma2 semaphore(%dma_wait3A_275 : memref<!tpu.dma_semaphore, #tpu.memory_space<semaphore_mem>>) src(%dma_wait3A_280 : memref<40xi32, #tpu.memory_space<hbm>>) dst(%dma_wait3A_278 : memref<40xi32, #tpu.memory_space<vmem>>)
      %dma_start3A_281 = arith.constant 0 : i32
      %dma_start3A_282 = arith.constant 0 : i32
      %dma_start3A_283 = arith.constant 0 : i32
      %dma_start3A_284 = arith.constant 0 : i32
      %dma_start3A_285 = arith.constant 0 : i32
      %dma_start3A_286 = tpu.memref_slice %arg9[%dma_start3A_281, %dma_start3A_284, %dma_start3A_285] : memref<5x40x128xf32, #tpu.memory_space<vmem>> -> memref<1x40x128xf32, #tpu.memory_space<vmem>>
      %dma_start3A_287 = tpu.memref_squeeze %dma_start3A_286 : memref<1x40x128xf32, #tpu.memory_space<vmem>> -> memref<40x128xf32, #tpu.memory_space<vmem>>
      %dma_start3A_288 = arith.constant 0 : i32
      %dma_start3A_289 = tpu.memref_slice %arg8[%dma_start3A_282, %dma_start3A_288] : memref<5x40xi32, #tpu.memory_space<vmem>> -> memref<1x40xi32, #tpu.memory_space<vmem>>
      %dma_start3A_290 = tpu.memref_squeeze %dma_start3A_289 : memref<1x40xi32, #tpu.memory_space<vmem>> -> memref<40xi32, #tpu.memory_space<vmem>>
      %dma_start3A_291 = arith.constant 0 : i32
      %dma_start3A_292 = arith.constant 0 : i32
      %dma_start3A_293 = tpu.memref_slice %arg10[%dma_start3A_291, %dma_start3A_292] : memref<10000x128xf32, #tpu.memory_space<vmem_shared>> -> memref<10000x128xf32, #tpu.memory_space<vmem_shared>>
      %dma_start3A_294 = tpu.memref_slice %arg12[%dma_start3A_283] : memref<5x!tpu.dma_semaphore, #tpu.memory_space<semaphore_mem>> -> memref<1x!tpu.dma_semaphore, #tpu.memory_space<semaphore_mem>>
      %dma_start3A_295 = tpu.memref_squeeze %dma_start3A_294 : memref<1x!tpu.dma_semaphore, #tpu.memory_space<semaphore_mem>> -> memref<!tpu.dma_semaphore, #tpu.memory_space<semaphore_mem>>
      tpu.enqueue_indirect_dma source(%dma_start3A_287 : memref<40x128xf32, #tpu.memory_space<vmem>>) target(%dma_start3A_293 : memref<10000x128xf32, #tpu.memory_space<vmem_shared>>) offsets(%dma_start3A_290 : memref<40xi32, #tpu.memory_space<vmem>>) semaphore(%dma_start3A_295 : memref<!tpu.dma_semaphore, #tpu.memory_space<semaphore_mem>>) {add = true}
      %dma_wait3A_296 = arith.constant 1 : i32
      %dma_wait3A_297 = arith.constant 1 : i32
      %dma_wait3A_298 = arith.constant 0 : i32
      %dma_wait3A_299 = arith.constant 0 : i32
      %dma_wait3A_300 = tpu.memref_slice %arg9[%dma_wait3A_296, %dma_wait3A_298, %dma_wait3A_299] : memref<5x40x128xf32, #tpu.memory_space<vmem>> -> memref<1x40x128xf32, #tpu.memory_space<vmem>>
      %dma_wait3A_301 = tpu.memref_squeeze %dma_wait3A_300 : memref<1x40x128xf32, #tpu.memory_space<vmem>> -> memref<40x128xf32, #tpu.memory_space<vmem>>
      %dma_wait3A_302 = arith.constant 0 : i32
      %dma_wait3A_303 = arith.constant 0 : i32
      %dma_wait3A_304 = tpu.memref_slice %arg2[%dma_wait3A_302, %dma_wait3A_303] : memref<10000x128xf32, #tpu.memory_space<hbm>> -> memref<40x128xf32, #tpu.memory_space<hbm>>
      %dma_wait3A_305 = tpu.memref_slice %arg11[%dma_wait3A_297] : memref<5x!tpu.dma_semaphore, #tpu.memory_space<semaphore_mem>> -> memref<1x!tpu.dma_semaphore, #tpu.memory_space<semaphore_mem>>
      %dma_wait3A_306 = tpu.memref_squeeze %dma_wait3A_305 : memref<1x!tpu.dma_semaphore, #tpu.memory_space<semaphore_mem>> -> memref<!tpu.dma_semaphore, #tpu.memory_space<semaphore_mem>>
      %dma_wait3A_307 = arith.constant 0 : i32
      %dma_wait3A_308 = arith.constant 0 : i32
      %dma_wait3A_309 = tpu.memref_slice %arg9[%dma_wait3A_296, %dma_wait3A_307, %dma_wait3A_308] : memref<5x40x128xf32, #tpu.memory_space<vmem>> -> memref<1x40x128xf32, #tpu.memory_space<vmem>>
      %dma_wait3A_310 = tpu.memref_squeeze %dma_wait3A_309 : memref<1x40x128xf32, #tpu.memory_space<vmem>> -> memref<40x128xf32, #tpu.memory_space<vmem>>
      %dma_wait3A_311 = arith.constant 0 : i32
      %dma_wait3A_312 = arith.constant 0 : i32
      %dma_wait3A_313 = tpu.memref_slice %arg2[%dma_wait3A_311, %dma_wait3A_312] : memref<10000x128xf32, #tpu.memory_space<hbm>> -> memref<40x128xf32, #tpu.memory_space<hbm>>
      tpu.wait_dma2 semaphore(%dma_wait3A_306 : memref<!tpu.dma_semaphore, #tpu.memory_space<semaphore_mem>>) src(%dma_wait3A_313 : memref<40x128xf32, #tpu.memory_space<hbm>>) dst(%dma_wait3A_310 : memref<40x128xf32, #tpu.memory_space<vmem>>)
      %dma_wait3A_314 = arith.constant 1 : i32
      %dma_wait3A_315 = arith.constant 1 : i32
      %dma_wait3A_316 = arith.constant 0 : i32
      %dma_wait3A_317 = tpu.memref_slice %arg8[%dma_wait3A_314, %dma_wait3A_316] : memref<5x40xi32, #tpu.memory_space<vmem>> -> memref<1x40xi32, #tpu.memory_space<vmem>>
      %dma_wait3A_318 = tpu.memref_squeeze %dma_wait3A_317 : memref<1x40xi32, #tpu.memory_space<vmem>> -> memref<40xi32, #tpu.memory_space<vmem>>
      %dma_wait3A_319 = arith.constant 0 : i32
      %dma_wait3A_320 = tpu.memref_slice %arg4[%dma_wait3A_319] : memref<320000xi32, #tpu.memory_space<hbm>> -> memref<40xi32, #tpu.memory_space<hbm>>
      %dma_wait3A_321 = tpu.memref_slice %arg13[%dma_wait3A_315] : memref<5x!tpu.dma_semaphore, #tpu.memory_space<semaphore_mem>> -> memref<1x!tpu.dma_semaphore, #tpu.memory_space<semaphore_mem>>
      %dma_wait3A_322 = tpu.memref_squeeze %dma_wait3A_321 : memref<1x!tpu.dma_semaphore, #tpu.memory_space<semaphore_mem>> -> memref<!tpu.dma_semaphore, #tpu.memory_space<semaphore_mem>>
      %dma_wait3A_323 = arith.constant 0 : i32
      %dma_wait3A_324 = tpu.memref_slice %arg8[%dma_wait3A_314, %dma_wait3A_323] : memref<5x40xi32, #tpu.memory_space<vmem>> -> memref<1x40xi32, #tpu.memory_space<vmem>>
      %dma_wait3A_325 = tpu.memref_squeeze %dma_wait3A_324 : memref<1x40xi32, #tpu.memory_space<vmem>> -> memref<40xi32, #tpu.memory_space<vmem>>
      %dma_wait3A_326 = arith.constant 0 : i32
      %dma_wait3A_327 = tpu.memref_slice %arg4[%dma_wait3A_326] : memref<320000xi32, #tpu.memory_space<hbm>> -> memref<40xi32, #tpu.memory_space<hbm>>
      tpu.wait_dma2 semaphore(%dma_wait3A_322 : memref<!tpu.dma_semaphore, #tpu.memory_space<semaphore_mem>>) src(%dma_wait3A_327 : memref<40xi32, #tpu.memory_space<hbm>>) dst(%dma_wait3A_325 : memref<40xi32, #tpu.memory_space<vmem>>)
      %dma_start3A_328 = arith.constant 1 : i32
      %dma_start3A_329 = arith.constant 1 : i32
      %dma_start3A_330 = arith.constant 1 : i32
      %dma_start3A_331 = arith.constant 0 : i32
      %dma_start3A_332 = arith.constant 0 : i32
      %dma_start3A_333 = tpu.memref_slice %arg9[%dma_start3A_328, %dma_start3A_331, %dma_start3A_332] : memref<5x40x128xf32, #tpu.memory_space<vmem>> -> memref<1x40x128xf32, #tpu.memory_space<vmem>>
      %dma_start3A_334 = tpu.memref_squeeze %dma_start3A_333 : memref<1x40x128xf32, #tpu.memory_space<vmem>> -> memref<40x128xf32, #tpu.memory_space<vmem>>
      %dma_start3A_335 = arith.constant 0 : i32
      %dma_start3A_336 = tpu.memref_slice %arg8[%dma_start3A_329, %dma_start3A_335] : memref<5x40xi32, #tpu.memory_space<vmem>> -> memref<1x40xi32, #tpu.memory_space<vmem>>
      %dma_start3A_337 = tpu.memref_squeeze %dma_start3A_336 : memref<1x40xi32, #tpu.memory_space<vmem>> -> memref<40xi32, #tpu.memory_space<vmem>>
      %dma_start3A_338 = arith.constant 0 : i32
      %dma_start3A_339 = arith.constant 0 : i32
      %dma_start3A_340 = tpu.memref_slice %arg10[%dma_start3A_338, %dma_start3A_339] : memref<10000x128xf32, #tpu.memory_space<vmem_shared>> -> memref<10000x128xf32, #tpu.memory_space<vmem_shared>>
      %dma_start3A_341 = tpu.memref_slice %arg12[%dma_start3A_330] : memref<5x!tpu.dma_semaphore, #tpu.memory_space<semaphore_mem>> -> memref<1x!tpu.dma_semaphore, #tpu.memory_space<semaphore_mem>>
      %dma_start3A_342 = tpu.memref_squeeze %dma_start3A_341 : memref<1x!tpu.dma_semaphore, #tpu.memory_space<semaphore_mem>> -> memref<!tpu.dma_semaphore, #tpu.memory_space<semaphore_mem>>
      tpu.enqueue_indirect_dma source(%dma_start3A_334 : memref<40x128xf32, #tpu.memory_space<vmem>>) target(%dma_start3A_340 : memref<10000x128xf32, #tpu.memory_space<vmem_shared>>) offsets(%dma_start3A_337 : memref<40xi32, #tpu.memory_space<vmem>>) semaphore(%dma_start3A_342 : memref<!tpu.dma_semaphore, #tpu.memory_space<semaphore_mem>>) {add = true}
      %dma_wait3A_343 = arith.constant 2 : i32
      %dma_wait3A_344 = arith.constant 2 : i32
      %dma_wait3A_345 = arith.constant 0 : i32
      %dma_wait3A_346 = arith.constant 0 : i32
      %dma_wait3A_347 = tpu.memref_slice %arg9[%dma_wait3A_343, %dma_wait3A_345, %dma_wait3A_346] : memref<5x40x128xf32, #tpu.memory_space<vmem>> -> memref<1x40x128xf32, #tpu.memory_space<vmem>>
      %dma_wait3A_348 = tpu.memref_squeeze %dma_wait3A_347 : memref<1x40x128xf32, #tpu.memory_space<vmem>> -> memref<40x128xf32, #tpu.memory_space<vmem>>
      %dma_wait3A_349 = arith.constant 0 : i32
      %dma_wait3A_350 = arith.constant 0 : i32
      %dma_wait3A_351 = tpu.memref_slice %arg2[%dma_wait3A_349, %dma_wait3A_350] : memref<10000x128xf32, #tpu.memory_space<hbm>> -> memref<40x128xf32, #tpu.memory_space<hbm>>
      %dma_wait3A_352 = tpu.memref_slice %arg11[%dma_wait3A_344] : memref<5x!tpu.dma_semaphore, #tpu.memory_space<semaphore_mem>> -> memref<1x!tpu.dma_semaphore, #tpu.memory_space<semaphore_mem>>
      %dma_wait3A_353 = tpu.memref_squeeze %dma_wait3A_352 : memref<1x!tpu.dma_semaphore, #tpu.memory_space<semaphore_mem>> -> memref<!tpu.dma_semaphore, #tpu.memory_space<semaphore_mem>>
      %dma_wait3A_354 = arith.constant 0 : i32
      %dma_wait3A_355 = arith.constant 0 : i32
      %dma_wait3A_356 = tpu.memref_slice %arg9[%dma_wait3A_343, %dma_wait3A_354, %dma_wait3A_355] : memref<5x40x128xf32, #tpu.memory_space<vmem>> -> memref<1x40x128xf32, #tpu.memory_space<vmem>>
      %dma_wait3A_357 = tpu.memref_squeeze %dma_wait3A_356 : memref<1x40x128xf32, #tpu.memory_space<vmem>> -> memref<40x128xf32, #tpu.memory_space<vmem>>
      %dma_wait3A_358 = arith.constant 0 : i32
      %dma_wait3A_359 = arith.constant 0 : i32
      %dma_wait3A_360 = tpu.memref_slice %arg2[%dma_wait3A_358, %dma_wait3A_359] : memref<10000x128xf32, #tpu.memory_space<hbm>> -> memref<40x128xf32, #tpu.memory_space<hbm>>
      tpu.wait_dma2 semaphore(%dma_wait3A_353 : memref<!tpu.dma_semaphore, #tpu.memory_space<semaphore_mem>>) src(%dma_wait3A_360 : memref<40x128xf32, #tpu.memory_space<hbm>>) dst(%dma_wait3A_357 : memref<40x128xf32, #tpu.memory_space<vmem>>)
      %dma_wait3A_361 = arith.constant 2 : i32
      %dma_wait3A_362 = arith.constant 2 : i32
      %dma_wait3A_363 = arith.constant 0 : i32
      %dma_wait3A_364 = tpu.memref_slice %arg8[%dma_wait3A_361, %dma_wait3A_363] : memref<5x40xi32, #tpu.memory_space<vmem>> -> memref<1x40xi32, #tpu.memory_space<vmem>>
      %dma_wait3A_365 = tpu.memref_squeeze %dma_wait3A_364 : memref<1x40xi32, #tpu.memory_space<vmem>> -> memref<40xi32, #tpu.memory_space<vmem>>
      %dma_wait3A_366 = arith.constant 0 : i32
      %dma_wait3A_367 = tpu.memref_slice %arg4[%dma_wait3A_366] : memref<320000xi32, #tpu.memory_space<hbm>> -> memref<40xi32, #tpu.memory_space<hbm>>
      %dma_wait3A_368 = tpu.memref_slice %arg13[%dma_wait3A_362] : memref<5x!tpu.dma_semaphore, #tpu.memory_space<semaphore_mem>> -> memref<1x!tpu.dma_semaphore, #tpu.memory_space<semaphore_mem>>
      %dma_wait3A_369 = tpu.memref_squeeze %dma_wait3A_368 : memref<1x!tpu.dma_semaphore, #tpu.memory_space<semaphore_mem>> -> memref<!tpu.dma_semaphore, #tpu.memory_space<semaphore_mem>>
      %dma_wait3A_370 = arith.constant 0 : i32
      %dma_wait3A_371 = tpu.memref_slice %arg8[%dma_wait3A_361, %dma_wait3A_370] : memref<5x40xi32, #tpu.memory_space<vmem>> -> memref<1x40xi32, #tpu.memory_space<vmem>>
      %dma_wait3A_372 = tpu.memref_squeeze %dma_wait3A_371 : memref<1x40xi32, #tpu.memory_space<vmem>> -> memref<40xi32, #tpu.memory_space<vmem>>
      %dma_wait3A_373 = arith.constant 0 : i32
      %dma_wait3A_374 = tpu.memref_slice %arg4[%dma_wait3A_373] : memref<320000xi32, #tpu.memory_space<hbm>> -> memref<40xi32, #tpu.memory_space<hbm>>
      tpu.wait_dma2 semaphore(%dma_wait3A_369 : memref<!tpu.dma_semaphore, #tpu.memory_space<semaphore_mem>>) src(%dma_wait3A_374 : memref<40xi32, #tpu.memory_space<hbm>>) dst(%dma_wait3A_372 : memref<40xi32, #tpu.memory_space<vmem>>)
      %dma_start3A_375 = arith.constant 2 : i32
      %dma_start3A_376 = arith.constant 2 : i32
      %dma_start3A_377 = arith.constant 2 : i32
      %dma_start3A_378 = arith.constant 0 : i32
      %dma_start3A_379 = arith.constant 0 : i32
      %dma_start3A_380 = tpu.memref_slice %arg9[%dma_start3A_375, %dma_start3A_378, %dma_start3A_379] : memref<5x40x128xf32, #tpu.memory_space<vmem>> -> memref<1x40x128xf32, #tpu.memory_space<vmem>>
      %dma_start3A_381 = tpu.memref_squeeze %dma_start3A_380 : memref<1x40x128xf32, #tpu.memory_space<vmem>> -> memref<40x128xf32, #tpu.memory_space<vmem>>
      %dma_start3A_382 = arith.constant 0 : i32
      %dma_start3A_383 = tpu.memref_slice %arg8[%dma_start3A_376, %dma_start3A_382] : memref<5x40xi32, #tpu.memory_space<vmem>> -> memref<1x40xi32, #tpu.memory_space<vmem>>
      %dma_start3A_384 = tpu.memref_squeeze %dma_start3A_383 : memref<1x40xi32, #tpu.memory_space<vmem>> -> memref<40xi32, #tpu.memory_space<vmem>>
      %dma_start3A_385 = arith.constant 0 : i32
      %dma_start3A_386 = arith.constant 0 : i32
      %dma_start3A_387 = tpu.memref_slice %arg10[%dma_start3A_385, %dma_start3A_386] : memref<10000x128xf32, #tpu.memory_space<vmem_shared>> -> memref<10000x128xf32, #tpu.memory_space<vmem_shared>>
      %dma_start3A_388 = tpu.memref_slice %arg12[%dma_start3A_377] : memref<5x!tpu.dma_semaphore, #tpu.memory_space<semaphore_mem>> -> memref<1x!tpu.dma_semaphore, #tpu.memory_space<semaphore_mem>>
      %dma_start3A_389 = tpu.memref_squeeze %dma_start3A_388 : memref<1x!tpu.dma_semaphore, #tpu.memory_space<semaphore_mem>> -> memref<!tpu.dma_semaphore, #tpu.memory_space<semaphore_mem>>
      tpu.enqueue_indirect_dma source(%dma_start3A_381 : memref<40x128xf32, #tpu.memory_space<vmem>>) target(%dma_start3A_387 : memref<10000x128xf32, #tpu.memory_space<vmem_shared>>) offsets(%dma_start3A_384 : memref<40xi32, #tpu.memory_space<vmem>>) semaphore(%dma_start3A_389 : memref<!tpu.dma_semaphore, #tpu.memory_space<semaphore_mem>>) {add = true}
      %dma_wait3A_390 = arith.constant 3 : i32
      %dma_wait3A_391 = arith.constant 3 : i32
      %dma_wait3A_392 = arith.constant 0 : i32
      %dma_wait3A_393 = arith.constant 0 : i32
      %dma_wait3A_394 = tpu.memref_slice %arg9[%dma_wait3A_390, %dma_wait3A_392, %dma_wait3A_393] : memref<5x40x128xf32, #tpu.memory_space<vmem>> -> memref<1x40x128xf32, #tpu.memory_space<vmem>>
      %dma_wait3A_395 = tpu.memref_squeeze %dma_wait3A_394 : memref<1x40x128xf32, #tpu.memory_space<vmem>> -> memref<40x128xf32, #tpu.memory_space<vmem>>
      %dma_wait3A_396 = arith.constant 0 : i32
      %dma_wait3A_397 = arith.constant 0 : i32
      %dma_wait3A_398 = tpu.memref_slice %arg2[%dma_wait3A_396, %dma_wait3A_397] : memref<10000x128xf32, #tpu.memory_space<hbm>> -> memref<40x128xf32, #tpu.memory_space<hbm>>
      %dma_wait3A_399 = tpu.memref_slice %arg11[%dma_wait3A_391] : memref<5x!tpu.dma_semaphore, #tpu.memory_space<semaphore_mem>> -> memref<1x!tpu.dma_semaphore, #tpu.memory_space<semaphore_mem>>
      %dma_wait3A_400 = tpu.memref_squeeze %dma_wait3A_399 : memref<1x!tpu.dma_semaphore, #tpu.memory_space<semaphore_mem>> -> memref<!tpu.dma_semaphore, #tpu.memory_space<semaphore_mem>>
      %dma_wait3A_401 = arith.constant 0 : i32
      %dma_wait3A_402 = arith.constant 0 : i32
      %dma_wait3A_403 = tpu.memref_slice %arg9[%dma_wait3A_390, %dma_wait3A_401, %dma_wait3A_402] : memref<5x40x128xf32, #tpu.memory_space<vmem>> -> memref<1x40x128xf32, #tpu.memory_space<vmem>>
      %dma_wait3A_404 = tpu.memref_squeeze %dma_wait3A_403 : memref<1x40x128xf32, #tpu.memory_space<vmem>> -> memref<40x128xf32, #tpu.memory_space<vmem>>
      %dma_wait3A_405 = arith.constant 0 : i32
      %dma_wait3A_406 = arith.constant 0 : i32
      %dma_wait3A_407 = tpu.memref_slice %arg2[%dma_wait3A_405, %dma_wait3A_406] : memref<10000x128xf32, #tpu.memory_space<hbm>> -> memref<40x128xf32, #tpu.memory_space<hbm>>
      tpu.wait_dma2 semaphore(%dma_wait3A_400 : memref<!tpu.dma_semaphore, #tpu.memory_space<semaphore_mem>>) src(%dma_wait3A_407 : memref<40x128xf32, #tpu.memory_space<hbm>>) dst(%dma_wait3A_404 : memref<40x128xf32, #tpu.memory_space<vmem>>)
      %dma_wait3A_408 = arith.constant 3 : i32
      %dma_wait3A_409 = arith.constant 3 : i32
      %dma_wait3A_410 = arith.constant 0 : i32
      %dma_wait3A_411 = tpu.memref_slice %arg8[%dma_wait3A_408, %dma_wait3A_410] : memref<5x40xi32, #tpu.memory_space<vmem>> -> memref<1x40xi32, #tpu.memory_space<vmem>>
      %dma_wait3A_412 = tpu.memref_squeeze %dma_wait3A_411 : memref<1x40xi32, #tpu.memory_space<vmem>> -> memref<40xi32, #tpu.memory_space<vmem>>
      %dma_wait3A_413 = arith.constant 0 : i32
      %dma_wait3A_414 = tpu.memref_slice %arg4[%dma_wait3A_413] : memref<320000xi32, #tpu.memory_space<hbm>> -> memref<40xi32, #tpu.memory_space<hbm>>
      %dma_wait3A_415 = tpu.memref_slice %arg13[%dma_wait3A_409] : memref<5x!tpu.dma_semaphore, #tpu.memory_space<semaphore_mem>> -> memref<1x!tpu.dma_semaphore, #tpu.memory_space<semaphore_mem>>
      %dma_wait3A_416 = tpu.memref_squeeze %dma_wait3A_415 : memref<1x!tpu.dma_semaphore, #tpu.memory_space<semaphore_mem>> -> memref<!tpu.dma_semaphore, #tpu.memory_space<semaphore_mem>>
      %dma_wait3A_417 = arith.constant 0 : i32
      %dma_wait3A_418 = tpu.memref_slice %arg8[%dma_wait3A_408, %dma_wait3A_417] : memref<5x40xi32, #tpu.memory_space<vmem>> -> memref<1x40xi32, #tpu.memory_space<vmem>>
      %dma_wait3A_419 = tpu.memref_squeeze %dma_wait3A_418 : memref<1x40xi32, #tpu.memory_space<vmem>> -> memref<40xi32, #tpu.memory_space<vmem>>
      %dma_wait3A_420 = arith.constant 0 : i32
      %dma_wait3A_421 = tpu.memref_slice %arg4[%dma_wait3A_420] : memref<320000xi32, #tpu.memory_space<hbm>> -> memref<40xi32, #tpu.memory_space<hbm>>
      tpu.wait_dma2 semaphore(%dma_wait3A_416 : memref<!tpu.dma_semaphore, #tpu.memory_space<semaphore_mem>>) src(%dma_wait3A_421 : memref<40xi32, #tpu.memory_space<hbm>>) dst(%dma_wait3A_419 : memref<40xi32, #tpu.memory_space<vmem>>)
      %dma_start3A_422 = arith.constant 3 : i32
      %dma_start3A_423 = arith.constant 3 : i32
      %dma_start3A_424 = arith.constant 3 : i32
      %dma_start3A_425 = arith.constant 0 : i32
      %dma_start3A_426 = arith.constant 0 : i32
      %dma_start3A_427 = tpu.memref_slice %arg9[%dma_start3A_422, %dma_start3A_425, %dma_start3A_426] : memref<5x40x128xf32, #tpu.memory_space<vmem>> -> memref<1x40x128xf32, #tpu.memory_space<vmem>>
      %dma_start3A_428 = tpu.memref_squeeze %dma_start3A_427 : memref<1x40x128xf32, #tpu.memory_space<vmem>> -> memref<40x128xf32, #tpu.memory_space<vmem>>
      %dma_start3A_429 = arith.constant 0 : i32
      %dma_start3A_430 = tpu.memref_slice %arg8[%dma_start3A_423, %dma_start3A_429] : memref<5x40xi32, #tpu.memory_space<vmem>> -> memref<1x40xi32, #tpu.memory_space<vmem>>
      %dma_start3A_431 = tpu.memref_squeeze %dma_start3A_430 : memref<1x40xi32, #tpu.memory_space<vmem>> -> memref<40xi32, #tpu.memory_space<vmem>>
      %dma_start3A_432 = arith.constant 0 : i32
      %dma_start3A_433 = arith.constant 0 : i32
      %dma_start3A_434 = tpu.memref_slice %arg10[%dma_start3A_432, %dma_start3A_433] : memref<10000x128xf32, #tpu.memory_space<vmem_shared>> -> memref<10000x128xf32, #tpu.memory_space<vmem_shared>>
      %dma_start3A_435 = tpu.memref_slice %arg12[%dma_start3A_424] : memref<5x!tpu.dma_semaphore, #tpu.memory_space<semaphore_mem>> -> memref<1x!tpu.dma_semaphore, #tpu.memory_space<semaphore_mem>>
      %dma_start3A_436 = tpu.memref_squeeze %dma_start3A_435 : memref<1x!tpu.dma_semaphore, #tpu.memory_space<semaphore_mem>> -> memref<!tpu.dma_semaphore, #tpu.memory_space<semaphore_mem>>
      tpu.enqueue_indirect_dma source(%dma_start3A_428 : memref<40x128xf32, #tpu.memory_space<vmem>>) target(%dma_start3A_434 : memref<10000x128xf32, #tpu.memory_space<vmem_shared>>) offsets(%dma_start3A_431 : memref<40xi32, #tpu.memory_space<vmem>>) semaphore(%dma_start3A_436 : memref<!tpu.dma_semaphore, #tpu.memory_space<semaphore_mem>>) {add = true}
      %dma_wait3A_437 = arith.constant 4 : i32
      %dma_wait3A_438 = arith.constant 4 : i32
      %dma_wait3A_439 = arith.constant 0 : i32
      %dma_wait3A_440 = arith.constant 0 : i32
      %dma_wait3A_441 = tpu.memref_slice %arg9[%dma_wait3A_437, %dma_wait3A_439, %dma_wait3A_440] : memref<5x40x128xf32, #tpu.memory_space<vmem>> -> memref<1x40x128xf32, #tpu.memory_space<vmem>>
      %dma_wait3A_442 = tpu.memref_squeeze %dma_wait3A_441 : memref<1x40x128xf32, #tpu.memory_space<vmem>> -> memref<40x128xf32, #tpu.memory_space<vmem>>
      %dma_wait3A_443 = arith.constant 0 : i32
      %dma_wait3A_444 = arith.constant 0 : i32
      %dma_wait3A_445 = tpu.memref_slice %arg2[%dma_wait3A_443, %dma_wait3A_444] : memref<10000x128xf32, #tpu.memory_space<hbm>> -> memref<40x128xf32, #tpu.memory_space<hbm>>
      %dma_wait3A_446 = tpu.memref_slice %arg11[%dma_wait3A_438] : memref<5x!tpu.dma_semaphore, #tpu.memory_space<semaphore_mem>> -> memref<1x!tpu.dma_semaphore, #tpu.memory_space<semaphore_mem>>
      %dma_wait3A_447 = tpu.memref_squeeze %dma_wait3A_446 : memref<1x!tpu.dma_semaphore, #tpu.memory_space<semaphore_mem>> -> memref<!tpu.dma_semaphore, #tpu.memory_space<semaphore_mem>>
      %dma_wait3A_448 = arith.constant 0 : i32
      %dma_wait3A_449 = arith.constant 0 : i32
      %dma_wait3A_450 = tpu.memref_slice %arg9[%dma_wait3A_437, %dma_wait3A_448, %dma_wait3A_449] : memref<5x40x128xf32, #tpu.memory_space<vmem>> -> memref<1x40x128xf32, #tpu.memory_space<vmem>>
      %dma_wait3A_451 = tpu.memref_squeeze %dma_wait3A_450 : memref<1x40x128xf32, #tpu.memory_space<vmem>> -> memref<40x128xf32, #tpu.memory_space<vmem>>
      %dma_wait3A_452 = arith.constant 0 : i32
      %dma_wait3A_453 = arith.constant 0 : i32
      %dma_wait3A_454 = tpu.memref_slice %arg2[%dma_wait3A_452, %dma_wait3A_453] : memref<10000x128xf32, #tpu.memory_space<hbm>> -> memref<40x128xf32, #tpu.memory_space<hbm>>
      tpu.wait_dma2 semaphore(%dma_wait3A_447 : memref<!tpu.dma_semaphore, #tpu.memory_space<semaphore_mem>>) src(%dma_wait3A_454 : memref<40x128xf32, #tpu.memory_space<hbm>>) dst(%dma_wait3A_451 : memref<40x128xf32, #tpu.memory_space<vmem>>)
      %dma_wait3A_455 = arith.constant 4 : i32
      %dma_wait3A_456 = arith.constant 4 : i32
      %dma_wait3A_457 = arith.constant 0 : i32
      %dma_wait3A_458 = tpu.memref_slice %arg8[%dma_wait3A_455, %dma_wait3A_457] : memref<5x40xi32, #tpu.memory_space<vmem>> -> memref<1x40xi32, #tpu.memory_space<vmem>>
      %dma_wait3A_459 = tpu.memref_squeeze %dma_wait3A_458 : memref<1x40xi32, #tpu.memory_space<vmem>> -> memref<40xi32, #tpu.memory_space<vmem>>
      %dma_wait3A_460 = arith.constant 0 : i32
      %dma_wait3A_461 = tpu.memref_slice %arg4[%dma_wait3A_460] : memref<320000xi32, #tpu.memory_space<hbm>> -> memref<40xi32, #tpu.memory_space<hbm>>
      %dma_wait3A_462 = tpu.memref_slice %arg13[%dma_wait3A_456] : memref<5x!tpu.dma_semaphore, #tpu.memory_space<semaphore_mem>> -> memref<1x!tpu.dma_semaphore, #tpu.memory_space<semaphore_mem>>
      %dma_wait3A_463 = tpu.memref_squeeze %dma_wait3A_462 : memref<1x!tpu.dma_semaphore, #tpu.memory_space<semaphore_mem>> -> memref<!tpu.dma_semaphore, #tpu.memory_space<semaphore_mem>>
      %dma_wait3A_464 = arith.constant 0 : i32
      %dma_wait3A_465 = tpu.memref_slice %arg8[%dma_wait3A_455, %dma_wait3A_464] : memref<5x40xi32, #tpu.memory_space<vmem>> -> memref<1x40xi32, #tpu.memory_space<vmem>>
      %dma_wait3A_466 = tpu.memref_squeeze %dma_wait3A_465 : memref<1x40xi32, #tpu.memory_space<vmem>> -> memref<40xi32, #tpu.memory_space<vmem>>
      %dma_wait3A_467 = arith.constant 0 : i32
      %dma_wait3A_468 = tpu.memref_slice %arg4[%dma_wait3A_467] : memref<320000xi32, #tpu.memory_space<hbm>> -> memref<40xi32, #tpu.memory_space<hbm>>
      tpu.wait_dma2 semaphore(%dma_wait3A_463 : memref<!tpu.dma_semaphore, #tpu.memory_space<semaphore_mem>>) src(%dma_wait3A_468 : memref<40xi32, #tpu.memory_space<hbm>>) dst(%dma_wait3A_466 : memref<40xi32, #tpu.memory_space<vmem>>)
      %dma_start3A_469 = arith.constant 4 : i32
      %dma_start3A_470 = arith.constant 4 : i32
      %dma_start3A_471 = arith.constant 4 : i32
      %dma_start3A_472 = arith.constant 0 : i32
      %dma_start3A_473 = arith.constant 0 : i32
      %dma_start3A_474 = tpu.memref_slice %arg9[%dma_start3A_469, %dma_start3A_472, %dma_start3A_473] : memref<5x40x128xf32, #tpu.memory_space<vmem>> -> memref<1x40x128xf32, #tpu.memory_space<vmem>>
      %dma_start3A_475 = tpu.memref_squeeze %dma_start3A_474 : memref<1x40x128xf32, #tpu.memory_space<vmem>> -> memref<40x128xf32, #tpu.memory_space<vmem>>
      %dma_start3A_476 = arith.constant 0 : i32
      %dma_start3A_477 = tpu.memref_slice %arg8[%dma_start3A_470, %dma_start3A_476] : memref<5x40xi32, #tpu.memory_space<vmem>> -> memref<1x40xi32, #tpu.memory_space<vmem>>
      %dma_start3A_478 = tpu.memref_squeeze %dma_start3A_477 : memref<1x40xi32, #tpu.memory_space<vmem>> -> memref<40xi32, #tpu.memory_space<vmem>>
      %dma_start3A_479 = arith.constant 0 : i32
      %dma_start3A_480 = arith.constant 0 : i32
      %dma_start3A_481 = tpu.memref_slice %arg10[%dma_start3A_479, %dma_start3A_480] : memref<10000x128xf32, #tpu.memory_space<vmem_shared>> -> memref<10000x128xf32, #tpu.memory_space<vmem_shared>>
      %dma_start3A_482 = tpu.memref_slice %arg12[%dma_start3A_471] : memref<5x!tpu.dma_semaphore, #tpu.memory_space<semaphore_mem>> -> memref<1x!tpu.dma_semaphore, #tpu.memory_space<semaphore_mem>>
      %dma_start3A_483 = tpu.memref_squeeze %dma_start3A_482 : memref<1x!tpu.dma_semaphore, #tpu.memory_space<semaphore_mem>> -> memref<!tpu.dma_semaphore, #tpu.memory_space<semaphore_mem>>
      tpu.enqueue_indirect_dma source(%dma_start3A_475 : memref<40x128xf32, #tpu.memory_space<vmem>>) target(%dma_start3A_481 : memref<10000x128xf32, #tpu.memory_space<vmem_shared>>) offsets(%dma_start3A_478 : memref<40xi32, #tpu.memory_space<vmem>>) semaphore(%dma_start3A_483 : memref<!tpu.dma_semaphore, #tpu.memory_space<semaphore_mem>>) {add = true}
      %add3A_484 = arith.constant 0 : i32
      %add3A_485 = arith.addi %add3A_248, %add3A_484 : i32
      %add3A_486 = arith.constant 5 : i32
      %add3A_487 = arith.addi %add3A_485, %add3A_486 : i32
      %lt3A = arith.constant 250 : i32
      %lt3A_488 = arith.cmpi slt, %add3A_487, %lt3A : i32
      %convert_element_type3A_489 = arith.extui %lt3A_488 : i1 to i32
      %cond3A_490 = arith.constant 0 : i32
      %cond3A_491 = arith.cmpi ne, %convert_element_type3A_489, %cond3A_490 : i32
      scf.if %cond3A_491 {
        %dma_wait3A_528 = arith.constant 0 : i32
        %dma_wait3A_529 = arith.constant 0 : i32
        %dma_wait3A_530 = arith.constant 0 : i32
        %dma_wait3A_531 = arith.constant 0 : i32
        %dma_wait3A_532 = tpu.memref_slice %arg9[%dma_wait3A_528, %dma_wait3A_530, %dma_wait3A_531] : memref<5x40x128xf32, #tpu.memory_space<vmem>> -> memref<1x40x128xf32, #tpu.memory_space<vmem>>
        %dma_wait3A_533 = tpu.memref_squeeze %dma_wait3A_532 : memref<1x40x128xf32, #tpu.memory_space<vmem>> -> memref<40x128xf32, #tpu.memory_space<vmem>>
        %dma_wait3A_534 = arith.constant 0 : i32
        %dma_wait3A_535 = arith.constant 0 : i32
        %dma_wait3A_536 = tpu.memref_slice %arg10[%dma_wait3A_534, %dma_wait3A_535] : memref<10000x128xf32, #tpu.memory_space<vmem_shared>> -> memref<40x128xf32, #tpu.memory_space<vmem_shared>>
        %dma_wait3A_537 = tpu.memref_slice %arg12[%dma_wait3A_529] : memref<5x!tpu.dma_semaphore, #tpu.memory_space<semaphore_mem>> -> memref<1x!tpu.dma_semaphore, #tpu.memory_space<semaphore_mem>>
        %dma_wait3A_538 = tpu.memref_squeeze %dma_wait3A_537 : memref<1x!tpu.dma_semaphore, #tpu.memory_space<semaphore_mem>> -> memref<!tpu.dma_semaphore, #tpu.memory_space<semaphore_mem>>
        %dma_wait3A_539 = arith.constant 0 : i32
        %dma_wait3A_540 = arith.constant 0 : i32
        %dma_wait3A_541 = tpu.memref_slice %arg10[%dma_wait3A_539, %dma_wait3A_540] : memref<10000x128xf32, #tpu.memory_space<vmem_shared>> -> memref<40x128xf32, #tpu.memory_space<vmem_shared>>
        %dma_wait3A_542 = arith.constant 0 : i32
        %dma_wait3A_543 = arith.constant 0 : i32
        %dma_wait3A_544 = tpu.memref_slice %arg9[%dma_wait3A_528, %dma_wait3A_542, %dma_wait3A_543] : memref<5x40x128xf32, #tpu.memory_space<vmem>> -> memref<1x40x128xf32, #tpu.memory_space<vmem>>
        %dma_wait3A_545 = tpu.memref_squeeze %dma_wait3A_544 : memref<1x40x128xf32, #tpu.memory_space<vmem>> -> memref<40x128xf32, #tpu.memory_space<vmem>>
        tpu.wait_dma2 semaphore(%dma_wait3A_538 : memref<!tpu.dma_semaphore, #tpu.memory_space<semaphore_mem>>) src(%dma_wait3A_545 : memref<40x128xf32, #tpu.memory_space<vmem>>) dst(%dma_wait3A_541 : memref<40x128xf32, #tpu.memory_space<vmem_shared>>)
        %add3A_546 = arith.constant 0 : i32
        %add3A_547 = arith.addi %add3A_248, %add3A_546 : i32
        %add3A_548 = arith.constant 5 : i32
        %add3A_549 = arith.addi %add3A_547, %add3A_548 : i32
        %mul3A_550 = arith.constant 40 : i32
        %mul3A_551 = arith.muli %add3A_549, %mul3A_550 : i32
        %dma_start3A_552 = arith.constant 0 : i32
        %dma_start3A_553 = arith.constant 0 : i32
        %dma_start3A_554 = arith.constant 0 : i32
        %dma_start3A_555 = arith.constant 0 : i32
        %dma_start3A_556 = tpu.memref_slice %arg9[%dma_start3A_552, %dma_start3A_554, %dma_start3A_555] : memref<5x40x128xf32, #tpu.memory_space<vmem>> -> memref<1x40x128xf32, #tpu.memory_space<vmem>>
        %dma_start3A_557 = tpu.memref_squeeze %dma_start3A_556 : memref<1x40x128xf32, #tpu.memory_space<vmem>> -> memref<40x128xf32, #tpu.memory_space<vmem>>
        %dma_start3A_558 = tpu.memref_slice %arg7[%mul3A_551] : memref<10000xi32, #tpu.memory_space<vmem>> -> memref<40xi32, #tpu.memory_space<vmem>>
        %dma_start3A_559 = arith.constant 0 : i32
        %dma_start3A_560 = arith.constant 0 : i32
        %dma_start3A_561 = tpu.memref_slice %arg2[%dma_start3A_559, %dma_start3A_560] : memref<10000x128xf32, #tpu.memory_space<hbm>> -> memref<10000x128xf32, #tpu.memory_space<hbm>>
        %dma_start3A_562 = tpu.memref_slice %arg11[%dma_start3A_553] : memref<5x!tpu.dma_semaphore, #tpu.memory_space<semaphore_mem>> -> memref<1x!tpu.dma_semaphore, #tpu.memory_space<semaphore_mem>>
        %dma_start3A_563 = tpu.memref_squeeze %dma_start3A_562 : memref<1x!tpu.dma_semaphore, #tpu.memory_space<semaphore_mem>> -> memref<!tpu.dma_semaphore, #tpu.memory_space<semaphore_mem>>
        tpu.enqueue_indirect_dma source(%dma_start3A_561 : memref<10000x128xf32, #tpu.memory_space<hbm>>) target(%dma_start3A_557 : memref<40x128xf32, #tpu.memory_space<vmem>>) offsets(%dma_start3A_558 : memref<40xi32, #tpu.memory_space<vmem>>) semaphore(%dma_start3A_563 : memref<!tpu.dma_semaphore, #tpu.memory_space<semaphore_mem>>)
        %mul3A_564 = arith.constant 40 : i32
        %mul3A_565 = arith.muli %add3A_549, %mul3A_564 : i32
        %add3A_566 = arith.addi %mul3A_2, %mul3A_565 : i32
        %dma_start3A_567 = arith.constant 0 : i32
        %dma_start3A_568 = arith.constant 0 : i32
        %dma_start3A_569 = arith.constant 0 : i32
        %dma_start3A_570 = tpu.memref_slice %arg8[%dma_start3A_567, %dma_start3A_569] : memref<5x40xi32, #tpu.memory_space<vmem>> -> memref<1x40xi32, #tpu.memory_space<vmem>>
        %dma_start3A_571 = tpu.memref_squeeze %dma_start3A_570 : memref<1x40xi32, #tpu.memory_space<vmem>> -> memref<40xi32, #tpu.memory_space<vmem>>
        %dma_start3A_572 = tpu.memref_slice %arg4[%add3A_566] : memref<320000xi32, #tpu.memory_space<hbm>> -> memref<40xi32, #tpu.memory_space<hbm>>
        %dma_start3A_573 = tpu.memref_slice %arg13[%dma_start3A_568] : memref<5x!tpu.dma_semaphore, #tpu.memory_space<semaphore_mem>> -> memref<1x!tpu.dma_semaphore, #tpu.memory_space<semaphore_mem>>
        %dma_start3A_574 = tpu.memref_squeeze %dma_start3A_573 : memref<1x!tpu.dma_semaphore, #tpu.memory_space<semaphore_mem>> -> memref<!tpu.dma_semaphore, #tpu.memory_space<semaphore_mem>>
        %dma_start3A_575 = arith.constant 0 : i32
        %dma_start3A_576 = tpu.memref_slice %arg8[%dma_start3A_567, %dma_start3A_575] : memref<5x40xi32, #tpu.memory_space<vmem>> -> memref<1x40xi32, #tpu.memory_space<vmem>>
        %dma_start3A_577 = tpu.memref_squeeze %dma_start3A_576 : memref<1x40xi32, #tpu.memory_space<vmem>> -> memref<40xi32, #tpu.memory_space<vmem>>
        %dma_start3A_578 = tpu.memref_slice %arg4[%add3A_566] : memref<320000xi32, #tpu.memory_space<hbm>> -> memref<40xi32, #tpu.memory_space<hbm>>
        tpu.enqueue_dma source(%dma_start3A_578 : memref<40xi32, #tpu.memory_space<hbm>>) target(%dma_start3A_577 : memref<40xi32, #tpu.memory_space<vmem>>) target_semaphore(%dma_start3A_574 : memref<!tpu.dma_semaphore, #tpu.memory_space<semaphore_mem>>)
      } else {
      }
      %add3A_492 = arith.constant 1 : i32
      %add3A_493 = arith.addi %add3A_248, %add3A_492 : i32
      %add3A_494 = arith.constant 5 : i32
      %add3A_495 = arith.addi %add3A_493, %add3A_494 : i32
      %lt3A_496 = arith.constant 250 : i32
      %lt3A_497 = arith.cmpi slt, %add3A_495, %lt3A_496 : i32
      %convert_element_type3A_498 = arith.extui %lt3A_497 : i1 to i32
      %cond3A_499 = arith.constant 0 : i32
      %cond3A_500 = arith.cmpi ne, %convert_element_type3A_498, %cond3A_499 : i32
      scf.if %cond3A_500 {
        %dma_wait3A_528 = arith.constant 1 : i32
        %dma_wait3A_529 = arith.constant 1 : i32
        %dma_wait3A_530 = arith.constant 0 : i32
        %dma_wait3A_531 = arith.constant 0 : i32
        %dma_wait3A_532 = tpu.memref_slice %arg9[%dma_wait3A_528, %dma_wait3A_530, %dma_wait3A_531] : memref<5x40x128xf32, #tpu.memory_space<vmem>> -> memref<1x40x128xf32, #tpu.memory_space<vmem>>
        %dma_wait3A_533 = tpu.memref_squeeze %dma_wait3A_532 : memref<1x40x128xf32, #tpu.memory_space<vmem>> -> memref<40x128xf32, #tpu.memory_space<vmem>>
        %dma_wait3A_534 = arith.constant 0 : i32
        %dma_wait3A_535 = arith.constant 0 : i32
        %dma_wait3A_536 = tpu.memref_slice %arg10[%dma_wait3A_534, %dma_wait3A_535] : memref<10000x128xf32, #tpu.memory_space<vmem_shared>> -> memref<40x128xf32, #tpu.memory_space<vmem_shared>>
        %dma_wait3A_537 = tpu.memref_slice %arg12[%dma_wait3A_529] : memref<5x!tpu.dma_semaphore, #tpu.memory_space<semaphore_mem>> -> memref<1x!tpu.dma_semaphore, #tpu.memory_space<semaphore_mem>>
        %dma_wait3A_538 = tpu.memref_squeeze %dma_wait3A_537 : memref<1x!tpu.dma_semaphore, #tpu.memory_space<semaphore_mem>> -> memref<!tpu.dma_semaphore, #tpu.memory_space<semaphore_mem>>
        %dma_wait3A_539 = arith.constant 0 : i32
        %dma_wait3A_540 = arith.constant 0 : i32
        %dma_wait3A_541 = tpu.memref_slice %arg10[%dma_wait3A_539, %dma_wait3A_540] : memref<10000x128xf32, #tpu.memory_space<vmem_shared>> -> memref<40x128xf32, #tpu.memory_space<vmem_shared>>
        %dma_wait3A_542 = arith.constant 0 : i32
        %dma_wait3A_543 = arith.constant 0 : i32
        %dma_wait3A_544 = tpu.memref_slice %arg9[%dma_wait3A_528, %dma_wait3A_542, %dma_wait3A_543] : memref<5x40x128xf32, #tpu.memory_space<vmem>> -> memref<1x40x128xf32, #tpu.memory_space<vmem>>
        %dma_wait3A_545 = tpu.memref_squeeze %dma_wait3A_544 : memref<1x40x128xf32, #tpu.memory_space<vmem>> -> memref<40x128xf32, #tpu.memory_space<vmem>>
        tpu.wait_dma2 semaphore(%dma_wait3A_538 : memref<!tpu.dma_semaphore, #tpu.memory_space<semaphore_mem>>) src(%dma_wait3A_545 : memref<40x128xf32, #tpu.memory_space<vmem>>) dst(%dma_wait3A_541 : memref<40x128xf32, #tpu.memory_space<vmem_shared>>)
        %add3A_546 = arith.constant 1 : i32
        %add3A_547 = arith.addi %add3A_248, %add3A_546 : i32
        %add3A_548 = arith.constant 5 : i32
        %add3A_549 = arith.addi %add3A_547, %add3A_548 : i32
        %mul3A_550 = arith.constant 40 : i32
        %mul3A_551 = arith.muli %add3A_549, %mul3A_550 : i32
        %dma_start3A_552 = arith.constant 1 : i32
        %dma_start3A_553 = arith.constant 1 : i32
        %dma_start3A_554 = arith.constant 0 : i32
        %dma_start3A_555 = arith.constant 0 : i32
        %dma_start3A_556 = tpu.memref_slice %arg9[%dma_start3A_552, %dma_start3A_554, %dma_start3A_555] : memref<5x40x128xf32, #tpu.memory_space<vmem>> -> memref<1x40x128xf32, #tpu.memory_space<vmem>>
        %dma_start3A_557 = tpu.memref_squeeze %dma_start3A_556 : memref<1x40x128xf32, #tpu.memory_space<vmem>> -> memref<40x128xf32, #tpu.memory_space<vmem>>
        %dma_start3A_558 = tpu.memref_slice %arg7[%mul3A_551] : memref<10000xi32, #tpu.memory_space<vmem>> -> memref<40xi32, #tpu.memory_space<vmem>>
        %dma_start3A_559 = arith.constant 0 : i32
        %dma_start3A_560 = arith.constant 0 : i32
        %dma_start3A_561 = tpu.memref_slice %arg2[%dma_start3A_559, %dma_start3A_560] : memref<10000x128xf32, #tpu.memory_space<hbm>> -> memref<10000x128xf32, #tpu.memory_space<hbm>>
        %dma_start3A_562 = tpu.memref_slice %arg11[%dma_start3A_553] : memref<5x!tpu.dma_semaphore, #tpu.memory_space<semaphore_mem>> -> memref<1x!tpu.dma_semaphore, #tpu.memory_space<semaphore_mem>>
        %dma_start3A_563 = tpu.memref_squeeze %dma_start3A_562 : memref<1x!tpu.dma_semaphore, #tpu.memory_space<semaphore_mem>> -> memref<!tpu.dma_semaphore, #tpu.memory_space<semaphore_mem>>
        tpu.enqueue_indirect_dma source(%dma_start3A_561 : memref<10000x128xf32, #tpu.memory_space<hbm>>) target(%dma_start3A_557 : memref<40x128xf32, #tpu.memory_space<vmem>>) offsets(%dma_start3A_558 : memref<40xi32, #tpu.memory_space<vmem>>) semaphore(%dma_start3A_563 : memref<!tpu.dma_semaphore, #tpu.memory_space<semaphore_mem>>)
        %mul3A_564 = arith.constant 40 : i32
        %mul3A_565 = arith.muli %add3A_549, %mul3A_564 : i32
        %add3A_566 = arith.addi %mul3A_2, %mul3A_565 : i32
        %dma_start3A_567 = arith.constant 1 : i32
        %dma_start3A_568 = arith.constant 1 : i32
        %dma_start3A_569 = arith.constant 0 : i32
        %dma_start3A_570 = tpu.memref_slice %arg8[%dma_start3A_567, %dma_start3A_569] : memref<5x40xi32, #tpu.memory_space<vmem>> -> memref<1x40xi32, #tpu.memory_space<vmem>>
        %dma_start3A_571 = tpu.memref_squeeze %dma_start3A_570 : memref<1x40xi32, #tpu.memory_space<vmem>> -> memref<40xi32, #tpu.memory_space<vmem>>
        %dma_start3A_572 = tpu.memref_slice %arg4[%add3A_566] : memref<320000xi32, #tpu.memory_space<hbm>> -> memref<40xi32, #tpu.memory_space<hbm>>
        %dma_start3A_573 = tpu.memref_slice %arg13[%dma_start3A_568] : memref<5x!tpu.dma_semaphore, #tpu.memory_space<semaphore_mem>> -> memref<1x!tpu.dma_semaphore, #tpu.memory_space<semaphore_mem>>
        %dma_start3A_574 = tpu.memref_squeeze %dma_start3A_573 : memref<1x!tpu.dma_semaphore, #tpu.memory_space<semaphore_mem>> -> memref<!tpu.dma_semaphore, #tpu.memory_space<semaphore_mem>>
        %dma_start3A_575 = arith.constant 0 : i32
        %dma_start3A_576 = tpu.memref_slice %arg8[%dma_start3A_567, %dma_start3A_575] : memref<5x40xi32, #tpu.memory_space<vmem>> -> memref<1x40xi32, #tpu.memory_space<vmem>>
        %dma_start3A_577 = tpu.memref_squeeze %dma_start3A_576 : memref<1x40xi32, #tpu.memory_space<vmem>> -> memref<40xi32, #tpu.memory_space<vmem>>
        %dma_start3A_578 = tpu.memref_slice %arg4[%add3A_566] : memref<320000xi32, #tpu.memory_space<hbm>> -> memref<40xi32, #tpu.memory_space<hbm>>
        tpu.enqueue_dma source(%dma_start3A_578 : memref<40xi32, #tpu.memory_space<hbm>>) target(%dma_start3A_577 : memref<40xi32, #tpu.memory_space<vmem>>) target_semaphore(%dma_start3A_574 : memref<!tpu.dma_semaphore, #tpu.memory_space<semaphore_mem>>)
      } else {
      }
      %add3A_501 = arith.constant 2 : i32
      %add3A_502 = arith.addi %add3A_248, %add3A_501 : i32
      %add3A_503 = arith.constant 5 : i32
      %add3A_504 = arith.addi %add3A_502, %add3A_503 : i32
      %lt3A_505 = arith.constant 250 : i32
      %lt3A_506 = arith.cmpi slt, %add3A_504, %lt3A_505 : i32
      %convert_element_type3A_507 = arith.extui %lt3A_506 : i1 to i32
      %cond3A_508 = arith.constant 0 : i32
      %cond3A_509 = arith.cmpi ne, %convert_element_type3A_507, %cond3A_508 : i32
      scf.if %cond3A_509 {
        %dma_wait3A_528 = arith.constant 2 : i32
        %dma_wait3A_529 = arith.constant 2 : i32
        %dma_wait3A_530 = arith.constant 0 : i32
        %dma_wait3A_531 = arith.constant 0 : i32
        %dma_wait3A_532 = tpu.memref_slice %arg9[%dma_wait3A_528, %dma_wait3A_530, %dma_wait3A_531] : memref<5x40x128xf32, #tpu.memory_space<vmem>> -> memref<1x40x128xf32, #tpu.memory_space<vmem>>
        %dma_wait3A_533 = tpu.memref_squeeze %dma_wait3A_532 : memref<1x40x128xf32, #tpu.memory_space<vmem>> -> memref<40x128xf32, #tpu.memory_space<vmem>>
        %dma_wait3A_534 = arith.constant 0 : i32
        %dma_wait3A_535 = arith.constant 0 : i32
        %dma_wait3A_536 = tpu.memref_slice %arg10[%dma_wait3A_534, %dma_wait3A_535] : memref<10000x128xf32, #tpu.memory_space<vmem_shared>> -> memref<40x128xf32, #tpu.memory_space<vmem_shared>>
        %dma_wait3A_537 = tpu.memref_slice %arg12[%dma_wait3A_529] : memref<5x!tpu.dma_semaphore, #tpu.memory_space<semaphore_mem>> -> memref<1x!tpu.dma_semaphore, #tpu.memory_space<semaphore_mem>>
        %dma_wait3A_538 = tpu.memref_squeeze %dma_wait3A_537 : memref<1x!tpu.dma_semaphore, #tpu.memory_space<semaphore_mem>> -> memref<!tpu.dma_semaphore, #tpu.memory_space<semaphore_mem>>
        %dma_wait3A_539 = arith.constant 0 : i32
        %dma_wait3A_540 = arith.constant 0 : i32
        %dma_wait3A_541 = tpu.memref_slice %arg10[%dma_wait3A_539, %dma_wait3A_540] : memref<10000x128xf32, #tpu.memory_space<vmem_shared>> -> memref<40x128xf32, #tpu.memory_space<vmem_shared>>
        %dma_wait3A_542 = arith.constant 0 : i32
        %dma_wait3A_543 = arith.constant 0 : i32
        %dma_wait3A_544 = tpu.memref_slice %arg9[%dma_wait3A_528, %dma_wait3A_542, %dma_wait3A_543] : memref<5x40x128xf32, #tpu.memory_space<vmem>> -> memref<1x40x128xf32, #tpu.memory_space<vmem>>
        %dma_wait3A_545 = tpu.memref_squeeze %dma_wait3A_544 : memref<1x40x128xf32, #tpu.memory_space<vmem>> -> memref<40x128xf32, #tpu.memory_space<vmem>>
        tpu.wait_dma2 semaphore(%dma_wait3A_538 : memref<!tpu.dma_semaphore, #tpu.memory_space<semaphore_mem>>) src(%dma_wait3A_545 : memref<40x128xf32, #tpu.memory_space<vmem>>) dst(%dma_wait3A_541 : memref<40x128xf32, #tpu.memory_space<vmem_shared>>)
        %add3A_546 = arith.constant 2 : i32
        %add3A_547 = arith.addi %add3A_248, %add3A_546 : i32
        %add3A_548 = arith.constant 5 : i32
        %add3A_549 = arith.addi %add3A_547, %add3A_548 : i32
        %mul3A_550 = arith.constant 40 : i32
        %mul3A_551 = arith.muli %add3A_549, %mul3A_550 : i32
        %dma_start3A_552 = arith.constant 2 : i32
        %dma_start3A_553 = arith.constant 2 : i32
        %dma_start3A_554 = arith.constant 0 : i32
        %dma_start3A_555 = arith.constant 0 : i32
        %dma_start3A_556 = tpu.memref_slice %arg9[%dma_start3A_552, %dma_start3A_554, %dma_start3A_555] : memref<5x40x128xf32, #tpu.memory_space<vmem>> -> memref<1x40x128xf32, #tpu.memory_space<vmem>>
        %dma_start3A_557 = tpu.memref_squeeze %dma_start3A_556 : memref<1x40x128xf32, #tpu.memory_space<vmem>> -> memref<40x128xf32, #tpu.memory_space<vmem>>
        %dma_start3A_558 = tpu.memref_slice %arg7[%mul3A_551] : memref<10000xi32, #tpu.memory_space<vmem>> -> memref<40xi32, #tpu.memory_space<vmem>>
        %dma_start3A_559 = arith.constant 0 : i32
        %dma_start3A_560 = arith.constant 0 : i32
        %dma_start3A_561 = tpu.memref_slice %arg2[%dma_start3A_559, %dma_start3A_560] : memref<10000x128xf32, #tpu.memory_space<hbm>> -> memref<10000x128xf32, #tpu.memory_space<hbm>>
        %dma_start3A_562 = tpu.memref_slice %arg11[%dma_start3A_553] : memref<5x!tpu.dma_semaphore, #tpu.memory_space<semaphore_mem>> -> memref<1x!tpu.dma_semaphore, #tpu.memory_space<semaphore_mem>>
        %dma_start3A_563 = tpu.memref_squeeze %dma_start3A_562 : memref<1x!tpu.dma_semaphore, #tpu.memory_space<semaphore_mem>> -> memref<!tpu.dma_semaphore, #tpu.memory_space<semaphore_mem>>
        tpu.enqueue_indirect_dma source(%dma_start3A_561 : memref<10000x128xf32, #tpu.memory_space<hbm>>) target(%dma_start3A_557 : memref<40x128xf32, #tpu.memory_space<vmem>>) offsets(%dma_start3A_558 : memref<40xi32, #tpu.memory_space<vmem>>) semaphore(%dma_start3A_563 : memref<!tpu.dma_semaphore, #tpu.memory_space<semaphore_mem>>)
        %mul3A_564 = arith.constant 40 : i32
        %mul3A_565 = arith.muli %add3A_549, %mul3A_564 : i32
        %add3A_566 = arith.addi %mul3A_2, %mul3A_565 : i32
        %dma_start3A_567 = arith.constant 2 : i32
        %dma_start3A_568 = arith.constant 2 : i32
        %dma_start3A_569 = arith.constant 0 : i32
        %dma_start3A_570 = tpu.memref_slice %arg8[%dma_start3A_567, %dma_start3A_569] : memref<5x40xi32, #tpu.memory_space<vmem>> -> memref<1x40xi32, #tpu.memory_space<vmem>>
        %dma_start3A_571 = tpu.memref_squeeze %dma_start3A_570 : memref<1x40xi32, #tpu.memory_space<vmem>> -> memref<40xi32, #tpu.memory_space<vmem>>
        %dma_start3A_572 = tpu.memref_slice %arg4[%add3A_566] : memref<320000xi32, #tpu.memory_space<hbm>> -> memref<40xi32, #tpu.memory_space<hbm>>
        %dma_start3A_573 = tpu.memref_slice %arg13[%dma_start3A_568] : memref<5x!tpu.dma_semaphore, #tpu.memory_space<semaphore_mem>> -> memref<1x!tpu.dma_semaphore, #tpu.memory_space<semaphore_mem>>
        %dma_start3A_574 = tpu.memref_squeeze %dma_start3A_573 : memref<1x!tpu.dma_semaphore, #tpu.memory_space<semaphore_mem>> -> memref<!tpu.dma_semaphore, #tpu.memory_space<semaphore_mem>>
        %dma_start3A_575 = arith.constant 0 : i32
        %dma_start3A_576 = tpu.memref_slice %arg8[%dma_start3A_567, %dma_start3A_575] : memref<5x40xi32, #tpu.memory_space<vmem>> -> memref<1x40xi32, #tpu.memory_space<vmem>>
        %dma_start3A_577 = tpu.memref_squeeze %dma_start3A_576 : memref<1x40xi32, #tpu.memory_space<vmem>> -> memref<40xi32, #tpu.memory_space<vmem>>
        %dma_start3A_578 = tpu.memref_slice %arg4[%add3A_566] : memref<320000xi32, #tpu.memory_space<hbm>> -> memref<40xi32, #tpu.memory_space<hbm>>
        tpu.enqueue_dma source(%dma_start3A_578 : memref<40xi32, #tpu.memory_space<hbm>>) target(%dma_start3A_577 : memref<40xi32, #tpu.memory_space<vmem>>) target_semaphore(%dma_start3A_574 : memref<!tpu.dma_semaphore, #tpu.memory_space<semaphore_mem>>)
      } else {
      }
      %add3A_510 = arith.constant 3 : i32
      %add3A_511 = arith.addi %add3A_248, %add3A_510 : i32
      %add3A_512 = arith.constant 5 : i32
      %add3A_513 = arith.addi %add3A_511, %add3A_512 : i32
      %lt3A_514 = arith.constant 250 : i32
      %lt3A_515 = arith.cmpi slt, %add3A_513, %lt3A_514 : i32
      %convert_element_type3A_516 = arith.extui %lt3A_515 : i1 to i32
      %cond3A_517 = arith.constant 0 : i32
      %cond3A_518 = arith.cmpi ne, %convert_element_type3A_516, %cond3A_517 : i32
      scf.if %cond3A_518 {
        %dma_wait3A_528 = arith.constant 3 : i32
        %dma_wait3A_529 = arith.constant 3 : i32
        %dma_wait3A_530 = arith.constant 0 : i32
        %dma_wait3A_531 = arith.constant 0 : i32
        %dma_wait3A_532 = tpu.memref_slice %arg9[%dma_wait3A_528, %dma_wait3A_530, %dma_wait3A_531] : memref<5x40x128xf32, #tpu.memory_space<vmem>> -> memref<1x40x128xf32, #tpu.memory_space<vmem>>
        %dma_wait3A_533 = tpu.memref_squeeze %dma_wait3A_532 : memref<1x40x128xf32, #tpu.memory_space<vmem>> -> memref<40x128xf32, #tpu.memory_space<vmem>>
        %dma_wait3A_534 = arith.constant 0 : i32
        %dma_wait3A_535 = arith.constant 0 : i32
        %dma_wait3A_536 = tpu.memref_slice %arg10[%dma_wait3A_534, %dma_wait3A_535] : memref<10000x128xf32, #tpu.memory_space<vmem_shared>> -> memref<40x128xf32, #tpu.memory_space<vmem_shared>>
        %dma_wait3A_537 = tpu.memref_slice %arg12[%dma_wait3A_529] : memref<5x!tpu.dma_semaphore, #tpu.memory_space<semaphore_mem>> -> memref<1x!tpu.dma_semaphore, #tpu.memory_space<semaphore_mem>>
        %dma_wait3A_538 = tpu.memref_squeeze %dma_wait3A_537 : memref<1x!tpu.dma_semaphore, #tpu.memory_space<semaphore_mem>> -> memref<!tpu.dma_semaphore, #tpu.memory_space<semaphore_mem>>
        %dma_wait3A_539 = arith.constant 0 : i32
        %dma_wait3A_540 = arith.constant 0 : i32
        %dma_wait3A_541 = tpu.memref_slice %arg10[%dma_wait3A_539, %dma_wait3A_540] : memref<10000x128xf32, #tpu.memory_space<vmem_shared>> -> memref<40x128xf32, #tpu.memory_space<vmem_shared>>
        %dma_wait3A_542 = arith.constant 0 : i32
        %dma_wait3A_543 = arith.constant 0 : i32
        %dma_wait3A_544 = tpu.memref_slice %arg9[%dma_wait3A_528, %dma_wait3A_542, %dma_wait3A_543] : memref<5x40x128xf32, #tpu.memory_space<vmem>> -> memref<1x40x128xf32, #tpu.memory_space<vmem>>
        %dma_wait3A_545 = tpu.memref_squeeze %dma_wait3A_544 : memref<1x40x128xf32, #tpu.memory_space<vmem>> -> memref<40x128xf32, #tpu.memory_space<vmem>>
        tpu.wait_dma2 semaphore(%dma_wait3A_538 : memref<!tpu.dma_semaphore, #tpu.memory_space<semaphore_mem>>) src(%dma_wait3A_545 : memref<40x128xf32, #tpu.memory_space<vmem>>) dst(%dma_wait3A_541 : memref<40x128xf32, #tpu.memory_space<vmem_shared>>)
        %add3A_546 = arith.constant 3 : i32
        %add3A_547 = arith.addi %add3A_248, %add3A_546 : i32
        %add3A_548 = arith.constant 5 : i32
        %add3A_549 = arith.addi %add3A_547, %add3A_548 : i32
        %mul3A_550 = arith.constant 40 : i32
        %mul3A_551 = arith.muli %add3A_549, %mul3A_550 : i32
        %dma_start3A_552 = arith.constant 3 : i32
        %dma_start3A_553 = arith.constant 3 : i32
        %dma_start3A_554 = arith.constant 0 : i32
        %dma_start3A_555 = arith.constant 0 : i32
        %dma_start3A_556 = tpu.memref_slice %arg9[%dma_start3A_552, %dma_start3A_554, %dma_start3A_555] : memref<5x40x128xf32, #tpu.memory_space<vmem>> -> memref<1x40x128xf32, #tpu.memory_space<vmem>>
        %dma_start3A_557 = tpu.memref_squeeze %dma_start3A_556 : memref<1x40x128xf32, #tpu.memory_space<vmem>> -> memref<40x128xf32, #tpu.memory_space<vmem>>
        %dma_start3A_558 = tpu.memref_slice %arg7[%mul3A_551] : memref<10000xi32, #tpu.memory_space<vmem>> -> memref<40xi32, #tpu.memory_space<vmem>>
        %dma_start3A_559 = arith.constant 0 : i32
        %dma_start3A_560 = arith.constant 0 : i32
        %dma_start3A_561 = tpu.memref_slice %arg2[%dma_start3A_559, %dma_start3A_560] : memref<10000x128xf32, #tpu.memory_space<hbm>> -> memref<10000x128xf32, #tpu.memory_space<hbm>>
        %dma_start3A_562 = tpu.memref_slice %arg11[%dma_start3A_553] : memref<5x!tpu.dma_semaphore, #tpu.memory_space<semaphore_mem>> -> memref<1x!tpu.dma_semaphore, #tpu.memory_space<semaphore_mem>>
        %dma_start3A_563 = tpu.memref_squeeze %dma_start3A_562 : memref<1x!tpu.dma_semaphore, #tpu.memory_space<semaphore_mem>> -> memref<!tpu.dma_semaphore, #tpu.memory_space<semaphore_mem>>
        tpu.enqueue_indirect_dma source(%dma_start3A_561 : memref<10000x128xf32, #tpu.memory_space<hbm>>) target(%dma_start3A_557 : memref<40x128xf32, #tpu.memory_space<vmem>>) offsets(%dma_start3A_558 : memref<40xi32, #tpu.memory_space<vmem>>) semaphore(%dma_start3A_563 : memref<!tpu.dma_semaphore, #tpu.memory_space<semaphore_mem>>)
        %mul3A_564 = arith.constant 40 : i32
        %mul3A_565 = arith.muli %add3A_549, %mul3A_564 : i32
        %add3A_566 = arith.addi %mul3A_2, %mul3A_565 : i32
        %dma_start3A_567 = arith.constant 3 : i32
        %dma_start3A_568 = arith.constant 3 : i32
        %dma_start3A_569 = arith.constant 0 : i32
        %dma_start3A_570 = tpu.memref_slice %arg8[%dma_start3A_567, %dma_start3A_569] : memref<5x40xi32, #tpu.memory_space<vmem>> -> memref<1x40xi32, #tpu.memory_space<vmem>>
        %dma_start3A_571 = tpu.memref_squeeze %dma_start3A_570 : memref<1x40xi32, #tpu.memory_space<vmem>> -> memref<40xi32, #tpu.memory_space<vmem>>
        %dma_start3A_572 = tpu.memref_slice %arg4[%add3A_566] : memref<320000xi32, #tpu.memory_space<hbm>> -> memref<40xi32, #tpu.memory_space<hbm>>
        %dma_start3A_573 = tpu.memref_slice %arg13[%dma_start3A_568] : memref<5x!tpu.dma_semaphore, #tpu.memory_space<semaphore_mem>> -> memref<1x!tpu.dma_semaphore, #tpu.memory_space<semaphore_mem>>
        %dma_start3A_574 = tpu.memref_squeeze %dma_start3A_573 : memref<1x!tpu.dma_semaphore, #tpu.memory_space<semaphore_mem>> -> memref<!tpu.dma_semaphore, #tpu.memory_space<semaphore_mem>>
        %dma_start3A_575 = arith.constant 0 : i32
        %dma_start3A_576 = tpu.memref_slice %arg8[%dma_start3A_567, %dma_start3A_575] : memref<5x40xi32, #tpu.memory_space<vmem>> -> memref<1x40xi32, #tpu.memory_space<vmem>>
        %dma_start3A_577 = tpu.memref_squeeze %dma_start3A_576 : memref<1x40xi32, #tpu.memory_space<vmem>> -> memref<40xi32, #tpu.memory_space<vmem>>
        %dma_start3A_578 = tpu.memref_slice %arg4[%add3A_566] : memref<320000xi32, #tpu.memory_space<hbm>> -> memref<40xi32, #tpu.memory_space<hbm>>
        tpu.enqueue_dma source(%dma_start3A_578 : memref<40xi32, #tpu.memory_space<hbm>>) target(%dma_start3A_577 : memref<40xi32, #tpu.memory_space<vmem>>) target_semaphore(%dma_start3A_574 : memref<!tpu.dma_semaphore, #tpu.memory_space<semaphore_mem>>)
      } else {
      }
      %add3A_519 = arith.constant 4 : i32
      %add3A_520 = arith.addi %add3A_248, %add3A_519 : i32
      %add3A_521 = arith.constant 5 : i32
      %add3A_522 = arith.addi %add3A_520, %add3A_521 : i32
      %lt3A_523 = arith.constant 250 : i32
      %lt3A_524 = arith.cmpi slt, %add3A_522, %lt3A_523 : i32
      %convert_element_type3A_525 = arith.extui %lt3A_524 : i1 to i32
      %cond3A_526 = arith.constant 0 : i32
      %cond3A_527 = arith.cmpi ne, %convert_element_type3A_525, %cond3A_526 : i32
      scf.if %cond3A_527 {
        %dma_wait3A_528 = arith.constant 4 : i32
        %dma_wait3A_529 = arith.constant 4 : i32
        %dma_wait3A_530 = arith.constant 0 : i32
        %dma_wait3A_531 = arith.constant 0 : i32
        %dma_wait3A_532 = tpu.memref_slice %arg9[%dma_wait3A_528, %dma_wait3A_530, %dma_wait3A_531] : memref<5x40x128xf32, #tpu.memory_space<vmem>> -> memref<1x40x128xf32, #tpu.memory_space<vmem>>
        %dma_wait3A_533 = tpu.memref_squeeze %dma_wait3A_532 : memref<1x40x128xf32, #tpu.memory_space<vmem>> -> memref<40x128xf32, #tpu.memory_space<vmem>>
        %dma_wait3A_534 = arith.constant 0 : i32
        %dma_wait3A_535 = arith.constant 0 : i32
        %dma_wait3A_536 = tpu.memref_slice %arg10[%dma_wait3A_534, %dma_wait3A_535] : memref<10000x128xf32, #tpu.memory_space<vmem_shared>> -> memref<40x128xf32, #tpu.memory_space<vmem_shared>>
        %dma_wait3A_537 = tpu.memref_slice %arg12[%dma_wait3A_529] : memref<5x!tpu.dma_semaphore, #tpu.memory_space<semaphore_mem>> -> memref<1x!tpu.dma_semaphore, #tpu.memory_space<semaphore_mem>>
        %dma_wait3A_538 = tpu.memref_squeeze %dma_wait3A_537 : memref<1x!tpu.dma_semaphore, #tpu.memory_space<semaphore_mem>> -> memref<!tpu.dma_semaphore, #tpu.memory_space<semaphore_mem>>
        %dma_wait3A_539 = arith.constant 0 : i32
        %dma_wait3A_540 = arith.constant 0 : i32
        %dma_wait3A_541 = tpu.memref_slice %arg10[%dma_wait3A_539, %dma_wait3A_540] : memref<10000x128xf32, #tpu.memory_space<vmem_shared>> -> memref<40x128xf32, #tpu.memory_space<vmem_shared>>
        %dma_wait3A_542 = arith.constant 0 : i32
        %dma_wait3A_543 = arith.constant 0 : i32
        %dma_wait3A_544 = tpu.memref_slice %arg9[%dma_wait3A_528, %dma_wait3A_542, %dma_wait3A_543] : memref<5x40x128xf32, #tpu.memory_space<vmem>> -> memref<1x40x128xf32, #tpu.memory_space<vmem>>
        %dma_wait3A_545 = tpu.memref_squeeze %dma_wait3A_544 : memref<1x40x128xf32, #tpu.memory_space<vmem>> -> memref<40x128xf32, #tpu.memory_space<vmem>>
        tpu.wait_dma2 semaphore(%dma_wait3A_538 : memref<!tpu.dma_semaphore, #tpu.memory_space<semaphore_mem>>) src(%dma_wait3A_545 : memref<40x128xf32, #tpu.memory_space<vmem>>) dst(%dma_wait3A_541 : memref<40x128xf32, #tpu.memory_space<vmem_shared>>)
        %add3A_546 = arith.constant 4 : i32
        %add3A_547 = arith.addi %add3A_248, %add3A_546 : i32
        %add3A_548 = arith.constant 5 : i32
        %add3A_549 = arith.addi %add3A_547, %add3A_548 : i32
        %mul3A_550 = arith.constant 40 : i32
        %mul3A_551 = arith.muli %add3A_549, %mul3A_550 : i32
        %dma_start3A_552 = arith.constant 4 : i32
        %dma_start3A_553 = arith.constant 4 : i32
        %dma_start3A_554 = arith.constant 0 : i32
        %dma_start3A_555 = arith.constant 0 : i32
        %dma_start3A_556 = tpu.memref_slice %arg9[%dma_start3A_552, %dma_start3A_554, %dma_start3A_555] : memref<5x40x128xf32, #tpu.memory_space<vmem>> -> memref<1x40x128xf32, #tpu.memory_space<vmem>>
        %dma_start3A_557 = tpu.memref_squeeze %dma_start3A_556 : memref<1x40x128xf32, #tpu.memory_space<vmem>> -> memref<40x128xf32, #tpu.memory_space<vmem>>
        %dma_start3A_558 = tpu.memref_slice %arg7[%mul3A_551] : memref<10000xi32, #tpu.memory_space<vmem>> -> memref<40xi32, #tpu.memory_space<vmem>>
        %dma_start3A_559 = arith.constant 0 : i32
        %dma_start3A_560 = arith.constant 0 : i32
        %dma_start3A_561 = tpu.memref_slice %arg2[%dma_start3A_559, %dma_start3A_560] : memref<10000x128xf32, #tpu.memory_space<hbm>> -> memref<10000x128xf32, #tpu.memory_space<hbm>>
        %dma_start3A_562 = tpu.memref_slice %arg11[%dma_start3A_553] : memref<5x!tpu.dma_semaphore, #tpu.memory_space<semaphore_mem>> -> memref<1x!tpu.dma_semaphore, #tpu.memory_space<semaphore_mem>>
        %dma_start3A_563 = tpu.memref_squeeze %dma_start3A_562 : memref<1x!tpu.dma_semaphore, #tpu.memory_space<semaphore_mem>> -> memref<!tpu.dma_semaphore, #tpu.memory_space<semaphore_mem>>
        tpu.enqueue_indirect_dma source(%dma_start3A_561 : memref<10000x128xf32, #tpu.memory_space<hbm>>) target(%dma_start3A_557 : memref<40x128xf32, #tpu.memory_space<vmem>>) offsets(%dma_start3A_558 : memref<40xi32, #tpu.memory_space<vmem>>) semaphore(%dma_start3A_563 : memref<!tpu.dma_semaphore, #tpu.memory_space<semaphore_mem>>)
        %mul3A_564 = arith.constant 40 : i32
        %mul3A_565 = arith.muli %add3A_549, %mul3A_564 : i32
        %add3A_566 = arith.addi %mul3A_2, %mul3A_565 : i32
        %dma_start3A_567 = arith.constant 4 : i32
        %dma_start3A_568 = arith.constant 4 : i32
        %dma_start3A_569 = arith.constant 0 : i32
        %dma_start3A_570 = tpu.memref_slice %arg8[%dma_start3A_567, %dma_start3A_569] : memref<5x40xi32, #tpu.memory_space<vmem>> -> memref<1x40xi32, #tpu.memory_space<vmem>>
        %dma_start3A_571 = tpu.memref_squeeze %dma_start3A_570 : memref<1x40xi32, #tpu.memory_space<vmem>> -> memref<40xi32, #tpu.memory_space<vmem>>
        %dma_start3A_572 = tpu.memref_slice %arg4[%add3A_566] : memref<320000xi32, #tpu.memory_space<hbm>> -> memref<40xi32, #tpu.memory_space<hbm>>
        %dma_start3A_573 = tpu.memref_slice %arg13[%dma_start3A_568] : memref<5x!tpu.dma_semaphore, #tpu.memory_space<semaphore_mem>> -> memref<1x!tpu.dma_semaphore, #tpu.memory_space<semaphore_mem>>
        %dma_start3A_574 = tpu.memref_squeeze %dma_start3A_573 : memref<1x!tpu.dma_semaphore, #tpu.memory_space<semaphore_mem>> -> memref<!tpu.dma_semaphore, #tpu.memory_space<semaphore_mem>>
        %dma_start3A_575 = arith.constant 0 : i32
        %dma_start3A_576 = tpu.memref_slice %arg8[%dma_start3A_567, %dma_start3A_575] : memref<5x40xi32, #tpu.memory_space<vmem>> -> memref<1x40xi32, #tpu.memory_space<vmem>>
        %dma_start3A_577 = tpu.memref_squeeze %dma_start3A_576 : memref<1x40xi32, #tpu.memory_space<vmem>> -> memref<40xi32, #tpu.memory_space<vmem>>
        %dma_start3A_578 = tpu.memref_slice %arg4[%add3A_566] : memref<320000xi32, #tpu.memory_space<hbm>> -> memref<40xi32, #tpu.memory_space<hbm>>
        tpu.enqueue_dma source(%dma_start3A_578 : memref<40xi32, #tpu.memory_space<hbm>>) target(%dma_start3A_577 : memref<40xi32, #tpu.memory_space<vmem>>) target_semaphore(%dma_start3A_574 : memref<!tpu.dma_semaphore, #tpu.memory_space<semaphore_mem>>)
      } else {
      }
    }
    %scan3A_144 = arith.constant 50 : i32
    %dma_wait3A = arith.constant 0 : i32
    %dma_wait3A_145 = arith.constant 0 : i32
    %dma_wait3A_146 = arith.constant 0 : i32
    %dma_wait3A_147 = arith.constant 0 : i32
    %dma_wait3A_148 = tpu.memref_slice %arg9[%dma_wait3A, %dma_wait3A_146, %dma_wait3A_147] : memref<5x40x128xf32, #tpu.memory_space<vmem>> -> memref<1x40x128xf32, #tpu.memory_space<vmem>>
    %dma_wait3A_149 = tpu.memref_squeeze %dma_wait3A_148 : memref<1x40x128xf32, #tpu.memory_space<vmem>> -> memref<40x128xf32, #tpu.memory_space<vmem>>
    %dma_wait3A_150 = arith.constant 0 : i32
    %dma_wait3A_151 = arith.constant 0 : i32
    %dma_wait3A_152 = tpu.memref_slice %arg10[%dma_wait3A_150, %dma_wait3A_151] : memref<10000x128xf32, #tpu.memory_space<vmem_shared>> -> memref<40x128xf32, #tpu.memory_space<vmem_shared>>
    %dma_wait3A_153 = tpu.memref_slice %arg12[%dma_wait3A_145] : memref<5x!tpu.dma_semaphore, #tpu.memory_space<semaphore_mem>> -> memref<1x!tpu.dma_semaphore, #tpu.memory_space<semaphore_mem>>
    %dma_wait3A_154 = tpu.memref_squeeze %dma_wait3A_153 : memref<1x!tpu.dma_semaphore, #tpu.memory_space<semaphore_mem>> -> memref<!tpu.dma_semaphore, #tpu.memory_space<semaphore_mem>>
    %dma_wait3A_155 = arith.constant 0 : i32
    %dma_wait3A_156 = arith.constant 0 : i32
    %dma_wait3A_157 = tpu.memref_slice %arg10[%dma_wait3A_155, %dma_wait3A_156] : memref<10000x128xf32, #tpu.memory_space<vmem_shared>> -> memref<40x128xf32, #tpu.memory_space<vmem_shared>>
    %dma_wait3A_158 = arith.constant 0 : i32
    %dma_wait3A_159 = arith.constant 0 : i32
    %dma_wait3A_160 = tpu.memref_slice %arg9[%dma_wait3A, %dma_wait3A_158, %dma_wait3A_159] : memref<5x40x128xf32, #tpu.memory_space<vmem>> -> memref<1x40x128xf32, #tpu.memory_space<vmem>>
    %dma_wait3A_161 = tpu.memref_squeeze %dma_wait3A_160 : memref<1x40x128xf32, #tpu.memory_space<vmem>> -> memref<40x128xf32, #tpu.memory_space<vmem>>
    tpu.wait_dma2 semaphore(%dma_wait3A_154 : memref<!tpu.dma_semaphore, #tpu.memory_space<semaphore_mem>>) src(%dma_wait3A_161 : memref<40x128xf32, #tpu.memory_space<vmem>>) dst(%dma_wait3A_157 : memref<40x128xf32, #tpu.memory_space<vmem_shared>>)
    %dma_wait3A_162 = arith.constant 1 : i32
    %dma_wait3A_163 = arith.constant 1 : i32
    %dma_wait3A_164 = arith.constant 0 : i32
    %dma_wait3A_165 = arith.constant 0 : i32
    %dma_wait3A_166 = tpu.memref_slice %arg9[%dma_wait3A_162, %dma_wait3A_164, %dma_wait3A_165] : memref<5x40x128xf32, #tpu.memory_space<vmem>> -> memref<1x40x128xf32, #tpu.memory_space<vmem>>
    %dma_wait3A_167 = tpu.memref_squeeze %dma_wait3A_166 : memref<1x40x128xf32, #tpu.memory_space<vmem>> -> memref<40x128xf32, #tpu.memory_space<vmem>>
    %dma_wait3A_168 = arith.constant 0 : i32
    %dma_wait3A_169 = arith.constant 0 : i32
    %dma_wait3A_170 = tpu.memref_slice %arg10[%dma_wait3A_168, %dma_wait3A_169] : memref<10000x128xf32, #tpu.memory_space<vmem_shared>> -> memref<40x128xf32, #tpu.memory_space<vmem_shared>>
    %dma_wait3A_171 = tpu.memref_slice %arg12[%dma_wait3A_163] : memref<5x!tpu.dma_semaphore, #tpu.memory_space<semaphore_mem>> -> memref<1x!tpu.dma_semaphore, #tpu.memory_space<semaphore_mem>>
    %dma_wait3A_172 = tpu.memref_squeeze %dma_wait3A_171 : memref<1x!tpu.dma_semaphore, #tpu.memory_space<semaphore_mem>> -> memref<!tpu.dma_semaphore, #tpu.memory_space<semaphore_mem>>
    %dma_wait3A_173 = arith.constant 0 : i32
    %dma_wait3A_174 = arith.constant 0 : i32
    %dma_wait3A_175 = tpu.memref_slice %arg10[%dma_wait3A_173, %dma_wait3A_174] : memref<10000x128xf32, #tpu.memory_space<vmem_shared>> -> memref<40x128xf32, #tpu.memory_space<vmem_shared>>
    %dma_wait3A_176 = arith.constant 0 : i32
    %dma_wait3A_177 = arith.constant 0 : i32
    %dma_wait3A_178 = tpu.memref_slice %arg9[%dma_wait3A_162, %dma_wait3A_176, %dma_wait3A_177] : memref<5x40x128xf32, #tpu.memory_space<vmem>> -> memref<1x40x128xf32, #tpu.memory_space<vmem>>
    %dma_wait3A_179 = tpu.memref_squeeze %dma_wait3A_178 : memref<1x40x128xf32, #tpu.memory_space<vmem>> -> memref<40x128xf32, #tpu.memory_space<vmem>>
    tpu.wait_dma2 semaphore(%dma_wait3A_172 : memref<!tpu.dma_semaphore, #tpu.memory_space<semaphore_mem>>) src(%dma_wait3A_179 : memref<40x128xf32, #tpu.memory_space<vmem>>) dst(%dma_wait3A_175 : memref<40x128xf32, #tpu.memory_space<vmem_shared>>)
    %dma_wait3A_180 = arith.constant 2 : i32
    %dma_wait3A_181 = arith.constant 2 : i32
    %dma_wait3A_182 = arith.constant 0 : i32
    %dma_wait3A_183 = arith.constant 0 : i32
    %dma_wait3A_184 = tpu.memref_slice %arg9[%dma_wait3A_180, %dma_wait3A_182, %dma_wait3A_183] : memref<5x40x128xf32, #tpu.memory_space<vmem>> -> memref<1x40x128xf32, #tpu.memory_space<vmem>>
    %dma_wait3A_185 = tpu.memref_squeeze %dma_wait3A_184 : memref<1x40x128xf32, #tpu.memory_space<vmem>> -> memref<40x128xf32, #tpu.memory_space<vmem>>
    %dma_wait3A_186 = arith.constant 0 : i32
    %dma_wait3A_187 = arith.constant 0 : i32
    %dma_wait3A_188 = tpu.memref_slice %arg10[%dma_wait3A_186, %dma_wait3A_187] : memref<10000x128xf32, #tpu.memory_space<vmem_shared>> -> memref<40x128xf32, #tpu.memory_space<vmem_shared>>
    %dma_wait3A_189 = tpu.memref_slice %arg12[%dma_wait3A_181] : memref<5x!tpu.dma_semaphore, #tpu.memory_space<semaphore_mem>> -> memref<1x!tpu.dma_semaphore, #tpu.memory_space<semaphore_mem>>
    %dma_wait3A_190 = tpu.memref_squeeze %dma_wait3A_189 : memref<1x!tpu.dma_semaphore, #tpu.memory_space<semaphore_mem>> -> memref<!tpu.dma_semaphore, #tpu.memory_space<semaphore_mem>>
    %dma_wait3A_191 = arith.constant 0 : i32
    %dma_wait3A_192 = arith.constant 0 : i32
    %dma_wait3A_193 = tpu.memref_slice %arg10[%dma_wait3A_191, %dma_wait3A_192] : memref<10000x128xf32, #tpu.memory_space<vmem_shared>> -> memref<40x128xf32, #tpu.memory_space<vmem_shared>>
    %dma_wait3A_194 = arith.constant 0 : i32
    %dma_wait3A_195 = arith.constant 0 : i32
    %dma_wait3A_196 = tpu.memref_slice %arg9[%dma_wait3A_180, %dma_wait3A_194, %dma_wait3A_195] : memref<5x40x128xf32, #tpu.memory_space<vmem>> -> memref<1x40x128xf32, #tpu.memory_space<vmem>>
    %dma_wait3A_197 = tpu.memref_squeeze %dma_wait3A_196 : memref<1x40x128xf32, #tpu.memory_space<vmem>> -> memref<40x128xf32, #tpu.memory_space<vmem>>
    tpu.wait_dma2 semaphore(%dma_wait3A_190 : memref<!tpu.dma_semaphore, #tpu.memory_space<semaphore_mem>>) src(%dma_wait3A_197 : memref<40x128xf32, #tpu.memory_space<vmem>>) dst(%dma_wait3A_193 : memref<40x128xf32, #tpu.memory_space<vmem_shared>>)
    %dma_wait3A_198 = arith.constant 3 : i32
    %dma_wait3A_199 = arith.constant 3 : i32
    %dma_wait3A_200 = arith.constant 0 : i32
    %dma_wait3A_201 = arith.constant 0 : i32
    %dma_wait3A_202 = tpu.memref_slice %arg9[%dma_wait3A_198, %dma_wait3A_200, %dma_wait3A_201] : memref<5x40x128xf32, #tpu.memory_space<vmem>> -> memref<1x40x128xf32, #tpu.memory_space<vmem>>
    %dma_wait3A_203 = tpu.memref_squeeze %dma_wait3A_202 : memref<1x40x128xf32, #tpu.memory_space<vmem>> -> memref<40x128xf32, #tpu.memory_space<vmem>>
    %dma_wait3A_204 = arith.constant 0 : i32
    %dma_wait3A_205 = arith.constant 0 : i32
    %dma_wait3A_206 = tpu.memref_slice %arg10[%dma_wait3A_204, %dma_wait3A_205] : memref<10000x128xf32, #tpu.memory_space<vmem_shared>> -> memref<40x128xf32, #tpu.memory_space<vmem_shared>>
    %dma_wait3A_207 = tpu.memref_slice %arg12[%dma_wait3A_199] : memref<5x!tpu.dma_semaphore, #tpu.memory_space<semaphore_mem>> -> memref<1x!tpu.dma_semaphore, #tpu.memory_space<semaphore_mem>>
    %dma_wait3A_208 = tpu.memref_squeeze %dma_wait3A_207 : memref<1x!tpu.dma_semaphore, #tpu.memory_space<semaphore_mem>> -> memref<!tpu.dma_semaphore, #tpu.memory_space<semaphore_mem>>
    %dma_wait3A_209 = arith.constant 0 : i32
    %dma_wait3A_210 = arith.constant 0 : i32
    %dma_wait3A_211 = tpu.memref_slice %arg10[%dma_wait3A_209, %dma_wait3A_210] : memref<10000x128xf32, #tpu.memory_space<vmem_shared>> -> memref<40x128xf32, #tpu.memory_space<vmem_shared>>
    %dma_wait3A_212 = arith.constant 0 : i32
    %dma_wait3A_213 = arith.constant 0 : i32
    %dma_wait3A_214 = tpu.memref_slice %arg9[%dma_wait3A_198, %dma_wait3A_212, %dma_wait3A_213] : memref<5x40x128xf32, #tpu.memory_space<vmem>> -> memref<1x40x128xf32, #tpu.memory_space<vmem>>
    %dma_wait3A_215 = tpu.memref_squeeze %dma_wait3A_214 : memref<1x40x128xf32, #tpu.memory_space<vmem>> -> memref<40x128xf32, #tpu.memory_space<vmem>>
    tpu.wait_dma2 semaphore(%dma_wait3A_208 : memref<!tpu.dma_semaphore, #tpu.memory_space<semaphore_mem>>) src(%dma_wait3A_215 : memref<40x128xf32, #tpu.memory_space<vmem>>) dst(%dma_wait3A_211 : memref<40x128xf32, #tpu.memory_space<vmem_shared>>)
    %dma_wait3A_216 = arith.constant 4 : i32
    %dma_wait3A_217 = arith.constant 4 : i32
    %dma_wait3A_218 = arith.constant 0 : i32
    %dma_wait3A_219 = arith.constant 0 : i32
    %dma_wait3A_220 = tpu.memref_slice %arg9[%dma_wait3A_216, %dma_wait3A_218, %dma_wait3A_219] : memref<5x40x128xf32, #tpu.memory_space<vmem>> -> memref<1x40x128xf32, #tpu.memory_space<vmem>>
    %dma_wait3A_221 = tpu.memref_squeeze %dma_wait3A_220 : memref<1x40x128xf32, #tpu.memory_space<vmem>> -> memref<40x128xf32, #tpu.memory_space<vmem>>
    %dma_wait3A_222 = arith.constant 0 : i32
    %dma_wait3A_223 = arith.constant 0 : i32
    %dma_wait3A_224 = tpu.memref_slice %arg10[%dma_wait3A_222, %dma_wait3A_223] : memref<10000x128xf32, #tpu.memory_space<vmem_shared>> -> memref<40x128xf32, #tpu.memory_space<vmem_shared>>
    %dma_wait3A_225 = tpu.memref_slice %arg12[%dma_wait3A_217] : memref<5x!tpu.dma_semaphore, #tpu.memory_space<semaphore_mem>> -> memref<1x!tpu.dma_semaphore, #tpu.memory_space<semaphore_mem>>
    %dma_wait3A_226 = tpu.memref_squeeze %dma_wait3A_225 : memref<1x!tpu.dma_semaphore, #tpu.memory_space<semaphore_mem>> -> memref<!tpu.dma_semaphore, #tpu.memory_space<semaphore_mem>>
    %dma_wait3A_227 = arith.constant 0 : i32
    %dma_wait3A_228 = arith.constant 0 : i32
    %dma_wait3A_229 = tpu.memref_slice %arg10[%dma_wait3A_227, %dma_wait3A_228] : memref<10000x128xf32, #tpu.memory_space<vmem_shared>> -> memref<40x128xf32, #tpu.memory_space<vmem_shared>>
    %dma_wait3A_230 = arith.constant 0 : i32
    %dma_wait3A_231 = arith.constant 0 : i32
    %dma_wait3A_232 = tpu.memref_slice %arg9[%dma_wait3A_216, %dma_wait3A_230, %dma_wait3A_231] : memref<5x40x128xf32, #tpu.memory_space<vmem>> -> memref<1x40x128xf32, #tpu.memory_space<vmem>>
    %dma_wait3A_233 = tpu.memref_squeeze %dma_wait3A_232 : memref<1x40x128xf32, #tpu.memory_space<vmem>> -> memref<40x128xf32, #tpu.memory_space<vmem>>
    tpu.wait_dma2 semaphore(%dma_wait3A_226 : memref<!tpu.dma_semaphore, #tpu.memory_space<semaphore_mem>>) src(%dma_wait3A_233 : memref<40x128xf32, #tpu.memory_space<vmem>>) dst(%dma_wait3A_229 : memref<40x128xf32, #tpu.memory_space<vmem_shared>>)
    %barrier3A_234 = arith.constant 0 : index
    tpu.barrier barrier_id(%barrier3A_234)
    %mul3A_235 = arith.constant 624 : i32
    %mul3A_236 = arith.muli %arg1, %mul3A_235 : i32
    %mul3A_237 = arith.constant 624 : i32
    %mul3A_238 = arith.muli %arg1, %mul3A_237 : i32
    "tpu.region"() ({
      %run_scoped3A = tpu.sem_alloc : memref<!tpu.dma_semaphore, #tpu.memory_space<semaphore_mem>>
      %dma_start3A_244 = arith.constant 0 : i32
      %dma_start3A_245 = tpu.memref_slice %arg6[%arg0, %mul3A_238, %dma_start3A_244] : memref<2x10000x128xf32, #tpu.memory_space<hbm>> -> memref<1x624x128xf32, #tpu.memory_space<hbm>>
      %dma_start3A_246 = tpu.memref_squeeze %dma_start3A_245 : memref<1x624x128xf32, #tpu.memory_space<hbm>> -> memref<624x128xf32, #tpu.memory_space<hbm>>
      %dma_start3A_247 = arith.constant 0 : i32
      %dma_start3A_248 = tpu.memref_slice %arg10[%mul3A_236, %dma_start3A_247] : memref<10000x128xf32, #tpu.memory_space<vmem_shared>> -> memref<624x128xf32, #tpu.memory_space<vmem_shared>>
      tpu.enqueue_dma source(%dma_start3A_248 : memref<624x128xf32, #tpu.memory_space<vmem_shared>>) target(%dma_start3A_246 : memref<624x128xf32, #tpu.memory_space<hbm>>) target_semaphore(%run_scoped3A : memref<!tpu.dma_semaphore, #tpu.memory_space<semaphore_mem>>)
      %dma_wait3A_249 = arith.constant 0 : i32
      %dma_wait3A_250 = tpu.memref_slice %arg6[%arg0, %mul3A_238, %dma_wait3A_249] : memref<2x10000x128xf32, #tpu.memory_space<hbm>> -> memref<1x624x128xf32, #tpu.memory_space<hbm>>
      %dma_wait3A_251 = tpu.memref_squeeze %dma_wait3A_250 : memref<1x624x128xf32, #tpu.memory_space<hbm>> -> memref<624x128xf32, #tpu.memory_space<hbm>>
      %dma_wait3A_252 = arith.constant 0 : i32
      %dma_wait3A_253 = tpu.memref_slice %arg10[%mul3A_236, %dma_wait3A_252] : memref<10000x128xf32, #tpu.memory_space<vmem_shared>> -> memref<624x128xf32, #tpu.memory_space<vmem_shared>>
      tpu.wait_dma2 semaphore(%run_scoped3A : memref<!tpu.dma_semaphore, #tpu.memory_space<semaphore_mem>>) src(%dma_wait3A_253 : memref<624x128xf32, #tpu.memory_space<vmem_shared>>) dst(%dma_wait3A_251 : memref<624x128xf32, #tpu.memory_space<hbm>>)
      tpu.yield
    }) : () -> ()
    %eq3A_239 = arith.constant 15 : i32
    %eq3A_240 = arith.cmpi eq, %arg1, %eq3A_239 : i32
    %convert_element_type3A_241 = arith.extui %eq3A_240 : i1 to i32
    %cond3A_242 = arith.constant 0 : i32
    %cond3A_243 = arith.cmpi ne, %convert_element_type3A_241, %cond3A_242 : i32
    scf.if %cond3A_243 {
      "tpu.region"() ({
        %run_scoped3A = tpu.sem_alloc : memref<!tpu.dma_semaphore, #tpu.memory_space<semaphore_mem>>
        %dma_start3A_244 = arith.constant 9984 : i32
        %dma_start3A_245 = arith.constant 0 : i32
        %dma_start3A_246 = tpu.memref_slice %arg6[%arg0, %dma_start3A_244, %dma_start3A_245] : memref<2x10000x128xf32, #tpu.memory_space<hbm>> -> memref<1x16x128xf32, #tpu.memory_space<hbm>>
        %dma_start3A_247 = tpu.memref_squeeze %dma_start3A_246 : memref<1x16x128xf32, #tpu.memory_space<hbm>> -> memref<16x128xf32, #tpu.memory_space<hbm>>
        %dma_start3A_248 = arith.constant 9984 : i32
        %dma_start3A_249 = arith.constant 0 : i32
        %dma_start3A_250 = tpu.memref_slice %arg10[%dma_start3A_248, %dma_start3A_249] : memref<10000x128xf32, #tpu.memory_space<vmem_shared>> -> memref<16x128xf32, #tpu.memory_space<vmem_shared>>
        tpu.enqueue_dma source(%dma_start3A_250 : memref<16x128xf32, #tpu.memory_space<vmem_shared>>) target(%dma_start3A_247 : memref<16x128xf32, #tpu.memory_space<hbm>>) target_semaphore(%run_scoped3A : memref<!tpu.dma_semaphore, #tpu.memory_space<semaphore_mem>>)
        %dma_wait3A_251 = arith.constant 9984 : i32
        %dma_wait3A_252 = arith.constant 0 : i32
        %dma_wait3A_253 = tpu.memref_slice %arg6[%arg0, %dma_wait3A_251, %dma_wait3A_252] : memref<2x10000x128xf32, #tpu.memory_space<hbm>> -> memref<1x16x128xf32, #tpu.memory_space<hbm>>
        %dma_wait3A_254 = tpu.memref_squeeze %dma_wait3A_253 : memref<1x16x128xf32, #tpu.memory_space<hbm>> -> memref<16x128xf32, #tpu.memory_space<hbm>>
        %dma_wait3A_255 = arith.constant 9984 : i32
        %dma_wait3A_256 = arith.constant 0 : i32
        %dma_wait3A_257 = tpu.memref_slice %arg10[%dma_wait3A_255, %dma_wait3A_256] : memref<10000x128xf32, #tpu.memory_space<vmem_shared>> -> memref<16x128xf32, #tpu.memory_space<vmem_shared>>
        tpu.wait_dma2 semaphore(%run_scoped3A : memref<!tpu.dma_semaphore, #tpu.memory_space<semaphore_mem>>) src(%dma_wait3A_257 : memref<16x128xf32, #tpu.memory_space<vmem_shared>>) dst(%dma_wait3A_254 : memref<16x128xf32, #tpu.memory_space<hbm>>)
        tpu.yield
      }) : () -> ()
    } else {
    }
    return
  }
}

#map = affine_map<(d0, d1) -> (0, 0)>
#map1 = affine_map<(d0, d1) -> (0)>
#map2 = affine_map<(d0, d1) -> (0, 0, 0)>
module attributes {stable_mosaic.version = 14 : i64} {
  func.func @_sc_aggr_kernel(%arg0: i32, %arg1: i32, %arg2: memref<10000x128xf32, #tpu.memory_space<hbm>>, %arg3: memref<320000xi32, #tpu.memory_space<hbm>>, %arg4: memref<320000xi32, #tpu.memory_space<hbm>>, %arg5: memref<624x128xf32, #tpu.memory_space<hbm>>, %arg6: memref<2x10000x128xf32, #tpu.memory_space<hbm>>, %arg7: memref<10000xi32, #tpu.memory_space<vmem>>, %arg8: memref<5x40xi32, #tpu.memory_space<vmem>>, %arg9: memref<5x40x128xf32, #tpu.memory_space<vmem>>, %arg10: memref<10000x128xf32, #tpu.memory_space<vmem_shared>>, %arg11: memref<5x!tpu.dma_semaphore, #tpu.memory_space<semaphore_mem>>, %arg12: memref<5x!tpu.dma_semaphore, #tpu.memory_space<semaphore_mem>>, %arg13: memref<5x!tpu.dma_semaphore, #tpu.memory_space<semaphore_mem>>) attributes {dimension_semantics = [#tpu.dimension_semantics<core_parallel>, #tpu.dimension_semantics<subcore_parallel>], iteration_bounds = array<i64: 2, 16>, scalar_prefetch = 0 : i64, scratch_operands = 7 : i64, tpu.core_type = #tpu.core_type<sc_vector_subcore>, window_params = [{transform_indices = #map}, {transform_indices = #map1}, {transform_indices = #map1}, {transform_indices = #map}, {transform_indices = #map2}]} {
    %mul3A = arith.constant 2 : i32
    %mul3A_0 = arith.muli %arg1, %mul3A : i32
    %add3A = arith.addi %mul3A_0, %arg0 : i32
    %mul3A_1 = arith.constant 10000 : i32
    %mul3A_2 = arith.muli %add3A, %mul3A_1 : i32
    "tpu.region"() ({
      %run_scoped3A = tpu.sem_alloc : memref<!tpu.dma_semaphore, #tpu.memory_space<semaphore_mem>>
      %dma_start3A_244 = tpu.memref_slice %arg3[%mul3A_2] : memref<320000xi32, #tpu.memory_space<hbm>> -> memref<10000xi32, #tpu.memory_space<hbm>>
      %dma_start3A_245 = tpu.memref_slice %arg3[%mul3A_2] : memref<320000xi32, #tpu.memory_space<hbm>> -> memref<10000xi32, #tpu.memory_space<hbm>>
      tpu.enqueue_dma source(%dma_start3A_245 : memref<10000xi32, #tpu.memory_space<hbm>>) target(%arg7 : memref<10000xi32, #tpu.memory_space<vmem>>) target_semaphore(%run_scoped3A : memref<!tpu.dma_semaphore, #tpu.memory_space<semaphore_mem>>)
      %dma_wait3A_246 = tpu.memref_slice %arg3[%mul3A_2] : memref<320000xi32, #tpu.memory_space<hbm>> -> memref<10000xi32, #tpu.memory_space<hbm>>
      %dma_wait3A_247 = tpu.memref_slice %arg3[%mul3A_2] : memref<320000xi32, #tpu.memory_space<hbm>> -> memref<10000xi32, #tpu.memory_space<hbm>>
      tpu.wait_dma2 semaphore(%run_scoped3A : memref<!tpu.dma_semaphore, #tpu.memory_space<semaphore_mem>>) src(%dma_wait3A_247 : memref<10000xi32, #tpu.memory_space<hbm>>) dst(%arg7 : memref<10000xi32, #tpu.memory_space<vmem>>)
      tpu.yield
    }) : () -> ()
    %dma_start3A = arith.constant 0 : i32
    %dma_start3A_3 = arith.constant 0 : i32
    %dma_start3A_4 = arith.constant 0 : i32
    %dma_start3A_5 = arith.constant 0 : i32
    %dma_start3A_6 = tpu.memref_slice %arg9[%dma_start3A, %dma_start3A_4, %dma_start3A_5] : memref<5x40x128xf32, #tpu.memory_space<vmem>> -> memref<1x40x128xf32, #tpu.memory_space<vmem>>
    %dma_start3A_7 = tpu.memref_squeeze %dma_start3A_6 : memref<1x40x128xf32, #tpu.memory_space<vmem>> -> memref<40x128xf32, #tpu.memory_space<vmem>>
    %dma_start3A_8 = arith.constant 0 : i32
    %dma_start3A_9 = tpu.memref_slice %arg7[%dma_start3A_8] : memref<10000xi32, #tpu.memory_space<vmem>> -> memref<40xi32, #tpu.memory_space<vmem>>
    %dma_start3A_10 = arith.constant 0 : i32
    %dma_start3A_11 = arith.constant 0 : i32
    %dma_start3A_12 = tpu.memref_slice %arg2[%dma_start3A_10, %dma_start3A_11] : memref<10000x128xf32, #tpu.memory_space<hbm>> -> memref<10000x128xf32, #tpu.memory_space<hbm>>
    %dma_start3A_13 = tpu.memref_slice %arg11[%dma_start3A_3] : memref<5x!tpu.dma_semaphore, #tpu.memory_space<semaphore_mem>> -> memref<1x!tpu.dma_semaphore, #tpu.memory_space<semaphore_mem>>
    %dma_start3A_14 = tpu.memref_squeeze %dma_start3A_13 : memref<1x!tpu.dma_semaphore, #tpu.memory_space<semaphore_mem>> -> memref<!tpu.dma_semaphore, #tpu.memory_space<semaphore_mem>>
    tpu.enqueue_indirect_dma source(%dma_start3A_12 : memref<10000x128xf32, #tpu.memory_space<hbm>>) target(%dma_start3A_7 : memref<40x128xf32, #tpu.memory_space<vmem>>) offsets(%dma_start3A_9 : memref<40xi32, #tpu.memory_space<vmem>>) semaphore(%dma_start3A_14 : memref<!tpu.dma_semaphore, #tpu.memory_space<semaphore_mem>>)
    %add3A_15 = arith.constant 0 : i32
    %add3A_16 = arith.addi %mul3A_2, %add3A_15 : i32
    %dma_start3A_17 = arith.constant 0 : i32
    %dma_start3A_18 = arith.constant 0 : i32
    %dma_start3A_19 = arith.constant 0 : i32
    %dma_start3A_20 = tpu.memref_slice %arg8[%dma_start3A_17, %dma_start3A_19] : memref<5x40xi32, #tpu.memory_space<vmem>> -> memref<1x40xi32, #tpu.memory_space<vmem>>
    %dma_start3A_21 = tpu.memref_squeeze %dma_start3A_20 : memref<1x40xi32, #tpu.memory_space<vmem>> -> memref<40xi32, #tpu.memory_space<vmem>>
    %dma_start3A_22 = tpu.memref_slice %arg4[%add3A_16] : memref<320000xi32, #tpu.memory_space<hbm>> -> memref<40xi32, #tpu.memory_space<hbm>>
    %dma_start3A_23 = tpu.memref_slice %arg13[%dma_start3A_18] : memref<5x!tpu.dma_semaphore, #tpu.memory_space<semaphore_mem>> -> memref<1x!tpu.dma_semaphore, #tpu.memory_space<semaphore_mem>>
    %dma_start3A_24 = tpu.memref_squeeze %dma_start3A_23 : memref<1x!tpu.dma_semaphore, #tpu.memory_space<semaphore_mem>> -> memref<!tpu.dma_semaphore, #tpu.memory_space<semaphore_mem>>
    %dma_start3A_25 = arith.constant 0 : i32
    %dma_start3A_26 = tpu.memref_slice %arg8[%dma_start3A_17, %dma_start3A_25] : memref<5x40xi32, #tpu.memory_space<vmem>> -> memref<1x40xi32, #tpu.memory_space<vmem>>
    %dma_start3A_27 = tpu.memref_squeeze %dma_start3A_26 : memref<1x40xi32, #tpu.memory_space<vmem>> -> memref<40xi32, #tpu.memory_space<vmem>>
    %dma_start3A_28 = tpu.memref_slice %arg4[%add3A_16] : memref<320000xi32, #tpu.memory_space<hbm>> -> memref<40xi32, #tpu.memory_space<hbm>>
    tpu.enqueue_dma source(%dma_start3A_28 : memref<40xi32, #tpu.memory_space<hbm>>) target(%dma_start3A_27 : memref<40xi32, #tpu.memory_space<vmem>>) target_semaphore(%dma_start3A_24 : memref<!tpu.dma_semaphore, #tpu.memory_space<semaphore_mem>>)
    %dma_start3A_29 = arith.constant 1 : i32
    %dma_start3A_30 = arith.constant 1 : i32
    %dma_start3A_31 = arith.constant 0 : i32
    %dma_start3A_32 = arith.constant 0 : i32
    %dma_start3A_33 = tpu.memref_slice %arg9[%dma_start3A_29, %dma_start3A_31, %dma_start3A_32] : memref<5x40x128xf32, #tpu.memory_space<vmem>> -> memref<1x40x128xf32, #tpu.memory_space<vmem>>
    %dma_start3A_34 = tpu.memref_squeeze %dma_start3A_33 : memref<1x40x128xf32, #tpu.memory_space<vmem>> -> memref<40x128xf32, #tpu.memory_space<vmem>>
    %dma_start3A_35 = arith.constant 40 : i32
    %dma_start3A_36 = tpu.memref_slice %arg7[%dma_start3A_35] : memref<10000xi32, #tpu.memory_space<vmem>> -> memref<40xi32, #tpu.memory_space<vmem>>
    %dma_start3A_37 = arith.constant 0 : i32
    %dma_start3A_38 = arith.constant 0 : i32
    %dma_start3A_39 = tpu.memref_slice %arg2[%dma_start3A_37, %dma_start3A_38] : memref<10000x128xf32, #tpu.memory_space<hbm>> -> memref<10000x128xf32, #tpu.memory_space<hbm>>
    %dma_start3A_40 = tpu.memref_slice %arg11[%dma_start3A_30] : memref<5x!tpu.dma_semaphore, #tpu.memory_space<semaphore_mem>> -> memref<1x!tpu.dma_semaphore, #tpu.memory_space<semaphore_mem>>
    %dma_start3A_41 = tpu.memref_squeeze %dma_start3A_40 : memref<1x!tpu.dma_semaphore, #tpu.memory_space<semaphore_mem>> -> memref<!tpu.dma_semaphore, #tpu.memory_space<semaphore_mem>>
    tpu.enqueue_indirect_dma source(%dma_start3A_39 : memref<10000x128xf32, #tpu.memory_space<hbm>>) target(%dma_start3A_34 : memref<40x128xf32, #tpu.memory_space<vmem>>) offsets(%dma_start3A_36 : memref<40xi32, #tpu.memory_space<vmem>>) semaphore(%dma_start3A_41 : memref<!tpu.dma_semaphore, #tpu.memory_space<semaphore_mem>>)
    %add3A_42 = arith.constant 40 : i32
    %add3A_43 = arith.addi %mul3A_2, %add3A_42 : i32
    %dma_start3A_44 = arith.constant 1 : i32
    %dma_start3A_45 = arith.constant 1 : i32
    %dma_start3A_46 = arith.constant 0 : i32
    %dma_start3A_47 = tpu.memref_slice %arg8[%dma_start3A_44, %dma_start3A_46] : memref<5x40xi32, #tpu.memory_space<vmem>> -> memref<1x40xi32, #tpu.memory_space<vmem>>
    %dma_start3A_48 = tpu.memref_squeeze %dma_start3A_47 : memref<1x40xi32, #tpu.memory_space<vmem>> -> memref<40xi32, #tpu.memory_space<vmem>>
    %dma_start3A_49 = tpu.memref_slice %arg4[%add3A_43] : memref<320000xi32, #tpu.memory_space<hbm>> -> memref<40xi32, #tpu.memory_space<hbm>>
    %dma_start3A_50 = tpu.memref_slice %arg13[%dma_start3A_45] : memref<5x!tpu.dma_semaphore, #tpu.memory_space<semaphore_mem>> -> memref<1x!tpu.dma_semaphore, #tpu.memory_space<semaphore_mem>>
    %dma_start3A_51 = tpu.memref_squeeze %dma_start3A_50 : memref<1x!tpu.dma_semaphore, #tpu.memory_space<semaphore_mem>> -> memref<!tpu.dma_semaphore, #tpu.memory_space<semaphore_mem>>
    %dma_start3A_52 = arith.constant 0 : i32
    %dma_start3A_53 = tpu.memref_slice %arg8[%dma_start3A_44, %dma_start3A_52] : memref<5x40xi32, #tpu.memory_space<vmem>> -> memref<1x40xi32, #tpu.memory_space<vmem>>
    %dma_start3A_54 = tpu.memref_squeeze %dma_start3A_53 : memref<1x40xi32, #tpu.memory_space<vmem>> -> memref<40xi32, #tpu.memory_space<vmem>>
    %dma_start3A_55 = tpu.memref_slice %arg4[%add3A_43] : memref<320000xi32, #tpu.memory_space<hbm>> -> memref<40xi32, #tpu.memory_space<hbm>>
    tpu.enqueue_dma source(%dma_start3A_55 : memref<40xi32, #tpu.memory_space<hbm>>) target(%dma_start3A_54 : memref<40xi32, #tpu.memory_space<vmem>>) target_semaphore(%dma_start3A_51 : memref<!tpu.dma_semaphore, #tpu.memory_space<semaphore_mem>>)
    %dma_start3A_56 = arith.constant 2 : i32
    %dma_start3A_57 = arith.constant 2 : i32
    %dma_start3A_58 = arith.constant 0 : i32
    %dma_start3A_59 = arith.constant 0 : i32
    %dma_start3A_60 = tpu.memref_slice %arg9[%dma_start3A_56, %dma_start3A_58, %dma_start3A_59] : memref<5x40x128xf32, #tpu.memory_space<vmem>> -> memref<1x40x128xf32, #tpu.memory_space<vmem>>
    %dma_start3A_61 = tpu.memref_squeeze %dma_start3A_60 : memref<1x40x128xf32, #tpu.memory_space<vmem>> -> memref<40x128xf32, #tpu.memory_space<vmem>>
    %dma_start3A_62 = arith.constant 80 : i32
    %dma_start3A_63 = tpu.memref_slice %arg7[%dma_start3A_62] : memref<10000xi32, #tpu.memory_space<vmem>> -> memref<40xi32, #tpu.memory_space<vmem>>
    %dma_start3A_64 = arith.constant 0 : i32
    %dma_start3A_65 = arith.constant 0 : i32
    %dma_start3A_66 = tpu.memref_slice %arg2[%dma_start3A_64, %dma_start3A_65] : memref<10000x128xf32, #tpu.memory_space<hbm>> -> memref<10000x128xf32, #tpu.memory_space<hbm>>
    %dma_start3A_67 = tpu.memref_slice %arg11[%dma_start3A_57] : memref<5x!tpu.dma_semaphore, #tpu.memory_space<semaphore_mem>> -> memref<1x!tpu.dma_semaphore, #tpu.memory_space<semaphore_mem>>
    %dma_start3A_68 = tpu.memref_squeeze %dma_start3A_67 : memref<1x!tpu.dma_semaphore, #tpu.memory_space<semaphore_mem>> -> memref<!tpu.dma_semaphore, #tpu.memory_space<semaphore_mem>>
    tpu.enqueue_indirect_dma source(%dma_start3A_66 : memref<10000x128xf32, #tpu.memory_space<hbm>>) target(%dma_start3A_61 : memref<40x128xf32, #tpu.memory_space<vmem>>) offsets(%dma_start3A_63 : memref<40xi32, #tpu.memory_space<vmem>>) semaphore(%dma_start3A_68 : memref<!tpu.dma_semaphore, #tpu.memory_space<semaphore_mem>>)
    %add3A_69 = arith.constant 80 : i32
    %add3A_70 = arith.addi %mul3A_2, %add3A_69 : i32
    %dma_start3A_71 = arith.constant 2 : i32
    %dma_start3A_72 = arith.constant 2 : i32
    %dma_start3A_73 = arith.constant 0 : i32
    %dma_start3A_74 = tpu.memref_slice %arg8[%dma_start3A_71, %dma_start3A_73] : memref<5x40xi32, #tpu.memory_space<vmem>> -> memref<1x40xi32, #tpu.memory_space<vmem>>
    %dma_start3A_75 = tpu.memref_squeeze %dma_start3A_74 : memref<1x40xi32, #tpu.memory_space<vmem>> -> memref<40xi32, #tpu.memory_space<vmem>>
    %dma_start3A_76 = tpu.memref_slice %arg4[%add3A_70] : memref<320000xi32, #tpu.memory_space<hbm>> -> memref<40xi32, #tpu.memory_space<hbm>>
    %dma_start3A_77 = tpu.memref_slice %arg13[%dma_start3A_72] : memref<5x!tpu.dma_semaphore, #tpu.memory_space<semaphore_mem>> -> memref<1x!tpu.dma_semaphore, #tpu.memory_space<semaphore_mem>>
    %dma_start3A_78 = tpu.memref_squeeze %dma_start3A_77 : memref<1x!tpu.dma_semaphore, #tpu.memory_space<semaphore_mem>> -> memref<!tpu.dma_semaphore, #tpu.memory_space<semaphore_mem>>
    %dma_start3A_79 = arith.constant 0 : i32
    %dma_start3A_80 = tpu.memref_slice %arg8[%dma_start3A_71, %dma_start3A_79] : memref<5x40xi32, #tpu.memory_space<vmem>> -> memref<1x40xi32, #tpu.memory_space<vmem>>
    %dma_start3A_81 = tpu.memref_squeeze %dma_start3A_80 : memref<1x40xi32, #tpu.memory_space<vmem>> -> memref<40xi32, #tpu.memory_space<vmem>>
    %dma_start3A_82 = tpu.memref_slice %arg4[%add3A_70] : memref<320000xi32, #tpu.memory_space<hbm>> -> memref<40xi32, #tpu.memory_space<hbm>>
    tpu.enqueue_dma source(%dma_start3A_82 : memref<40xi32, #tpu.memory_space<hbm>>) target(%dma_start3A_81 : memref<40xi32, #tpu.memory_space<vmem>>) target_semaphore(%dma_start3A_78 : memref<!tpu.dma_semaphore, #tpu.memory_space<semaphore_mem>>)
    %dma_start3A_83 = arith.constant 3 : i32
    %dma_start3A_84 = arith.constant 3 : i32
    %dma_start3A_85 = arith.constant 0 : i32
    %dma_start3A_86 = arith.constant 0 : i32
    %dma_start3A_87 = tpu.memref_slice %arg9[%dma_start3A_83, %dma_start3A_85, %dma_start3A_86] : memref<5x40x128xf32, #tpu.memory_space<vmem>> -> memref<1x40x128xf32, #tpu.memory_space<vmem>>
    %dma_start3A_88 = tpu.memref_squeeze %dma_start3A_87 : memref<1x40x128xf32, #tpu.memory_space<vmem>> -> memref<40x128xf32, #tpu.memory_space<vmem>>
    %dma_start3A_89 = arith.constant 120 : i32
    %dma_start3A_90 = tpu.memref_slice %arg7[%dma_start3A_89] : memref<10000xi32, #tpu.memory_space<vmem>> -> memref<40xi32, #tpu.memory_space<vmem>>
    %dma_start3A_91 = arith.constant 0 : i32
    %dma_start3A_92 = arith.constant 0 : i32
    %dma_start3A_93 = tpu.memref_slice %arg2[%dma_start3A_91, %dma_start3A_92] : memref<10000x128xf32, #tpu.memory_space<hbm>> -> memref<10000x128xf32, #tpu.memory_space<hbm>>
    %dma_start3A_94 = tpu.memref_slice %arg11[%dma_start3A_84] : memref<5x!tpu.dma_semaphore, #tpu.memory_space<semaphore_mem>> -> memref<1x!tpu.dma_semaphore, #tpu.memory_space<semaphore_mem>>
    %dma_start3A_95 = tpu.memref_squeeze %dma_start3A_94 : memref<1x!tpu.dma_semaphore, #tpu.memory_space<semaphore_mem>> -> memref<!tpu.dma_semaphore, #tpu.memory_space<semaphore_mem>>
    tpu.enqueue_indirect_dma source(%dma_start3A_93 : memref<10000x128xf32, #tpu.memory_space<hbm>>) target(%dma_start3A_88 : memref<40x128xf32, #tpu.memory_space<vmem>>) offsets(%dma_start3A_90 : memref<40xi32, #tpu.memory_space<vmem>>) semaphore(%dma_start3A_95 : memref<!tpu.dma_semaphore, #tpu.memory_space<semaphore_mem>>)
    %add3A_96 = arith.constant 120 : i32
    %add3A_97 = arith.addi %mul3A_2, %add3A_96 : i32
    %dma_start3A_98 = arith.constant 3 : i32
    %dma_start3A_99 = arith.constant 3 : i32
    %dma_start3A_100 = arith.constant 0 : i32
    %dma_start3A_101 = tpu.memref_slice %arg8[%dma_start3A_98, %dma_start3A_100] : memref<5x40xi32, #tpu.memory_space<vmem>> -> memref<1x40xi32, #tpu.memory_space<vmem>>
    %dma_start3A_102 = tpu.memref_squeeze %dma_start3A_101 : memref<1x40xi32, #tpu.memory_space<vmem>> -> memref<40xi32, #tpu.memory_space<vmem>>
    %dma_start3A_103 = tpu.memref_slice %arg4[%add3A_97] : memref<320000xi32, #tpu.memory_space<hbm>> -> memref<40xi32, #tpu.memory_space<hbm>>
    %dma_start3A_104 = tpu.memref_slice %arg13[%dma_start3A_99] : memref<5x!tpu.dma_semaphore, #tpu.memory_space<semaphore_mem>> -> memref<1x!tpu.dma_semaphore, #tpu.memory_space<semaphore_mem>>
    %dma_start3A_105 = tpu.memref_squeeze %dma_start3A_104 : memref<1x!tpu.dma_semaphore, #tpu.memory_space<semaphore_mem>> -> memref<!tpu.dma_semaphore, #tpu.memory_space<semaphore_mem>>
    %dma_start3A_106 = arith.constant 0 : i32
    %dma_start3A_107 = tpu.memref_slice %arg8[%dma_start3A_98, %dma_start3A_106] : memref<5x40xi32, #tpu.memory_space<vmem>> -> memref<1x40xi32, #tpu.memory_space<vmem>>
    %dma_start3A_108 = tpu.memref_squeeze %dma_start3A_107 : memref<1x40xi32, #tpu.memory_space<vmem>> -> memref<40xi32, #tpu.memory_space<vmem>>
    %dma_start3A_109 = tpu.memref_slice %arg4[%add3A_97] : memref<320000xi32, #tpu.memory_space<hbm>> -> memref<40xi32, #tpu.memory_space<hbm>>
    tpu.enqueue_dma source(%dma_start3A_109 : memref<40xi32, #tpu.memory_space<hbm>>) target(%dma_start3A_108 : memref<40xi32, #tpu.memory_space<vmem>>) target_semaphore(%dma_start3A_105 : memref<!tpu.dma_semaphore, #tpu.memory_space<semaphore_mem>>)
    %dma_start3A_110 = arith.constant 4 : i32
    %dma_start3A_111 = arith.constant 4 : i32
    %dma_start3A_112 = arith.constant 0 : i32
    %dma_start3A_113 = arith.constant 0 : i32
    %dma_start3A_114 = tpu.memref_slice %arg9[%dma_start3A_110, %dma_start3A_112, %dma_start3A_113] : memref<5x40x128xf32, #tpu.memory_space<vmem>> -> memref<1x40x128xf32, #tpu.memory_space<vmem>>
    %dma_start3A_115 = tpu.memref_squeeze %dma_start3A_114 : memref<1x40x128xf32, #tpu.memory_space<vmem>> -> memref<40x128xf32, #tpu.memory_space<vmem>>
    %dma_start3A_116 = arith.constant 160 : i32
    %dma_start3A_117 = tpu.memref_slice %arg7[%dma_start3A_116] : memref<10000xi32, #tpu.memory_space<vmem>> -> memref<40xi32, #tpu.memory_space<vmem>>
    %dma_start3A_118 = arith.constant 0 : i32
    %dma_start3A_119 = arith.constant 0 : i32
    %dma_start3A_120 = tpu.memref_slice %arg2[%dma_start3A_118, %dma_start3A_119] : memref<10000x128xf32, #tpu.memory_space<hbm>> -> memref<10000x128xf32, #tpu.memory_space<hbm>>
    %dma_start3A_121 = tpu.memref_slice %arg11[%dma_start3A_111] : memref<5x!tpu.dma_semaphore, #tpu.memory_space<semaphore_mem>> -> memref<1x!tpu.dma_semaphore, #tpu.memory_space<semaphore_mem>>
    %dma_start3A_122 = tpu.memref_squeeze %dma_start3A_121 : memref<1x!tpu.dma_semaphore, #tpu.memory_space<semaphore_mem>> -> memref<!tpu.dma_semaphore, #tpu.memory_space<semaphore_mem>>
    tpu.enqueue_indirect_dma source(%dma_start3A_120 : memref<10000x128xf32, #tpu.memory_space<hbm>>) target(%dma_start3A_115 : memref<40x128xf32, #tpu.memory_space<vmem>>) offsets(%dma_start3A_117 : memref<40xi32, #tpu.memory_space<vmem>>) semaphore(%dma_start3A_122 : memref<!tpu.dma_semaphore, #tpu.memory_space<semaphore_mem>>)
    %add3A_123 = arith.constant 160 : i32
    %add3A_124 = arith.addi %mul3A_2, %add3A_123 : i32
    %dma_start3A_125 = arith.constant 4 : i32
    %dma_start3A_126 = arith.constant 4 : i32
    %dma_start3A_127 = arith.constant 0 : i32
    %dma_start3A_128 = tpu.memref_slice %arg8[%dma_start3A_125, %dma_start3A_127] : memref<5x40xi32, #tpu.memory_space<vmem>> -> memref<1x40xi32, #tpu.memory_space<vmem>>
    %dma_start3A_129 = tpu.memref_squeeze %dma_start3A_128 : memref<1x40xi32, #tpu.memory_space<vmem>> -> memref<40xi32, #tpu.memory_space<vmem>>
    %dma_start3A_130 = tpu.memref_slice %arg4[%add3A_124] : memref<320000xi32, #tpu.memory_space<hbm>> -> memref<40xi32, #tpu.memory_space<hbm>>
    %dma_start3A_131 = tpu.memref_slice %arg13[%dma_start3A_126] : memref<5x!tpu.dma_semaphore, #tpu.memory_space<semaphore_mem>> -> memref<1x!tpu.dma_semaphore, #tpu.memory_space<semaphore_mem>>
    %dma_start3A_132 = tpu.memref_squeeze %dma_start3A_131 : memref<1x!tpu.dma_semaphore, #tpu.memory_space<semaphore_mem>> -> memref<!tpu.dma_semaphore, #tpu.memory_space<semaphore_mem>>
    %dma_start3A_133 = arith.constant 0 : i32
    %dma_start3A_134 = tpu.memref_slice %arg8[%dma_start3A_125, %dma_start3A_133] : memref<5x40xi32, #tpu.memory_space<vmem>> -> memref<1x40xi32, #tpu.memory_space<vmem>>
    %dma_start3A_135 = tpu.memref_squeeze %dma_start3A_134 : memref<1x40xi32, #tpu.memory_space<vmem>> -> memref<40xi32, #tpu.memory_space<vmem>>
    %dma_start3A_136 = tpu.memref_slice %arg4[%add3A_124] : memref<320000xi32, #tpu.memory_space<hbm>> -> memref<40xi32, #tpu.memory_space<hbm>>
    tpu.enqueue_dma source(%dma_start3A_136 : memref<40xi32, #tpu.memory_space<hbm>>) target(%dma_start3A_135 : memref<40xi32, #tpu.memory_space<vmem>>) target_semaphore(%dma_start3A_132 : memref<!tpu.dma_semaphore, #tpu.memory_space<semaphore_mem>>)
    %mul3A_137 = arith.constant 624 : i32
    %mul3A_138 = arith.muli %arg1, %mul3A_137 : i32
    "tpu.region"() ({
      %run_scoped3A = tpu.sem_alloc : memref<!tpu.dma_semaphore, #tpu.memory_space<semaphore_mem>>
      %dma_start3A_244 = arith.constant 0 : i32
      %dma_start3A_245 = tpu.memref_slice %arg10[%mul3A_138, %dma_start3A_244] : memref<10000x128xf32, #tpu.memory_space<vmem_shared>> -> memref<624x128xf32, #tpu.memory_space<vmem_shared>>
      tpu.enqueue_dma source(%arg5 : memref<624x128xf32, #tpu.memory_space<hbm>>) target(%dma_start3A_245 : memref<624x128xf32, #tpu.memory_space<vmem_shared>>) target_semaphore(%run_scoped3A : memref<!tpu.dma_semaphore, #tpu.memory_space<semaphore_mem>>)
      %dma_wait3A_246 = arith.constant 0 : i32
      %dma_wait3A_247 = tpu.memref_slice %arg10[%mul3A_138, %dma_wait3A_246] : memref<10000x128xf32, #tpu.memory_space<vmem_shared>> -> memref<624x128xf32, #tpu.memory_space<vmem_shared>>
      tpu.wait_dma2 semaphore(%run_scoped3A : memref<!tpu.dma_semaphore, #tpu.memory_space<semaphore_mem>>) src(%arg5 : memref<624x128xf32, #tpu.memory_space<hbm>>) dst(%dma_wait3A_247 : memref<624x128xf32, #tpu.memory_space<vmem_shared>>)
      tpu.yield
    }) : () -> ()
    %eq3A = arith.constant 15 : i32
    %eq3A_139 = arith.cmpi eq, %arg1, %eq3A : i32
    %convert_element_type3A = arith.extui %eq3A_139 : i1 to i32
    %cond3A = arith.constant 0 : i32
    %cond3A_140 = arith.cmpi ne, %convert_element_type3A, %cond3A : i32
    scf.if %cond3A_140 {
      "tpu.region"() ({
        %run_scoped3A = tpu.sem_alloc : memref<!tpu.dma_semaphore, #tpu.memory_space<semaphore_mem>>
        %dma_start3A_244 = arith.constant 9984 : i32
        %dma_start3A_245 = arith.constant 0 : i32
        %dma_start3A_246 = tpu.memref_slice %arg10[%dma_start3A_244, %dma_start3A_245] : memref<10000x128xf32, #tpu.memory_space<vmem_shared>> -> memref<16x128xf32, #tpu.memory_space<vmem_shared>>
        %dma_start3A_247 = arith.constant 0 : i32
        %dma_start3A_248 = arith.constant 0 : i32
        %dma_start3A_249 = tpu.memref_slice %arg5[%dma_start3A_247, %dma_start3A_248] : memref<624x128xf32, #tpu.memory_space<hbm>> -> memref<16x128xf32, #tpu.memory_space<hbm>>
        tpu.enqueue_dma source(%dma_start3A_249 : memref<16x128xf32, #tpu.memory_space<hbm>>) target(%dma_start3A_246 : memref<16x128xf32, #tpu.memory_space<vmem_shared>>) target_semaphore(%run_scoped3A : memref<!tpu.dma_semaphore, #tpu.memory_space<semaphore_mem>>)
        %dma_wait3A_250 = arith.constant 9984 : i32
        %dma_wait3A_251 = arith.constant 0 : i32
        %dma_wait3A_252 = tpu.memref_slice %arg10[%dma_wait3A_250, %dma_wait3A_251] : memref<10000x128xf32, #tpu.memory_space<vmem_shared>> -> memref<16x128xf32, #tpu.memory_space<vmem_shared>>
        %dma_wait3A_253 = arith.constant 0 : i32
        %dma_wait3A_254 = arith.constant 0 : i32
        %dma_wait3A_255 = tpu.memref_slice %arg5[%dma_wait3A_253, %dma_wait3A_254] : memref<624x128xf32, #tpu.memory_space<hbm>> -> memref<16x128xf32, #tpu.memory_space<hbm>>
        tpu.wait_dma2 semaphore(%run_scoped3A : memref<!tpu.dma_semaphore, #tpu.memory_space<semaphore_mem>>) src(%dma_wait3A_255 : memref<16x128xf32, #tpu.memory_space<hbm>>) dst(%dma_wait3A_252 : memref<16x128xf32, #tpu.memory_space<vmem_shared>>)
        tpu.yield
      }) : () -> ()
    } else {
    }
    %barrier3A = arith.constant 0 : index
    tpu.barrier barrier_id(%barrier3A)
    %scan3A = arith.constant 0 : i32
    %scan3A_141 = arith.constant 50 : i32
    %scan3A_142 = arith.addi %scan3A, %scan3A_141 : i32
    %scan3A_143 = arith.constant 1 : i32
    scf.for %scan3A_244 = %scan3A to %scan3A_142 step %scan3A_143  : i32 {
      %mul3A_245 = arith.constant 5 : i32
      %mul3A_246 = arith.muli %scan3A_244, %mul3A_245 : i32
      %add3A_247 = arith.constant 0 : i32
      %add3A_248 = arith.addi %add3A_247, %mul3A_246 : i32
      %dma_wait3A_249 = arith.constant 0 : i32
      %dma_wait3A_250 = arith.constant 0 : i32
      %dma_wait3A_251 = arith.constant 0 : i32
      %dma_wait3A_252 = arith.constant 0 : i32
      %dma_wait3A_253 = tpu.memref_slice %arg9[%dma_wait3A_249, %dma_wait3A_251, %dma_wait3A_252] : memref<5x40x128xf32, #tpu.memory_space<vmem>> -> memref<1x40x128xf32, #tpu.memory_space<vmem>>
      %dma_wait3A_254 = tpu.memref_squeeze %dma_wait3A_253 : memref<1x40x128xf32, #tpu.memory_space<vmem>> -> memref<40x128xf32, #tpu.memory_space<vmem>>
      %dma_wait3A_255 = arith.constant 0 : i32
      %dma_wait3A_256 = arith.constant 0 : i32
      %dma_wait3A_257 = tpu.memref_slice %arg2[%dma_wait3A_255, %dma_wait3A_256] : memref<10000x128xf32, #tpu.memory_space<hbm>> -> memref<40x128xf32, #tpu.memory_space<hbm>>
      %dma_wait3A_258 = tpu.memref_slice %arg11[%dma_wait3A_250] : memref<5x!tpu.dma_semaphore, #tpu.memory_space<semaphore_mem>> -> memref<1x!tpu.dma_semaphore, #tpu.memory_space<semaphore_mem>>
      %dma_wait3A_259 = tpu.memref_squeeze %dma_wait3A_258 : memref<1x!tpu.dma_semaphore, #tpu.memory_space<semaphore_mem>> -> memref<!tpu.dma_semaphore, #tpu.memory_space<semaphore_mem>>
      %dma_wait3A_260 = arith.constant 0 : i32
      %dma_wait3A_261 = arith.constant 0 : i32
      %dma_wait3A_262 = tpu.memref_slice %arg9[%dma_wait3A_249, %dma_wait3A_260, %dma_wait3A_261] : memref<5x40x128xf32, #tpu.memory_space<vmem>> -> memref<1x40x128xf32, #tpu.memory_space<vmem>>
      %dma_wait3A_263 = tpu.memref_squeeze %dma_wait3A_262 : memref<1x40x128xf32, #tpu.memory_space<vmem>> -> memref<40x128xf32, #tpu.memory_space<vmem>>
      %dma_wait3A_264 = arith.constant 0 : i32
      %dma_wait3A_265 = arith.constant 0 : i32
      %dma_wait3A_266 = tpu.memref_slice %arg2[%dma_wait3A_264, %dma_wait3A_265] : memref<10000x128xf32, #tpu.memory_space<hbm>> -> memref<40x128xf32, #tpu.memory_space<hbm>>
      tpu.wait_dma2 semaphore(%dma_wait3A_259 : memref<!tpu.dma_semaphore, #tpu.memory_space<semaphore_mem>>) src(%dma_wait3A_266 : memref<40x128xf32, #tpu.memory_space<hbm>>) dst(%dma_wait3A_263 : memref<40x128xf32, #tpu.memory_space<vmem>>)
      %dma_wait3A_267 = arith.constant 0 : i32
      %dma_wait3A_268 = arith.constant 0 : i32
      %dma_wait3A_269 = arith.constant 0 : i32
      %dma_wait3A_270 = tpu.memref_slice %arg8[%dma_wait3A_267, %dma_wait3A_269] : memref<5x40xi32, #tpu.memory_space<vmem>> -> memref<1x40xi32, #tpu.memory_space<vmem>>
      %dma_wait3A_271 = tpu.memref_squeeze %dma_wait3A_270 : memref<1x40xi32, #tpu.memory_space<vmem>> -> memref<40xi32, #tpu.memory_space<vmem>>
      %dma_wait3A_272 = arith.constant 0 : i32
      %dma_wait3A_273 = tpu.memref_slice %arg4[%dma_wait3A_272] : memref<320000xi32, #tpu.memory_space<hbm>> -> memref<40xi32, #tpu.memory_space<hbm>>
      %dma_wait3A_274 = tpu.memref_slice %arg13[%dma_wait3A_268] : memref<5x!tpu.dma_semaphore, #tpu.memory_space<semaphore_mem>> -> memref<1x!tpu.dma_semaphore, #tpu.memory_space<semaphore_mem>>
      %dma_wait3A_275 = tpu.memref_squeeze %dma_wait3A_274 : memref<1x!tpu.dma_semaphore, #tpu.memory_space<semaphore_mem>> -> memref<!tpu.dma_semaphore, #tpu.memory_space<semaphore_mem>>
      %dma_wait3A_276 = arith.constant 0 : i32
      %dma_wait3A_277 = tpu.memref_slice %arg8[%dma_wait3A_267, %dma_wait3A_276] : memref<5x40xi32, #tpu.memory_space<vmem>> -> memref<1x40xi32, #tpu.memory_space<vmem>>
      %dma_wait3A_278 = tpu.memref_squeeze %dma_wait3A_277 : memref<1x40xi32, #tpu.memory_space<vmem>> -> memref<40xi32, #tpu.memory_space<vmem>>
      %dma_wait3A_279 = arith.constant 0 : i32
      %dma_wait3A_280 = tpu.memref_slice %arg4[%dma_wait3A_279] : memref<320000xi32, #tpu.memory_space<hbm>> -> memref<40xi32, #tpu.memory_space<hbm>>
      tpu.wait_dma2 semaphore(%dma_wait3A_275 : memref<!tpu.dma_semaphore, #tpu.memory_space<semaphore_mem>>) src(%dma_wait3A_280 : memref<40xi32, #tpu.memory_space<hbm>>) dst(%dma_wait3A_278 : memref<40xi32, #tpu.memory_space<vmem>>)
      %dma_start3A_281 = arith.constant 0 : i32
      %dma_start3A_282 = arith.constant 0 : i32
      %dma_start3A_283 = arith.constant 0 : i32
      %dma_start3A_284 = arith.constant 0 : i32
      %dma_start3A_285 = arith.constant 0 : i32
      %dma_start3A_286 = tpu.memref_slice %arg9[%dma_start3A_281, %dma_start3A_284, %dma_start3A_285] : memref<5x40x128xf32, #tpu.memory_space<vmem>> -> memref<1x40x128xf32, #tpu.memory_space<vmem>>
      %dma_start3A_287 = tpu.memref_squeeze %dma_start3A_286 : memref<1x40x128xf32, #tpu.memory_space<vmem>> -> memref<40x128xf32, #tpu.memory_space<vmem>>
      %dma_start3A_288 = arith.constant 0 : i32
      %dma_start3A_289 = tpu.memref_slice %arg8[%dma_start3A_282, %dma_start3A_288] : memref<5x40xi32, #tpu.memory_space<vmem>> -> memref<1x40xi32, #tpu.memory_space<vmem>>
      %dma_start3A_290 = tpu.memref_squeeze %dma_start3A_289 : memref<1x40xi32, #tpu.memory_space<vmem>> -> memref<40xi32, #tpu.memory_space<vmem>>
      %dma_start3A_291 = arith.constant 0 : i32
      %dma_start3A_292 = arith.constant 0 : i32
      %dma_start3A_293 = tpu.memref_slice %arg10[%dma_start3A_291, %dma_start3A_292] : memref<10000x128xf32, #tpu.memory_space<vmem_shared>> -> memref<10000x128xf32, #tpu.memory_space<vmem_shared>>
      %dma_start3A_294 = tpu.memref_slice %arg12[%dma_start3A_283] : memref<5x!tpu.dma_semaphore, #tpu.memory_space<semaphore_mem>> -> memref<1x!tpu.dma_semaphore, #tpu.memory_space<semaphore_mem>>
      %dma_start3A_295 = tpu.memref_squeeze %dma_start3A_294 : memref<1x!tpu.dma_semaphore, #tpu.memory_space<semaphore_mem>> -> memref<!tpu.dma_semaphore, #tpu.memory_space<semaphore_mem>>
      tpu.enqueue_indirect_dma source(%dma_start3A_287 : memref<40x128xf32, #tpu.memory_space<vmem>>) target(%dma_start3A_293 : memref<10000x128xf32, #tpu.memory_space<vmem_shared>>) offsets(%dma_start3A_290 : memref<40xi32, #tpu.memory_space<vmem>>) semaphore(%dma_start3A_295 : memref<!tpu.dma_semaphore, #tpu.memory_space<semaphore_mem>>) {add = true}
      %dma_wait3A_296 = arith.constant 1 : i32
      %dma_wait3A_297 = arith.constant 1 : i32
      %dma_wait3A_298 = arith.constant 0 : i32
      %dma_wait3A_299 = arith.constant 0 : i32
      %dma_wait3A_300 = tpu.memref_slice %arg9[%dma_wait3A_296, %dma_wait3A_298, %dma_wait3A_299] : memref<5x40x128xf32, #tpu.memory_space<vmem>> -> memref<1x40x128xf32, #tpu.memory_space<vmem>>
      %dma_wait3A_301 = tpu.memref_squeeze %dma_wait3A_300 : memref<1x40x128xf32, #tpu.memory_space<vmem>> -> memref<40x128xf32, #tpu.memory_space<vmem>>
      %dma_wait3A_302 = arith.constant 0 : i32
      %dma_wait3A_303 = arith.constant 0 : i32
      %dma_wait3A_304 = tpu.memref_slice %arg2[%dma_wait3A_302, %dma_wait3A_303] : memref<10000x128xf32, #tpu.memory_space<hbm>> -> memref<40x128xf32, #tpu.memory_space<hbm>>
      %dma_wait3A_305 = tpu.memref_slice %arg11[%dma_wait3A_297] : memref<5x!tpu.dma_semaphore, #tpu.memory_space<semaphore_mem>> -> memref<1x!tpu.dma_semaphore, #tpu.memory_space<semaphore_mem>>
      %dma_wait3A_306 = tpu.memref_squeeze %dma_wait3A_305 : memref<1x!tpu.dma_semaphore, #tpu.memory_space<semaphore_mem>> -> memref<!tpu.dma_semaphore, #tpu.memory_space<semaphore_mem>>
      %dma_wait3A_307 = arith.constant 0 : i32
      %dma_wait3A_308 = arith.constant 0 : i32
      %dma_wait3A_309 = tpu.memref_slice %arg9[%dma_wait3A_296, %dma_wait3A_307, %dma_wait3A_308] : memref<5x40x128xf32, #tpu.memory_space<vmem>> -> memref<1x40x128xf32, #tpu.memory_space<vmem>>
      %dma_wait3A_310 = tpu.memref_squeeze %dma_wait3A_309 : memref<1x40x128xf32, #tpu.memory_space<vmem>> -> memref<40x128xf32, #tpu.memory_space<vmem>>
      %dma_wait3A_311 = arith.constant 0 : i32
      %dma_wait3A_312 = arith.constant 0 : i32
      %dma_wait3A_313 = tpu.memref_slice %arg2[%dma_wait3A_311, %dma_wait3A_312] : memref<10000x128xf32, #tpu.memory_space<hbm>> -> memref<40x128xf32, #tpu.memory_space<hbm>>
      tpu.wait_dma2 semaphore(%dma_wait3A_306 : memref<!tpu.dma_semaphore, #tpu.memory_space<semaphore_mem>>) src(%dma_wait3A_313 : memref<40x128xf32, #tpu.memory_space<hbm>>) dst(%dma_wait3A_310 : memref<40x128xf32, #tpu.memory_space<vmem>>)
      %dma_wait3A_314 = arith.constant 1 : i32
      %dma_wait3A_315 = arith.constant 1 : i32
      %dma_wait3A_316 = arith.constant 0 : i32
      %dma_wait3A_317 = tpu.memref_slice %arg8[%dma_wait3A_314, %dma_wait3A_316] : memref<5x40xi32, #tpu.memory_space<vmem>> -> memref<1x40xi32, #tpu.memory_space<vmem>>
      %dma_wait3A_318 = tpu.memref_squeeze %dma_wait3A_317 : memref<1x40xi32, #tpu.memory_space<vmem>> -> memref<40xi32, #tpu.memory_space<vmem>>
      %dma_wait3A_319 = arith.constant 0 : i32
      %dma_wait3A_320 = tpu.memref_slice %arg4[%dma_wait3A_319] : memref<320000xi32, #tpu.memory_space<hbm>> -> memref<40xi32, #tpu.memory_space<hbm>>
      %dma_wait3A_321 = tpu.memref_slice %arg13[%dma_wait3A_315] : memref<5x!tpu.dma_semaphore, #tpu.memory_space<semaphore_mem>> -> memref<1x!tpu.dma_semaphore, #tpu.memory_space<semaphore_mem>>
      %dma_wait3A_322 = tpu.memref_squeeze %dma_wait3A_321 : memref<1x!tpu.dma_semaphore, #tpu.memory_space<semaphore_mem>> -> memref<!tpu.dma_semaphore, #tpu.memory_space<semaphore_mem>>
      %dma_wait3A_323 = arith.constant 0 : i32
      %dma_wait3A_324 = tpu.memref_slice %arg8[%dma_wait3A_314, %dma_wait3A_323] : memref<5x40xi32, #tpu.memory_space<vmem>> -> memref<1x40xi32, #tpu.memory_space<vmem>>
      %dma_wait3A_325 = tpu.memref_squeeze %dma_wait3A_324 : memref<1x40xi32, #tpu.memory_space<vmem>> -> memref<40xi32, #tpu.memory_space<vmem>>
      %dma_wait3A_326 = arith.constant 0 : i32
      %dma_wait3A_327 = tpu.memref_slice %arg4[%dma_wait3A_326] : memref<320000xi32, #tpu.memory_space<hbm>> -> memref<40xi32, #tpu.memory_space<hbm>>
      tpu.wait_dma2 semaphore(%dma_wait3A_322 : memref<!tpu.dma_semaphore, #tpu.memory_space<semaphore_mem>>) src(%dma_wait3A_327 : memref<40xi32, #tpu.memory_space<hbm>>) dst(%dma_wait3A_325 : memref<40xi32, #tpu.memory_space<vmem>>)
      %dma_start3A_328 = arith.constant 1 : i32
      %dma_start3A_329 = arith.constant 1 : i32
      %dma_start3A_330 = arith.constant 1 : i32
      %dma_start3A_331 = arith.constant 0 : i32
      %dma_start3A_332 = arith.constant 0 : i32
      %dma_start3A_333 = tpu.memref_slice %arg9[%dma_start3A_328, %dma_start3A_331, %dma_start3A_332] : memref<5x40x128xf32, #tpu.memory_space<vmem>> -> memref<1x40x128xf32, #tpu.memory_space<vmem>>
      %dma_start3A_334 = tpu.memref_squeeze %dma_start3A_333 : memref<1x40x128xf32, #tpu.memory_space<vmem>> -> memref<40x128xf32, #tpu.memory_space<vmem>>
      %dma_start3A_335 = arith.constant 0 : i32
      %dma_start3A_336 = tpu.memref_slice %arg8[%dma_start3A_329, %dma_start3A_335] : memref<5x40xi32, #tpu.memory_space<vmem>> -> memref<1x40xi32, #tpu.memory_space<vmem>>
      %dma_start3A_337 = tpu.memref_squeeze %dma_start3A_336 : memref<1x40xi32, #tpu.memory_space<vmem>> -> memref<40xi32, #tpu.memory_space<vmem>>
      %dma_start3A_338 = arith.constant 0 : i32
      %dma_start3A_339 = arith.constant 0 : i32
      %dma_start3A_340 = tpu.memref_slice %arg10[%dma_start3A_338, %dma_start3A_339] : memref<10000x128xf32, #tpu.memory_space<vmem_shared>> -> memref<10000x128xf32, #tpu.memory_space<vmem_shared>>
      %dma_start3A_341 = tpu.memref_slice %arg12[%dma_start3A_330] : memref<5x!tpu.dma_semaphore, #tpu.memory_space<semaphore_mem>> -> memref<1x!tpu.dma_semaphore, #tpu.memory_space<semaphore_mem>>
      %dma_start3A_342 = tpu.memref_squeeze %dma_start3A_341 : memref<1x!tpu.dma_semaphore, #tpu.memory_space<semaphore_mem>> -> memref<!tpu.dma_semaphore, #tpu.memory_space<semaphore_mem>>
      tpu.enqueue_indirect_dma source(%dma_start3A_334 : memref<40x128xf32, #tpu.memory_space<vmem>>) target(%dma_start3A_340 : memref<10000x128xf32, #tpu.memory_space<vmem_shared>>) offsets(%dma_start3A_337 : memref<40xi32, #tpu.memory_space<vmem>>) semaphore(%dma_start3A_342 : memref<!tpu.dma_semaphore, #tpu.memory_space<semaphore_mem>>) {add = true}
      %dma_wait3A_343 = arith.constant 2 : i32
      %dma_wait3A_344 = arith.constant 2 : i32
      %dma_wait3A_345 = arith.constant 0 : i32
      %dma_wait3A_346 = arith.constant 0 : i32
      %dma_wait3A_347 = tpu.memref_slice %arg9[%dma_wait3A_343, %dma_wait3A_345, %dma_wait3A_346] : memref<5x40x128xf32, #tpu.memory_space<vmem>> -> memref<1x40x128xf32, #tpu.memory_space<vmem>>
      %dma_wait3A_348 = tpu.memref_squeeze %dma_wait3A_347 : memref<1x40x128xf32, #tpu.memory_space<vmem>> -> memref<40x128xf32, #tpu.memory_space<vmem>>
      %dma_wait3A_349 = arith.constant 0 : i32
      %dma_wait3A_350 = arith.constant 0 : i32
      %dma_wait3A_351 = tpu.memref_slice %arg2[%dma_wait3A_349, %dma_wait3A_350] : memref<10000x128xf32, #tpu.memory_space<hbm>> -> memref<40x128xf32, #tpu.memory_space<hbm>>
      %dma_wait3A_352 = tpu.memref_slice %arg11[%dma_wait3A_344] : memref<5x!tpu.dma_semaphore, #tpu.memory_space<semaphore_mem>> -> memref<1x!tpu.dma_semaphore, #tpu.memory_space<semaphore_mem>>
      %dma_wait3A_353 = tpu.memref_squeeze %dma_wait3A_352 : memref<1x!tpu.dma_semaphore, #tpu.memory_space<semaphore_mem>> -> memref<!tpu.dma_semaphore, #tpu.memory_space<semaphore_mem>>
      %dma_wait3A_354 = arith.constant 0 : i32
      %dma_wait3A_355 = arith.constant 0 : i32
      %dma_wait3A_356 = tpu.memref_slice %arg9[%dma_wait3A_343, %dma_wait3A_354, %dma_wait3A_355] : memref<5x40x128xf32, #tpu.memory_space<vmem>> -> memref<1x40x128xf32, #tpu.memory_space<vmem>>
      %dma_wait3A_357 = tpu.memref_squeeze %dma_wait3A_356 : memref<1x40x128xf32, #tpu.memory_space<vmem>> -> memref<40x128xf32, #tpu.memory_space<vmem>>
      %dma_wait3A_358 = arith.constant 0 : i32
      %dma_wait3A_359 = arith.constant 0 : i32
      %dma_wait3A_360 = tpu.memref_slice %arg2[%dma_wait3A_358, %dma_wait3A_359] : memref<10000x128xf32, #tpu.memory_space<hbm>> -> memref<40x128xf32, #tpu.memory_space<hbm>>
      tpu.wait_dma2 semaphore(%dma_wait3A_353 : memref<!tpu.dma_semaphore, #tpu.memory_space<semaphore_mem>>) src(%dma_wait3A_360 : memref<40x128xf32, #tpu.memory_space<hbm>>) dst(%dma_wait3A_357 : memref<40x128xf32, #tpu.memory_space<vmem>>)
      %dma_wait3A_361 = arith.constant 2 : i32
      %dma_wait3A_362 = arith.constant 2 : i32
      %dma_wait3A_363 = arith.constant 0 : i32
      %dma_wait3A_364 = tpu.memref_slice %arg8[%dma_wait3A_361, %dma_wait3A_363] : memref<5x40xi32, #tpu.memory_space<vmem>> -> memref<1x40xi32, #tpu.memory_space<vmem>>
      %dma_wait3A_365 = tpu.memref_squeeze %dma_wait3A_364 : memref<1x40xi32, #tpu.memory_space<vmem>> -> memref<40xi32, #tpu.memory_space<vmem>>
      %dma_wait3A_366 = arith.constant 0 : i32
      %dma_wait3A_367 = tpu.memref_slice %arg4[%dma_wait3A_366] : memref<320000xi32, #tpu.memory_space<hbm>> -> memref<40xi32, #tpu.memory_space<hbm>>
      %dma_wait3A_368 = tpu.memref_slice %arg13[%dma_wait3A_362] : memref<5x!tpu.dma_semaphore, #tpu.memory_space<semaphore_mem>> -> memref<1x!tpu.dma_semaphore, #tpu.memory_space<semaphore_mem>>
      %dma_wait3A_369 = tpu.memref_squeeze %dma_wait3A_368 : memref<1x!tpu.dma_semaphore, #tpu.memory_space<semaphore_mem>> -> memref<!tpu.dma_semaphore, #tpu.memory_space<semaphore_mem>>
      %dma_wait3A_370 = arith.constant 0 : i32
      %dma_wait3A_371 = tpu.memref_slice %arg8[%dma_wait3A_361, %dma_wait3A_370] : memref<5x40xi32, #tpu.memory_space<vmem>> -> memref<1x40xi32, #tpu.memory_space<vmem>>
      %dma_wait3A_372 = tpu.memref_squeeze %dma_wait3A_371 : memref<1x40xi32, #tpu.memory_space<vmem>> -> memref<40xi32, #tpu.memory_space<vmem>>
      %dma_wait3A_373 = arith.constant 0 : i32
      %dma_wait3A_374 = tpu.memref_slice %arg4[%dma_wait3A_373] : memref<320000xi32, #tpu.memory_space<hbm>> -> memref<40xi32, #tpu.memory_space<hbm>>
      tpu.wait_dma2 semaphore(%dma_wait3A_369 : memref<!tpu.dma_semaphore, #tpu.memory_space<semaphore_mem>>) src(%dma_wait3A_374 : memref<40xi32, #tpu.memory_space<hbm>>) dst(%dma_wait3A_372 : memref<40xi32, #tpu.memory_space<vmem>>)
      %dma_start3A_375 = arith.constant 2 : i32
      %dma_start3A_376 = arith.constant 2 : i32
      %dma_start3A_377 = arith.constant 2 : i32
      %dma_start3A_378 = arith.constant 0 : i32
      %dma_start3A_379 = arith.constant 0 : i32
      %dma_start3A_380 = tpu.memref_slice %arg9[%dma_start3A_375, %dma_start3A_378, %dma_start3A_379] : memref<5x40x128xf32, #tpu.memory_space<vmem>> -> memref<1x40x128xf32, #tpu.memory_space<vmem>>
      %dma_start3A_381 = tpu.memref_squeeze %dma_start3A_380 : memref<1x40x128xf32, #tpu.memory_space<vmem>> -> memref<40x128xf32, #tpu.memory_space<vmem>>
      %dma_start3A_382 = arith.constant 0 : i32
      %dma_start3A_383 = tpu.memref_slice %arg8[%dma_start3A_376, %dma_start3A_382] : memref<5x40xi32, #tpu.memory_space<vmem>> -> memref<1x40xi32, #tpu.memory_space<vmem>>
      %dma_start3A_384 = tpu.memref_squeeze %dma_start3A_383 : memref<1x40xi32, #tpu.memory_space<vmem>> -> memref<40xi32, #tpu.memory_space<vmem>>
      %dma_start3A_385 = arith.constant 0 : i32
      %dma_start3A_386 = arith.constant 0 : i32
      %dma_start3A_387 = tpu.memref_slice %arg10[%dma_start3A_385, %dma_start3A_386] : memref<10000x128xf32, #tpu.memory_space<vmem_shared>> -> memref<10000x128xf32, #tpu.memory_space<vmem_shared>>
      %dma_start3A_388 = tpu.memref_slice %arg12[%dma_start3A_377] : memref<5x!tpu.dma_semaphore, #tpu.memory_space<semaphore_mem>> -> memref<1x!tpu.dma_semaphore, #tpu.memory_space<semaphore_mem>>
      %dma_start3A_389 = tpu.memref_squeeze %dma_start3A_388 : memref<1x!tpu.dma_semaphore, #tpu.memory_space<semaphore_mem>> -> memref<!tpu.dma_semaphore, #tpu.memory_space<semaphore_mem>>
      tpu.enqueue_indirect_dma source(%dma_start3A_381 : memref<40x128xf32, #tpu.memory_space<vmem>>) target(%dma_start3A_387 : memref<10000x128xf32, #tpu.memory_space<vmem_shared>>) offsets(%dma_start3A_384 : memref<40xi32, #tpu.memory_space<vmem>>) semaphore(%dma_start3A_389 : memref<!tpu.dma_semaphore, #tpu.memory_space<semaphore_mem>>) {add = true}
      %dma_wait3A_390 = arith.constant 3 : i32
      %dma_wait3A_391 = arith.constant 3 : i32
      %dma_wait3A_392 = arith.constant 0 : i32
      %dma_wait3A_393 = arith.constant 0 : i32
      %dma_wait3A_394 = tpu.memref_slice %arg9[%dma_wait3A_390, %dma_wait3A_392, %dma_wait3A_393] : memref<5x40x128xf32, #tpu.memory_space<vmem>> -> memref<1x40x128xf32, #tpu.memory_space<vmem>>
      %dma_wait3A_395 = tpu.memref_squeeze %dma_wait3A_394 : memref<1x40x128xf32, #tpu.memory_space<vmem>> -> memref<40x128xf32, #tpu.memory_space<vmem>>
      %dma_wait3A_396 = arith.constant 0 : i32
      %dma_wait3A_397 = arith.constant 0 : i32
      %dma_wait3A_398 = tpu.memref_slice %arg2[%dma_wait3A_396, %dma_wait3A_397] : memref<10000x128xf32, #tpu.memory_space<hbm>> -> memref<40x128xf32, #tpu.memory_space<hbm>>
      %dma_wait3A_399 = tpu.memref_slice %arg11[%dma_wait3A_391] : memref<5x!tpu.dma_semaphore, #tpu.memory_space<semaphore_mem>> -> memref<1x!tpu.dma_semaphore, #tpu.memory_space<semaphore_mem>>
      %dma_wait3A_400 = tpu.memref_squeeze %dma_wait3A_399 : memref<1x!tpu.dma_semaphore, #tpu.memory_space<semaphore_mem>> -> memref<!tpu.dma_semaphore, #tpu.memory_space<semaphore_mem>>
      %dma_wait3A_401 = arith.constant 0 : i32
      %dma_wait3A_402 = arith.constant 0 : i32
      %dma_wait3A_403 = tpu.memref_slice %arg9[%dma_wait3A_390, %dma_wait3A_401, %dma_wait3A_402] : memref<5x40x128xf32, #tpu.memory_space<vmem>> -> memref<1x40x128xf32, #tpu.memory_space<vmem>>
      %dma_wait3A_404 = tpu.memref_squeeze %dma_wait3A_403 : memref<1x40x128xf32, #tpu.memory_space<vmem>> -> memref<40x128xf32, #tpu.memory_space<vmem>>
      %dma_wait3A_405 = arith.constant 0 : i32
      %dma_wait3A_406 = arith.constant 0 : i32
      %dma_wait3A_407 = tpu.memref_slice %arg2[%dma_wait3A_405, %dma_wait3A_406] : memref<10000x128xf32, #tpu.memory_space<hbm>> -> memref<40x128xf32, #tpu.memory_space<hbm>>
      tpu.wait_dma2 semaphore(%dma_wait3A_400 : memref<!tpu.dma_semaphore, #tpu.memory_space<semaphore_mem>>) src(%dma_wait3A_407 : memref<40x128xf32, #tpu.memory_space<hbm>>) dst(%dma_wait3A_404 : memref<40x128xf32, #tpu.memory_space<vmem>>)
      %dma_wait3A_408 = arith.constant 3 : i32
      %dma_wait3A_409 = arith.constant 3 : i32
      %dma_wait3A_410 = arith.constant 0 : i32
      %dma_wait3A_411 = tpu.memref_slice %arg8[%dma_wait3A_408, %dma_wait3A_410] : memref<5x40xi32, #tpu.memory_space<vmem>> -> memref<1x40xi32, #tpu.memory_space<vmem>>
      %dma_wait3A_412 = tpu.memref_squeeze %dma_wait3A_411 : memref<1x40xi32, #tpu.memory_space<vmem>> -> memref<40xi32, #tpu.memory_space<vmem>>
      %dma_wait3A_413 = arith.constant 0 : i32
      %dma_wait3A_414 = tpu.memref_slice %arg4[%dma_wait3A_413] : memref<320000xi32, #tpu.memory_space<hbm>> -> memref<40xi32, #tpu.memory_space<hbm>>
      %dma_wait3A_415 = tpu.memref_slice %arg13[%dma_wait3A_409] : memref<5x!tpu.dma_semaphore, #tpu.memory_space<semaphore_mem>> -> memref<1x!tpu.dma_semaphore, #tpu.memory_space<semaphore_mem>>
      %dma_wait3A_416 = tpu.memref_squeeze %dma_wait3A_415 : memref<1x!tpu.dma_semaphore, #tpu.memory_space<semaphore_mem>> -> memref<!tpu.dma_semaphore, #tpu.memory_space<semaphore_mem>>
      %dma_wait3A_417 = arith.constant 0 : i32
      %dma_wait3A_418 = tpu.memref_slice %arg8[%dma_wait3A_408, %dma_wait3A_417] : memref<5x40xi32, #tpu.memory_space<vmem>> -> memref<1x40xi32, #tpu.memory_space<vmem>>
      %dma_wait3A_419 = tpu.memref_squeeze %dma_wait3A_418 : memref<1x40xi32, #tpu.memory_space<vmem>> -> memref<40xi32, #tpu.memory_space<vmem>>
      %dma_wait3A_420 = arith.constant 0 : i32
      %dma_wait3A_421 = tpu.memref_slice %arg4[%dma_wait3A_420] : memref<320000xi32, #tpu.memory_space<hbm>> -> memref<40xi32, #tpu.memory_space<hbm>>
      tpu.wait_dma2 semaphore(%dma_wait3A_416 : memref<!tpu.dma_semaphore, #tpu.memory_space<semaphore_mem>>) src(%dma_wait3A_421 : memref<40xi32, #tpu.memory_space<hbm>>) dst(%dma_wait3A_419 : memref<40xi32, #tpu.memory_space<vmem>>)
      %dma_start3A_422 = arith.constant 3 : i32
      %dma_start3A_423 = arith.constant 3 : i32
      %dma_start3A_424 = arith.constant 3 : i32
      %dma_start3A_425 = arith.constant 0 : i32
      %dma_start3A_426 = arith.constant 0 : i32
      %dma_start3A_427 = tpu.memref_slice %arg9[%dma_start3A_422, %dma_start3A_425, %dma_start3A_426] : memref<5x40x128xf32, #tpu.memory_space<vmem>> -> memref<1x40x128xf32, #tpu.memory_space<vmem>>
      %dma_start3A_428 = tpu.memref_squeeze %dma_start3A_427 : memref<1x40x128xf32, #tpu.memory_space<vmem>> -> memref<40x128xf32, #tpu.memory_space<vmem>>
      %dma_start3A_429 = arith.constant 0 : i32
      %dma_start3A_430 = tpu.memref_slice %arg8[%dma_start3A_423, %dma_start3A_429] : memref<5x40xi32, #tpu.memory_space<vmem>> -> memref<1x40xi32, #tpu.memory_space<vmem>>
      %dma_start3A_431 = tpu.memref_squeeze %dma_start3A_430 : memref<1x40xi32, #tpu.memory_space<vmem>> -> memref<40xi32, #tpu.memory_space<vmem>>
      %dma_start3A_432 = arith.constant 0 : i32
      %dma_start3A_433 = arith.constant 0 : i32
      %dma_start3A_434 = tpu.memref_slice %arg10[%dma_start3A_432, %dma_start3A_433] : memref<10000x128xf32, #tpu.memory_space<vmem_shared>> -> memref<10000x128xf32, #tpu.memory_space<vmem_shared>>
      %dma_start3A_435 = tpu.memref_slice %arg12[%dma_start3A_424] : memref<5x!tpu.dma_semaphore, #tpu.memory_space<semaphore_mem>> -> memref<1x!tpu.dma_semaphore, #tpu.memory_space<semaphore_mem>>
      %dma_start3A_436 = tpu.memref_squeeze %dma_start3A_435 : memref<1x!tpu.dma_semaphore, #tpu.memory_space<semaphore_mem>> -> memref<!tpu.dma_semaphore, #tpu.memory_space<semaphore_mem>>
      tpu.enqueue_indirect_dma source(%dma_start3A_428 : memref<40x128xf32, #tpu.memory_space<vmem>>) target(%dma_start3A_434 : memref<10000x128xf32, #tpu.memory_space<vmem_shared>>) offsets(%dma_start3A_431 : memref<40xi32, #tpu.memory_space<vmem>>) semaphore(%dma_start3A_436 : memref<!tpu.dma_semaphore, #tpu.memory_space<semaphore_mem>>) {add = true}
      %dma_wait3A_437 = arith.constant 4 : i32
      %dma_wait3A_438 = arith.constant 4 : i32
      %dma_wait3A_439 = arith.constant 0 : i32
      %dma_wait3A_440 = arith.constant 0 : i32
      %dma_wait3A_441 = tpu.memref_slice %arg9[%dma_wait3A_437, %dma_wait3A_439, %dma_wait3A_440] : memref<5x40x128xf32, #tpu.memory_space<vmem>> -> memref<1x40x128xf32, #tpu.memory_space<vmem>>
      %dma_wait3A_442 = tpu.memref_squeeze %dma_wait3A_441 : memref<1x40x128xf32, #tpu.memory_space<vmem>> -> memref<40x128xf32, #tpu.memory_space<vmem>>
      %dma_wait3A_443 = arith.constant 0 : i32
      %dma_wait3A_444 = arith.constant 0 : i32
      %dma_wait3A_445 = tpu.memref_slice %arg2[%dma_wait3A_443, %dma_wait3A_444] : memref<10000x128xf32, #tpu.memory_space<hbm>> -> memref<40x128xf32, #tpu.memory_space<hbm>>
      %dma_wait3A_446 = tpu.memref_slice %arg11[%dma_wait3A_438] : memref<5x!tpu.dma_semaphore, #tpu.memory_space<semaphore_mem>> -> memref<1x!tpu.dma_semaphore, #tpu.memory_space<semaphore_mem>>
      %dma_wait3A_447 = tpu.memref_squeeze %dma_wait3A_446 : memref<1x!tpu.dma_semaphore, #tpu.memory_space<semaphore_mem>> -> memref<!tpu.dma_semaphore, #tpu.memory_space<semaphore_mem>>
      %dma_wait3A_448 = arith.constant 0 : i32
      %dma_wait3A_449 = arith.constant 0 : i32
      %dma_wait3A_450 = tpu.memref_slice %arg9[%dma_wait3A_437, %dma_wait3A_448, %dma_wait3A_449] : memref<5x40x128xf32, #tpu.memory_space<vmem>> -> memref<1x40x128xf32, #tpu.memory_space<vmem>>
      %dma_wait3A_451 = tpu.memref_squeeze %dma_wait3A_450 : memref<1x40x128xf32, #tpu.memory_space<vmem>> -> memref<40x128xf32, #tpu.memory_space<vmem>>
      %dma_wait3A_452 = arith.constant 0 : i32
      %dma_wait3A_453 = arith.constant 0 : i32
      %dma_wait3A_454 = tpu.memref_slice %arg2[%dma_wait3A_452, %dma_wait3A_453] : memref<10000x128xf32, #tpu.memory_space<hbm>> -> memref<40x128xf32, #tpu.memory_space<hbm>>
      tpu.wait_dma2 semaphore(%dma_wait3A_447 : memref<!tpu.dma_semaphore, #tpu.memory_space<semaphore_mem>>) src(%dma_wait3A_454 : memref<40x128xf32, #tpu.memory_space<hbm>>) dst(%dma_wait3A_451 : memref<40x128xf32, #tpu.memory_space<vmem>>)
      %dma_wait3A_455 = arith.constant 4 : i32
      %dma_wait3A_456 = arith.constant 4 : i32
      %dma_wait3A_457 = arith.constant 0 : i32
      %dma_wait3A_458 = tpu.memref_slice %arg8[%dma_wait3A_455, %dma_wait3A_457] : memref<5x40xi32, #tpu.memory_space<vmem>> -> memref<1x40xi32, #tpu.memory_space<vmem>>
      %dma_wait3A_459 = tpu.memref_squeeze %dma_wait3A_458 : memref<1x40xi32, #tpu.memory_space<vmem>> -> memref<40xi32, #tpu.memory_space<vmem>>
      %dma_wait3A_460 = arith.constant 0 : i32
      %dma_wait3A_461 = tpu.memref_slice %arg4[%dma_wait3A_460] : memref<320000xi32, #tpu.memory_space<hbm>> -> memref<40xi32, #tpu.memory_space<hbm>>
      %dma_wait3A_462 = tpu.memref_slice %arg13[%dma_wait3A_456] : memref<5x!tpu.dma_semaphore, #tpu.memory_space<semaphore_mem>> -> memref<1x!tpu.dma_semaphore, #tpu.memory_space<semaphore_mem>>
      %dma_wait3A_463 = tpu.memref_squeeze %dma_wait3A_462 : memref<1x!tpu.dma_semaphore, #tpu.memory_space<semaphore_mem>> -> memref<!tpu.dma_semaphore, #tpu.memory_space<semaphore_mem>>
      %dma_wait3A_464 = arith.constant 0 : i32
      %dma_wait3A_465 = tpu.memref_slice %arg8[%dma_wait3A_455, %dma_wait3A_464] : memref<5x40xi32, #tpu.memory_space<vmem>> -> memref<1x40xi32, #tpu.memory_space<vmem>>
      %dma_wait3A_466 = tpu.memref_squeeze %dma_wait3A_465 : memref<1x40xi32, #tpu.memory_space<vmem>> -> memref<40xi32, #tpu.memory_space<vmem>>
      %dma_wait3A_467 = arith.constant 0 : i32
      %dma_wait3A_468 = tpu.memref_slice %arg4[%dma_wait3A_467] : memref<320000xi32, #tpu.memory_space<hbm>> -> memref<40xi32, #tpu.memory_space<hbm>>
      tpu.wait_dma2 semaphore(%dma_wait3A_463 : memref<!tpu.dma_semaphore, #tpu.memory_space<semaphore_mem>>) src(%dma_wait3A_468 : memref<40xi32, #tpu.memory_space<hbm>>) dst(%dma_wait3A_466 : memref<40xi32, #tpu.memory_space<vmem>>)
      %dma_start3A_469 = arith.constant 4 : i32
      %dma_start3A_470 = arith.constant 4 : i32
      %dma_start3A_471 = arith.constant 4 : i32
      %dma_start3A_472 = arith.constant 0 : i32
      %dma_start3A_473 = arith.constant 0 : i32
      %dma_start3A_474 = tpu.memref_slice %arg9[%dma_start3A_469, %dma_start3A_472, %dma_start3A_473] : memref<5x40x128xf32, #tpu.memory_space<vmem>> -> memref<1x40x128xf32, #tpu.memory_space<vmem>>
      %dma_start3A_475 = tpu.memref_squeeze %dma_start3A_474 : memref<1x40x128xf32, #tpu.memory_space<vmem>> -> memref<40x128xf32, #tpu.memory_space<vmem>>
      %dma_start3A_476 = arith.constant 0 : i32
      %dma_start3A_477 = tpu.memref_slice %arg8[%dma_start3A_470, %dma_start3A_476] : memref<5x40xi32, #tpu.memory_space<vmem>> -> memref<1x40xi32, #tpu.memory_space<vmem>>
      %dma_start3A_478 = tpu.memref_squeeze %dma_start3A_477 : memref<1x40xi32, #tpu.memory_space<vmem>> -> memref<40xi32, #tpu.memory_space<vmem>>
      %dma_start3A_479 = arith.constant 0 : i32
      %dma_start3A_480 = arith.constant 0 : i32
      %dma_start3A_481 = tpu.memref_slice %arg10[%dma_start3A_479, %dma_start3A_480] : memref<10000x128xf32, #tpu.memory_space<vmem_shared>> -> memref<10000x128xf32, #tpu.memory_space<vmem_shared>>
      %dma_start3A_482 = tpu.memref_slice %arg12[%dma_start3A_471] : memref<5x!tpu.dma_semaphore, #tpu.memory_space<semaphore_mem>> -> memref<1x!tpu.dma_semaphore, #tpu.memory_space<semaphore_mem>>
      %dma_start3A_483 = tpu.memref_squeeze %dma_start3A_482 : memref<1x!tpu.dma_semaphore, #tpu.memory_space<semaphore_mem>> -> memref<!tpu.dma_semaphore, #tpu.memory_space<semaphore_mem>>
      tpu.enqueue_indirect_dma source(%dma_start3A_475 : memref<40x128xf32, #tpu.memory_space<vmem>>) target(%dma_start3A_481 : memref<10000x128xf32, #tpu.memory_space<vmem_shared>>) offsets(%dma_start3A_478 : memref<40xi32, #tpu.memory_space<vmem>>) semaphore(%dma_start3A_483 : memref<!tpu.dma_semaphore, #tpu.memory_space<semaphore_mem>>) {add = true}
      %add3A_484 = arith.constant 0 : i32
      %add3A_485 = arith.addi %add3A_248, %add3A_484 : i32
      %add3A_486 = arith.constant 5 : i32
      %add3A_487 = arith.addi %add3A_485, %add3A_486 : i32
      %lt3A = arith.constant 250 : i32
      %lt3A_488 = arith.cmpi slt, %add3A_487, %lt3A : i32
      %convert_element_type3A_489 = arith.extui %lt3A_488 : i1 to i32
      %cond3A_490 = arith.constant 0 : i32
      %cond3A_491 = arith.cmpi ne, %convert_element_type3A_489, %cond3A_490 : i32
      scf.if %cond3A_491 {
        %dma_wait3A_528 = arith.constant 0 : i32
        %dma_wait3A_529 = arith.constant 0 : i32
        %dma_wait3A_530 = arith.constant 0 : i32
        %dma_wait3A_531 = arith.constant 0 : i32
        %dma_wait3A_532 = tpu.memref_slice %arg9[%dma_wait3A_528, %dma_wait3A_530, %dma_wait3A_531] : memref<5x40x128xf32, #tpu.memory_space<vmem>> -> memref<1x40x128xf32, #tpu.memory_space<vmem>>
        %dma_wait3A_533 = tpu.memref_squeeze %dma_wait3A_532 : memref<1x40x128xf32, #tpu.memory_space<vmem>> -> memref<40x128xf32, #tpu.memory_space<vmem>>
        %dma_wait3A_534 = arith.constant 0 : i32
        %dma_wait3A_535 = arith.constant 0 : i32
        %dma_wait3A_536 = tpu.memref_slice %arg10[%dma_wait3A_534, %dma_wait3A_535] : memref<10000x128xf32, #tpu.memory_space<vmem_shared>> -> memref<40x128xf32, #tpu.memory_space<vmem_shared>>
        %dma_wait3A_537 = tpu.memref_slice %arg12[%dma_wait3A_529] : memref<5x!tpu.dma_semaphore, #tpu.memory_space<semaphore_mem>> -> memref<1x!tpu.dma_semaphore, #tpu.memory_space<semaphore_mem>>
        %dma_wait3A_538 = tpu.memref_squeeze %dma_wait3A_537 : memref<1x!tpu.dma_semaphore, #tpu.memory_space<semaphore_mem>> -> memref<!tpu.dma_semaphore, #tpu.memory_space<semaphore_mem>>
        %dma_wait3A_539 = arith.constant 0 : i32
        %dma_wait3A_540 = arith.constant 0 : i32
        %dma_wait3A_541 = tpu.memref_slice %arg10[%dma_wait3A_539, %dma_wait3A_540] : memref<10000x128xf32, #tpu.memory_space<vmem_shared>> -> memref<40x128xf32, #tpu.memory_space<vmem_shared>>
        %dma_wait3A_542 = arith.constant 0 : i32
        %dma_wait3A_543 = arith.constant 0 : i32
        %dma_wait3A_544 = tpu.memref_slice %arg9[%dma_wait3A_528, %dma_wait3A_542, %dma_wait3A_543] : memref<5x40x128xf32, #tpu.memory_space<vmem>> -> memref<1x40x128xf32, #tpu.memory_space<vmem>>
        %dma_wait3A_545 = tpu.memref_squeeze %dma_wait3A_544 : memref<1x40x128xf32, #tpu.memory_space<vmem>> -> memref<40x128xf32, #tpu.memory_space<vmem>>
        tpu.wait_dma2 semaphore(%dma_wait3A_538 : memref<!tpu.dma_semaphore, #tpu.memory_space<semaphore_mem>>) src(%dma_wait3A_545 : memref<40x128xf32, #tpu.memory_space<vmem>>) dst(%dma_wait3A_541 : memref<40x128xf32, #tpu.memory_space<vmem_shared>>)
        %add3A_546 = arith.constant 0 : i32
        %add3A_547 = arith.addi %add3A_248, %add3A_546 : i32
        %add3A_548 = arith.constant 5 : i32
        %add3A_549 = arith.addi %add3A_547, %add3A_548 : i32
        %mul3A_550 = arith.constant 40 : i32
        %mul3A_551 = arith.muli %add3A_549, %mul3A_550 : i32
        %dma_start3A_552 = arith.constant 0 : i32
        %dma_start3A_553 = arith.constant 0 : i32
        %dma_start3A_554 = arith.constant 0 : i32
        %dma_start3A_555 = arith.constant 0 : i32
        %dma_start3A_556 = tpu.memref_slice %arg9[%dma_start3A_552, %dma_start3A_554, %dma_start3A_555] : memref<5x40x128xf32, #tpu.memory_space<vmem>> -> memref<1x40x128xf32, #tpu.memory_space<vmem>>
        %dma_start3A_557 = tpu.memref_squeeze %dma_start3A_556 : memref<1x40x128xf32, #tpu.memory_space<vmem>> -> memref<40x128xf32, #tpu.memory_space<vmem>>
        %dma_start3A_558 = tpu.memref_slice %arg7[%mul3A_551] : memref<10000xi32, #tpu.memory_space<vmem>> -> memref<40xi32, #tpu.memory_space<vmem>>
        %dma_start3A_559 = arith.constant 0 : i32
        %dma_start3A_560 = arith.constant 0 : i32
        %dma_start3A_561 = tpu.memref_slice %arg2[%dma_start3A_559, %dma_start3A_560] : memref<10000x128xf32, #tpu.memory_space<hbm>> -> memref<10000x128xf32, #tpu.memory_space<hbm>>
        %dma_start3A_562 = tpu.memref_slice %arg11[%dma_start3A_553] : memref<5x!tpu.dma_semaphore, #tpu.memory_space<semaphore_mem>> -> memref<1x!tpu.dma_semaphore, #tpu.memory_space<semaphore_mem>>
        %dma_start3A_563 = tpu.memref_squeeze %dma_start3A_562 : memref<1x!tpu.dma_semaphore, #tpu.memory_space<semaphore_mem>> -> memref<!tpu.dma_semaphore, #tpu.memory_space<semaphore_mem>>
        tpu.enqueue_indirect_dma source(%dma_start3A_561 : memref<10000x128xf32, #tpu.memory_space<hbm>>) target(%dma_start3A_557 : memref<40x128xf32, #tpu.memory_space<vmem>>) offsets(%dma_start3A_558 : memref<40xi32, #tpu.memory_space<vmem>>) semaphore(%dma_start3A_563 : memref<!tpu.dma_semaphore, #tpu.memory_space<semaphore_mem>>)
        %mul3A_564 = arith.constant 40 : i32
        %mul3A_565 = arith.muli %add3A_549, %mul3A_564 : i32
        %add3A_566 = arith.addi %mul3A_2, %mul3A_565 : i32
        %dma_start3A_567 = arith.constant 0 : i32
        %dma_start3A_568 = arith.constant 0 : i32
        %dma_start3A_569 = arith.constant 0 : i32
        %dma_start3A_570 = tpu.memref_slice %arg8[%dma_start3A_567, %dma_start3A_569] : memref<5x40xi32, #tpu.memory_space<vmem>> -> memref<1x40xi32, #tpu.memory_space<vmem>>
        %dma_start3A_571 = tpu.memref_squeeze %dma_start3A_570 : memref<1x40xi32, #tpu.memory_space<vmem>> -> memref<40xi32, #tpu.memory_space<vmem>>
        %dma_start3A_572 = tpu.memref_slice %arg4[%add3A_566] : memref<320000xi32, #tpu.memory_space<hbm>> -> memref<40xi32, #tpu.memory_space<hbm>>
        %dma_start3A_573 = tpu.memref_slice %arg13[%dma_start3A_568] : memref<5x!tpu.dma_semaphore, #tpu.memory_space<semaphore_mem>> -> memref<1x!tpu.dma_semaphore, #tpu.memory_space<semaphore_mem>>
        %dma_start3A_574 = tpu.memref_squeeze %dma_start3A_573 : memref<1x!tpu.dma_semaphore, #tpu.memory_space<semaphore_mem>> -> memref<!tpu.dma_semaphore, #tpu.memory_space<semaphore_mem>>
        %dma_start3A_575 = arith.constant 0 : i32
        %dma_start3A_576 = tpu.memref_slice %arg8[%dma_start3A_567, %dma_start3A_575] : memref<5x40xi32, #tpu.memory_space<vmem>> -> memref<1x40xi32, #tpu.memory_space<vmem>>
        %dma_start3A_577 = tpu.memref_squeeze %dma_start3A_576 : memref<1x40xi32, #tpu.memory_space<vmem>> -> memref<40xi32, #tpu.memory_space<vmem>>
        %dma_start3A_578 = tpu.memref_slice %arg4[%add3A_566] : memref<320000xi32, #tpu.memory_space<hbm>> -> memref<40xi32, #tpu.memory_space<hbm>>
        tpu.enqueue_dma source(%dma_start3A_578 : memref<40xi32, #tpu.memory_space<hbm>>) target(%dma_start3A_577 : memref<40xi32, #tpu.memory_space<vmem>>) target_semaphore(%dma_start3A_574 : memref<!tpu.dma_semaphore, #tpu.memory_space<semaphore_mem>>)
      } else {
      }
      %add3A_492 = arith.constant 1 : i32
      %add3A_493 = arith.addi %add3A_248, %add3A_492 : i32
      %add3A_494 = arith.constant 5 : i32
      %add3A_495 = arith.addi %add3A_493, %add3A_494 : i32
      %lt3A_496 = arith.constant 250 : i32
      %lt3A_497 = arith.cmpi slt, %add3A_495, %lt3A_496 : i32
      %convert_element_type3A_498 = arith.extui %lt3A_497 : i1 to i32
      %cond3A_499 = arith.constant 0 : i32
      %cond3A_500 = arith.cmpi ne, %convert_element_type3A_498, %cond3A_499 : i32
      scf.if %cond3A_500 {
        %dma_wait3A_528 = arith.constant 1 : i32
        %dma_wait3A_529 = arith.constant 1 : i32
        %dma_wait3A_530 = arith.constant 0 : i32
        %dma_wait3A_531 = arith.constant 0 : i32
        %dma_wait3A_532 = tpu.memref_slice %arg9[%dma_wait3A_528, %dma_wait3A_530, %dma_wait3A_531] : memref<5x40x128xf32, #tpu.memory_space<vmem>> -> memref<1x40x128xf32, #tpu.memory_space<vmem>>
        %dma_wait3A_533 = tpu.memref_squeeze %dma_wait3A_532 : memref<1x40x128xf32, #tpu.memory_space<vmem>> -> memref<40x128xf32, #tpu.memory_space<vmem>>
        %dma_wait3A_534 = arith.constant 0 : i32
        %dma_wait3A_535 = arith.constant 0 : i32
        %dma_wait3A_536 = tpu.memref_slice %arg10[%dma_wait3A_534, %dma_wait3A_535] : memref<10000x128xf32, #tpu.memory_space<vmem_shared>> -> memref<40x128xf32, #tpu.memory_space<vmem_shared>>
        %dma_wait3A_537 = tpu.memref_slice %arg12[%dma_wait3A_529] : memref<5x!tpu.dma_semaphore, #tpu.memory_space<semaphore_mem>> -> memref<1x!tpu.dma_semaphore, #tpu.memory_space<semaphore_mem>>
        %dma_wait3A_538 = tpu.memref_squeeze %dma_wait3A_537 : memref<1x!tpu.dma_semaphore, #tpu.memory_space<semaphore_mem>> -> memref<!tpu.dma_semaphore, #tpu.memory_space<semaphore_mem>>
        %dma_wait3A_539 = arith.constant 0 : i32
        %dma_wait3A_540 = arith.constant 0 : i32
        %dma_wait3A_541 = tpu.memref_slice %arg10[%dma_wait3A_539, %dma_wait3A_540] : memref<10000x128xf32, #tpu.memory_space<vmem_shared>> -> memref<40x128xf32, #tpu.memory_space<vmem_shared>>
        %dma_wait3A_542 = arith.constant 0 : i32
        %dma_wait3A_543 = arith.constant 0 : i32
        %dma_wait3A_544 = tpu.memref_slice %arg9[%dma_wait3A_528, %dma_wait3A_542, %dma_wait3A_543] : memref<5x40x128xf32, #tpu.memory_space<vmem>> -> memref<1x40x128xf32, #tpu.memory_space<vmem>>
        %dma_wait3A_545 = tpu.memref_squeeze %dma_wait3A_544 : memref<1x40x128xf32, #tpu.memory_space<vmem>> -> memref<40x128xf32, #tpu.memory_space<vmem>>
        tpu.wait_dma2 semaphore(%dma_wait3A_538 : memref<!tpu.dma_semaphore, #tpu.memory_space<semaphore_mem>>) src(%dma_wait3A_545 : memref<40x128xf32, #tpu.memory_space<vmem>>) dst(%dma_wait3A_541 : memref<40x128xf32, #tpu.memory_space<vmem_shared>>)
        %add3A_546 = arith.constant 1 : i32
        %add3A_547 = arith.addi %add3A_248, %add3A_546 : i32
        %add3A_548 = arith.constant 5 : i32
        %add3A_549 = arith.addi %add3A_547, %add3A_548 : i32
        %mul3A_550 = arith.constant 40 : i32
        %mul3A_551 = arith.muli %add3A_549, %mul3A_550 : i32
        %dma_start3A_552 = arith.constant 1 : i32
        %dma_start3A_553 = arith.constant 1 : i32
        %dma_start3A_554 = arith.constant 0 : i32
        %dma_start3A_555 = arith.constant 0 : i32
        %dma_start3A_556 = tpu.memref_slice %arg9[%dma_start3A_552, %dma_start3A_554, %dma_start3A_555] : memref<5x40x128xf32, #tpu.memory_space<vmem>> -> memref<1x40x128xf32, #tpu.memory_space<vmem>>
        %dma_start3A_557 = tpu.memref_squeeze %dma_start3A_556 : memref<1x40x128xf32, #tpu.memory_space<vmem>> -> memref<40x128xf32, #tpu.memory_space<vmem>>
        %dma_start3A_558 = tpu.memref_slice %arg7[%mul3A_551] : memref<10000xi32, #tpu.memory_space<vmem>> -> memref<40xi32, #tpu.memory_space<vmem>>
        %dma_start3A_559 = arith.constant 0 : i32
        %dma_start3A_560 = arith.constant 0 : i32
        %dma_start3A_561 = tpu.memref_slice %arg2[%dma_start3A_559, %dma_start3A_560] : memref<10000x128xf32, #tpu.memory_space<hbm>> -> memref<10000x128xf32, #tpu.memory_space<hbm>>
        %dma_start3A_562 = tpu.memref_slice %arg11[%dma_start3A_553] : memref<5x!tpu.dma_semaphore, #tpu.memory_space<semaphore_mem>> -> memref<1x!tpu.dma_semaphore, #tpu.memory_space<semaphore_mem>>
        %dma_start3A_563 = tpu.memref_squeeze %dma_start3A_562 : memref<1x!tpu.dma_semaphore, #tpu.memory_space<semaphore_mem>> -> memref<!tpu.dma_semaphore, #tpu.memory_space<semaphore_mem>>
        tpu.enqueue_indirect_dma source(%dma_start3A_561 : memref<10000x128xf32, #tpu.memory_space<hbm>>) target(%dma_start3A_557 : memref<40x128xf32, #tpu.memory_space<vmem>>) offsets(%dma_start3A_558 : memref<40xi32, #tpu.memory_space<vmem>>) semaphore(%dma_start3A_563 : memref<!tpu.dma_semaphore, #tpu.memory_space<semaphore_mem>>)
        %mul3A_564 = arith.constant 40 : i32
        %mul3A_565 = arith.muli %add3A_549, %mul3A_564 : i32
        %add3A_566 = arith.addi %mul3A_2, %mul3A_565 : i32
        %dma_start3A_567 = arith.constant 1 : i32
        %dma_start3A_568 = arith.constant 1 : i32
        %dma_start3A_569 = arith.constant 0 : i32
        %dma_start3A_570 = tpu.memref_slice %arg8[%dma_start3A_567, %dma_start3A_569] : memref<5x40xi32, #tpu.memory_space<vmem>> -> memref<1x40xi32, #tpu.memory_space<vmem>>
        %dma_start3A_571 = tpu.memref_squeeze %dma_start3A_570 : memref<1x40xi32, #tpu.memory_space<vmem>> -> memref<40xi32, #tpu.memory_space<vmem>>
        %dma_start3A_572 = tpu.memref_slice %arg4[%add3A_566] : memref<320000xi32, #tpu.memory_space<hbm>> -> memref<40xi32, #tpu.memory_space<hbm>>
        %dma_start3A_573 = tpu.memref_slice %arg13[%dma_start3A_568] : memref<5x!tpu.dma_semaphore, #tpu.memory_space<semaphore_mem>> -> memref<1x!tpu.dma_semaphore, #tpu.memory_space<semaphore_mem>>
        %dma_start3A_574 = tpu.memref_squeeze %dma_start3A_573 : memref<1x!tpu.dma_semaphore, #tpu.memory_space<semaphore_mem>> -> memref<!tpu.dma_semaphore, #tpu.memory_space<semaphore_mem>>
        %dma_start3A_575 = arith.constant 0 : i32
        %dma_start3A_576 = tpu.memref_slice %arg8[%dma_start3A_567, %dma_start3A_575] : memref<5x40xi32, #tpu.memory_space<vmem>> -> memref<1x40xi32, #tpu.memory_space<vmem>>
        %dma_start3A_577 = tpu.memref_squeeze %dma_start3A_576 : memref<1x40xi32, #tpu.memory_space<vmem>> -> memref<40xi32, #tpu.memory_space<vmem>>
        %dma_start3A_578 = tpu.memref_slice %arg4[%add3A_566] : memref<320000xi32, #tpu.memory_space<hbm>> -> memref<40xi32, #tpu.memory_space<hbm>>
        tpu.enqueue_dma source(%dma_start3A_578 : memref<40xi32, #tpu.memory_space<hbm>>) target(%dma_start3A_577 : memref<40xi32, #tpu.memory_space<vmem>>) target_semaphore(%dma_start3A_574 : memref<!tpu.dma_semaphore, #tpu.memory_space<semaphore_mem>>)
      } else {
      }
      %add3A_501 = arith.constant 2 : i32
      %add3A_502 = arith.addi %add3A_248, %add3A_501 : i32
      %add3A_503 = arith.constant 5 : i32
      %add3A_504 = arith.addi %add3A_502, %add3A_503 : i32
      %lt3A_505 = arith.constant 250 : i32
      %lt3A_506 = arith.cmpi slt, %add3A_504, %lt3A_505 : i32
      %convert_element_type3A_507 = arith.extui %lt3A_506 : i1 to i32
      %cond3A_508 = arith.constant 0 : i32
      %cond3A_509 = arith.cmpi ne, %convert_element_type3A_507, %cond3A_508 : i32
      scf.if %cond3A_509 {
        %dma_wait3A_528 = arith.constant 2 : i32
        %dma_wait3A_529 = arith.constant 2 : i32
        %dma_wait3A_530 = arith.constant 0 : i32
        %dma_wait3A_531 = arith.constant 0 : i32
        %dma_wait3A_532 = tpu.memref_slice %arg9[%dma_wait3A_528, %dma_wait3A_530, %dma_wait3A_531] : memref<5x40x128xf32, #tpu.memory_space<vmem>> -> memref<1x40x128xf32, #tpu.memory_space<vmem>>
        %dma_wait3A_533 = tpu.memref_squeeze %dma_wait3A_532 : memref<1x40x128xf32, #tpu.memory_space<vmem>> -> memref<40x128xf32, #tpu.memory_space<vmem>>
        %dma_wait3A_534 = arith.constant 0 : i32
        %dma_wait3A_535 = arith.constant 0 : i32
        %dma_wait3A_536 = tpu.memref_slice %arg10[%dma_wait3A_534, %dma_wait3A_535] : memref<10000x128xf32, #tpu.memory_space<vmem_shared>> -> memref<40x128xf32, #tpu.memory_space<vmem_shared>>
        %dma_wait3A_537 = tpu.memref_slice %arg12[%dma_wait3A_529] : memref<5x!tpu.dma_semaphore, #tpu.memory_space<semaphore_mem>> -> memref<1x!tpu.dma_semaphore, #tpu.memory_space<semaphore_mem>>
        %dma_wait3A_538 = tpu.memref_squeeze %dma_wait3A_537 : memref<1x!tpu.dma_semaphore, #tpu.memory_space<semaphore_mem>> -> memref<!tpu.dma_semaphore, #tpu.memory_space<semaphore_mem>>
        %dma_wait3A_539 = arith.constant 0 : i32
        %dma_wait3A_540 = arith.constant 0 : i32
        %dma_wait3A_541 = tpu.memref_slice %arg10[%dma_wait3A_539, %dma_wait3A_540] : memref<10000x128xf32, #tpu.memory_space<vmem_shared>> -> memref<40x128xf32, #tpu.memory_space<vmem_shared>>
        %dma_wait3A_542 = arith.constant 0 : i32
        %dma_wait3A_543 = arith.constant 0 : i32
        %dma_wait3A_544 = tpu.memref_slice %arg9[%dma_wait3A_528, %dma_wait3A_542, %dma_wait3A_543] : memref<5x40x128xf32, #tpu.memory_space<vmem>> -> memref<1x40x128xf32, #tpu.memory_space<vmem>>
        %dma_wait3A_545 = tpu.memref_squeeze %dma_wait3A_544 : memref<1x40x128xf32, #tpu.memory_space<vmem>> -> memref<40x128xf32, #tpu.memory_space<vmem>>
        tpu.wait_dma2 semaphore(%dma_wait3A_538 : memref<!tpu.dma_semaphore, #tpu.memory_space<semaphore_mem>>) src(%dma_wait3A_545 : memref<40x128xf32, #tpu.memory_space<vmem>>) dst(%dma_wait3A_541 : memref<40x128xf32, #tpu.memory_space<vmem_shared>>)
        %add3A_546 = arith.constant 2 : i32
        %add3A_547 = arith.addi %add3A_248, %add3A_546 : i32
        %add3A_548 = arith.constant 5 : i32
        %add3A_549 = arith.addi %add3A_547, %add3A_548 : i32
        %mul3A_550 = arith.constant 40 : i32
        %mul3A_551 = arith.muli %add3A_549, %mul3A_550 : i32
        %dma_start3A_552 = arith.constant 2 : i32
        %dma_start3A_553 = arith.constant 2 : i32
        %dma_start3A_554 = arith.constant 0 : i32
        %dma_start3A_555 = arith.constant 0 : i32
        %dma_start3A_556 = tpu.memref_slice %arg9[%dma_start3A_552, %dma_start3A_554, %dma_start3A_555] : memref<5x40x128xf32, #tpu.memory_space<vmem>> -> memref<1x40x128xf32, #tpu.memory_space<vmem>>
        %dma_start3A_557 = tpu.memref_squeeze %dma_start3A_556 : memref<1x40x128xf32, #tpu.memory_space<vmem>> -> memref<40x128xf32, #tpu.memory_space<vmem>>
        %dma_start3A_558 = tpu.memref_slice %arg7[%mul3A_551] : memref<10000xi32, #tpu.memory_space<vmem>> -> memref<40xi32, #tpu.memory_space<vmem>>
        %dma_start3A_559 = arith.constant 0 : i32
        %dma_start3A_560 = arith.constant 0 : i32
        %dma_start3A_561 = tpu.memref_slice %arg2[%dma_start3A_559, %dma_start3A_560] : memref<10000x128xf32, #tpu.memory_space<hbm>> -> memref<10000x128xf32, #tpu.memory_space<hbm>>
        %dma_start3A_562 = tpu.memref_slice %arg11[%dma_start3A_553] : memref<5x!tpu.dma_semaphore, #tpu.memory_space<semaphore_mem>> -> memref<1x!tpu.dma_semaphore, #tpu.memory_space<semaphore_mem>>
        %dma_start3A_563 = tpu.memref_squeeze %dma_start3A_562 : memref<1x!tpu.dma_semaphore, #tpu.memory_space<semaphore_mem>> -> memref<!tpu.dma_semaphore, #tpu.memory_space<semaphore_mem>>
        tpu.enqueue_indirect_dma source(%dma_start3A_561 : memref<10000x128xf32, #tpu.memory_space<hbm>>) target(%dma_start3A_557 : memref<40x128xf32, #tpu.memory_space<vmem>>) offsets(%dma_start3A_558 : memref<40xi32, #tpu.memory_space<vmem>>) semaphore(%dma_start3A_563 : memref<!tpu.dma_semaphore, #tpu.memory_space<semaphore_mem>>)
        %mul3A_564 = arith.constant 40 : i32
        %mul3A_565 = arith.muli %add3A_549, %mul3A_564 : i32
        %add3A_566 = arith.addi %mul3A_2, %mul3A_565 : i32
        %dma_start3A_567 = arith.constant 2 : i32
        %dma_start3A_568 = arith.constant 2 : i32
        %dma_start3A_569 = arith.constant 0 : i32
        %dma_start3A_570 = tpu.memref_slice %arg8[%dma_start3A_567, %dma_start3A_569] : memref<5x40xi32, #tpu.memory_space<vmem>> -> memref<1x40xi32, #tpu.memory_space<vmem>>
        %dma_start3A_571 = tpu.memref_squeeze %dma_start3A_570 : memref<1x40xi32, #tpu.memory_space<vmem>> -> memref<40xi32, #tpu.memory_space<vmem>>
        %dma_start3A_572 = tpu.memref_slice %arg4[%add3A_566] : memref<320000xi32, #tpu.memory_space<hbm>> -> memref<40xi32, #tpu.memory_space<hbm>>
        %dma_start3A_573 = tpu.memref_slice %arg13[%dma_start3A_568] : memref<5x!tpu.dma_semaphore, #tpu.memory_space<semaphore_mem>> -> memref<1x!tpu.dma_semaphore, #tpu.memory_space<semaphore_mem>>
        %dma_start3A_574 = tpu.memref_squeeze %dma_start3A_573 : memref<1x!tpu.dma_semaphore, #tpu.memory_space<semaphore_mem>> -> memref<!tpu.dma_semaphore, #tpu.memory_space<semaphore_mem>>
        %dma_start3A_575 = arith.constant 0 : i32
        %dma_start3A_576 = tpu.memref_slice %arg8[%dma_start3A_567, %dma_start3A_575] : memref<5x40xi32, #tpu.memory_space<vmem>> -> memref<1x40xi32, #tpu.memory_space<vmem>>
        %dma_start3A_577 = tpu.memref_squeeze %dma_start3A_576 : memref<1x40xi32, #tpu.memory_space<vmem>> -> memref<40xi32, #tpu.memory_space<vmem>>
        %dma_start3A_578 = tpu.memref_slice %arg4[%add3A_566] : memref<320000xi32, #tpu.memory_space<hbm>> -> memref<40xi32, #tpu.memory_space<hbm>>
        tpu.enqueue_dma source(%dma_start3A_578 : memref<40xi32, #tpu.memory_space<hbm>>) target(%dma_start3A_577 : memref<40xi32, #tpu.memory_space<vmem>>) target_semaphore(%dma_start3A_574 : memref<!tpu.dma_semaphore, #tpu.memory_space<semaphore_mem>>)
      } else {
      }
      %add3A_510 = arith.constant 3 : i32
      %add3A_511 = arith.addi %add3A_248, %add3A_510 : i32
      %add3A_512 = arith.constant 5 : i32
      %add3A_513 = arith.addi %add3A_511, %add3A_512 : i32
      %lt3A_514 = arith.constant 250 : i32
      %lt3A_515 = arith.cmpi slt, %add3A_513, %lt3A_514 : i32
      %convert_element_type3A_516 = arith.extui %lt3A_515 : i1 to i32
      %cond3A_517 = arith.constant 0 : i32
      %cond3A_518 = arith.cmpi ne, %convert_element_type3A_516, %cond3A_517 : i32
      scf.if %cond3A_518 {
        %dma_wait3A_528 = arith.constant 3 : i32
        %dma_wait3A_529 = arith.constant 3 : i32
        %dma_wait3A_530 = arith.constant 0 : i32
        %dma_wait3A_531 = arith.constant 0 : i32
        %dma_wait3A_532 = tpu.memref_slice %arg9[%dma_wait3A_528, %dma_wait3A_530, %dma_wait3A_531] : memref<5x40x128xf32, #tpu.memory_space<vmem>> -> memref<1x40x128xf32, #tpu.memory_space<vmem>>
        %dma_wait3A_533 = tpu.memref_squeeze %dma_wait3A_532 : memref<1x40x128xf32, #tpu.memory_space<vmem>> -> memref<40x128xf32, #tpu.memory_space<vmem>>
        %dma_wait3A_534 = arith.constant 0 : i32
        %dma_wait3A_535 = arith.constant 0 : i32
        %dma_wait3A_536 = tpu.memref_slice %arg10[%dma_wait3A_534, %dma_wait3A_535] : memref<10000x128xf32, #tpu.memory_space<vmem_shared>> -> memref<40x128xf32, #tpu.memory_space<vmem_shared>>
        %dma_wait3A_537 = tpu.memref_slice %arg12[%dma_wait3A_529] : memref<5x!tpu.dma_semaphore, #tpu.memory_space<semaphore_mem>> -> memref<1x!tpu.dma_semaphore, #tpu.memory_space<semaphore_mem>>
        %dma_wait3A_538 = tpu.memref_squeeze %dma_wait3A_537 : memref<1x!tpu.dma_semaphore, #tpu.memory_space<semaphore_mem>> -> memref<!tpu.dma_semaphore, #tpu.memory_space<semaphore_mem>>
        %dma_wait3A_539 = arith.constant 0 : i32
        %dma_wait3A_540 = arith.constant 0 : i32
        %dma_wait3A_541 = tpu.memref_slice %arg10[%dma_wait3A_539, %dma_wait3A_540] : memref<10000x128xf32, #tpu.memory_space<vmem_shared>> -> memref<40x128xf32, #tpu.memory_space<vmem_shared>>
        %dma_wait3A_542 = arith.constant 0 : i32
        %dma_wait3A_543 = arith.constant 0 : i32
        %dma_wait3A_544 = tpu.memref_slice %arg9[%dma_wait3A_528, %dma_wait3A_542, %dma_wait3A_543] : memref<5x40x128xf32, #tpu.memory_space<vmem>> -> memref<1x40x128xf32, #tpu.memory_space<vmem>>
        %dma_wait3A_545 = tpu.memref_squeeze %dma_wait3A_544 : memref<1x40x128xf32, #tpu.memory_space<vmem>> -> memref<40x128xf32, #tpu.memory_space<vmem>>
        tpu.wait_dma2 semaphore(%dma_wait3A_538 : memref<!tpu.dma_semaphore, #tpu.memory_space<semaphore_mem>>) src(%dma_wait3A_545 : memref<40x128xf32, #tpu.memory_space<vmem>>) dst(%dma_wait3A_541 : memref<40x128xf32, #tpu.memory_space<vmem_shared>>)
        %add3A_546 = arith.constant 3 : i32
        %add3A_547 = arith.addi %add3A_248, %add3A_546 : i32
        %add3A_548 = arith.constant 5 : i32
        %add3A_549 = arith.addi %add3A_547, %add3A_548 : i32
        %mul3A_550 = arith.constant 40 : i32
        %mul3A_551 = arith.muli %add3A_549, %mul3A_550 : i32
        %dma_start3A_552 = arith.constant 3 : i32
        %dma_start3A_553 = arith.constant 3 : i32
        %dma_start3A_554 = arith.constant 0 : i32
        %dma_start3A_555 = arith.constant 0 : i32
        %dma_start3A_556 = tpu.memref_slice %arg9[%dma_start3A_552, %dma_start3A_554, %dma_start3A_555] : memref<5x40x128xf32, #tpu.memory_space<vmem>> -> memref<1x40x128xf32, #tpu.memory_space<vmem>>
        %dma_start3A_557 = tpu.memref_squeeze %dma_start3A_556 : memref<1x40x128xf32, #tpu.memory_space<vmem>> -> memref<40x128xf32, #tpu.memory_space<vmem>>
        %dma_start3A_558 = tpu.memref_slice %arg7[%mul3A_551] : memref<10000xi32, #tpu.memory_space<vmem>> -> memref<40xi32, #tpu.memory_space<vmem>>
        %dma_start3A_559 = arith.constant 0 : i32
        %dma_start3A_560 = arith.constant 0 : i32
        %dma_start3A_561 = tpu.memref_slice %arg2[%dma_start3A_559, %dma_start3A_560] : memref<10000x128xf32, #tpu.memory_space<hbm>> -> memref<10000x128xf32, #tpu.memory_space<hbm>>
        %dma_start3A_562 = tpu.memref_slice %arg11[%dma_start3A_553] : memref<5x!tpu.dma_semaphore, #tpu.memory_space<semaphore_mem>> -> memref<1x!tpu.dma_semaphore, #tpu.memory_space<semaphore_mem>>
        %dma_start3A_563 = tpu.memref_squeeze %dma_start3A_562 : memref<1x!tpu.dma_semaphore, #tpu.memory_space<semaphore_mem>> -> memref<!tpu.dma_semaphore, #tpu.memory_space<semaphore_mem>>
        tpu.enqueue_indirect_dma source(%dma_start3A_561 : memref<10000x128xf32, #tpu.memory_space<hbm>>) target(%dma_start3A_557 : memref<40x128xf32, #tpu.memory_space<vmem>>) offsets(%dma_start3A_558 : memref<40xi32, #tpu.memory_space<vmem>>) semaphore(%dma_start3A_563 : memref<!tpu.dma_semaphore, #tpu.memory_space<semaphore_mem>>)
        %mul3A_564 = arith.constant 40 : i32
        %mul3A_565 = arith.muli %add3A_549, %mul3A_564 : i32
        %add3A_566 = arith.addi %mul3A_2, %mul3A_565 : i32
        %dma_start3A_567 = arith.constant 3 : i32
        %dma_start3A_568 = arith.constant 3 : i32
        %dma_start3A_569 = arith.constant 0 : i32
        %dma_start3A_570 = tpu.memref_slice %arg8[%dma_start3A_567, %dma_start3A_569] : memref<5x40xi32, #tpu.memory_space<vmem>> -> memref<1x40xi32, #tpu.memory_space<vmem>>
        %dma_start3A_571 = tpu.memref_squeeze %dma_start3A_570 : memref<1x40xi32, #tpu.memory_space<vmem>> -> memref<40xi32, #tpu.memory_space<vmem>>
        %dma_start3A_572 = tpu.memref_slice %arg4[%add3A_566] : memref<320000xi32, #tpu.memory_space<hbm>> -> memref<40xi32, #tpu.memory_space<hbm>>
        %dma_start3A_573 = tpu.memref_slice %arg13[%dma_start3A_568] : memref<5x!tpu.dma_semaphore, #tpu.memory_space<semaphore_mem>> -> memref<1x!tpu.dma_semaphore, #tpu.memory_space<semaphore_mem>>
        %dma_start3A_574 = tpu.memref_squeeze %dma_start3A_573 : memref<1x!tpu.dma_semaphore, #tpu.memory_space<semaphore_mem>> -> memref<!tpu.dma_semaphore, #tpu.memory_space<semaphore_mem>>
        %dma_start3A_575 = arith.constant 0 : i32
        %dma_start3A_576 = tpu.memref_slice %arg8[%dma_start3A_567, %dma_start3A_575] : memref<5x40xi32, #tpu.memory_space<vmem>> -> memref<1x40xi32, #tpu.memory_space<vmem>>
        %dma_start3A_577 = tpu.memref_squeeze %dma_start3A_576 : memref<1x40xi32, #tpu.memory_space<vmem>> -> memref<40xi32, #tpu.memory_space<vmem>>
        %dma_start3A_578 = tpu.memref_slice %arg4[%add3A_566] : memref<320000xi32, #tpu.memory_space<hbm>> -> memref<40xi32, #tpu.memory_space<hbm>>
        tpu.enqueue_dma source(%dma_start3A_578 : memref<40xi32, #tpu.memory_space<hbm>>) target(%dma_start3A_577 : memref<40xi32, #tpu.memory_space<vmem>>) target_semaphore(%dma_start3A_574 : memref<!tpu.dma_semaphore, #tpu.memory_space<semaphore_mem>>)
      } else {
      }
      %add3A_519 = arith.constant 4 : i32
      %add3A_520 = arith.addi %add3A_248, %add3A_519 : i32
      %add3A_521 = arith.constant 5 : i32
      %add3A_522 = arith.addi %add3A_520, %add3A_521 : i32
      %lt3A_523 = arith.constant 250 : i32
      %lt3A_524 = arith.cmpi slt, %add3A_522, %lt3A_523 : i32
      %convert_element_type3A_525 = arith.extui %lt3A_524 : i1 to i32
      %cond3A_526 = arith.constant 0 : i32
      %cond3A_527 = arith.cmpi ne, %convert_element_type3A_525, %cond3A_526 : i32
      scf.if %cond3A_527 {
        %dma_wait3A_528 = arith.constant 4 : i32
        %dma_wait3A_529 = arith.constant 4 : i32
        %dma_wait3A_530 = arith.constant 0 : i32
        %dma_wait3A_531 = arith.constant 0 : i32
        %dma_wait3A_532 = tpu.memref_slice %arg9[%dma_wait3A_528, %dma_wait3A_530, %dma_wait3A_531] : memref<5x40x128xf32, #tpu.memory_space<vmem>> -> memref<1x40x128xf32, #tpu.memory_space<vmem>>
        %dma_wait3A_533 = tpu.memref_squeeze %dma_wait3A_532 : memref<1x40x128xf32, #tpu.memory_space<vmem>> -> memref<40x128xf32, #tpu.memory_space<vmem>>
        %dma_wait3A_534 = arith.constant 0 : i32
        %dma_wait3A_535 = arith.constant 0 : i32
        %dma_wait3A_536 = tpu.memref_slice %arg10[%dma_wait3A_534, %dma_wait3A_535] : memref<10000x128xf32, #tpu.memory_space<vmem_shared>> -> memref<40x128xf32, #tpu.memory_space<vmem_shared>>
        %dma_wait3A_537 = tpu.memref_slice %arg12[%dma_wait3A_529] : memref<5x!tpu.dma_semaphore, #tpu.memory_space<semaphore_mem>> -> memref<1x!tpu.dma_semaphore, #tpu.memory_space<semaphore_mem>>
        %dma_wait3A_538 = tpu.memref_squeeze %dma_wait3A_537 : memref<1x!tpu.dma_semaphore, #tpu.memory_space<semaphore_mem>> -> memref<!tpu.dma_semaphore, #tpu.memory_space<semaphore_mem>>
        %dma_wait3A_539 = arith.constant 0 : i32
        %dma_wait3A_540 = arith.constant 0 : i32
        %dma_wait3A_541 = tpu.memref_slice %arg10[%dma_wait3A_539, %dma_wait3A_540] : memref<10000x128xf32, #tpu.memory_space<vmem_shared>> -> memref<40x128xf32, #tpu.memory_space<vmem_shared>>
        %dma_wait3A_542 = arith.constant 0 : i32
        %dma_wait3A_543 = arith.constant 0 : i32
        %dma_wait3A_544 = tpu.memref_slice %arg9[%dma_wait3A_528, %dma_wait3A_542, %dma_wait3A_543] : memref<5x40x128xf32, #tpu.memory_space<vmem>> -> memref<1x40x128xf32, #tpu.memory_space<vmem>>
        %dma_wait3A_545 = tpu.memref_squeeze %dma_wait3A_544 : memref<1x40x128xf32, #tpu.memory_space<vmem>> -> memref<40x128xf32, #tpu.memory_space<vmem>>
        tpu.wait_dma2 semaphore(%dma_wait3A_538 : memref<!tpu.dma_semaphore, #tpu.memory_space<semaphore_mem>>) src(%dma_wait3A_545 : memref<40x128xf32, #tpu.memory_space<vmem>>) dst(%dma_wait3A_541 : memref<40x128xf32, #tpu.memory_space<vmem_shared>>)
        %add3A_546 = arith.constant 4 : i32
        %add3A_547 = arith.addi %add3A_248, %add3A_546 : i32
        %add3A_548 = arith.constant 5 : i32
        %add3A_549 = arith.addi %add3A_547, %add3A_548 : i32
        %mul3A_550 = arith.constant 40 : i32
        %mul3A_551 = arith.muli %add3A_549, %mul3A_550 : i32
        %dma_start3A_552 = arith.constant 4 : i32
        %dma_start3A_553 = arith.constant 4 : i32
        %dma_start3A_554 = arith.constant 0 : i32
        %dma_start3A_555 = arith.constant 0 : i32
        %dma_start3A_556 = tpu.memref_slice %arg9[%dma_start3A_552, %dma_start3A_554, %dma_start3A_555] : memref<5x40x128xf32, #tpu.memory_space<vmem>> -> memref<1x40x128xf32, #tpu.memory_space<vmem>>
        %dma_start3A_557 = tpu.memref_squeeze %dma_start3A_556 : memref<1x40x128xf32, #tpu.memory_space<vmem>> -> memref<40x128xf32, #tpu.memory_space<vmem>>
        %dma_start3A_558 = tpu.memref_slice %arg7[%mul3A_551] : memref<10000xi32, #tpu.memory_space<vmem>> -> memref<40xi32, #tpu.memory_space<vmem>>
        %dma_start3A_559 = arith.constant 0 : i32
        %dma_start3A_560 = arith.constant 0 : i32
        %dma_start3A_561 = tpu.memref_slice %arg2[%dma_start3A_559, %dma_start3A_560] : memref<10000x128xf32, #tpu.memory_space<hbm>> -> memref<10000x128xf32, #tpu.memory_space<hbm>>
        %dma_start3A_562 = tpu.memref_slice %arg11[%dma_start3A_553] : memref<5x!tpu.dma_semaphore, #tpu.memory_space<semaphore_mem>> -> memref<1x!tpu.dma_semaphore, #tpu.memory_space<semaphore_mem>>
        %dma_start3A_563 = tpu.memref_squeeze %dma_start3A_562 : memref<1x!tpu.dma_semaphore, #tpu.memory_space<semaphore_mem>> -> memref<!tpu.dma_semaphore, #tpu.memory_space<semaphore_mem>>
        tpu.enqueue_indirect_dma source(%dma_start3A_561 : memref<10000x128xf32, #tpu.memory_space<hbm>>) target(%dma_start3A_557 : memref<40x128xf32, #tpu.memory_space<vmem>>) offsets(%dma_start3A_558 : memref<40xi32, #tpu.memory_space<vmem>>) semaphore(%dma_start3A_563 : memref<!tpu.dma_semaphore, #tpu.memory_space<semaphore_mem>>)
        %mul3A_564 = arith.constant 40 : i32
        %mul3A_565 = arith.muli %add3A_549, %mul3A_564 : i32
        %add3A_566 = arith.addi %mul3A_2, %mul3A_565 : i32
        %dma_start3A_567 = arith.constant 4 : i32
        %dma_start3A_568 = arith.constant 4 : i32
        %dma_start3A_569 = arith.constant 0 : i32
        %dma_start3A_570 = tpu.memref_slice %arg8[%dma_start3A_567, %dma_start3A_569] : memref<5x40xi32, #tpu.memory_space<vmem>> -> memref<1x40xi32, #tpu.memory_space<vmem>>
        %dma_start3A_571 = tpu.memref_squeeze %dma_start3A_570 : memref<1x40xi32, #tpu.memory_space<vmem>> -> memref<40xi32, #tpu.memory_space<vmem>>
        %dma_start3A_572 = tpu.memref_slice %arg4[%add3A_566] : memref<320000xi32, #tpu.memory_space<hbm>> -> memref<40xi32, #tpu.memory_space<hbm>>
        %dma_start3A_573 = tpu.memref_slice %arg13[%dma_start3A_568] : memref<5x!tpu.dma_semaphore, #tpu.memory_space<semaphore_mem>> -> memref<1x!tpu.dma_semaphore, #tpu.memory_space<semaphore_mem>>
        %dma_start3A_574 = tpu.memref_squeeze %dma_start3A_573 : memref<1x!tpu.dma_semaphore, #tpu.memory_space<semaphore_mem>> -> memref<!tpu.dma_semaphore, #tpu.memory_space<semaphore_mem>>
        %dma_start3A_575 = arith.constant 0 : i32
        %dma_start3A_576 = tpu.memref_slice %arg8[%dma_start3A_567, %dma_start3A_575] : memref<5x40xi32, #tpu.memory_space<vmem>> -> memref<1x40xi32, #tpu.memory_space<vmem>>
        %dma_start3A_577 = tpu.memref_squeeze %dma_start3A_576 : memref<1x40xi32, #tpu.memory_space<vmem>> -> memref<40xi32, #tpu.memory_space<vmem>>
        %dma_start3A_578 = tpu.memref_slice %arg4[%add3A_566] : memref<320000xi32, #tpu.memory_space<hbm>> -> memref<40xi32, #tpu.memory_space<hbm>>
        tpu.enqueue_dma source(%dma_start3A_578 : memref<40xi32, #tpu.memory_space<hbm>>) target(%dma_start3A_577 : memref<40xi32, #tpu.memory_space<vmem>>) target_semaphore(%dma_start3A_574 : memref<!tpu.dma_semaphore, #tpu.memory_space<semaphore_mem>>)
      } else {
      }
    }
    %scan3A_144 = arith.constant 50 : i32
    %dma_wait3A = arith.constant 0 : i32
    %dma_wait3A_145 = arith.constant 0 : i32
    %dma_wait3A_146 = arith.constant 0 : i32
    %dma_wait3A_147 = arith.constant 0 : i32
    %dma_wait3A_148 = tpu.memref_slice %arg9[%dma_wait3A, %dma_wait3A_146, %dma_wait3A_147] : memref<5x40x128xf32, #tpu.memory_space<vmem>> -> memref<1x40x128xf32, #tpu.memory_space<vmem>>
    %dma_wait3A_149 = tpu.memref_squeeze %dma_wait3A_148 : memref<1x40x128xf32, #tpu.memory_space<vmem>> -> memref<40x128xf32, #tpu.memory_space<vmem>>
    %dma_wait3A_150 = arith.constant 0 : i32
    %dma_wait3A_151 = arith.constant 0 : i32
    %dma_wait3A_152 = tpu.memref_slice %arg10[%dma_wait3A_150, %dma_wait3A_151] : memref<10000x128xf32, #tpu.memory_space<vmem_shared>> -> memref<40x128xf32, #tpu.memory_space<vmem_shared>>
    %dma_wait3A_153 = tpu.memref_slice %arg12[%dma_wait3A_145] : memref<5x!tpu.dma_semaphore, #tpu.memory_space<semaphore_mem>> -> memref<1x!tpu.dma_semaphore, #tpu.memory_space<semaphore_mem>>
    %dma_wait3A_154 = tpu.memref_squeeze %dma_wait3A_153 : memref<1x!tpu.dma_semaphore, #tpu.memory_space<semaphore_mem>> -> memref<!tpu.dma_semaphore, #tpu.memory_space<semaphore_mem>>
    %dma_wait3A_155 = arith.constant 0 : i32
    %dma_wait3A_156 = arith.constant 0 : i32
    %dma_wait3A_157 = tpu.memref_slice %arg10[%dma_wait3A_155, %dma_wait3A_156] : memref<10000x128xf32, #tpu.memory_space<vmem_shared>> -> memref<40x128xf32, #tpu.memory_space<vmem_shared>>
    %dma_wait3A_158 = arith.constant 0 : i32
    %dma_wait3A_159 = arith.constant 0 : i32
    %dma_wait3A_160 = tpu.memref_slice %arg9[%dma_wait3A, %dma_wait3A_158, %dma_wait3A_159] : memref<5x40x128xf32, #tpu.memory_space<vmem>> -> memref<1x40x128xf32, #tpu.memory_space<vmem>>
    %dma_wait3A_161 = tpu.memref_squeeze %dma_wait3A_160 : memref<1x40x128xf32, #tpu.memory_space<vmem>> -> memref<40x128xf32, #tpu.memory_space<vmem>>
    tpu.wait_dma2 semaphore(%dma_wait3A_154 : memref<!tpu.dma_semaphore, #tpu.memory_space<semaphore_mem>>) src(%dma_wait3A_161 : memref<40x128xf32, #tpu.memory_space<vmem>>) dst(%dma_wait3A_157 : memref<40x128xf32, #tpu.memory_space<vmem_shared>>)
    %dma_wait3A_162 = arith.constant 1 : i32
    %dma_wait3A_163 = arith.constant 1 : i32
    %dma_wait3A_164 = arith.constant 0 : i32
    %dma_wait3A_165 = arith.constant 0 : i32
    %dma_wait3A_166 = tpu.memref_slice %arg9[%dma_wait3A_162, %dma_wait3A_164, %dma_wait3A_165] : memref<5x40x128xf32, #tpu.memory_space<vmem>> -> memref<1x40x128xf32, #tpu.memory_space<vmem>>
    %dma_wait3A_167 = tpu.memref_squeeze %dma_wait3A_166 : memref<1x40x128xf32, #tpu.memory_space<vmem>> -> memref<40x128xf32, #tpu.memory_space<vmem>>
    %dma_wait3A_168 = arith.constant 0 : i32
    %dma_wait3A_169 = arith.constant 0 : i32
    %dma_wait3A_170 = tpu.memref_slice %arg10[%dma_wait3A_168, %dma_wait3A_169] : memref<10000x128xf32, #tpu.memory_space<vmem_shared>> -> memref<40x128xf32, #tpu.memory_space<vmem_shared>>
    %dma_wait3A_171 = tpu.memref_slice %arg12[%dma_wait3A_163] : memref<5x!tpu.dma_semaphore, #tpu.memory_space<semaphore_mem>> -> memref<1x!tpu.dma_semaphore, #tpu.memory_space<semaphore_mem>>
    %dma_wait3A_172 = tpu.memref_squeeze %dma_wait3A_171 : memref<1x!tpu.dma_semaphore, #tpu.memory_space<semaphore_mem>> -> memref<!tpu.dma_semaphore, #tpu.memory_space<semaphore_mem>>
    %dma_wait3A_173 = arith.constant 0 : i32
    %dma_wait3A_174 = arith.constant 0 : i32
    %dma_wait3A_175 = tpu.memref_slice %arg10[%dma_wait3A_173, %dma_wait3A_174] : memref<10000x128xf32, #tpu.memory_space<vmem_shared>> -> memref<40x128xf32, #tpu.memory_space<vmem_shared>>
    %dma_wait3A_176 = arith.constant 0 : i32
    %dma_wait3A_177 = arith.constant 0 : i32
    %dma_wait3A_178 = tpu.memref_slice %arg9[%dma_wait3A_162, %dma_wait3A_176, %dma_wait3A_177] : memref<5x40x128xf32, #tpu.memory_space<vmem>> -> memref<1x40x128xf32, #tpu.memory_space<vmem>>
    %dma_wait3A_179 = tpu.memref_squeeze %dma_wait3A_178 : memref<1x40x128xf32, #tpu.memory_space<vmem>> -> memref<40x128xf32, #tpu.memory_space<vmem>>
    tpu.wait_dma2 semaphore(%dma_wait3A_172 : memref<!tpu.dma_semaphore, #tpu.memory_space<semaphore_mem>>) src(%dma_wait3A_179 : memref<40x128xf32, #tpu.memory_space<vmem>>) dst(%dma_wait3A_175 : memref<40x128xf32, #tpu.memory_space<vmem_shared>>)
    %dma_wait3A_180 = arith.constant 2 : i32
    %dma_wait3A_181 = arith.constant 2 : i32
    %dma_wait3A_182 = arith.constant 0 : i32
    %dma_wait3A_183 = arith.constant 0 : i32
    %dma_wait3A_184 = tpu.memref_slice %arg9[%dma_wait3A_180, %dma_wait3A_182, %dma_wait3A_183] : memref<5x40x128xf32, #tpu.memory_space<vmem>> -> memref<1x40x128xf32, #tpu.memory_space<vmem>>
    %dma_wait3A_185 = tpu.memref_squeeze %dma_wait3A_184 : memref<1x40x128xf32, #tpu.memory_space<vmem>> -> memref<40x128xf32, #tpu.memory_space<vmem>>
    %dma_wait3A_186 = arith.constant 0 : i32
    %dma_wait3A_187 = arith.constant 0 : i32
    %dma_wait3A_188 = tpu.memref_slice %arg10[%dma_wait3A_186, %dma_wait3A_187] : memref<10000x128xf32, #tpu.memory_space<vmem_shared>> -> memref<40x128xf32, #tpu.memory_space<vmem_shared>>
    %dma_wait3A_189 = tpu.memref_slice %arg12[%dma_wait3A_181] : memref<5x!tpu.dma_semaphore, #tpu.memory_space<semaphore_mem>> -> memref<1x!tpu.dma_semaphore, #tpu.memory_space<semaphore_mem>>
    %dma_wait3A_190 = tpu.memref_squeeze %dma_wait3A_189 : memref<1x!tpu.dma_semaphore, #tpu.memory_space<semaphore_mem>> -> memref<!tpu.dma_semaphore, #tpu.memory_space<semaphore_mem>>
    %dma_wait3A_191 = arith.constant 0 : i32
    %dma_wait3A_192 = arith.constant 0 : i32
    %dma_wait3A_193 = tpu.memref_slice %arg10[%dma_wait3A_191, %dma_wait3A_192] : memref<10000x128xf32, #tpu.memory_space<vmem_shared>> -> memref<40x128xf32, #tpu.memory_space<vmem_shared>>
    %dma_wait3A_194 = arith.constant 0 : i32
    %dma_wait3A_195 = arith.constant 0 : i32
    %dma_wait3A_196 = tpu.memref_slice %arg9[%dma_wait3A_180, %dma_wait3A_194, %dma_wait3A_195] : memref<5x40x128xf32, #tpu.memory_space<vmem>> -> memref<1x40x128xf32, #tpu.memory_space<vmem>>
    %dma_wait3A_197 = tpu.memref_squeeze %dma_wait3A_196 : memref<1x40x128xf32, #tpu.memory_space<vmem>> -> memref<40x128xf32, #tpu.memory_space<vmem>>
    tpu.wait_dma2 semaphore(%dma_wait3A_190 : memref<!tpu.dma_semaphore, #tpu.memory_space<semaphore_mem>>) src(%dma_wait3A_197 : memref<40x128xf32, #tpu.memory_space<vmem>>) dst(%dma_wait3A_193 : memref<40x128xf32, #tpu.memory_space<vmem_shared>>)
    %dma_wait3A_198 = arith.constant 3 : i32
    %dma_wait3A_199 = arith.constant 3 : i32
    %dma_wait3A_200 = arith.constant 0 : i32
    %dma_wait3A_201 = arith.constant 0 : i32
    %dma_wait3A_202 = tpu.memref_slice %arg9[%dma_wait3A_198, %dma_wait3A_200, %dma_wait3A_201] : memref<5x40x128xf32, #tpu.memory_space<vmem>> -> memref<1x40x128xf32, #tpu.memory_space<vmem>>
    %dma_wait3A_203 = tpu.memref_squeeze %dma_wait3A_202 : memref<1x40x128xf32, #tpu.memory_space<vmem>> -> memref<40x128xf32, #tpu.memory_space<vmem>>
    %dma_wait3A_204 = arith.constant 0 : i32
    %dma_wait3A_205 = arith.constant 0 : i32
    %dma_wait3A_206 = tpu.memref_slice %arg10[%dma_wait3A_204, %dma_wait3A_205] : memref<10000x128xf32, #tpu.memory_space<vmem_shared>> -> memref<40x128xf32, #tpu.memory_space<vmem_shared>>
    %dma_wait3A_207 = tpu.memref_slice %arg12[%dma_wait3A_199] : memref<5x!tpu.dma_semaphore, #tpu.memory_space<semaphore_mem>> -> memref<1x!tpu.dma_semaphore, #tpu.memory_space<semaphore_mem>>
    %dma_wait3A_208 = tpu.memref_squeeze %dma_wait3A_207 : memref<1x!tpu.dma_semaphore, #tpu.memory_space<semaphore_mem>> -> memref<!tpu.dma_semaphore, #tpu.memory_space<semaphore_mem>>
    %dma_wait3A_209 = arith.constant 0 : i32
    %dma_wait3A_210 = arith.constant 0 : i32
    %dma_wait3A_211 = tpu.memref_slice %arg10[%dma_wait3A_209, %dma_wait3A_210] : memref<10000x128xf32, #tpu.memory_space<vmem_shared>> -> memref<40x128xf32, #tpu.memory_space<vmem_shared>>
    %dma_wait3A_212 = arith.constant 0 : i32
    %dma_wait3A_213 = arith.constant 0 : i32
    %dma_wait3A_214 = tpu.memref_slice %arg9[%dma_wait3A_198, %dma_wait3A_212, %dma_wait3A_213] : memref<5x40x128xf32, #tpu.memory_space<vmem>> -> memref<1x40x128xf32, #tpu.memory_space<vmem>>
    %dma_wait3A_215 = tpu.memref_squeeze %dma_wait3A_214 : memref<1x40x128xf32, #tpu.memory_space<vmem>> -> memref<40x128xf32, #tpu.memory_space<vmem>>
    tpu.wait_dma2 semaphore(%dma_wait3A_208 : memref<!tpu.dma_semaphore, #tpu.memory_space<semaphore_mem>>) src(%dma_wait3A_215 : memref<40x128xf32, #tpu.memory_space<vmem>>) dst(%dma_wait3A_211 : memref<40x128xf32, #tpu.memory_space<vmem_shared>>)
    %dma_wait3A_216 = arith.constant 4 : i32
    %dma_wait3A_217 = arith.constant 4 : i32
    %dma_wait3A_218 = arith.constant 0 : i32
    %dma_wait3A_219 = arith.constant 0 : i32
    %dma_wait3A_220 = tpu.memref_slice %arg9[%dma_wait3A_216, %dma_wait3A_218, %dma_wait3A_219] : memref<5x40x128xf32, #tpu.memory_space<vmem>> -> memref<1x40x128xf32, #tpu.memory_space<vmem>>
    %dma_wait3A_221 = tpu.memref_squeeze %dma_wait3A_220 : memref<1x40x128xf32, #tpu.memory_space<vmem>> -> memref<40x128xf32, #tpu.memory_space<vmem>>
    %dma_wait3A_222 = arith.constant 0 : i32
    %dma_wait3A_223 = arith.constant 0 : i32
    %dma_wait3A_224 = tpu.memref_slice %arg10[%dma_wait3A_222, %dma_wait3A_223] : memref<10000x128xf32, #tpu.memory_space<vmem_shared>> -> memref<40x128xf32, #tpu.memory_space<vmem_shared>>
    %dma_wait3A_225 = tpu.memref_slice %arg12[%dma_wait3A_217] : memref<5x!tpu.dma_semaphore, #tpu.memory_space<semaphore_mem>> -> memref<1x!tpu.dma_semaphore, #tpu.memory_space<semaphore_mem>>
    %dma_wait3A_226 = tpu.memref_squeeze %dma_wait3A_225 : memref<1x!tpu.dma_semaphore, #tpu.memory_space<semaphore_mem>> -> memref<!tpu.dma_semaphore, #tpu.memory_space<semaphore_mem>>
    %dma_wait3A_227 = arith.constant 0 : i32
    %dma_wait3A_228 = arith.constant 0 : i32
    %dma_wait3A_229 = tpu.memref_slice %arg10[%dma_wait3A_227, %dma_wait3A_228] : memref<10000x128xf32, #tpu.memory_space<vmem_shared>> -> memref<40x128xf32, #tpu.memory_space<vmem_shared>>
    %dma_wait3A_230 = arith.constant 0 : i32
    %dma_wait3A_231 = arith.constant 0 : i32
    %dma_wait3A_232 = tpu.memref_slice %arg9[%dma_wait3A_216, %dma_wait3A_230, %dma_wait3A_231] : memref<5x40x128xf32, #tpu.memory_space<vmem>> -> memref<1x40x128xf32, #tpu.memory_space<vmem>>
    %dma_wait3A_233 = tpu.memref_squeeze %dma_wait3A_232 : memref<1x40x128xf32, #tpu.memory_space<vmem>> -> memref<40x128xf32, #tpu.memory_space<vmem>>
    tpu.wait_dma2 semaphore(%dma_wait3A_226 : memref<!tpu.dma_semaphore, #tpu.memory_space<semaphore_mem>>) src(%dma_wait3A_233 : memref<40x128xf32, #tpu.memory_space<vmem>>) dst(%dma_wait3A_229 : memref<40x128xf32, #tpu.memory_space<vmem_shared>>)
    %barrier3A_234 = arith.constant 0 : index
    tpu.barrier barrier_id(%barrier3A_234)
    %mul3A_235 = arith.constant 624 : i32
    %mul3A_236 = arith.muli %arg1, %mul3A_235 : i32
    %mul3A_237 = arith.constant 624 : i32
    %mul3A_238 = arith.muli %arg1, %mul3A_237 : i32
    "tpu.region"() ({
      %run_scoped3A = tpu.sem_alloc : memref<!tpu.dma_semaphore, #tpu.memory_space<semaphore_mem>>
      %dma_start3A_244 = arith.constant 0 : i32
      %dma_start3A_245 = tpu.memref_slice %arg6[%arg0, %mul3A_238, %dma_start3A_244] : memref<2x10000x128xf32, #tpu.memory_space<hbm>> -> memref<1x624x128xf32, #tpu.memory_space<hbm>>
      %dma_start3A_246 = tpu.memref_squeeze %dma_start3A_245 : memref<1x624x128xf32, #tpu.memory_space<hbm>> -> memref<624x128xf32, #tpu.memory_space<hbm>>
      %dma_start3A_247 = arith.constant 0 : i32
      %dma_start3A_248 = tpu.memref_slice %arg10[%mul3A_236, %dma_start3A_247] : memref<10000x128xf32, #tpu.memory_space<vmem_shared>> -> memref<624x128xf32, #tpu.memory_space<vmem_shared>>
      tpu.enqueue_dma source(%dma_start3A_248 : memref<624x128xf32, #tpu.memory_space<vmem_shared>>) target(%dma_start3A_246 : memref<624x128xf32, #tpu.memory_space<hbm>>) target_semaphore(%run_scoped3A : memref<!tpu.dma_semaphore, #tpu.memory_space<semaphore_mem>>)
      %dma_wait3A_249 = arith.constant 0 : i32
      %dma_wait3A_250 = tpu.memref_slice %arg6[%arg0, %mul3A_238, %dma_wait3A_249] : memref<2x10000x128xf32, #tpu.memory_space<hbm>> -> memref<1x624x128xf32, #tpu.memory_space<hbm>>
      %dma_wait3A_251 = tpu.memref_squeeze %dma_wait3A_250 : memref<1x624x128xf32, #tpu.memory_space<hbm>> -> memref<624x128xf32, #tpu.memory_space<hbm>>
      %dma_wait3A_252 = arith.constant 0 : i32
      %dma_wait3A_253 = tpu.memref_slice %arg10[%mul3A_236, %dma_wait3A_252] : memref<10000x128xf32, #tpu.memory_space<vmem_shared>> -> memref<624x128xf32, #tpu.memory_space<vmem_shared>>
      tpu.wait_dma2 semaphore(%run_scoped3A : memref<!tpu.dma_semaphore, #tpu.memory_space<semaphore_mem>>) src(%dma_wait3A_253 : memref<624x128xf32, #tpu.memory_space<vmem_shared>>) dst(%dma_wait3A_251 : memref<624x128xf32, #tpu.memory_space<hbm>>)
      tpu.yield
    }) : () -> ()
    %eq3A_239 = arith.constant 15 : i32
    %eq3A_240 = arith.cmpi eq, %arg1, %eq3A_239 : i32
    %convert_element_type3A_241 = arith.extui %eq3A_240 : i1 to i32
    %cond3A_242 = arith.constant 0 : i32
    %cond3A_243 = arith.cmpi ne, %convert_element_type3A_241, %cond3A_242 : i32
    scf.if %cond3A_243 {
      "tpu.region"() ({
        %run_scoped3A = tpu.sem_alloc : memref<!tpu.dma_semaphore, #tpu.memory_space<semaphore_mem>>
        %dma_start3A_244 = arith.constant 9984 : i32
        %dma_start3A_245 = arith.constant 0 : i32
        %dma_start3A_246 = tpu.memref_slice %arg6[%arg0, %dma_start3A_244, %dma_start3A_245] : memref<2x10000x128xf32, #tpu.memory_space<hbm>> -> memref<1x16x128xf32, #tpu.memory_space<hbm>>
        %dma_start3A_247 = tpu.memref_squeeze %dma_start3A_246 : memref<1x16x128xf32, #tpu.memory_space<hbm>> -> memref<16x128xf32, #tpu.memory_space<hbm>>
        %dma_start3A_248 = arith.constant 9984 : i32
        %dma_start3A_249 = arith.constant 0 : i32
        %dma_start3A_250 = tpu.memref_slice %arg10[%dma_start3A_248, %dma_start3A_249] : memref<10000x128xf32, #tpu.memory_space<vmem_shared>> -> memref<16x128xf32, #tpu.memory_space<vmem_shared>>
        tpu.enqueue_dma source(%dma_start3A_250 : memref<16x128xf32, #tpu.memory_space<vmem_shared>>) target(%dma_start3A_247 : memref<16x128xf32, #tpu.memory_space<hbm>>) target_semaphore(%run_scoped3A : memref<!tpu.dma_semaphore, #tpu.memory_space<semaphore_mem>>)
        %dma_wait3A_251 = arith.constant 9984 : i32
        %dma_wait3A_252 = arith.constant 0 : i32
        %dma_wait3A_253 = tpu.memref_slice %arg6[%arg0, %dma_wait3A_251, %dma_wait3A_252] : memref<2x10000x128xf32, #tpu.memory_space<hbm>> -> memref<1x16x128xf32, #tpu.memory_space<hbm>>
        %dma_wait3A_254 = tpu.memref_squeeze %dma_wait3A_253 : memref<1x16x128xf32, #tpu.memory_space<hbm>> -> memref<16x128xf32, #tpu.memory_space<hbm>>
        %dma_wait3A_255 = arith.constant 9984 : i32
        %dma_wait3A_256 = arith.constant 0 : i32
        %dma_wait3A_257 = tpu.memref_slice %arg10[%dma_wait3A_255, %dma_wait3A_256] : memref<10000x128xf32, #tpu.memory_space<vmem_shared>> -> memref<16x128xf32, #tpu.memory_space<vmem_shared>>
        tpu.wait_dma2 semaphore(%run_scoped3A : memref<!tpu.dma_semaphore, #tpu.memory_space<semaphore_mem>>) src(%dma_wait3A_257 : memref<16x128xf32, #tpu.memory_space<vmem_shared>>) dst(%dma_wait3A_254 : memref<16x128xf32, #tpu.memory_space<hbm>>)
        tpu.yield
      }) : () -> ()
    } else {
    }
    return
  }
}

#map = affine_map<(d0, d1) -> (0, 0)>
#map1 = affine_map<(d0, d1) -> (0)>
#map2 = affine_map<(d0, d1) -> (0, 0, 0)>
module attributes {stable_mosaic.version = 14 : i64} {
  func.func @_sc_aggr_kernel(%arg0: i32, %arg1: i32, %arg2: memref<10000x128xf32, #tpu.memory_space<hbm>>, %arg3: memref<320000xi32, #tpu.memory_space<hbm>>, %arg4: memref<320000xi32, #tpu.memory_space<hbm>>, %arg5: memref<624x128xf32, #tpu.memory_space<hbm>>, %arg6: memref<2x10000x128xf32, #tpu.memory_space<hbm>>, %arg7: memref<10000xi32, #tpu.memory_space<vmem>>, %arg8: memref<5x40xi32, #tpu.memory_space<vmem>>, %arg9: memref<5x40x128xf32, #tpu.memory_space<vmem>>, %arg10: memref<10000x128xf32, #tpu.memory_space<vmem_shared>>, %arg11: memref<5x!tpu.dma_semaphore, #tpu.memory_space<semaphore_mem>>, %arg12: memref<5x!tpu.dma_semaphore, #tpu.memory_space<semaphore_mem>>, %arg13: memref<5x!tpu.dma_semaphore, #tpu.memory_space<semaphore_mem>>) attributes {dimension_semantics = [#tpu.dimension_semantics<core_parallel>, #tpu.dimension_semantics<subcore_parallel>], iteration_bounds = array<i64: 2, 16>, scalar_prefetch = 0 : i64, scratch_operands = 7 : i64, tpu.core_type = #tpu.core_type<sc_vector_subcore>, window_params = [{transform_indices = #map}, {transform_indices = #map1}, {transform_indices = #map1}, {transform_indices = #map}, {transform_indices = #map2}]} {
    %mul3A = arith.constant 2 : i32
    %mul3A_0 = arith.muli %arg1, %mul3A : i32
    %add3A = arith.addi %mul3A_0, %arg0 : i32
    %mul3A_1 = arith.constant 10000 : i32
    %mul3A_2 = arith.muli %add3A, %mul3A_1 : i32
    "tpu.region"() ({
      %run_scoped3A = tpu.sem_alloc : memref<!tpu.dma_semaphore, #tpu.memory_space<semaphore_mem>>
      %dma_start3A_244 = tpu.memref_slice %arg3[%mul3A_2] : memref<320000xi32, #tpu.memory_space<hbm>> -> memref<10000xi32, #tpu.memory_space<hbm>>
      %dma_start3A_245 = tpu.memref_slice %arg3[%mul3A_2] : memref<320000xi32, #tpu.memory_space<hbm>> -> memref<10000xi32, #tpu.memory_space<hbm>>
      tpu.enqueue_dma source(%dma_start3A_245 : memref<10000xi32, #tpu.memory_space<hbm>>) target(%arg7 : memref<10000xi32, #tpu.memory_space<vmem>>) target_semaphore(%run_scoped3A : memref<!tpu.dma_semaphore, #tpu.memory_space<semaphore_mem>>)
      %dma_wait3A_246 = tpu.memref_slice %arg3[%mul3A_2] : memref<320000xi32, #tpu.memory_space<hbm>> -> memref<10000xi32, #tpu.memory_space<hbm>>
      %dma_wait3A_247 = tpu.memref_slice %arg3[%mul3A_2] : memref<320000xi32, #tpu.memory_space<hbm>> -> memref<10000xi32, #tpu.memory_space<hbm>>
      tpu.wait_dma2 semaphore(%run_scoped3A : memref<!tpu.dma_semaphore, #tpu.memory_space<semaphore_mem>>) src(%dma_wait3A_247 : memref<10000xi32, #tpu.memory_space<hbm>>) dst(%arg7 : memref<10000xi32, #tpu.memory_space<vmem>>)
      tpu.yield
    }) : () -> ()
    %dma_start3A = arith.constant 0 : i32
    %dma_start3A_3 = arith.constant 0 : i32
    %dma_start3A_4 = arith.constant 0 : i32
    %dma_start3A_5 = arith.constant 0 : i32
    %dma_start3A_6 = tpu.memref_slice %arg9[%dma_start3A, %dma_start3A_4, %dma_start3A_5] : memref<5x40x128xf32, #tpu.memory_space<vmem>> -> memref<1x40x128xf32, #tpu.memory_space<vmem>>
    %dma_start3A_7 = tpu.memref_squeeze %dma_start3A_6 : memref<1x40x128xf32, #tpu.memory_space<vmem>> -> memref<40x128xf32, #tpu.memory_space<vmem>>
    %dma_start3A_8 = arith.constant 0 : i32
    %dma_start3A_9 = tpu.memref_slice %arg7[%dma_start3A_8] : memref<10000xi32, #tpu.memory_space<vmem>> -> memref<40xi32, #tpu.memory_space<vmem>>
    %dma_start3A_10 = arith.constant 0 : i32
    %dma_start3A_11 = arith.constant 0 : i32
    %dma_start3A_12 = tpu.memref_slice %arg2[%dma_start3A_10, %dma_start3A_11] : memref<10000x128xf32, #tpu.memory_space<hbm>> -> memref<10000x128xf32, #tpu.memory_space<hbm>>
    %dma_start3A_13 = tpu.memref_slice %arg11[%dma_start3A_3] : memref<5x!tpu.dma_semaphore, #tpu.memory_space<semaphore_mem>> -> memref<1x!tpu.dma_semaphore, #tpu.memory_space<semaphore_mem>>
    %dma_start3A_14 = tpu.memref_squeeze %dma_start3A_13 : memref<1x!tpu.dma_semaphore, #tpu.memory_space<semaphore_mem>> -> memref<!tpu.dma_semaphore, #tpu.memory_space<semaphore_mem>>
    tpu.enqueue_indirect_dma source(%dma_start3A_12 : memref<10000x128xf32, #tpu.memory_space<hbm>>) target(%dma_start3A_7 : memref<40x128xf32, #tpu.memory_space<vmem>>) offsets(%dma_start3A_9 : memref<40xi32, #tpu.memory_space<vmem>>) semaphore(%dma_start3A_14 : memref<!tpu.dma_semaphore, #tpu.memory_space<semaphore_mem>>)
    %add3A_15 = arith.constant 0 : i32
    %add3A_16 = arith.addi %mul3A_2, %add3A_15 : i32
    %dma_start3A_17 = arith.constant 0 : i32
    %dma_start3A_18 = arith.constant 0 : i32
    %dma_start3A_19 = arith.constant 0 : i32
    %dma_start3A_20 = tpu.memref_slice %arg8[%dma_start3A_17, %dma_start3A_19] : memref<5x40xi32, #tpu.memory_space<vmem>> -> memref<1x40xi32, #tpu.memory_space<vmem>>
    %dma_start3A_21 = tpu.memref_squeeze %dma_start3A_20 : memref<1x40xi32, #tpu.memory_space<vmem>> -> memref<40xi32, #tpu.memory_space<vmem>>
    %dma_start3A_22 = tpu.memref_slice %arg4[%add3A_16] : memref<320000xi32, #tpu.memory_space<hbm>> -> memref<40xi32, #tpu.memory_space<hbm>>
    %dma_start3A_23 = tpu.memref_slice %arg13[%dma_start3A_18] : memref<5x!tpu.dma_semaphore, #tpu.memory_space<semaphore_mem>> -> memref<1x!tpu.dma_semaphore, #tpu.memory_space<semaphore_mem>>
    %dma_start3A_24 = tpu.memref_squeeze %dma_start3A_23 : memref<1x!tpu.dma_semaphore, #tpu.memory_space<semaphore_mem>> -> memref<!tpu.dma_semaphore, #tpu.memory_space<semaphore_mem>>
    %dma_start3A_25 = arith.constant 0 : i32
    %dma_start3A_26 = tpu.memref_slice %arg8[%dma_start3A_17, %dma_start3A_25] : memref<5x40xi32, #tpu.memory_space<vmem>> -> memref<1x40xi32, #tpu.memory_space<vmem>>
    %dma_start3A_27 = tpu.memref_squeeze %dma_start3A_26 : memref<1x40xi32, #tpu.memory_space<vmem>> -> memref<40xi32, #tpu.memory_space<vmem>>
    %dma_start3A_28 = tpu.memref_slice %arg4[%add3A_16] : memref<320000xi32, #tpu.memory_space<hbm>> -> memref<40xi32, #tpu.memory_space<hbm>>
    tpu.enqueue_dma source(%dma_start3A_28 : memref<40xi32, #tpu.memory_space<hbm>>) target(%dma_start3A_27 : memref<40xi32, #tpu.memory_space<vmem>>) target_semaphore(%dma_start3A_24 : memref<!tpu.dma_semaphore, #tpu.memory_space<semaphore_mem>>)
    %dma_start3A_29 = arith.constant 1 : i32
    %dma_start3A_30 = arith.constant 1 : i32
    %dma_start3A_31 = arith.constant 0 : i32
    %dma_start3A_32 = arith.constant 0 : i32
    %dma_start3A_33 = tpu.memref_slice %arg9[%dma_start3A_29, %dma_start3A_31, %dma_start3A_32] : memref<5x40x128xf32, #tpu.memory_space<vmem>> -> memref<1x40x128xf32, #tpu.memory_space<vmem>>
    %dma_start3A_34 = tpu.memref_squeeze %dma_start3A_33 : memref<1x40x128xf32, #tpu.memory_space<vmem>> -> memref<40x128xf32, #tpu.memory_space<vmem>>
    %dma_start3A_35 = arith.constant 40 : i32
    %dma_start3A_36 = tpu.memref_slice %arg7[%dma_start3A_35] : memref<10000xi32, #tpu.memory_space<vmem>> -> memref<40xi32, #tpu.memory_space<vmem>>
    %dma_start3A_37 = arith.constant 0 : i32
    %dma_start3A_38 = arith.constant 0 : i32
    %dma_start3A_39 = tpu.memref_slice %arg2[%dma_start3A_37, %dma_start3A_38] : memref<10000x128xf32, #tpu.memory_space<hbm>> -> memref<10000x128xf32, #tpu.memory_space<hbm>>
    %dma_start3A_40 = tpu.memref_slice %arg11[%dma_start3A_30] : memref<5x!tpu.dma_semaphore, #tpu.memory_space<semaphore_mem>> -> memref<1x!tpu.dma_semaphore, #tpu.memory_space<semaphore_mem>>
    %dma_start3A_41 = tpu.memref_squeeze %dma_start3A_40 : memref<1x!tpu.dma_semaphore, #tpu.memory_space<semaphore_mem>> -> memref<!tpu.dma_semaphore, #tpu.memory_space<semaphore_mem>>
    tpu.enqueue_indirect_dma source(%dma_start3A_39 : memref<10000x128xf32, #tpu.memory_space<hbm>>) target(%dma_start3A_34 : memref<40x128xf32, #tpu.memory_space<vmem>>) offsets(%dma_start3A_36 : memref<40xi32, #tpu.memory_space<vmem>>) semaphore(%dma_start3A_41 : memref<!tpu.dma_semaphore, #tpu.memory_space<semaphore_mem>>)
    %add3A_42 = arith.constant 40 : i32
    %add3A_43 = arith.addi %mul3A_2, %add3A_42 : i32
    %dma_start3A_44 = arith.constant 1 : i32
    %dma_start3A_45 = arith.constant 1 : i32
    %dma_start3A_46 = arith.constant 0 : i32
    %dma_start3A_47 = tpu.memref_slice %arg8[%dma_start3A_44, %dma_start3A_46] : memref<5x40xi32, #tpu.memory_space<vmem>> -> memref<1x40xi32, #tpu.memory_space<vmem>>
    %dma_start3A_48 = tpu.memref_squeeze %dma_start3A_47 : memref<1x40xi32, #tpu.memory_space<vmem>> -> memref<40xi32, #tpu.memory_space<vmem>>
    %dma_start3A_49 = tpu.memref_slice %arg4[%add3A_43] : memref<320000xi32, #tpu.memory_space<hbm>> -> memref<40xi32, #tpu.memory_space<hbm>>
    %dma_start3A_50 = tpu.memref_slice %arg13[%dma_start3A_45] : memref<5x!tpu.dma_semaphore, #tpu.memory_space<semaphore_mem>> -> memref<1x!tpu.dma_semaphore, #tpu.memory_space<semaphore_mem>>
    %dma_start3A_51 = tpu.memref_squeeze %dma_start3A_50 : memref<1x!tpu.dma_semaphore, #tpu.memory_space<semaphore_mem>> -> memref<!tpu.dma_semaphore, #tpu.memory_space<semaphore_mem>>
    %dma_start3A_52 = arith.constant 0 : i32
    %dma_start3A_53 = tpu.memref_slice %arg8[%dma_start3A_44, %dma_start3A_52] : memref<5x40xi32, #tpu.memory_space<vmem>> -> memref<1x40xi32, #tpu.memory_space<vmem>>
    %dma_start3A_54 = tpu.memref_squeeze %dma_start3A_53 : memref<1x40xi32, #tpu.memory_space<vmem>> -> memref<40xi32, #tpu.memory_space<vmem>>
    %dma_start3A_55 = tpu.memref_slice %arg4[%add3A_43] : memref<320000xi32, #tpu.memory_space<hbm>> -> memref<40xi32, #tpu.memory_space<hbm>>
    tpu.enqueue_dma source(%dma_start3A_55 : memref<40xi32, #tpu.memory_space<hbm>>) target(%dma_start3A_54 : memref<40xi32, #tpu.memory_space<vmem>>) target_semaphore(%dma_start3A_51 : memref<!tpu.dma_semaphore, #tpu.memory_space<semaphore_mem>>)
    %dma_start3A_56 = arith.constant 2 : i32
    %dma_start3A_57 = arith.constant 2 : i32
    %dma_start3A_58 = arith.constant 0 : i32
    %dma_start3A_59 = arith.constant 0 : i32
    %dma_start3A_60 = tpu.memref_slice %arg9[%dma_start3A_56, %dma_start3A_58, %dma_start3A_59] : memref<5x40x128xf32, #tpu.memory_space<vmem>> -> memref<1x40x128xf32, #tpu.memory_space<vmem>>
    %dma_start3A_61 = tpu.memref_squeeze %dma_start3A_60 : memref<1x40x128xf32, #tpu.memory_space<vmem>> -> memref<40x128xf32, #tpu.memory_space<vmem>>
    %dma_start3A_62 = arith.constant 80 : i32
    %dma_start3A_63 = tpu.memref_slice %arg7[%dma_start3A_62] : memref<10000xi32, #tpu.memory_space<vmem>> -> memref<40xi32, #tpu.memory_space<vmem>>
    %dma_start3A_64 = arith.constant 0 : i32
    %dma_start3A_65 = arith.constant 0 : i32
    %dma_start3A_66 = tpu.memref_slice %arg2[%dma_start3A_64, %dma_start3A_65] : memref<10000x128xf32, #tpu.memory_space<hbm>> -> memref<10000x128xf32, #tpu.memory_space<hbm>>
    %dma_start3A_67 = tpu.memref_slice %arg11[%dma_start3A_57] : memref<5x!tpu.dma_semaphore, #tpu.memory_space<semaphore_mem>> -> memref<1x!tpu.dma_semaphore, #tpu.memory_space<semaphore_mem>>
    %dma_start3A_68 = tpu.memref_squeeze %dma_start3A_67 : memref<1x!tpu.dma_semaphore, #tpu.memory_space<semaphore_mem>> -> memref<!tpu.dma_semaphore, #tpu.memory_space<semaphore_mem>>
    tpu.enqueue_indirect_dma source(%dma_start3A_66 : memref<10000x128xf32, #tpu.memory_space<hbm>>) target(%dma_start3A_61 : memref<40x128xf32, #tpu.memory_space<vmem>>) offsets(%dma_start3A_63 : memref<40xi32, #tpu.memory_space<vmem>>) semaphore(%dma_start3A_68 : memref<!tpu.dma_semaphore, #tpu.memory_space<semaphore_mem>>)
    %add3A_69 = arith.constant 80 : i32
    %add3A_70 = arith.addi %mul3A_2, %add3A_69 : i32
    %dma_start3A_71 = arith.constant 2 : i32
    %dma_start3A_72 = arith.constant 2 : i32
    %dma_start3A_73 = arith.constant 0 : i32
    %dma_start3A_74 = tpu.memref_slice %arg8[%dma_start3A_71, %dma_start3A_73] : memref<5x40xi32, #tpu.memory_space<vmem>> -> memref<1x40xi32, #tpu.memory_space<vmem>>
    %dma_start3A_75 = tpu.memref_squeeze %dma_start3A_74 : memref<1x40xi32, #tpu.memory_space<vmem>> -> memref<40xi32, #tpu.memory_space<vmem>>
    %dma_start3A_76 = tpu.memref_slice %arg4[%add3A_70] : memref<320000xi32, #tpu.memory_space<hbm>> -> memref<40xi32, #tpu.memory_space<hbm>>
    %dma_start3A_77 = tpu.memref_slice %arg13[%dma_start3A_72] : memref<5x!tpu.dma_semaphore, #tpu.memory_space<semaphore_mem>> -> memref<1x!tpu.dma_semaphore, #tpu.memory_space<semaphore_mem>>
    %dma_start3A_78 = tpu.memref_squeeze %dma_start3A_77 : memref<1x!tpu.dma_semaphore, #tpu.memory_space<semaphore_mem>> -> memref<!tpu.dma_semaphore, #tpu.memory_space<semaphore_mem>>
    %dma_start3A_79 = arith.constant 0 : i32
    %dma_start3A_80 = tpu.memref_slice %arg8[%dma_start3A_71, %dma_start3A_79] : memref<5x40xi32, #tpu.memory_space<vmem>> -> memref<1x40xi32, #tpu.memory_space<vmem>>
    %dma_start3A_81 = tpu.memref_squeeze %dma_start3A_80 : memref<1x40xi32, #tpu.memory_space<vmem>> -> memref<40xi32, #tpu.memory_space<vmem>>
    %dma_start3A_82 = tpu.memref_slice %arg4[%add3A_70] : memref<320000xi32, #tpu.memory_space<hbm>> -> memref<40xi32, #tpu.memory_space<hbm>>
    tpu.enqueue_dma source(%dma_start3A_82 : memref<40xi32, #tpu.memory_space<hbm>>) target(%dma_start3A_81 : memref<40xi32, #tpu.memory_space<vmem>>) target_semaphore(%dma_start3A_78 : memref<!tpu.dma_semaphore, #tpu.memory_space<semaphore_mem>>)
    %dma_start3A_83 = arith.constant 3 : i32
    %dma_start3A_84 = arith.constant 3 : i32
    %dma_start3A_85 = arith.constant 0 : i32
    %dma_start3A_86 = arith.constant 0 : i32
    %dma_start3A_87 = tpu.memref_slice %arg9[%dma_start3A_83, %dma_start3A_85, %dma_start3A_86] : memref<5x40x128xf32, #tpu.memory_space<vmem>> -> memref<1x40x128xf32, #tpu.memory_space<vmem>>
    %dma_start3A_88 = tpu.memref_squeeze %dma_start3A_87 : memref<1x40x128xf32, #tpu.memory_space<vmem>> -> memref<40x128xf32, #tpu.memory_space<vmem>>
    %dma_start3A_89 = arith.constant 120 : i32
    %dma_start3A_90 = tpu.memref_slice %arg7[%dma_start3A_89] : memref<10000xi32, #tpu.memory_space<vmem>> -> memref<40xi32, #tpu.memory_space<vmem>>
    %dma_start3A_91 = arith.constant 0 : i32
    %dma_start3A_92 = arith.constant 0 : i32
    %dma_start3A_93 = tpu.memref_slice %arg2[%dma_start3A_91, %dma_start3A_92] : memref<10000x128xf32, #tpu.memory_space<hbm>> -> memref<10000x128xf32, #tpu.memory_space<hbm>>
    %dma_start3A_94 = tpu.memref_slice %arg11[%dma_start3A_84] : memref<5x!tpu.dma_semaphore, #tpu.memory_space<semaphore_mem>> -> memref<1x!tpu.dma_semaphore, #tpu.memory_space<semaphore_mem>>
    %dma_start3A_95 = tpu.memref_squeeze %dma_start3A_94 : memref<1x!tpu.dma_semaphore, #tpu.memory_space<semaphore_mem>> -> memref<!tpu.dma_semaphore, #tpu.memory_space<semaphore_mem>>
    tpu.enqueue_indirect_dma source(%dma_start3A_93 : memref<10000x128xf32, #tpu.memory_space<hbm>>) target(%dma_start3A_88 : memref<40x128xf32, #tpu.memory_space<vmem>>) offsets(%dma_start3A_90 : memref<40xi32, #tpu.memory_space<vmem>>) semaphore(%dma_start3A_95 : memref<!tpu.dma_semaphore, #tpu.memory_space<semaphore_mem>>)
    %add3A_96 = arith.constant 120 : i32
    %add3A_97 = arith.addi %mul3A_2, %add3A_96 : i32
    %dma_start3A_98 = arith.constant 3 : i32
    %dma_start3A_99 = arith.constant 3 : i32
    %dma_start3A_100 = arith.constant 0 : i32
    %dma_start3A_101 = tpu.memref_slice %arg8[%dma_start3A_98, %dma_start3A_100] : memref<5x40xi32, #tpu.memory_space<vmem>> -> memref<1x40xi32, #tpu.memory_space<vmem>>
    %dma_start3A_102 = tpu.memref_squeeze %dma_start3A_101 : memref<1x40xi32, #tpu.memory_space<vmem>> -> memref<40xi32, #tpu.memory_space<vmem>>
    %dma_start3A_103 = tpu.memref_slice %arg4[%add3A_97] : memref<320000xi32, #tpu.memory_space<hbm>> -> memref<40xi32, #tpu.memory_space<hbm>>
    %dma_start3A_104 = tpu.memref_slice %arg13[%dma_start3A_99] : memref<5x!tpu.dma_semaphore, #tpu.memory_space<semaphore_mem>> -> memref<1x!tpu.dma_semaphore, #tpu.memory_space<semaphore_mem>>
    %dma_start3A_105 = tpu.memref_squeeze %dma_start3A_104 : memref<1x!tpu.dma_semaphore, #tpu.memory_space<semaphore_mem>> -> memref<!tpu.dma_semaphore, #tpu.memory_space<semaphore_mem>>
    %dma_start3A_106 = arith.constant 0 : i32
    %dma_start3A_107 = tpu.memref_slice %arg8[%dma_start3A_98, %dma_start3A_106] : memref<5x40xi32, #tpu.memory_space<vmem>> -> memref<1x40xi32, #tpu.memory_space<vmem>>
    %dma_start3A_108 = tpu.memref_squeeze %dma_start3A_107 : memref<1x40xi32, #tpu.memory_space<vmem>> -> memref<40xi32, #tpu.memory_space<vmem>>
    %dma_start3A_109 = tpu.memref_slice %arg4[%add3A_97] : memref<320000xi32, #tpu.memory_space<hbm>> -> memref<40xi32, #tpu.memory_space<hbm>>
    tpu.enqueue_dma source(%dma_start3A_109 : memref<40xi32, #tpu.memory_space<hbm>>) target(%dma_start3A_108 : memref<40xi32, #tpu.memory_space<vmem>>) target_semaphore(%dma_start3A_105 : memref<!tpu.dma_semaphore, #tpu.memory_space<semaphore_mem>>)
    %dma_start3A_110 = arith.constant 4 : i32
    %dma_start3A_111 = arith.constant 4 : i32
    %dma_start3A_112 = arith.constant 0 : i32
    %dma_start3A_113 = arith.constant 0 : i32
    %dma_start3A_114 = tpu.memref_slice %arg9[%dma_start3A_110, %dma_start3A_112, %dma_start3A_113] : memref<5x40x128xf32, #tpu.memory_space<vmem>> -> memref<1x40x128xf32, #tpu.memory_space<vmem>>
    %dma_start3A_115 = tpu.memref_squeeze %dma_start3A_114 : memref<1x40x128xf32, #tpu.memory_space<vmem>> -> memref<40x128xf32, #tpu.memory_space<vmem>>
    %dma_start3A_116 = arith.constant 160 : i32
    %dma_start3A_117 = tpu.memref_slice %arg7[%dma_start3A_116] : memref<10000xi32, #tpu.memory_space<vmem>> -> memref<40xi32, #tpu.memory_space<vmem>>
    %dma_start3A_118 = arith.constant 0 : i32
    %dma_start3A_119 = arith.constant 0 : i32
    %dma_start3A_120 = tpu.memref_slice %arg2[%dma_start3A_118, %dma_start3A_119] : memref<10000x128xf32, #tpu.memory_space<hbm>> -> memref<10000x128xf32, #tpu.memory_space<hbm>>
    %dma_start3A_121 = tpu.memref_slice %arg11[%dma_start3A_111] : memref<5x!tpu.dma_semaphore, #tpu.memory_space<semaphore_mem>> -> memref<1x!tpu.dma_semaphore, #tpu.memory_space<semaphore_mem>>
    %dma_start3A_122 = tpu.memref_squeeze %dma_start3A_121 : memref<1x!tpu.dma_semaphore, #tpu.memory_space<semaphore_mem>> -> memref<!tpu.dma_semaphore, #tpu.memory_space<semaphore_mem>>
    tpu.enqueue_indirect_dma source(%dma_start3A_120 : memref<10000x128xf32, #tpu.memory_space<hbm>>) target(%dma_start3A_115 : memref<40x128xf32, #tpu.memory_space<vmem>>) offsets(%dma_start3A_117 : memref<40xi32, #tpu.memory_space<vmem>>) semaphore(%dma_start3A_122 : memref<!tpu.dma_semaphore, #tpu.memory_space<semaphore_mem>>)
    %add3A_123 = arith.constant 160 : i32
    %add3A_124 = arith.addi %mul3A_2, %add3A_123 : i32
    %dma_start3A_125 = arith.constant 4 : i32
    %dma_start3A_126 = arith.constant 4 : i32
    %dma_start3A_127 = arith.constant 0 : i32
    %dma_start3A_128 = tpu.memref_slice %arg8[%dma_start3A_125, %dma_start3A_127] : memref<5x40xi32, #tpu.memory_space<vmem>> -> memref<1x40xi32, #tpu.memory_space<vmem>>
    %dma_start3A_129 = tpu.memref_squeeze %dma_start3A_128 : memref<1x40xi32, #tpu.memory_space<vmem>> -> memref<40xi32, #tpu.memory_space<vmem>>
    %dma_start3A_130 = tpu.memref_slice %arg4[%add3A_124] : memref<320000xi32, #tpu.memory_space<hbm>> -> memref<40xi32, #tpu.memory_space<hbm>>
    %dma_start3A_131 = tpu.memref_slice %arg13[%dma_start3A_126] : memref<5x!tpu.dma_semaphore, #tpu.memory_space<semaphore_mem>> -> memref<1x!tpu.dma_semaphore, #tpu.memory_space<semaphore_mem>>
    %dma_start3A_132 = tpu.memref_squeeze %dma_start3A_131 : memref<1x!tpu.dma_semaphore, #tpu.memory_space<semaphore_mem>> -> memref<!tpu.dma_semaphore, #tpu.memory_space<semaphore_mem>>
    %dma_start3A_133 = arith.constant 0 : i32
    %dma_start3A_134 = tpu.memref_slice %arg8[%dma_start3A_125, %dma_start3A_133] : memref<5x40xi32, #tpu.memory_space<vmem>> -> memref<1x40xi32, #tpu.memory_space<vmem>>
    %dma_start3A_135 = tpu.memref_squeeze %dma_start3A_134 : memref<1x40xi32, #tpu.memory_space<vmem>> -> memref<40xi32, #tpu.memory_space<vmem>>
    %dma_start3A_136 = tpu.memref_slice %arg4[%add3A_124] : memref<320000xi32, #tpu.memory_space<hbm>> -> memref<40xi32, #tpu.memory_space<hbm>>
    tpu.enqueue_dma source(%dma_start3A_136 : memref<40xi32, #tpu.memory_space<hbm>>) target(%dma_start3A_135 : memref<40xi32, #tpu.memory_space<vmem>>) target_semaphore(%dma_start3A_132 : memref<!tpu.dma_semaphore, #tpu.memory_space<semaphore_mem>>)
    %mul3A_137 = arith.constant 624 : i32
    %mul3A_138 = arith.muli %arg1, %mul3A_137 : i32
    "tpu.region"() ({
      %run_scoped3A = tpu.sem_alloc : memref<!tpu.dma_semaphore, #tpu.memory_space<semaphore_mem>>
      %dma_start3A_244 = arith.constant 0 : i32
      %dma_start3A_245 = tpu.memref_slice %arg10[%mul3A_138, %dma_start3A_244] : memref<10000x128xf32, #tpu.memory_space<vmem_shared>> -> memref<624x128xf32, #tpu.memory_space<vmem_shared>>
      tpu.enqueue_dma source(%arg5 : memref<624x128xf32, #tpu.memory_space<hbm>>) target(%dma_start3A_245 : memref<624x128xf32, #tpu.memory_space<vmem_shared>>) target_semaphore(%run_scoped3A : memref<!tpu.dma_semaphore, #tpu.memory_space<semaphore_mem>>)
      %dma_wait3A_246 = arith.constant 0 : i32
      %dma_wait3A_247 = tpu.memref_slice %arg10[%mul3A_138, %dma_wait3A_246] : memref<10000x128xf32, #tpu.memory_space<vmem_shared>> -> memref<624x128xf32, #tpu.memory_space<vmem_shared>>
      tpu.wait_dma2 semaphore(%run_scoped3A : memref<!tpu.dma_semaphore, #tpu.memory_space<semaphore_mem>>) src(%arg5 : memref<624x128xf32, #tpu.memory_space<hbm>>) dst(%dma_wait3A_247 : memref<624x128xf32, #tpu.memory_space<vmem_shared>>)
      tpu.yield
    }) : () -> ()
    %eq3A = arith.constant 15 : i32
    %eq3A_139 = arith.cmpi eq, %arg1, %eq3A : i32
    %convert_element_type3A = arith.extui %eq3A_139 : i1 to i32
    %cond3A = arith.constant 0 : i32
    %cond3A_140 = arith.cmpi ne, %convert_element_type3A, %cond3A : i32
    scf.if %cond3A_140 {
      "tpu.region"() ({
        %run_scoped3A = tpu.sem_alloc : memref<!tpu.dma_semaphore, #tpu.memory_space<semaphore_mem>>
        %dma_start3A_244 = arith.constant 9984 : i32
        %dma_start3A_245 = arith.constant 0 : i32
        %dma_start3A_246 = tpu.memref_slice %arg10[%dma_start3A_244, %dma_start3A_245] : memref<10000x128xf32, #tpu.memory_space<vmem_shared>> -> memref<16x128xf32, #tpu.memory_space<vmem_shared>>
        %dma_start3A_247 = arith.constant 0 : i32
        %dma_start3A_248 = arith.constant 0 : i32
        %dma_start3A_249 = tpu.memref_slice %arg5[%dma_start3A_247, %dma_start3A_248] : memref<624x128xf32, #tpu.memory_space<hbm>> -> memref<16x128xf32, #tpu.memory_space<hbm>>
        tpu.enqueue_dma source(%dma_start3A_249 : memref<16x128xf32, #tpu.memory_space<hbm>>) target(%dma_start3A_246 : memref<16x128xf32, #tpu.memory_space<vmem_shared>>) target_semaphore(%run_scoped3A : memref<!tpu.dma_semaphore, #tpu.memory_space<semaphore_mem>>)
        %dma_wait3A_250 = arith.constant 9984 : i32
        %dma_wait3A_251 = arith.constant 0 : i32
        %dma_wait3A_252 = tpu.memref_slice %arg10[%dma_wait3A_250, %dma_wait3A_251] : memref<10000x128xf32, #tpu.memory_space<vmem_shared>> -> memref<16x128xf32, #tpu.memory_space<vmem_shared>>
        %dma_wait3A_253 = arith.constant 0 : i32
        %dma_wait3A_254 = arith.constant 0 : i32
        %dma_wait3A_255 = tpu.memref_slice %arg5[%dma_wait3A_253, %dma_wait3A_254] : memref<624x128xf32, #tpu.memory_space<hbm>> -> memref<16x128xf32, #tpu.memory_space<hbm>>
        tpu.wait_dma2 semaphore(%run_scoped3A : memref<!tpu.dma_semaphore, #tpu.memory_space<semaphore_mem>>) src(%dma_wait3A_255 : memref<16x128xf32, #tpu.memory_space<hbm>>) dst(%dma_wait3A_252 : memref<16x128xf32, #tpu.memory_space<vmem_shared>>)
        tpu.yield
      }) : () -> ()
    } else {
    }
    %barrier3A = arith.constant 0 : index
    tpu.barrier barrier_id(%barrier3A)
    %scan3A = arith.constant 0 : i32
    %scan3A_141 = arith.constant 50 : i32
    %scan3A_142 = arith.addi %scan3A, %scan3A_141 : i32
    %scan3A_143 = arith.constant 1 : i32
    scf.for %scan3A_244 = %scan3A to %scan3A_142 step %scan3A_143  : i32 {
      %mul3A_245 = arith.constant 5 : i32
      %mul3A_246 = arith.muli %scan3A_244, %mul3A_245 : i32
      %add3A_247 = arith.constant 0 : i32
      %add3A_248 = arith.addi %add3A_247, %mul3A_246 : i32
      %dma_wait3A_249 = arith.constant 0 : i32
      %dma_wait3A_250 = arith.constant 0 : i32
      %dma_wait3A_251 = arith.constant 0 : i32
      %dma_wait3A_252 = arith.constant 0 : i32
      %dma_wait3A_253 = tpu.memref_slice %arg9[%dma_wait3A_249, %dma_wait3A_251, %dma_wait3A_252] : memref<5x40x128xf32, #tpu.memory_space<vmem>> -> memref<1x40x128xf32, #tpu.memory_space<vmem>>
      %dma_wait3A_254 = tpu.memref_squeeze %dma_wait3A_253 : memref<1x40x128xf32, #tpu.memory_space<vmem>> -> memref<40x128xf32, #tpu.memory_space<vmem>>
      %dma_wait3A_255 = arith.constant 0 : i32
      %dma_wait3A_256 = arith.constant 0 : i32
      %dma_wait3A_257 = tpu.memref_slice %arg2[%dma_wait3A_255, %dma_wait3A_256] : memref<10000x128xf32, #tpu.memory_space<hbm>> -> memref<40x128xf32, #tpu.memory_space<hbm>>
      %dma_wait3A_258 = tpu.memref_slice %arg11[%dma_wait3A_250] : memref<5x!tpu.dma_semaphore, #tpu.memory_space<semaphore_mem>> -> memref<1x!tpu.dma_semaphore, #tpu.memory_space<semaphore_mem>>
      %dma_wait3A_259 = tpu.memref_squeeze %dma_wait3A_258 : memref<1x!tpu.dma_semaphore, #tpu.memory_space<semaphore_mem>> -> memref<!tpu.dma_semaphore, #tpu.memory_space<semaphore_mem>>
      %dma_wait3A_260 = arith.constant 0 : i32
      %dma_wait3A_261 = arith.constant 0 : i32
      %dma_wait3A_262 = tpu.memref_slice %arg9[%dma_wait3A_249, %dma_wait3A_260, %dma_wait3A_261] : memref<5x40x128xf32, #tpu.memory_space<vmem>> -> memref<1x40x128xf32, #tpu.memory_space<vmem>>
      %dma_wait3A_263 = tpu.memref_squeeze %dma_wait3A_262 : memref<1x40x128xf32, #tpu.memory_space<vmem>> -> memref<40x128xf32, #tpu.memory_space<vmem>>
      %dma_wait3A_264 = arith.constant 0 : i32
      %dma_wait3A_265 = arith.constant 0 : i32
      %dma_wait3A_266 = tpu.memref_slice %arg2[%dma_wait3A_264, %dma_wait3A_265] : memref<10000x128xf32, #tpu.memory_space<hbm>> -> memref<40x128xf32, #tpu.memory_space<hbm>>
      tpu.wait_dma2 semaphore(%dma_wait3A_259 : memref<!tpu.dma_semaphore, #tpu.memory_space<semaphore_mem>>) src(%dma_wait3A_266 : memref<40x128xf32, #tpu.memory_space<hbm>>) dst(%dma_wait3A_263 : memref<40x128xf32, #tpu.memory_space<vmem>>)
      %dma_wait3A_267 = arith.constant 0 : i32
      %dma_wait3A_268 = arith.constant 0 : i32
      %dma_wait3A_269 = arith.constant 0 : i32
      %dma_wait3A_270 = tpu.memref_slice %arg8[%dma_wait3A_267, %dma_wait3A_269] : memref<5x40xi32, #tpu.memory_space<vmem>> -> memref<1x40xi32, #tpu.memory_space<vmem>>
      %dma_wait3A_271 = tpu.memref_squeeze %dma_wait3A_270 : memref<1x40xi32, #tpu.memory_space<vmem>> -> memref<40xi32, #tpu.memory_space<vmem>>
      %dma_wait3A_272 = arith.constant 0 : i32
      %dma_wait3A_273 = tpu.memref_slice %arg4[%dma_wait3A_272] : memref<320000xi32, #tpu.memory_space<hbm>> -> memref<40xi32, #tpu.memory_space<hbm>>
      %dma_wait3A_274 = tpu.memref_slice %arg13[%dma_wait3A_268] : memref<5x!tpu.dma_semaphore, #tpu.memory_space<semaphore_mem>> -> memref<1x!tpu.dma_semaphore, #tpu.memory_space<semaphore_mem>>
      %dma_wait3A_275 = tpu.memref_squeeze %dma_wait3A_274 : memref<1x!tpu.dma_semaphore, #tpu.memory_space<semaphore_mem>> -> memref<!tpu.dma_semaphore, #tpu.memory_space<semaphore_mem>>
      %dma_wait3A_276 = arith.constant 0 : i32
      %dma_wait3A_277 = tpu.memref_slice %arg8[%dma_wait3A_267, %dma_wait3A_276] : memref<5x40xi32, #tpu.memory_space<vmem>> -> memref<1x40xi32, #tpu.memory_space<vmem>>
      %dma_wait3A_278 = tpu.memref_squeeze %dma_wait3A_277 : memref<1x40xi32, #tpu.memory_space<vmem>> -> memref<40xi32, #tpu.memory_space<vmem>>
      %dma_wait3A_279 = arith.constant 0 : i32
      %dma_wait3A_280 = tpu.memref_slice %arg4[%dma_wait3A_279] : memref<320000xi32, #tpu.memory_space<hbm>> -> memref<40xi32, #tpu.memory_space<hbm>>
      tpu.wait_dma2 semaphore(%dma_wait3A_275 : memref<!tpu.dma_semaphore, #tpu.memory_space<semaphore_mem>>) src(%dma_wait3A_280 : memref<40xi32, #tpu.memory_space<hbm>>) dst(%dma_wait3A_278 : memref<40xi32, #tpu.memory_space<vmem>>)
      %dma_start3A_281 = arith.constant 0 : i32
      %dma_start3A_282 = arith.constant 0 : i32
      %dma_start3A_283 = arith.constant 0 : i32
      %dma_start3A_284 = arith.constant 0 : i32
      %dma_start3A_285 = arith.constant 0 : i32
      %dma_start3A_286 = tpu.memref_slice %arg9[%dma_start3A_281, %dma_start3A_284, %dma_start3A_285] : memref<5x40x128xf32, #tpu.memory_space<vmem>> -> memref<1x40x128xf32, #tpu.memory_space<vmem>>
      %dma_start3A_287 = tpu.memref_squeeze %dma_start3A_286 : memref<1x40x128xf32, #tpu.memory_space<vmem>> -> memref<40x128xf32, #tpu.memory_space<vmem>>
      %dma_start3A_288 = arith.constant 0 : i32
      %dma_start3A_289 = tpu.memref_slice %arg8[%dma_start3A_282, %dma_start3A_288] : memref<5x40xi32, #tpu.memory_space<vmem>> -> memref<1x40xi32, #tpu.memory_space<vmem>>
      %dma_start3A_290 = tpu.memref_squeeze %dma_start3A_289 : memref<1x40xi32, #tpu.memory_space<vmem>> -> memref<40xi32, #tpu.memory_space<vmem>>
      %dma_start3A_291 = arith.constant 0 : i32
      %dma_start3A_292 = arith.constant 0 : i32
      %dma_start3A_293 = tpu.memref_slice %arg10[%dma_start3A_291, %dma_start3A_292] : memref<10000x128xf32, #tpu.memory_space<vmem_shared>> -> memref<10000x128xf32, #tpu.memory_space<vmem_shared>>
      %dma_start3A_294 = tpu.memref_slice %arg12[%dma_start3A_283] : memref<5x!tpu.dma_semaphore, #tpu.memory_space<semaphore_mem>> -> memref<1x!tpu.dma_semaphore, #tpu.memory_space<semaphore_mem>>
      %dma_start3A_295 = tpu.memref_squeeze %dma_start3A_294 : memref<1x!tpu.dma_semaphore, #tpu.memory_space<semaphore_mem>> -> memref<!tpu.dma_semaphore, #tpu.memory_space<semaphore_mem>>
      tpu.enqueue_indirect_dma source(%dma_start3A_287 : memref<40x128xf32, #tpu.memory_space<vmem>>) target(%dma_start3A_293 : memref<10000x128xf32, #tpu.memory_space<vmem_shared>>) offsets(%dma_start3A_290 : memref<40xi32, #tpu.memory_space<vmem>>) semaphore(%dma_start3A_295 : memref<!tpu.dma_semaphore, #tpu.memory_space<semaphore_mem>>) {add = true}
      %dma_wait3A_296 = arith.constant 1 : i32
      %dma_wait3A_297 = arith.constant 1 : i32
      %dma_wait3A_298 = arith.constant 0 : i32
      %dma_wait3A_299 = arith.constant 0 : i32
      %dma_wait3A_300 = tpu.memref_slice %arg9[%dma_wait3A_296, %dma_wait3A_298, %dma_wait3A_299] : memref<5x40x128xf32, #tpu.memory_space<vmem>> -> memref<1x40x128xf32, #tpu.memory_space<vmem>>
      %dma_wait3A_301 = tpu.memref_squeeze %dma_wait3A_300 : memref<1x40x128xf32, #tpu.memory_space<vmem>> -> memref<40x128xf32, #tpu.memory_space<vmem>>
      %dma_wait3A_302 = arith.constant 0 : i32
      %dma_wait3A_303 = arith.constant 0 : i32
      %dma_wait3A_304 = tpu.memref_slice %arg2[%dma_wait3A_302, %dma_wait3A_303] : memref<10000x128xf32, #tpu.memory_space<hbm>> -> memref<40x128xf32, #tpu.memory_space<hbm>>
      %dma_wait3A_305 = tpu.memref_slice %arg11[%dma_wait3A_297] : memref<5x!tpu.dma_semaphore, #tpu.memory_space<semaphore_mem>> -> memref<1x!tpu.dma_semaphore, #tpu.memory_space<semaphore_mem>>
      %dma_wait3A_306 = tpu.memref_squeeze %dma_wait3A_305 : memref<1x!tpu.dma_semaphore, #tpu.memory_space<semaphore_mem>> -> memref<!tpu.dma_semaphore, #tpu.memory_space<semaphore_mem>>
      %dma_wait3A_307 = arith.constant 0 : i32
      %dma_wait3A_308 = arith.constant 0 : i32
      %dma_wait3A_309 = tpu.memref_slice %arg9[%dma_wait3A_296, %dma_wait3A_307, %dma_wait3A_308] : memref<5x40x128xf32, #tpu.memory_space<vmem>> -> memref<1x40x128xf32, #tpu.memory_space<vmem>>
      %dma_wait3A_310 = tpu.memref_squeeze %dma_wait3A_309 : memref<1x40x128xf32, #tpu.memory_space<vmem>> -> memref<40x128xf32, #tpu.memory_space<vmem>>
      %dma_wait3A_311 = arith.constant 0 : i32
      %dma_wait3A_312 = arith.constant 0 : i32
      %dma_wait3A_313 = tpu.memref_slice %arg2[%dma_wait3A_311, %dma_wait3A_312] : memref<10000x128xf32, #tpu.memory_space<hbm>> -> memref<40x128xf32, #tpu.memory_space<hbm>>
      tpu.wait_dma2 semaphore(%dma_wait3A_306 : memref<!tpu.dma_semaphore, #tpu.memory_space<semaphore_mem>>) src(%dma_wait3A_313 : memref<40x128xf32, #tpu.memory_space<hbm>>) dst(%dma_wait3A_310 : memref<40x128xf32, #tpu.memory_space<vmem>>)
      %dma_wait3A_314 = arith.constant 1 : i32
      %dma_wait3A_315 = arith.constant 1 : i32
      %dma_wait3A_316 = arith.constant 0 : i32
      %dma_wait3A_317 = tpu.memref_slice %arg8[%dma_wait3A_314, %dma_wait3A_316] : memref<5x40xi32, #tpu.memory_space<vmem>> -> memref<1x40xi32, #tpu.memory_space<vmem>>
      %dma_wait3A_318 = tpu.memref_squeeze %dma_wait3A_317 : memref<1x40xi32, #tpu.memory_space<vmem>> -> memref<40xi32, #tpu.memory_space<vmem>>
      %dma_wait3A_319 = arith.constant 0 : i32
      %dma_wait3A_320 = tpu.memref_slice %arg4[%dma_wait3A_319] : memref<320000xi32, #tpu.memory_space<hbm>> -> memref<40xi32, #tpu.memory_space<hbm>>
      %dma_wait3A_321 = tpu.memref_slice %arg13[%dma_wait3A_315] : memref<5x!tpu.dma_semaphore, #tpu.memory_space<semaphore_mem>> -> memref<1x!tpu.dma_semaphore, #tpu.memory_space<semaphore_mem>>
      %dma_wait3A_322 = tpu.memref_squeeze %dma_wait3A_321 : memref<1x!tpu.dma_semaphore, #tpu.memory_space<semaphore_mem>> -> memref<!tpu.dma_semaphore, #tpu.memory_space<semaphore_mem>>
      %dma_wait3A_323 = arith.constant 0 : i32
      %dma_wait3A_324 = tpu.memref_slice %arg8[%dma_wait3A_314, %dma_wait3A_323] : memref<5x40xi32, #tpu.memory_space<vmem>> -> memref<1x40xi32, #tpu.memory_space<vmem>>
      %dma_wait3A_325 = tpu.memref_squeeze %dma_wait3A_324 : memref<1x40xi32, #tpu.memory_space<vmem>> -> memref<40xi32, #tpu.memory_space<vmem>>
      %dma_wait3A_326 = arith.constant 0 : i32
      %dma_wait3A_327 = tpu.memref_slice %arg4[%dma_wait3A_326] : memref<320000xi32, #tpu.memory_space<hbm>> -> memref<40xi32, #tpu.memory_space<hbm>>
      tpu.wait_dma2 semaphore(%dma_wait3A_322 : memref<!tpu.dma_semaphore, #tpu.memory_space<semaphore_mem>>) src(%dma_wait3A_327 : memref<40xi32, #tpu.memory_space<hbm>>) dst(%dma_wait3A_325 : memref<40xi32, #tpu.memory_space<vmem>>)
      %dma_start3A_328 = arith.constant 1 : i32
      %dma_start3A_329 = arith.constant 1 : i32
      %dma_start3A_330 = arith.constant 1 : i32
      %dma_start3A_331 = arith.constant 0 : i32
      %dma_start3A_332 = arith.constant 0 : i32
      %dma_start3A_333 = tpu.memref_slice %arg9[%dma_start3A_328, %dma_start3A_331, %dma_start3A_332] : memref<5x40x128xf32, #tpu.memory_space<vmem>> -> memref<1x40x128xf32, #tpu.memory_space<vmem>>
      %dma_start3A_334 = tpu.memref_squeeze %dma_start3A_333 : memref<1x40x128xf32, #tpu.memory_space<vmem>> -> memref<40x128xf32, #tpu.memory_space<vmem>>
      %dma_start3A_335 = arith.constant 0 : i32
      %dma_start3A_336 = tpu.memref_slice %arg8[%dma_start3A_329, %dma_start3A_335] : memref<5x40xi32, #tpu.memory_space<vmem>> -> memref<1x40xi32, #tpu.memory_space<vmem>>
      %dma_start3A_337 = tpu.memref_squeeze %dma_start3A_336 : memref<1x40xi32, #tpu.memory_space<vmem>> -> memref<40xi32, #tpu.memory_space<vmem>>
      %dma_start3A_338 = arith.constant 0 : i32
      %dma_start3A_339 = arith.constant 0 : i32
      %dma_start3A_340 = tpu.memref_slice %arg10[%dma_start3A_338, %dma_start3A_339] : memref<10000x128xf32, #tpu.memory_space<vmem_shared>> -> memref<10000x128xf32, #tpu.memory_space<vmem_shared>>
      %dma_start3A_341 = tpu.memref_slice %arg12[%dma_start3A_330] : memref<5x!tpu.dma_semaphore, #tpu.memory_space<semaphore_mem>> -> memref<1x!tpu.dma_semaphore, #tpu.memory_space<semaphore_mem>>
      %dma_start3A_342 = tpu.memref_squeeze %dma_start3A_341 : memref<1x!tpu.dma_semaphore, #tpu.memory_space<semaphore_mem>> -> memref<!tpu.dma_semaphore, #tpu.memory_space<semaphore_mem>>
      tpu.enqueue_indirect_dma source(%dma_start3A_334 : memref<40x128xf32, #tpu.memory_space<vmem>>) target(%dma_start3A_340 : memref<10000x128xf32, #tpu.memory_space<vmem_shared>>) offsets(%dma_start3A_337 : memref<40xi32, #tpu.memory_space<vmem>>) semaphore(%dma_start3A_342 : memref<!tpu.dma_semaphore, #tpu.memory_space<semaphore_mem>>) {add = true}
      %dma_wait3A_343 = arith.constant 2 : i32
      %dma_wait3A_344 = arith.constant 2 : i32
      %dma_wait3A_345 = arith.constant 0 : i32
      %dma_wait3A_346 = arith.constant 0 : i32
      %dma_wait3A_347 = tpu.memref_slice %arg9[%dma_wait3A_343, %dma_wait3A_345, %dma_wait3A_346] : memref<5x40x128xf32, #tpu.memory_space<vmem>> -> memref<1x40x128xf32, #tpu.memory_space<vmem>>
      %dma_wait3A_348 = tpu.memref_squeeze %dma_wait3A_347 : memref<1x40x128xf32, #tpu.memory_space<vmem>> -> memref<40x128xf32, #tpu.memory_space<vmem>>
      %dma_wait3A_349 = arith.constant 0 : i32
      %dma_wait3A_350 = arith.constant 0 : i32
      %dma_wait3A_351 = tpu.memref_slice %arg2[%dma_wait3A_349, %dma_wait3A_350] : memref<10000x128xf32, #tpu.memory_space<hbm>> -> memref<40x128xf32, #tpu.memory_space<hbm>>
      %dma_wait3A_352 = tpu.memref_slice %arg11[%dma_wait3A_344] : memref<5x!tpu.dma_semaphore, #tpu.memory_space<semaphore_mem>> -> memref<1x!tpu.dma_semaphore, #tpu.memory_space<semaphore_mem>>
      %dma_wait3A_353 = tpu.memref_squeeze %dma_wait3A_352 : memref<1x!tpu.dma_semaphore, #tpu.memory_space<semaphore_mem>> -> memref<!tpu.dma_semaphore, #tpu.memory_space<semaphore_mem>>
      %dma_wait3A_354 = arith.constant 0 : i32
      %dma_wait3A_355 = arith.constant 0 : i32
      %dma_wait3A_356 = tpu.memref_slice %arg9[%dma_wait3A_343, %dma_wait3A_354, %dma_wait3A_355] : memref<5x40x128xf32, #tpu.memory_space<vmem>> -> memref<1x40x128xf32, #tpu.memory_space<vmem>>
      %dma_wait3A_357 = tpu.memref_squeeze %dma_wait3A_356 : memref<1x40x128xf32, #tpu.memory_space<vmem>> -> memref<40x128xf32, #tpu.memory_space<vmem>>
      %dma_wait3A_358 = arith.constant 0 : i32
      %dma_wait3A_359 = arith.constant 0 : i32
      %dma_wait3A_360 = tpu.memref_slice %arg2[%dma_wait3A_358, %dma_wait3A_359] : memref<10000x128xf32, #tpu.memory_space<hbm>> -> memref<40x128xf32, #tpu.memory_space<hbm>>
      tpu.wait_dma2 semaphore(%dma_wait3A_353 : memref<!tpu.dma_semaphore, #tpu.memory_space<semaphore_mem>>) src(%dma_wait3A_360 : memref<40x128xf32, #tpu.memory_space<hbm>>) dst(%dma_wait3A_357 : memref<40x128xf32, #tpu.memory_space<vmem>>)
      %dma_wait3A_361 = arith.constant 2 : i32
      %dma_wait3A_362 = arith.constant 2 : i32
      %dma_wait3A_363 = arith.constant 0 : i32
      %dma_wait3A_364 = tpu.memref_slice %arg8[%dma_wait3A_361, %dma_wait3A_363] : memref<5x40xi32, #tpu.memory_space<vmem>> -> memref<1x40xi32, #tpu.memory_space<vmem>>
      %dma_wait3A_365 = tpu.memref_squeeze %dma_wait3A_364 : memref<1x40xi32, #tpu.memory_space<vmem>> -> memref<40xi32, #tpu.memory_space<vmem>>
      %dma_wait3A_366 = arith.constant 0 : i32
      %dma_wait3A_367 = tpu.memref_slice %arg4[%dma_wait3A_366] : memref<320000xi32, #tpu.memory_space<hbm>> -> memref<40xi32, #tpu.memory_space<hbm>>
      %dma_wait3A_368 = tpu.memref_slice %arg13[%dma_wait3A_362] : memref<5x!tpu.dma_semaphore, #tpu.memory_space<semaphore_mem>> -> memref<1x!tpu.dma_semaphore, #tpu.memory_space<semaphore_mem>>
      %dma_wait3A_369 = tpu.memref_squeeze %dma_wait3A_368 : memref<1x!tpu.dma_semaphore, #tpu.memory_space<semaphore_mem>> -> memref<!tpu.dma_semaphore, #tpu.memory_space<semaphore_mem>>
      %dma_wait3A_370 = arith.constant 0 : i32
      %dma_wait3A_371 = tpu.memref_slice %arg8[%dma_wait3A_361, %dma_wait3A_370] : memref<5x40xi32, #tpu.memory_space<vmem>> -> memref<1x40xi32, #tpu.memory_space<vmem>>
      %dma_wait3A_372 = tpu.memref_squeeze %dma_wait3A_371 : memref<1x40xi32, #tpu.memory_space<vmem>> -> memref<40xi32, #tpu.memory_space<vmem>>
      %dma_wait3A_373 = arith.constant 0 : i32
      %dma_wait3A_374 = tpu.memref_slice %arg4[%dma_wait3A_373] : memref<320000xi32, #tpu.memory_space<hbm>> -> memref<40xi32, #tpu.memory_space<hbm>>
      tpu.wait_dma2 semaphore(%dma_wait3A_369 : memref<!tpu.dma_semaphore, #tpu.memory_space<semaphore_mem>>) src(%dma_wait3A_374 : memref<40xi32, #tpu.memory_space<hbm>>) dst(%dma_wait3A_372 : memref<40xi32, #tpu.memory_space<vmem>>)
      %dma_start3A_375 = arith.constant 2 : i32
      %dma_start3A_376 = arith.constant 2 : i32
      %dma_start3A_377 = arith.constant 2 : i32
      %dma_start3A_378 = arith.constant 0 : i32
      %dma_start3A_379 = arith.constant 0 : i32
      %dma_start3A_380 = tpu.memref_slice %arg9[%dma_start3A_375, %dma_start3A_378, %dma_start3A_379] : memref<5x40x128xf32, #tpu.memory_space<vmem>> -> memref<1x40x128xf32, #tpu.memory_space<vmem>>
      %dma_start3A_381 = tpu.memref_squeeze %dma_start3A_380 : memref<1x40x128xf32, #tpu.memory_space<vmem>> -> memref<40x128xf32, #tpu.memory_space<vmem>>
      %dma_start3A_382 = arith.constant 0 : i32
      %dma_start3A_383 = tpu.memref_slice %arg8[%dma_start3A_376, %dma_start3A_382] : memref<5x40xi32, #tpu.memory_space<vmem>> -> memref<1x40xi32, #tpu.memory_space<vmem>>
      %dma_start3A_384 = tpu.memref_squeeze %dma_start3A_383 : memref<1x40xi32, #tpu.memory_space<vmem>> -> memref<40xi32, #tpu.memory_space<vmem>>
      %dma_start3A_385 = arith.constant 0 : i32
      %dma_start3A_386 = arith.constant 0 : i32
      %dma_start3A_387 = tpu.memref_slice %arg10[%dma_start3A_385, %dma_start3A_386] : memref<10000x128xf32, #tpu.memory_space<vmem_shared>> -> memref<10000x128xf32, #tpu.memory_space<vmem_shared>>
      %dma_start3A_388 = tpu.memref_slice %arg12[%dma_start3A_377] : memref<5x!tpu.dma_semaphore, #tpu.memory_space<semaphore_mem>> -> memref<1x!tpu.dma_semaphore, #tpu.memory_space<semaphore_mem>>
      %dma_start3A_389 = tpu.memref_squeeze %dma_start3A_388 : memref<1x!tpu.dma_semaphore, #tpu.memory_space<semaphore_mem>> -> memref<!tpu.dma_semaphore, #tpu.memory_space<semaphore_mem>>
      tpu.enqueue_indirect_dma source(%dma_start3A_381 : memref<40x128xf32, #tpu.memory_space<vmem>>) target(%dma_start3A_387 : memref<10000x128xf32, #tpu.memory_space<vmem_shared>>) offsets(%dma_start3A_384 : memref<40xi32, #tpu.memory_space<vmem>>) semaphore(%dma_start3A_389 : memref<!tpu.dma_semaphore, #tpu.memory_space<semaphore_mem>>) {add = true}
      %dma_wait3A_390 = arith.constant 3 : i32
      %dma_wait3A_391 = arith.constant 3 : i32
      %dma_wait3A_392 = arith.constant 0 : i32
      %dma_wait3A_393 = arith.constant 0 : i32
      %dma_wait3A_394 = tpu.memref_slice %arg9[%dma_wait3A_390, %dma_wait3A_392, %dma_wait3A_393] : memref<5x40x128xf32, #tpu.memory_space<vmem>> -> memref<1x40x128xf32, #tpu.memory_space<vmem>>
      %dma_wait3A_395 = tpu.memref_squeeze %dma_wait3A_394 : memref<1x40x128xf32, #tpu.memory_space<vmem>> -> memref<40x128xf32, #tpu.memory_space<vmem>>
      %dma_wait3A_396 = arith.constant 0 : i32
      %dma_wait3A_397 = arith.constant 0 : i32
      %dma_wait3A_398 = tpu.memref_slice %arg2[%dma_wait3A_396, %dma_wait3A_397] : memref<10000x128xf32, #tpu.memory_space<hbm>> -> memref<40x128xf32, #tpu.memory_space<hbm>>
      %dma_wait3A_399 = tpu.memref_slice %arg11[%dma_wait3A_391] : memref<5x!tpu.dma_semaphore, #tpu.memory_space<semaphore_mem>> -> memref<1x!tpu.dma_semaphore, #tpu.memory_space<semaphore_mem>>
      %dma_wait3A_400 = tpu.memref_squeeze %dma_wait3A_399 : memref<1x!tpu.dma_semaphore, #tpu.memory_space<semaphore_mem>> -> memref<!tpu.dma_semaphore, #tpu.memory_space<semaphore_mem>>
      %dma_wait3A_401 = arith.constant 0 : i32
      %dma_wait3A_402 = arith.constant 0 : i32
      %dma_wait3A_403 = tpu.memref_slice %arg9[%dma_wait3A_390, %dma_wait3A_401, %dma_wait3A_402] : memref<5x40x128xf32, #tpu.memory_space<vmem>> -> memref<1x40x128xf32, #tpu.memory_space<vmem>>
      %dma_wait3A_404 = tpu.memref_squeeze %dma_wait3A_403 : memref<1x40x128xf32, #tpu.memory_space<vmem>> -> memref<40x128xf32, #tpu.memory_space<vmem>>
      %dma_wait3A_405 = arith.constant 0 : i32
      %dma_wait3A_406 = arith.constant 0 : i32
      %dma_wait3A_407 = tpu.memref_slice %arg2[%dma_wait3A_405, %dma_wait3A_406] : memref<10000x128xf32, #tpu.memory_space<hbm>> -> memref<40x128xf32, #tpu.memory_space<hbm>>
      tpu.wait_dma2 semaphore(%dma_wait3A_400 : memref<!tpu.dma_semaphore, #tpu.memory_space<semaphore_mem>>) src(%dma_wait3A_407 : memref<40x128xf32, #tpu.memory_space<hbm>>) dst(%dma_wait3A_404 : memref<40x128xf32, #tpu.memory_space<vmem>>)
      %dma_wait3A_408 = arith.constant 3 : i32
      %dma_wait3A_409 = arith.constant 3 : i32
      %dma_wait3A_410 = arith.constant 0 : i32
      %dma_wait3A_411 = tpu.memref_slice %arg8[%dma_wait3A_408, %dma_wait3A_410] : memref<5x40xi32, #tpu.memory_space<vmem>> -> memref<1x40xi32, #tpu.memory_space<vmem>>
      %dma_wait3A_412 = tpu.memref_squeeze %dma_wait3A_411 : memref<1x40xi32, #tpu.memory_space<vmem>> -> memref<40xi32, #tpu.memory_space<vmem>>
      %dma_wait3A_413 = arith.constant 0 : i32
      %dma_wait3A_414 = tpu.memref_slice %arg4[%dma_wait3A_413] : memref<320000xi32, #tpu.memory_space<hbm>> -> memref<40xi32, #tpu.memory_space<hbm>>
      %dma_wait3A_415 = tpu.memref_slice %arg13[%dma_wait3A_409] : memref<5x!tpu.dma_semaphore, #tpu.memory_space<semaphore_mem>> -> memref<1x!tpu.dma_semaphore, #tpu.memory_space<semaphore_mem>>
      %dma_wait3A_416 = tpu.memref_squeeze %dma_wait3A_415 : memref<1x!tpu.dma_semaphore, #tpu.memory_space<semaphore_mem>> -> memref<!tpu.dma_semaphore, #tpu.memory_space<semaphore_mem>>
      %dma_wait3A_417 = arith.constant 0 : i32
      %dma_wait3A_418 = tpu.memref_slice %arg8[%dma_wait3A_408, %dma_wait3A_417] : memref<5x40xi32, #tpu.memory_space<vmem>> -> memref<1x40xi32, #tpu.memory_space<vmem>>
      %dma_wait3A_419 = tpu.memref_squeeze %dma_wait3A_418 : memref<1x40xi32, #tpu.memory_space<vmem>> -> memref<40xi32, #tpu.memory_space<vmem>>
      %dma_wait3A_420 = arith.constant 0 : i32
      %dma_wait3A_421 = tpu.memref_slice %arg4[%dma_wait3A_420] : memref<320000xi32, #tpu.memory_space<hbm>> -> memref<40xi32, #tpu.memory_space<hbm>>
      tpu.wait_dma2 semaphore(%dma_wait3A_416 : memref<!tpu.dma_semaphore, #tpu.memory_space<semaphore_mem>>) src(%dma_wait3A_421 : memref<40xi32, #tpu.memory_space<hbm>>) dst(%dma_wait3A_419 : memref<40xi32, #tpu.memory_space<vmem>>)
      %dma_start3A_422 = arith.constant 3 : i32
      %dma_start3A_423 = arith.constant 3 : i32
      %dma_start3A_424 = arith.constant 3 : i32
      %dma_start3A_425 = arith.constant 0 : i32
      %dma_start3A_426 = arith.constant 0 : i32
      %dma_start3A_427 = tpu.memref_slice %arg9[%dma_start3A_422, %dma_start3A_425, %dma_start3A_426] : memref<5x40x128xf32, #tpu.memory_space<vmem>> -> memref<1x40x128xf32, #tpu.memory_space<vmem>>
      %dma_start3A_428 = tpu.memref_squeeze %dma_start3A_427 : memref<1x40x128xf32, #tpu.memory_space<vmem>> -> memref<40x128xf32, #tpu.memory_space<vmem>>
      %dma_start3A_429 = arith.constant 0 : i32
      %dma_start3A_430 = tpu.memref_slice %arg8[%dma_start3A_423, %dma_start3A_429] : memref<5x40xi32, #tpu.memory_space<vmem>> -> memref<1x40xi32, #tpu.memory_space<vmem>>
      %dma_start3A_431 = tpu.memref_squeeze %dma_start3A_430 : memref<1x40xi32, #tpu.memory_space<vmem>> -> memref<40xi32, #tpu.memory_space<vmem>>
      %dma_start3A_432 = arith.constant 0 : i32
      %dma_start3A_433 = arith.constant 0 : i32
      %dma_start3A_434 = tpu.memref_slice %arg10[%dma_start3A_432, %dma_start3A_433] : memref<10000x128xf32, #tpu.memory_space<vmem_shared>> -> memref<10000x128xf32, #tpu.memory_space<vmem_shared>>
      %dma_start3A_435 = tpu.memref_slice %arg12[%dma_start3A_424] : memref<5x!tpu.dma_semaphore, #tpu.memory_space<semaphore_mem>> -> memref<1x!tpu.dma_semaphore, #tpu.memory_space<semaphore_mem>>
      %dma_start3A_436 = tpu.memref_squeeze %dma_start3A_435 : memref<1x!tpu.dma_semaphore, #tpu.memory_space<semaphore_mem>> -> memref<!tpu.dma_semaphore, #tpu.memory_space<semaphore_mem>>
      tpu.enqueue_indirect_dma source(%dma_start3A_428 : memref<40x128xf32, #tpu.memory_space<vmem>>) target(%dma_start3A_434 : memref<10000x128xf32, #tpu.memory_space<vmem_shared>>) offsets(%dma_start3A_431 : memref<40xi32, #tpu.memory_space<vmem>>) semaphore(%dma_start3A_436 : memref<!tpu.dma_semaphore, #tpu.memory_space<semaphore_mem>>) {add = true}
      %dma_wait3A_437 = arith.constant 4 : i32
      %dma_wait3A_438 = arith.constant 4 : i32
      %dma_wait3A_439 = arith.constant 0 : i32
      %dma_wait3A_440 = arith.constant 0 : i32
      %dma_wait3A_441 = tpu.memref_slice %arg9[%dma_wait3A_437, %dma_wait3A_439, %dma_wait3A_440] : memref<5x40x128xf32, #tpu.memory_space<vmem>> -> memref<1x40x128xf32, #tpu.memory_space<vmem>>
      %dma_wait3A_442 = tpu.memref_squeeze %dma_wait3A_441 : memref<1x40x128xf32, #tpu.memory_space<vmem>> -> memref<40x128xf32, #tpu.memory_space<vmem>>
      %dma_wait3A_443 = arith.constant 0 : i32
      %dma_wait3A_444 = arith.constant 0 : i32
      %dma_wait3A_445 = tpu.memref_slice %arg2[%dma_wait3A_443, %dma_wait3A_444] : memref<10000x128xf32, #tpu.memory_space<hbm>> -> memref<40x128xf32, #tpu.memory_space<hbm>>
      %dma_wait3A_446 = tpu.memref_slice %arg11[%dma_wait3A_438] : memref<5x!tpu.dma_semaphore, #tpu.memory_space<semaphore_mem>> -> memref<1x!tpu.dma_semaphore, #tpu.memory_space<semaphore_mem>>
      %dma_wait3A_447 = tpu.memref_squeeze %dma_wait3A_446 : memref<1x!tpu.dma_semaphore, #tpu.memory_space<semaphore_mem>> -> memref<!tpu.dma_semaphore, #tpu.memory_space<semaphore_mem>>
      %dma_wait3A_448 = arith.constant 0 : i32
      %dma_wait3A_449 = arith.constant 0 : i32
      %dma_wait3A_450 = tpu.memref_slice %arg9[%dma_wait3A_437, %dma_wait3A_448, %dma_wait3A_449] : memref<5x40x128xf32, #tpu.memory_space<vmem>> -> memref<1x40x128xf32, #tpu.memory_space<vmem>>
      %dma_wait3A_451 = tpu.memref_squeeze %dma_wait3A_450 : memref<1x40x128xf32, #tpu.memory_space<vmem>> -> memref<40x128xf32, #tpu.memory_space<vmem>>
      %dma_wait3A_452 = arith.constant 0 : i32
      %dma_wait3A_453 = arith.constant 0 : i32
      %dma_wait3A_454 = tpu.memref_slice %arg2[%dma_wait3A_452, %dma_wait3A_453] : memref<10000x128xf32, #tpu.memory_space<hbm>> -> memref<40x128xf32, #tpu.memory_space<hbm>>
      tpu.wait_dma2 semaphore(%dma_wait3A_447 : memref<!tpu.dma_semaphore, #tpu.memory_space<semaphore_mem>>) src(%dma_wait3A_454 : memref<40x128xf32, #tpu.memory_space<hbm>>) dst(%dma_wait3A_451 : memref<40x128xf32, #tpu.memory_space<vmem>>)
      %dma_wait3A_455 = arith.constant 4 : i32
      %dma_wait3A_456 = arith.constant 4 : i32
      %dma_wait3A_457 = arith.constant 0 : i32
      %dma_wait3A_458 = tpu.memref_slice %arg8[%dma_wait3A_455, %dma_wait3A_457] : memref<5x40xi32, #tpu.memory_space<vmem>> -> memref<1x40xi32, #tpu.memory_space<vmem>>
      %dma_wait3A_459 = tpu.memref_squeeze %dma_wait3A_458 : memref<1x40xi32, #tpu.memory_space<vmem>> -> memref<40xi32, #tpu.memory_space<vmem>>
      %dma_wait3A_460 = arith.constant 0 : i32
      %dma_wait3A_461 = tpu.memref_slice %arg4[%dma_wait3A_460] : memref<320000xi32, #tpu.memory_space<hbm>> -> memref<40xi32, #tpu.memory_space<hbm>>
      %dma_wait3A_462 = tpu.memref_slice %arg13[%dma_wait3A_456] : memref<5x!tpu.dma_semaphore, #tpu.memory_space<semaphore_mem>> -> memref<1x!tpu.dma_semaphore, #tpu.memory_space<semaphore_mem>>
      %dma_wait3A_463 = tpu.memref_squeeze %dma_wait3A_462 : memref<1x!tpu.dma_semaphore, #tpu.memory_space<semaphore_mem>> -> memref<!tpu.dma_semaphore, #tpu.memory_space<semaphore_mem>>
      %dma_wait3A_464 = arith.constant 0 : i32
      %dma_wait3A_465 = tpu.memref_slice %arg8[%dma_wait3A_455, %dma_wait3A_464] : memref<5x40xi32, #tpu.memory_space<vmem>> -> memref<1x40xi32, #tpu.memory_space<vmem>>
      %dma_wait3A_466 = tpu.memref_squeeze %dma_wait3A_465 : memref<1x40xi32, #tpu.memory_space<vmem>> -> memref<40xi32, #tpu.memory_space<vmem>>
      %dma_wait3A_467 = arith.constant 0 : i32
      %dma_wait3A_468 = tpu.memref_slice %arg4[%dma_wait3A_467] : memref<320000xi32, #tpu.memory_space<hbm>> -> memref<40xi32, #tpu.memory_space<hbm>>
      tpu.wait_dma2 semaphore(%dma_wait3A_463 : memref<!tpu.dma_semaphore, #tpu.memory_space<semaphore_mem>>) src(%dma_wait3A_468 : memref<40xi32, #tpu.memory_space<hbm>>) dst(%dma_wait3A_466 : memref<40xi32, #tpu.memory_space<vmem>>)
      %dma_start3A_469 = arith.constant 4 : i32
      %dma_start3A_470 = arith.constant 4 : i32
      %dma_start3A_471 = arith.constant 4 : i32
      %dma_start3A_472 = arith.constant 0 : i32
      %dma_start3A_473 = arith.constant 0 : i32
      %dma_start3A_474 = tpu.memref_slice %arg9[%dma_start3A_469, %dma_start3A_472, %dma_start3A_473] : memref<5x40x128xf32, #tpu.memory_space<vmem>> -> memref<1x40x128xf32, #tpu.memory_space<vmem>>
      %dma_start3A_475 = tpu.memref_squeeze %dma_start3A_474 : memref<1x40x128xf32, #tpu.memory_space<vmem>> -> memref<40x128xf32, #tpu.memory_space<vmem>>
      %dma_start3A_476 = arith.constant 0 : i32
      %dma_start3A_477 = tpu.memref_slice %arg8[%dma_start3A_470, %dma_start3A_476] : memref<5x40xi32, #tpu.memory_space<vmem>> -> memref<1x40xi32, #tpu.memory_space<vmem>>
      %dma_start3A_478 = tpu.memref_squeeze %dma_start3A_477 : memref<1x40xi32, #tpu.memory_space<vmem>> -> memref<40xi32, #tpu.memory_space<vmem>>
      %dma_start3A_479 = arith.constant 0 : i32
      %dma_start3A_480 = arith.constant 0 : i32
      %dma_start3A_481 = tpu.memref_slice %arg10[%dma_start3A_479, %dma_start3A_480] : memref<10000x128xf32, #tpu.memory_space<vmem_shared>> -> memref<10000x128xf32, #tpu.memory_space<vmem_shared>>
      %dma_start3A_482 = tpu.memref_slice %arg12[%dma_start3A_471] : memref<5x!tpu.dma_semaphore, #tpu.memory_space<semaphore_mem>> -> memref<1x!tpu.dma_semaphore, #tpu.memory_space<semaphore_mem>>
      %dma_start3A_483 = tpu.memref_squeeze %dma_start3A_482 : memref<1x!tpu.dma_semaphore, #tpu.memory_space<semaphore_mem>> -> memref<!tpu.dma_semaphore, #tpu.memory_space<semaphore_mem>>
      tpu.enqueue_indirect_dma source(%dma_start3A_475 : memref<40x128xf32, #tpu.memory_space<vmem>>) target(%dma_start3A_481 : memref<10000x128xf32, #tpu.memory_space<vmem_shared>>) offsets(%dma_start3A_478 : memref<40xi32, #tpu.memory_space<vmem>>) semaphore(%dma_start3A_483 : memref<!tpu.dma_semaphore, #tpu.memory_space<semaphore_mem>>) {add = true}
      %add3A_484 = arith.constant 0 : i32
      %add3A_485 = arith.addi %add3A_248, %add3A_484 : i32
      %add3A_486 = arith.constant 5 : i32
      %add3A_487 = arith.addi %add3A_485, %add3A_486 : i32
      %lt3A = arith.constant 250 : i32
      %lt3A_488 = arith.cmpi slt, %add3A_487, %lt3A : i32
      %convert_element_type3A_489 = arith.extui %lt3A_488 : i1 to i32
      %cond3A_490 = arith.constant 0 : i32
      %cond3A_491 = arith.cmpi ne, %convert_element_type3A_489, %cond3A_490 : i32
      scf.if %cond3A_491 {
        %dma_wait3A_528 = arith.constant 0 : i32
        %dma_wait3A_529 = arith.constant 0 : i32
        %dma_wait3A_530 = arith.constant 0 : i32
        %dma_wait3A_531 = arith.constant 0 : i32
        %dma_wait3A_532 = tpu.memref_slice %arg9[%dma_wait3A_528, %dma_wait3A_530, %dma_wait3A_531] : memref<5x40x128xf32, #tpu.memory_space<vmem>> -> memref<1x40x128xf32, #tpu.memory_space<vmem>>
        %dma_wait3A_533 = tpu.memref_squeeze %dma_wait3A_532 : memref<1x40x128xf32, #tpu.memory_space<vmem>> -> memref<40x128xf32, #tpu.memory_space<vmem>>
        %dma_wait3A_534 = arith.constant 0 : i32
        %dma_wait3A_535 = arith.constant 0 : i32
        %dma_wait3A_536 = tpu.memref_slice %arg10[%dma_wait3A_534, %dma_wait3A_535] : memref<10000x128xf32, #tpu.memory_space<vmem_shared>> -> memref<40x128xf32, #tpu.memory_space<vmem_shared>>
        %dma_wait3A_537 = tpu.memref_slice %arg12[%dma_wait3A_529] : memref<5x!tpu.dma_semaphore, #tpu.memory_space<semaphore_mem>> -> memref<1x!tpu.dma_semaphore, #tpu.memory_space<semaphore_mem>>
        %dma_wait3A_538 = tpu.memref_squeeze %dma_wait3A_537 : memref<1x!tpu.dma_semaphore, #tpu.memory_space<semaphore_mem>> -> memref<!tpu.dma_semaphore, #tpu.memory_space<semaphore_mem>>
        %dma_wait3A_539 = arith.constant 0 : i32
        %dma_wait3A_540 = arith.constant 0 : i32
        %dma_wait3A_541 = tpu.memref_slice %arg10[%dma_wait3A_539, %dma_wait3A_540] : memref<10000x128xf32, #tpu.memory_space<vmem_shared>> -> memref<40x128xf32, #tpu.memory_space<vmem_shared>>
        %dma_wait3A_542 = arith.constant 0 : i32
        %dma_wait3A_543 = arith.constant 0 : i32
        %dma_wait3A_544 = tpu.memref_slice %arg9[%dma_wait3A_528, %dma_wait3A_542, %dma_wait3A_543] : memref<5x40x128xf32, #tpu.memory_space<vmem>> -> memref<1x40x128xf32, #tpu.memory_space<vmem>>
        %dma_wait3A_545 = tpu.memref_squeeze %dma_wait3A_544 : memref<1x40x128xf32, #tpu.memory_space<vmem>> -> memref<40x128xf32, #tpu.memory_space<vmem>>
        tpu.wait_dma2 semaphore(%dma_wait3A_538 : memref<!tpu.dma_semaphore, #tpu.memory_space<semaphore_mem>>) src(%dma_wait3A_545 : memref<40x128xf32, #tpu.memory_space<vmem>>) dst(%dma_wait3A_541 : memref<40x128xf32, #tpu.memory_space<vmem_shared>>)
        %add3A_546 = arith.constant 0 : i32
        %add3A_547 = arith.addi %add3A_248, %add3A_546 : i32
        %add3A_548 = arith.constant 5 : i32
        %add3A_549 = arith.addi %add3A_547, %add3A_548 : i32
        %mul3A_550 = arith.constant 40 : i32
        %mul3A_551 = arith.muli %add3A_549, %mul3A_550 : i32
        %dma_start3A_552 = arith.constant 0 : i32
        %dma_start3A_553 = arith.constant 0 : i32
        %dma_start3A_554 = arith.constant 0 : i32
        %dma_start3A_555 = arith.constant 0 : i32
        %dma_start3A_556 = tpu.memref_slice %arg9[%dma_start3A_552, %dma_start3A_554, %dma_start3A_555] : memref<5x40x128xf32, #tpu.memory_space<vmem>> -> memref<1x40x128xf32, #tpu.memory_space<vmem>>
        %dma_start3A_557 = tpu.memref_squeeze %dma_start3A_556 : memref<1x40x128xf32, #tpu.memory_space<vmem>> -> memref<40x128xf32, #tpu.memory_space<vmem>>
        %dma_start3A_558 = tpu.memref_slice %arg7[%mul3A_551] : memref<10000xi32, #tpu.memory_space<vmem>> -> memref<40xi32, #tpu.memory_space<vmem>>
        %dma_start3A_559 = arith.constant 0 : i32
        %dma_start3A_560 = arith.constant 0 : i32
        %dma_start3A_561 = tpu.memref_slice %arg2[%dma_start3A_559, %dma_start3A_560] : memref<10000x128xf32, #tpu.memory_space<hbm>> -> memref<10000x128xf32, #tpu.memory_space<hbm>>
        %dma_start3A_562 = tpu.memref_slice %arg11[%dma_start3A_553] : memref<5x!tpu.dma_semaphore, #tpu.memory_space<semaphore_mem>> -> memref<1x!tpu.dma_semaphore, #tpu.memory_space<semaphore_mem>>
        %dma_start3A_563 = tpu.memref_squeeze %dma_start3A_562 : memref<1x!tpu.dma_semaphore, #tpu.memory_space<semaphore_mem>> -> memref<!tpu.dma_semaphore, #tpu.memory_space<semaphore_mem>>
        tpu.enqueue_indirect_dma source(%dma_start3A_561 : memref<10000x128xf32, #tpu.memory_space<hbm>>) target(%dma_start3A_557 : memref<40x128xf32, #tpu.memory_space<vmem>>) offsets(%dma_start3A_558 : memref<40xi32, #tpu.memory_space<vmem>>) semaphore(%dma_start3A_563 : memref<!tpu.dma_semaphore, #tpu.memory_space<semaphore_mem>>)
        %mul3A_564 = arith.constant 40 : i32
        %mul3A_565 = arith.muli %add3A_549, %mul3A_564 : i32
        %add3A_566 = arith.addi %mul3A_2, %mul3A_565 : i32
        %dma_start3A_567 = arith.constant 0 : i32
        %dma_start3A_568 = arith.constant 0 : i32
        %dma_start3A_569 = arith.constant 0 : i32
        %dma_start3A_570 = tpu.memref_slice %arg8[%dma_start3A_567, %dma_start3A_569] : memref<5x40xi32, #tpu.memory_space<vmem>> -> memref<1x40xi32, #tpu.memory_space<vmem>>
        %dma_start3A_571 = tpu.memref_squeeze %dma_start3A_570 : memref<1x40xi32, #tpu.memory_space<vmem>> -> memref<40xi32, #tpu.memory_space<vmem>>
        %dma_start3A_572 = tpu.memref_slice %arg4[%add3A_566] : memref<320000xi32, #tpu.memory_space<hbm>> -> memref<40xi32, #tpu.memory_space<hbm>>
        %dma_start3A_573 = tpu.memref_slice %arg13[%dma_start3A_568] : memref<5x!tpu.dma_semaphore, #tpu.memory_space<semaphore_mem>> -> memref<1x!tpu.dma_semaphore, #tpu.memory_space<semaphore_mem>>
        %dma_start3A_574 = tpu.memref_squeeze %dma_start3A_573 : memref<1x!tpu.dma_semaphore, #tpu.memory_space<semaphore_mem>> -> memref<!tpu.dma_semaphore, #tpu.memory_space<semaphore_mem>>
        %dma_start3A_575 = arith.constant 0 : i32
        %dma_start3A_576 = tpu.memref_slice %arg8[%dma_start3A_567, %dma_start3A_575] : memref<5x40xi32, #tpu.memory_space<vmem>> -> memref<1x40xi32, #tpu.memory_space<vmem>>
        %dma_start3A_577 = tpu.memref_squeeze %dma_start3A_576 : memref<1x40xi32, #tpu.memory_space<vmem>> -> memref<40xi32, #tpu.memory_space<vmem>>
        %dma_start3A_578 = tpu.memref_slice %arg4[%add3A_566] : memref<320000xi32, #tpu.memory_space<hbm>> -> memref<40xi32, #tpu.memory_space<hbm>>
        tpu.enqueue_dma source(%dma_start3A_578 : memref<40xi32, #tpu.memory_space<hbm>>) target(%dma_start3A_577 : memref<40xi32, #tpu.memory_space<vmem>>) target_semaphore(%dma_start3A_574 : memref<!tpu.dma_semaphore, #tpu.memory_space<semaphore_mem>>)
      } else {
      }
      %add3A_492 = arith.constant 1 : i32
      %add3A_493 = arith.addi %add3A_248, %add3A_492 : i32
      %add3A_494 = arith.constant 5 : i32
      %add3A_495 = arith.addi %add3A_493, %add3A_494 : i32
      %lt3A_496 = arith.constant 250 : i32
      %lt3A_497 = arith.cmpi slt, %add3A_495, %lt3A_496 : i32
      %convert_element_type3A_498 = arith.extui %lt3A_497 : i1 to i32
      %cond3A_499 = arith.constant 0 : i32
      %cond3A_500 = arith.cmpi ne, %convert_element_type3A_498, %cond3A_499 : i32
      scf.if %cond3A_500 {
        %dma_wait3A_528 = arith.constant 1 : i32
        %dma_wait3A_529 = arith.constant 1 : i32
        %dma_wait3A_530 = arith.constant 0 : i32
        %dma_wait3A_531 = arith.constant 0 : i32
        %dma_wait3A_532 = tpu.memref_slice %arg9[%dma_wait3A_528, %dma_wait3A_530, %dma_wait3A_531] : memref<5x40x128xf32, #tpu.memory_space<vmem>> -> memref<1x40x128xf32, #tpu.memory_space<vmem>>
        %dma_wait3A_533 = tpu.memref_squeeze %dma_wait3A_532 : memref<1x40x128xf32, #tpu.memory_space<vmem>> -> memref<40x128xf32, #tpu.memory_space<vmem>>
        %dma_wait3A_534 = arith.constant 0 : i32
        %dma_wait3A_535 = arith.constant 0 : i32
        %dma_wait3A_536 = tpu.memref_slice %arg10[%dma_wait3A_534, %dma_wait3A_535] : memref<10000x128xf32, #tpu.memory_space<vmem_shared>> -> memref<40x128xf32, #tpu.memory_space<vmem_shared>>
        %dma_wait3A_537 = tpu.memref_slice %arg12[%dma_wait3A_529] : memref<5x!tpu.dma_semaphore, #tpu.memory_space<semaphore_mem>> -> memref<1x!tpu.dma_semaphore, #tpu.memory_space<semaphore_mem>>
        %dma_wait3A_538 = tpu.memref_squeeze %dma_wait3A_537 : memref<1x!tpu.dma_semaphore, #tpu.memory_space<semaphore_mem>> -> memref<!tpu.dma_semaphore, #tpu.memory_space<semaphore_mem>>
        %dma_wait3A_539 = arith.constant 0 : i32
        %dma_wait3A_540 = arith.constant 0 : i32
        %dma_wait3A_541 = tpu.memref_slice %arg10[%dma_wait3A_539, %dma_wait3A_540] : memref<10000x128xf32, #tpu.memory_space<vmem_shared>> -> memref<40x128xf32, #tpu.memory_space<vmem_shared>>
        %dma_wait3A_542 = arith.constant 0 : i32
        %dma_wait3A_543 = arith.constant 0 : i32
        %dma_wait3A_544 = tpu.memref_slice %arg9[%dma_wait3A_528, %dma_wait3A_542, %dma_wait3A_543] : memref<5x40x128xf32, #tpu.memory_space<vmem>> -> memref<1x40x128xf32, #tpu.memory_space<vmem>>
        %dma_wait3A_545 = tpu.memref_squeeze %dma_wait3A_544 : memref<1x40x128xf32, #tpu.memory_space<vmem>> -> memref<40x128xf32, #tpu.memory_space<vmem>>
        tpu.wait_dma2 semaphore(%dma_wait3A_538 : memref<!tpu.dma_semaphore, #tpu.memory_space<semaphore_mem>>) src(%dma_wait3A_545 : memref<40x128xf32, #tpu.memory_space<vmem>>) dst(%dma_wait3A_541 : memref<40x128xf32, #tpu.memory_space<vmem_shared>>)
        %add3A_546 = arith.constant 1 : i32
        %add3A_547 = arith.addi %add3A_248, %add3A_546 : i32
        %add3A_548 = arith.constant 5 : i32
        %add3A_549 = arith.addi %add3A_547, %add3A_548 : i32
        %mul3A_550 = arith.constant 40 : i32
        %mul3A_551 = arith.muli %add3A_549, %mul3A_550 : i32
        %dma_start3A_552 = arith.constant 1 : i32
        %dma_start3A_553 = arith.constant 1 : i32
        %dma_start3A_554 = arith.constant 0 : i32
        %dma_start3A_555 = arith.constant 0 : i32
        %dma_start3A_556 = tpu.memref_slice %arg9[%dma_start3A_552, %dma_start3A_554, %dma_start3A_555] : memref<5x40x128xf32, #tpu.memory_space<vmem>> -> memref<1x40x128xf32, #tpu.memory_space<vmem>>
        %dma_start3A_557 = tpu.memref_squeeze %dma_start3A_556 : memref<1x40x128xf32, #tpu.memory_space<vmem>> -> memref<40x128xf32, #tpu.memory_space<vmem>>
        %dma_start3A_558 = tpu.memref_slice %arg7[%mul3A_551] : memref<10000xi32, #tpu.memory_space<vmem>> -> memref<40xi32, #tpu.memory_space<vmem>>
        %dma_start3A_559 = arith.constant 0 : i32
        %dma_start3A_560 = arith.constant 0 : i32
        %dma_start3A_561 = tpu.memref_slice %arg2[%dma_start3A_559, %dma_start3A_560] : memref<10000x128xf32, #tpu.memory_space<hbm>> -> memref<10000x128xf32, #tpu.memory_space<hbm>>
        %dma_start3A_562 = tpu.memref_slice %arg11[%dma_start3A_553] : memref<5x!tpu.dma_semaphore, #tpu.memory_space<semaphore_mem>> -> memref<1x!tpu.dma_semaphore, #tpu.memory_space<semaphore_mem>>
        %dma_start3A_563 = tpu.memref_squeeze %dma_start3A_562 : memref<1x!tpu.dma_semaphore, #tpu.memory_space<semaphore_mem>> -> memref<!tpu.dma_semaphore, #tpu.memory_space<semaphore_mem>>
        tpu.enqueue_indirect_dma source(%dma_start3A_561 : memref<10000x128xf32, #tpu.memory_space<hbm>>) target(%dma_start3A_557 : memref<40x128xf32, #tpu.memory_space<vmem>>) offsets(%dma_start3A_558 : memref<40xi32, #tpu.memory_space<vmem>>) semaphore(%dma_start3A_563 : memref<!tpu.dma_semaphore, #tpu.memory_space<semaphore_mem>>)
        %mul3A_564 = arith.constant 40 : i32
        %mul3A_565 = arith.muli %add3A_549, %mul3A_564 : i32
        %add3A_566 = arith.addi %mul3A_2, %mul3A_565 : i32
        %dma_start3A_567 = arith.constant 1 : i32
        %dma_start3A_568 = arith.constant 1 : i32
        %dma_start3A_569 = arith.constant 0 : i32
        %dma_start3A_570 = tpu.memref_slice %arg8[%dma_start3A_567, %dma_start3A_569] : memref<5x40xi32, #tpu.memory_space<vmem>> -> memref<1x40xi32, #tpu.memory_space<vmem>>
        %dma_start3A_571 = tpu.memref_squeeze %dma_start3A_570 : memref<1x40xi32, #tpu.memory_space<vmem>> -> memref<40xi32, #tpu.memory_space<vmem>>
        %dma_start3A_572 = tpu.memref_slice %arg4[%add3A_566] : memref<320000xi32, #tpu.memory_space<hbm>> -> memref<40xi32, #tpu.memory_space<hbm>>
        %dma_start3A_573 = tpu.memref_slice %arg13[%dma_start3A_568] : memref<5x!tpu.dma_semaphore, #tpu.memory_space<semaphore_mem>> -> memref<1x!tpu.dma_semaphore, #tpu.memory_space<semaphore_mem>>
        %dma_start3A_574 = tpu.memref_squeeze %dma_start3A_573 : memref<1x!tpu.dma_semaphore, #tpu.memory_space<semaphore_mem>> -> memref<!tpu.dma_semaphore, #tpu.memory_space<semaphore_mem>>
        %dma_start3A_575 = arith.constant 0 : i32
        %dma_start3A_576 = tpu.memref_slice %arg8[%dma_start3A_567, %dma_start3A_575] : memref<5x40xi32, #tpu.memory_space<vmem>> -> memref<1x40xi32, #tpu.memory_space<vmem>>
        %dma_start3A_577 = tpu.memref_squeeze %dma_start3A_576 : memref<1x40xi32, #tpu.memory_space<vmem>> -> memref<40xi32, #tpu.memory_space<vmem>>
        %dma_start3A_578 = tpu.memref_slice %arg4[%add3A_566] : memref<320000xi32, #tpu.memory_space<hbm>> -> memref<40xi32, #tpu.memory_space<hbm>>
        tpu.enqueue_dma source(%dma_start3A_578 : memref<40xi32, #tpu.memory_space<hbm>>) target(%dma_start3A_577 : memref<40xi32, #tpu.memory_space<vmem>>) target_semaphore(%dma_start3A_574 : memref<!tpu.dma_semaphore, #tpu.memory_space<semaphore_mem>>)
      } else {
      }
      %add3A_501 = arith.constant 2 : i32
      %add3A_502 = arith.addi %add3A_248, %add3A_501 : i32
      %add3A_503 = arith.constant 5 : i32
      %add3A_504 = arith.addi %add3A_502, %add3A_503 : i32
      %lt3A_505 = arith.constant 250 : i32
      %lt3A_506 = arith.cmpi slt, %add3A_504, %lt3A_505 : i32
      %convert_element_type3A_507 = arith.extui %lt3A_506 : i1 to i32
      %cond3A_508 = arith.constant 0 : i32
      %cond3A_509 = arith.cmpi ne, %convert_element_type3A_507, %cond3A_508 : i32
      scf.if %cond3A_509 {
        %dma_wait3A_528 = arith.constant 2 : i32
        %dma_wait3A_529 = arith.constant 2 : i32
        %dma_wait3A_530 = arith.constant 0 : i32
        %dma_wait3A_531 = arith.constant 0 : i32
        %dma_wait3A_532 = tpu.memref_slice %arg9[%dma_wait3A_528, %dma_wait3A_530, %dma_wait3A_531] : memref<5x40x128xf32, #tpu.memory_space<vmem>> -> memref<1x40x128xf32, #tpu.memory_space<vmem>>
        %dma_wait3A_533 = tpu.memref_squeeze %dma_wait3A_532 : memref<1x40x128xf32, #tpu.memory_space<vmem>> -> memref<40x128xf32, #tpu.memory_space<vmem>>
        %dma_wait3A_534 = arith.constant 0 : i32
        %dma_wait3A_535 = arith.constant 0 : i32
        %dma_wait3A_536 = tpu.memref_slice %arg10[%dma_wait3A_534, %dma_wait3A_535] : memref<10000x128xf32, #tpu.memory_space<vmem_shared>> -> memref<40x128xf32, #tpu.memory_space<vmem_shared>>
        %dma_wait3A_537 = tpu.memref_slice %arg12[%dma_wait3A_529] : memref<5x!tpu.dma_semaphore, #tpu.memory_space<semaphore_mem>> -> memref<1x!tpu.dma_semaphore, #tpu.memory_space<semaphore_mem>>
        %dma_wait3A_538 = tpu.memref_squeeze %dma_wait3A_537 : memref<1x!tpu.dma_semaphore, #tpu.memory_space<semaphore_mem>> -> memref<!tpu.dma_semaphore, #tpu.memory_space<semaphore_mem>>
        %dma_wait3A_539 = arith.constant 0 : i32
        %dma_wait3A_540 = arith.constant 0 : i32
        %dma_wait3A_541 = tpu.memref_slice %arg10[%dma_wait3A_539, %dma_wait3A_540] : memref<10000x128xf32, #tpu.memory_space<vmem_shared>> -> memref<40x128xf32, #tpu.memory_space<vmem_shared>>
        %dma_wait3A_542 = arith.constant 0 : i32
        %dma_wait3A_543 = arith.constant 0 : i32
        %dma_wait3A_544 = tpu.memref_slice %arg9[%dma_wait3A_528, %dma_wait3A_542, %dma_wait3A_543] : memref<5x40x128xf32, #tpu.memory_space<vmem>> -> memref<1x40x128xf32, #tpu.memory_space<vmem>>
        %dma_wait3A_545 = tpu.memref_squeeze %dma_wait3A_544 : memref<1x40x128xf32, #tpu.memory_space<vmem>> -> memref<40x128xf32, #tpu.memory_space<vmem>>
        tpu.wait_dma2 semaphore(%dma_wait3A_538 : memref<!tpu.dma_semaphore, #tpu.memory_space<semaphore_mem>>) src(%dma_wait3A_545 : memref<40x128xf32, #tpu.memory_space<vmem>>) dst(%dma_wait3A_541 : memref<40x128xf32, #tpu.memory_space<vmem_shared>>)
        %add3A_546 = arith.constant 2 : i32
        %add3A_547 = arith.addi %add3A_248, %add3A_546 : i32
        %add3A_548 = arith.constant 5 : i32
        %add3A_549 = arith.addi %add3A_547, %add3A_548 : i32
        %mul3A_550 = arith.constant 40 : i32
        %mul3A_551 = arith.muli %add3A_549, %mul3A_550 : i32
        %dma_start3A_552 = arith.constant 2 : i32
        %dma_start3A_553 = arith.constant 2 : i32
        %dma_start3A_554 = arith.constant 0 : i32
        %dma_start3A_555 = arith.constant 0 : i32
        %dma_start3A_556 = tpu.memref_slice %arg9[%dma_start3A_552, %dma_start3A_554, %dma_start3A_555] : memref<5x40x128xf32, #tpu.memory_space<vmem>> -> memref<1x40x128xf32, #tpu.memory_space<vmem>>
        %dma_start3A_557 = tpu.memref_squeeze %dma_start3A_556 : memref<1x40x128xf32, #tpu.memory_space<vmem>> -> memref<40x128xf32, #tpu.memory_space<vmem>>
        %dma_start3A_558 = tpu.memref_slice %arg7[%mul3A_551] : memref<10000xi32, #tpu.memory_space<vmem>> -> memref<40xi32, #tpu.memory_space<vmem>>
        %dma_start3A_559 = arith.constant 0 : i32
        %dma_start3A_560 = arith.constant 0 : i32
        %dma_start3A_561 = tpu.memref_slice %arg2[%dma_start3A_559, %dma_start3A_560] : memref<10000x128xf32, #tpu.memory_space<hbm>> -> memref<10000x128xf32, #tpu.memory_space<hbm>>
        %dma_start3A_562 = tpu.memref_slice %arg11[%dma_start3A_553] : memref<5x!tpu.dma_semaphore, #tpu.memory_space<semaphore_mem>> -> memref<1x!tpu.dma_semaphore, #tpu.memory_space<semaphore_mem>>
        %dma_start3A_563 = tpu.memref_squeeze %dma_start3A_562 : memref<1x!tpu.dma_semaphore, #tpu.memory_space<semaphore_mem>> -> memref<!tpu.dma_semaphore, #tpu.memory_space<semaphore_mem>>
        tpu.enqueue_indirect_dma source(%dma_start3A_561 : memref<10000x128xf32, #tpu.memory_space<hbm>>) target(%dma_start3A_557 : memref<40x128xf32, #tpu.memory_space<vmem>>) offsets(%dma_start3A_558 : memref<40xi32, #tpu.memory_space<vmem>>) semaphore(%dma_start3A_563 : memref<!tpu.dma_semaphore, #tpu.memory_space<semaphore_mem>>)
        %mul3A_564 = arith.constant 40 : i32
        %mul3A_565 = arith.muli %add3A_549, %mul3A_564 : i32
        %add3A_566 = arith.addi %mul3A_2, %mul3A_565 : i32
        %dma_start3A_567 = arith.constant 2 : i32
        %dma_start3A_568 = arith.constant 2 : i32
        %dma_start3A_569 = arith.constant 0 : i32
        %dma_start3A_570 = tpu.memref_slice %arg8[%dma_start3A_567, %dma_start3A_569] : memref<5x40xi32, #tpu.memory_space<vmem>> -> memref<1x40xi32, #tpu.memory_space<vmem>>
        %dma_start3A_571 = tpu.memref_squeeze %dma_start3A_570 : memref<1x40xi32, #tpu.memory_space<vmem>> -> memref<40xi32, #tpu.memory_space<vmem>>
        %dma_start3A_572 = tpu.memref_slice %arg4[%add3A_566] : memref<320000xi32, #tpu.memory_space<hbm>> -> memref<40xi32, #tpu.memory_space<hbm>>
        %dma_start3A_573 = tpu.memref_slice %arg13[%dma_start3A_568] : memref<5x!tpu.dma_semaphore, #tpu.memory_space<semaphore_mem>> -> memref<1x!tpu.dma_semaphore, #tpu.memory_space<semaphore_mem>>
        %dma_start3A_574 = tpu.memref_squeeze %dma_start3A_573 : memref<1x!tpu.dma_semaphore, #tpu.memory_space<semaphore_mem>> -> memref<!tpu.dma_semaphore, #tpu.memory_space<semaphore_mem>>
        %dma_start3A_575 = arith.constant 0 : i32
        %dma_start3A_576 = tpu.memref_slice %arg8[%dma_start3A_567, %dma_start3A_575] : memref<5x40xi32, #tpu.memory_space<vmem>> -> memref<1x40xi32, #tpu.memory_space<vmem>>
        %dma_start3A_577 = tpu.memref_squeeze %dma_start3A_576 : memref<1x40xi32, #tpu.memory_space<vmem>> -> memref<40xi32, #tpu.memory_space<vmem>>
        %dma_start3A_578 = tpu.memref_slice %arg4[%add3A_566] : memref<320000xi32, #tpu.memory_space<hbm>> -> memref<40xi32, #tpu.memory_space<hbm>>
        tpu.enqueue_dma source(%dma_start3A_578 : memref<40xi32, #tpu.memory_space<hbm>>) target(%dma_start3A_577 : memref<40xi32, #tpu.memory_space<vmem>>) target_semaphore(%dma_start3A_574 : memref<!tpu.dma_semaphore, #tpu.memory_space<semaphore_mem>>)
      } else {
      }
      %add3A_510 = arith.constant 3 : i32
      %add3A_511 = arith.addi %add3A_248, %add3A_510 : i32
      %add3A_512 = arith.constant 5 : i32
      %add3A_513 = arith.addi %add3A_511, %add3A_512 : i32
      %lt3A_514 = arith.constant 250 : i32
      %lt3A_515 = arith.cmpi slt, %add3A_513, %lt3A_514 : i32
      %convert_element_type3A_516 = arith.extui %lt3A_515 : i1 to i32
      %cond3A_517 = arith.constant 0 : i32
      %cond3A_518 = arith.cmpi ne, %convert_element_type3A_516, %cond3A_517 : i32
      scf.if %cond3A_518 {
        %dma_wait3A_528 = arith.constant 3 : i32
        %dma_wait3A_529 = arith.constant 3 : i32
        %dma_wait3A_530 = arith.constant 0 : i32
        %dma_wait3A_531 = arith.constant 0 : i32
        %dma_wait3A_532 = tpu.memref_slice %arg9[%dma_wait3A_528, %dma_wait3A_530, %dma_wait3A_531] : memref<5x40x128xf32, #tpu.memory_space<vmem>> -> memref<1x40x128xf32, #tpu.memory_space<vmem>>
        %dma_wait3A_533 = tpu.memref_squeeze %dma_wait3A_532 : memref<1x40x128xf32, #tpu.memory_space<vmem>> -> memref<40x128xf32, #tpu.memory_space<vmem>>
        %dma_wait3A_534 = arith.constant 0 : i32
        %dma_wait3A_535 = arith.constant 0 : i32
        %dma_wait3A_536 = tpu.memref_slice %arg10[%dma_wait3A_534, %dma_wait3A_535] : memref<10000x128xf32, #tpu.memory_space<vmem_shared>> -> memref<40x128xf32, #tpu.memory_space<vmem_shared>>
        %dma_wait3A_537 = tpu.memref_slice %arg12[%dma_wait3A_529] : memref<5x!tpu.dma_semaphore, #tpu.memory_space<semaphore_mem>> -> memref<1x!tpu.dma_semaphore, #tpu.memory_space<semaphore_mem>>
        %dma_wait3A_538 = tpu.memref_squeeze %dma_wait3A_537 : memref<1x!tpu.dma_semaphore, #tpu.memory_space<semaphore_mem>> -> memref<!tpu.dma_semaphore, #tpu.memory_space<semaphore_mem>>
        %dma_wait3A_539 = arith.constant 0 : i32
        %dma_wait3A_540 = arith.constant 0 : i32
        %dma_wait3A_541 = tpu.memref_slice %arg10[%dma_wait3A_539, %dma_wait3A_540] : memref<10000x128xf32, #tpu.memory_space<vmem_shared>> -> memref<40x128xf32, #tpu.memory_space<vmem_shared>>
        %dma_wait3A_542 = arith.constant 0 : i32
        %dma_wait3A_543 = arith.constant 0 : i32
        %dma_wait3A_544 = tpu.memref_slice %arg9[%dma_wait3A_528, %dma_wait3A_542, %dma_wait3A_543] : memref<5x40x128xf32, #tpu.memory_space<vmem>> -> memref<1x40x128xf32, #tpu.memory_space<vmem>>
        %dma_wait3A_545 = tpu.memref_squeeze %dma_wait3A_544 : memref<1x40x128xf32, #tpu.memory_space<vmem>> -> memref<40x128xf32, #tpu.memory_space<vmem>>
        tpu.wait_dma2 semaphore(%dma_wait3A_538 : memref<!tpu.dma_semaphore, #tpu.memory_space<semaphore_mem>>) src(%dma_wait3A_545 : memref<40x128xf32, #tpu.memory_space<vmem>>) dst(%dma_wait3A_541 : memref<40x128xf32, #tpu.memory_space<vmem_shared>>)
        %add3A_546 = arith.constant 3 : i32
        %add3A_547 = arith.addi %add3A_248, %add3A_546 : i32
        %add3A_548 = arith.constant 5 : i32
        %add3A_549 = arith.addi %add3A_547, %add3A_548 : i32
        %mul3A_550 = arith.constant 40 : i32
        %mul3A_551 = arith.muli %add3A_549, %mul3A_550 : i32
        %dma_start3A_552 = arith.constant 3 : i32
        %dma_start3A_553 = arith.constant 3 : i32
        %dma_start3A_554 = arith.constant 0 : i32
        %dma_start3A_555 = arith.constant 0 : i32
        %dma_start3A_556 = tpu.memref_slice %arg9[%dma_start3A_552, %dma_start3A_554, %dma_start3A_555] : memref<5x40x128xf32, #tpu.memory_space<vmem>> -> memref<1x40x128xf32, #tpu.memory_space<vmem>>
        %dma_start3A_557 = tpu.memref_squeeze %dma_start3A_556 : memref<1x40x128xf32, #tpu.memory_space<vmem>> -> memref<40x128xf32, #tpu.memory_space<vmem>>
        %dma_start3A_558 = tpu.memref_slice %arg7[%mul3A_551] : memref<10000xi32, #tpu.memory_space<vmem>> -> memref<40xi32, #tpu.memory_space<vmem>>
        %dma_start3A_559 = arith.constant 0 : i32
        %dma_start3A_560 = arith.constant 0 : i32
        %dma_start3A_561 = tpu.memref_slice %arg2[%dma_start3A_559, %dma_start3A_560] : memref<10000x128xf32, #tpu.memory_space<hbm>> -> memref<10000x128xf32, #tpu.memory_space<hbm>>
        %dma_start3A_562 = tpu.memref_slice %arg11[%dma_start3A_553] : memref<5x!tpu.dma_semaphore, #tpu.memory_space<semaphore_mem>> -> memref<1x!tpu.dma_semaphore, #tpu.memory_space<semaphore_mem>>
        %dma_start3A_563 = tpu.memref_squeeze %dma_start3A_562 : memref<1x!tpu.dma_semaphore, #tpu.memory_space<semaphore_mem>> -> memref<!tpu.dma_semaphore, #tpu.memory_space<semaphore_mem>>
        tpu.enqueue_indirect_dma source(%dma_start3A_561 : memref<10000x128xf32, #tpu.memory_space<hbm>>) target(%dma_start3A_557 : memref<40x128xf32, #tpu.memory_space<vmem>>) offsets(%dma_start3A_558 : memref<40xi32, #tpu.memory_space<vmem>>) semaphore(%dma_start3A_563 : memref<!tpu.dma_semaphore, #tpu.memory_space<semaphore_mem>>)
        %mul3A_564 = arith.constant 40 : i32
        %mul3A_565 = arith.muli %add3A_549, %mul3A_564 : i32
        %add3A_566 = arith.addi %mul3A_2, %mul3A_565 : i32
        %dma_start3A_567 = arith.constant 3 : i32
        %dma_start3A_568 = arith.constant 3 : i32
        %dma_start3A_569 = arith.constant 0 : i32
        %dma_start3A_570 = tpu.memref_slice %arg8[%dma_start3A_567, %dma_start3A_569] : memref<5x40xi32, #tpu.memory_space<vmem>> -> memref<1x40xi32, #tpu.memory_space<vmem>>
        %dma_start3A_571 = tpu.memref_squeeze %dma_start3A_570 : memref<1x40xi32, #tpu.memory_space<vmem>> -> memref<40xi32, #tpu.memory_space<vmem>>
        %dma_start3A_572 = tpu.memref_slice %arg4[%add3A_566] : memref<320000xi32, #tpu.memory_space<hbm>> -> memref<40xi32, #tpu.memory_space<hbm>>
        %dma_start3A_573 = tpu.memref_slice %arg13[%dma_start3A_568] : memref<5x!tpu.dma_semaphore, #tpu.memory_space<semaphore_mem>> -> memref<1x!tpu.dma_semaphore, #tpu.memory_space<semaphore_mem>>
        %dma_start3A_574 = tpu.memref_squeeze %dma_start3A_573 : memref<1x!tpu.dma_semaphore, #tpu.memory_space<semaphore_mem>> -> memref<!tpu.dma_semaphore, #tpu.memory_space<semaphore_mem>>
        %dma_start3A_575 = arith.constant 0 : i32
        %dma_start3A_576 = tpu.memref_slice %arg8[%dma_start3A_567, %dma_start3A_575] : memref<5x40xi32, #tpu.memory_space<vmem>> -> memref<1x40xi32, #tpu.memory_space<vmem>>
        %dma_start3A_577 = tpu.memref_squeeze %dma_start3A_576 : memref<1x40xi32, #tpu.memory_space<vmem>> -> memref<40xi32, #tpu.memory_space<vmem>>
        %dma_start3A_578 = tpu.memref_slice %arg4[%add3A_566] : memref<320000xi32, #tpu.memory_space<hbm>> -> memref<40xi32, #tpu.memory_space<hbm>>
        tpu.enqueue_dma source(%dma_start3A_578 : memref<40xi32, #tpu.memory_space<hbm>>) target(%dma_start3A_577 : memref<40xi32, #tpu.memory_space<vmem>>) target_semaphore(%dma_start3A_574 : memref<!tpu.dma_semaphore, #tpu.memory_space<semaphore_mem>>)
      } else {
      }
      %add3A_519 = arith.constant 4 : i32
      %add3A_520 = arith.addi %add3A_248, %add3A_519 : i32
      %add3A_521 = arith.constant 5 : i32
      %add3A_522 = arith.addi %add3A_520, %add3A_521 : i32
      %lt3A_523 = arith.constant 250 : i32
      %lt3A_524 = arith.cmpi slt, %add3A_522, %lt3A_523 : i32
      %convert_element_type3A_525 = arith.extui %lt3A_524 : i1 to i32
      %cond3A_526 = arith.constant 0 : i32
      %cond3A_527 = arith.cmpi ne, %convert_element_type3A_525, %cond3A_526 : i32
      scf.if %cond3A_527 {
        %dma_wait3A_528 = arith.constant 4 : i32
        %dma_wait3A_529 = arith.constant 4 : i32
        %dma_wait3A_530 = arith.constant 0 : i32
        %dma_wait3A_531 = arith.constant 0 : i32
        %dma_wait3A_532 = tpu.memref_slice %arg9[%dma_wait3A_528, %dma_wait3A_530, %dma_wait3A_531] : memref<5x40x128xf32, #tpu.memory_space<vmem>> -> memref<1x40x128xf32, #tpu.memory_space<vmem>>
        %dma_wait3A_533 = tpu.memref_squeeze %dma_wait3A_532 : memref<1x40x128xf32, #tpu.memory_space<vmem>> -> memref<40x128xf32, #tpu.memory_space<vmem>>
        %dma_wait3A_534 = arith.constant 0 : i32
        %dma_wait3A_535 = arith.constant 0 : i32
        %dma_wait3A_536 = tpu.memref_slice %arg10[%dma_wait3A_534, %dma_wait3A_535] : memref<10000x128xf32, #tpu.memory_space<vmem_shared>> -> memref<40x128xf32, #tpu.memory_space<vmem_shared>>
        %dma_wait3A_537 = tpu.memref_slice %arg12[%dma_wait3A_529] : memref<5x!tpu.dma_semaphore, #tpu.memory_space<semaphore_mem>> -> memref<1x!tpu.dma_semaphore, #tpu.memory_space<semaphore_mem>>
        %dma_wait3A_538 = tpu.memref_squeeze %dma_wait3A_537 : memref<1x!tpu.dma_semaphore, #tpu.memory_space<semaphore_mem>> -> memref<!tpu.dma_semaphore, #tpu.memory_space<semaphore_mem>>
        %dma_wait3A_539 = arith.constant 0 : i32
        %dma_wait3A_540 = arith.constant 0 : i32
        %dma_wait3A_541 = tpu.memref_slice %arg10[%dma_wait3A_539, %dma_wait3A_540] : memref<10000x128xf32, #tpu.memory_space<vmem_shared>> -> memref<40x128xf32, #tpu.memory_space<vmem_shared>>
        %dma_wait3A_542 = arith.constant 0 : i32
        %dma_wait3A_543 = arith.constant 0 : i32
        %dma_wait3A_544 = tpu.memref_slice %arg9[%dma_wait3A_528, %dma_wait3A_542, %dma_wait3A_543] : memref<5x40x128xf32, #tpu.memory_space<vmem>> -> memref<1x40x128xf32, #tpu.memory_space<vmem>>
        %dma_wait3A_545 = tpu.memref_squeeze %dma_wait3A_544 : memref<1x40x128xf32, #tpu.memory_space<vmem>> -> memref<40x128xf32, #tpu.memory_space<vmem>>
        tpu.wait_dma2 semaphore(%dma_wait3A_538 : memref<!tpu.dma_semaphore, #tpu.memory_space<semaphore_mem>>) src(%dma_wait3A_545 : memref<40x128xf32, #tpu.memory_space<vmem>>) dst(%dma_wait3A_541 : memref<40x128xf32, #tpu.memory_space<vmem_shared>>)
        %add3A_546 = arith.constant 4 : i32
        %add3A_547 = arith.addi %add3A_248, %add3A_546 : i32
        %add3A_548 = arith.constant 5 : i32
        %add3A_549 = arith.addi %add3A_547, %add3A_548 : i32
        %mul3A_550 = arith.constant 40 : i32
        %mul3A_551 = arith.muli %add3A_549, %mul3A_550 : i32
        %dma_start3A_552 = arith.constant 4 : i32
        %dma_start3A_553 = arith.constant 4 : i32
        %dma_start3A_554 = arith.constant 0 : i32
        %dma_start3A_555 = arith.constant 0 : i32
        %dma_start3A_556 = tpu.memref_slice %arg9[%dma_start3A_552, %dma_start3A_554, %dma_start3A_555] : memref<5x40x128xf32, #tpu.memory_space<vmem>> -> memref<1x40x128xf32, #tpu.memory_space<vmem>>
        %dma_start3A_557 = tpu.memref_squeeze %dma_start3A_556 : memref<1x40x128xf32, #tpu.memory_space<vmem>> -> memref<40x128xf32, #tpu.memory_space<vmem>>
        %dma_start3A_558 = tpu.memref_slice %arg7[%mul3A_551] : memref<10000xi32, #tpu.memory_space<vmem>> -> memref<40xi32, #tpu.memory_space<vmem>>
        %dma_start3A_559 = arith.constant 0 : i32
        %dma_start3A_560 = arith.constant 0 : i32
        %dma_start3A_561 = tpu.memref_slice %arg2[%dma_start3A_559, %dma_start3A_560] : memref<10000x128xf32, #tpu.memory_space<hbm>> -> memref<10000x128xf32, #tpu.memory_space<hbm>>
        %dma_start3A_562 = tpu.memref_slice %arg11[%dma_start3A_553] : memref<5x!tpu.dma_semaphore, #tpu.memory_space<semaphore_mem>> -> memref<1x!tpu.dma_semaphore, #tpu.memory_space<semaphore_mem>>
        %dma_start3A_563 = tpu.memref_squeeze %dma_start3A_562 : memref<1x!tpu.dma_semaphore, #tpu.memory_space<semaphore_mem>> -> memref<!tpu.dma_semaphore, #tpu.memory_space<semaphore_mem>>
        tpu.enqueue_indirect_dma source(%dma_start3A_561 : memref<10000x128xf32, #tpu.memory_space<hbm>>) target(%dma_start3A_557 : memref<40x128xf32, #tpu.memory_space<vmem>>) offsets(%dma_start3A_558 : memref<40xi32, #tpu.memory_space<vmem>>) semaphore(%dma_start3A_563 : memref<!tpu.dma_semaphore, #tpu.memory_space<semaphore_mem>>)
        %mul3A_564 = arith.constant 40 : i32
        %mul3A_565 = arith.muli %add3A_549, %mul3A_564 : i32
        %add3A_566 = arith.addi %mul3A_2, %mul3A_565 : i32
        %dma_start3A_567 = arith.constant 4 : i32
        %dma_start3A_568 = arith.constant 4 : i32
        %dma_start3A_569 = arith.constant 0 : i32
        %dma_start3A_570 = tpu.memref_slice %arg8[%dma_start3A_567, %dma_start3A_569] : memref<5x40xi32, #tpu.memory_space<vmem>> -> memref<1x40xi32, #tpu.memory_space<vmem>>
        %dma_start3A_571 = tpu.memref_squeeze %dma_start3A_570 : memref<1x40xi32, #tpu.memory_space<vmem>> -> memref<40xi32, #tpu.memory_space<vmem>>
        %dma_start3A_572 = tpu.memref_slice %arg4[%add3A_566] : memref<320000xi32, #tpu.memory_space<hbm>> -> memref<40xi32, #tpu.memory_space<hbm>>
        %dma_start3A_573 = tpu.memref_slice %arg13[%dma_start3A_568] : memref<5x!tpu.dma_semaphore, #tpu.memory_space<semaphore_mem>> -> memref<1x!tpu.dma_semaphore, #tpu.memory_space<semaphore_mem>>
        %dma_start3A_574 = tpu.memref_squeeze %dma_start3A_573 : memref<1x!tpu.dma_semaphore, #tpu.memory_space<semaphore_mem>> -> memref<!tpu.dma_semaphore, #tpu.memory_space<semaphore_mem>>
        %dma_start3A_575 = arith.constant 0 : i32
        %dma_start3A_576 = tpu.memref_slice %arg8[%dma_start3A_567, %dma_start3A_575] : memref<5x40xi32, #tpu.memory_space<vmem>> -> memref<1x40xi32, #tpu.memory_space<vmem>>
        %dma_start3A_577 = tpu.memref_squeeze %dma_start3A_576 : memref<1x40xi32, #tpu.memory_space<vmem>> -> memref<40xi32, #tpu.memory_space<vmem>>
        %dma_start3A_578 = tpu.memref_slice %arg4[%add3A_566] : memref<320000xi32, #tpu.memory_space<hbm>> -> memref<40xi32, #tpu.memory_space<hbm>>
        tpu.enqueue_dma source(%dma_start3A_578 : memref<40xi32, #tpu.memory_space<hbm>>) target(%dma_start3A_577 : memref<40xi32, #tpu.memory_space<vmem>>) target_semaphore(%dma_start3A_574 : memref<!tpu.dma_semaphore, #tpu.memory_space<semaphore_mem>>)
      } else {
      }
    }
    %scan3A_144 = arith.constant 50 : i32
    %dma_wait3A = arith.constant 0 : i32
    %dma_wait3A_145 = arith.constant 0 : i32
    %dma_wait3A_146 = arith.constant 0 : i32
    %dma_wait3A_147 = arith.constant 0 : i32
    %dma_wait3A_148 = tpu.memref_slice %arg9[%dma_wait3A, %dma_wait3A_146, %dma_wait3A_147] : memref<5x40x128xf32, #tpu.memory_space<vmem>> -> memref<1x40x128xf32, #tpu.memory_space<vmem>>
    %dma_wait3A_149 = tpu.memref_squeeze %dma_wait3A_148 : memref<1x40x128xf32, #tpu.memory_space<vmem>> -> memref<40x128xf32, #tpu.memory_space<vmem>>
    %dma_wait3A_150 = arith.constant 0 : i32
    %dma_wait3A_151 = arith.constant 0 : i32
    %dma_wait3A_152 = tpu.memref_slice %arg10[%dma_wait3A_150, %dma_wait3A_151] : memref<10000x128xf32, #tpu.memory_space<vmem_shared>> -> memref<40x128xf32, #tpu.memory_space<vmem_shared>>
    %dma_wait3A_153 = tpu.memref_slice %arg12[%dma_wait3A_145] : memref<5x!tpu.dma_semaphore, #tpu.memory_space<semaphore_mem>> -> memref<1x!tpu.dma_semaphore, #tpu.memory_space<semaphore_mem>>
    %dma_wait3A_154 = tpu.memref_squeeze %dma_wait3A_153 : memref<1x!tpu.dma_semaphore, #tpu.memory_space<semaphore_mem>> -> memref<!tpu.dma_semaphore, #tpu.memory_space<semaphore_mem>>
    %dma_wait3A_155 = arith.constant 0 : i32
    %dma_wait3A_156 = arith.constant 0 : i32
    %dma_wait3A_157 = tpu.memref_slice %arg10[%dma_wait3A_155, %dma_wait3A_156] : memref<10000x128xf32, #tpu.memory_space<vmem_shared>> -> memref<40x128xf32, #tpu.memory_space<vmem_shared>>
    %dma_wait3A_158 = arith.constant 0 : i32
    %dma_wait3A_159 = arith.constant 0 : i32
    %dma_wait3A_160 = tpu.memref_slice %arg9[%dma_wait3A, %dma_wait3A_158, %dma_wait3A_159] : memref<5x40x128xf32, #tpu.memory_space<vmem>> -> memref<1x40x128xf32, #tpu.memory_space<vmem>>
    %dma_wait3A_161 = tpu.memref_squeeze %dma_wait3A_160 : memref<1x40x128xf32, #tpu.memory_space<vmem>> -> memref<40x128xf32, #tpu.memory_space<vmem>>
    tpu.wait_dma2 semaphore(%dma_wait3A_154 : memref<!tpu.dma_semaphore, #tpu.memory_space<semaphore_mem>>) src(%dma_wait3A_161 : memref<40x128xf32, #tpu.memory_space<vmem>>) dst(%dma_wait3A_157 : memref<40x128xf32, #tpu.memory_space<vmem_shared>>)
    %dma_wait3A_162 = arith.constant 1 : i32
    %dma_wait3A_163 = arith.constant 1 : i32
    %dma_wait3A_164 = arith.constant 0 : i32
    %dma_wait3A_165 = arith.constant 0 : i32
    %dma_wait3A_166 = tpu.memref_slice %arg9[%dma_wait3A_162, %dma_wait3A_164, %dma_wait3A_165] : memref<5x40x128xf32, #tpu.memory_space<vmem>> -> memref<1x40x128xf32, #tpu.memory_space<vmem>>
    %dma_wait3A_167 = tpu.memref_squeeze %dma_wait3A_166 : memref<1x40x128xf32, #tpu.memory_space<vmem>> -> memref<40x128xf32, #tpu.memory_space<vmem>>
    %dma_wait3A_168 = arith.constant 0 : i32
    %dma_wait3A_169 = arith.constant 0 : i32
    %dma_wait3A_170 = tpu.memref_slice %arg10[%dma_wait3A_168, %dma_wait3A_169] : memref<10000x128xf32, #tpu.memory_space<vmem_shared>> -> memref<40x128xf32, #tpu.memory_space<vmem_shared>>
    %dma_wait3A_171 = tpu.memref_slice %arg12[%dma_wait3A_163] : memref<5x!tpu.dma_semaphore, #tpu.memory_space<semaphore_mem>> -> memref<1x!tpu.dma_semaphore, #tpu.memory_space<semaphore_mem>>
    %dma_wait3A_172 = tpu.memref_squeeze %dma_wait3A_171 : memref<1x!tpu.dma_semaphore, #tpu.memory_space<semaphore_mem>> -> memref<!tpu.dma_semaphore, #tpu.memory_space<semaphore_mem>>
    %dma_wait3A_173 = arith.constant 0 : i32
    %dma_wait3A_174 = arith.constant 0 : i32
    %dma_wait3A_175 = tpu.memref_slice %arg10[%dma_wait3A_173, %dma_wait3A_174] : memref<10000x128xf32, #tpu.memory_space<vmem_shared>> -> memref<40x128xf32, #tpu.memory_space<vmem_shared>>
    %dma_wait3A_176 = arith.constant 0 : i32
    %dma_wait3A_177 = arith.constant 0 : i32
    %dma_wait3A_178 = tpu.memref_slice %arg9[%dma_wait3A_162, %dma_wait3A_176, %dma_wait3A_177] : memref<5x40x128xf32, #tpu.memory_space<vmem>> -> memref<1x40x128xf32, #tpu.memory_space<vmem>>
    %dma_wait3A_179 = tpu.memref_squeeze %dma_wait3A_178 : memref<1x40x128xf32, #tpu.memory_space<vmem>> -> memref<40x128xf32, #tpu.memory_space<vmem>>
    tpu.wait_dma2 semaphore(%dma_wait3A_172 : memref<!tpu.dma_semaphore, #tpu.memory_space<semaphore_mem>>) src(%dma_wait3A_179 : memref<40x128xf32, #tpu.memory_space<vmem>>) dst(%dma_wait3A_175 : memref<40x128xf32, #tpu.memory_space<vmem_shared>>)
    %dma_wait3A_180 = arith.constant 2 : i32
    %dma_wait3A_181 = arith.constant 2 : i32
    %dma_wait3A_182 = arith.constant 0 : i32
    %dma_wait3A_183 = arith.constant 0 : i32
    %dma_wait3A_184 = tpu.memref_slice %arg9[%dma_wait3A_180, %dma_wait3A_182, %dma_wait3A_183] : memref<5x40x128xf32, #tpu.memory_space<vmem>> -> memref<1x40x128xf32, #tpu.memory_space<vmem>>
    %dma_wait3A_185 = tpu.memref_squeeze %dma_wait3A_184 : memref<1x40x128xf32, #tpu.memory_space<vmem>> -> memref<40x128xf32, #tpu.memory_space<vmem>>
    %dma_wait3A_186 = arith.constant 0 : i32
    %dma_wait3A_187 = arith.constant 0 : i32
    %dma_wait3A_188 = tpu.memref_slice %arg10[%dma_wait3A_186, %dma_wait3A_187] : memref<10000x128xf32, #tpu.memory_space<vmem_shared>> -> memref<40x128xf32, #tpu.memory_space<vmem_shared>>
    %dma_wait3A_189 = tpu.memref_slice %arg12[%dma_wait3A_181] : memref<5x!tpu.dma_semaphore, #tpu.memory_space<semaphore_mem>> -> memref<1x!tpu.dma_semaphore, #tpu.memory_space<semaphore_mem>>
    %dma_wait3A_190 = tpu.memref_squeeze %dma_wait3A_189 : memref<1x!tpu.dma_semaphore, #tpu.memory_space<semaphore_mem>> -> memref<!tpu.dma_semaphore, #tpu.memory_space<semaphore_mem>>
    %dma_wait3A_191 = arith.constant 0 : i32
    %dma_wait3A_192 = arith.constant 0 : i32
    %dma_wait3A_193 = tpu.memref_slice %arg10[%dma_wait3A_191, %dma_wait3A_192] : memref<10000x128xf32, #tpu.memory_space<vmem_shared>> -> memref<40x128xf32, #tpu.memory_space<vmem_shared>>
    %dma_wait3A_194 = arith.constant 0 : i32
    %dma_wait3A_195 = arith.constant 0 : i32
    %dma_wait3A_196 = tpu.memref_slice %arg9[%dma_wait3A_180, %dma_wait3A_194, %dma_wait3A_195] : memref<5x40x128xf32, #tpu.memory_space<vmem>> -> memref<1x40x128xf32, #tpu.memory_space<vmem>>
    %dma_wait3A_197 = tpu.memref_squeeze %dma_wait3A_196 : memref<1x40x128xf32, #tpu.memory_space<vmem>> -> memref<40x128xf32, #tpu.memory_space<vmem>>
    tpu.wait_dma2 semaphore(%dma_wait3A_190 : memref<!tpu.dma_semaphore, #tpu.memory_space<semaphore_mem>>) src(%dma_wait3A_197 : memref<40x128xf32, #tpu.memory_space<vmem>>) dst(%dma_wait3A_193 : memref<40x128xf32, #tpu.memory_space<vmem_shared>>)
    %dma_wait3A_198 = arith.constant 3 : i32
    %dma_wait3A_199 = arith.constant 3 : i32
    %dma_wait3A_200 = arith.constant 0 : i32
    %dma_wait3A_201 = arith.constant 0 : i32
    %dma_wait3A_202 = tpu.memref_slice %arg9[%dma_wait3A_198, %dma_wait3A_200, %dma_wait3A_201] : memref<5x40x128xf32, #tpu.memory_space<vmem>> -> memref<1x40x128xf32, #tpu.memory_space<vmem>>
    %dma_wait3A_203 = tpu.memref_squeeze %dma_wait3A_202 : memref<1x40x128xf32, #tpu.memory_space<vmem>> -> memref<40x128xf32, #tpu.memory_space<vmem>>
    %dma_wait3A_204 = arith.constant 0 : i32
    %dma_wait3A_205 = arith.constant 0 : i32
    %dma_wait3A_206 = tpu.memref_slice %arg10[%dma_wait3A_204, %dma_wait3A_205] : memref<10000x128xf32, #tpu.memory_space<vmem_shared>> -> memref<40x128xf32, #tpu.memory_space<vmem_shared>>
    %dma_wait3A_207 = tpu.memref_slice %arg12[%dma_wait3A_199] : memref<5x!tpu.dma_semaphore, #tpu.memory_space<semaphore_mem>> -> memref<1x!tpu.dma_semaphore, #tpu.memory_space<semaphore_mem>>
    %dma_wait3A_208 = tpu.memref_squeeze %dma_wait3A_207 : memref<1x!tpu.dma_semaphore, #tpu.memory_space<semaphore_mem>> -> memref<!tpu.dma_semaphore, #tpu.memory_space<semaphore_mem>>
    %dma_wait3A_209 = arith.constant 0 : i32
    %dma_wait3A_210 = arith.constant 0 : i32
    %dma_wait3A_211 = tpu.memref_slice %arg10[%dma_wait3A_209, %dma_wait3A_210] : memref<10000x128xf32, #tpu.memory_space<vmem_shared>> -> memref<40x128xf32, #tpu.memory_space<vmem_shared>>
    %dma_wait3A_212 = arith.constant 0 : i32
    %dma_wait3A_213 = arith.constant 0 : i32
    %dma_wait3A_214 = tpu.memref_slice %arg9[%dma_wait3A_198, %dma_wait3A_212, %dma_wait3A_213] : memref<5x40x128xf32, #tpu.memory_space<vmem>> -> memref<1x40x128xf32, #tpu.memory_space<vmem>>
    %dma_wait3A_215 = tpu.memref_squeeze %dma_wait3A_214 : memref<1x40x128xf32, #tpu.memory_space<vmem>> -> memref<40x128xf32, #tpu.memory_space<vmem>>
    tpu.wait_dma2 semaphore(%dma_wait3A_208 : memref<!tpu.dma_semaphore, #tpu.memory_space<semaphore_mem>>) src(%dma_wait3A_215 : memref<40x128xf32, #tpu.memory_space<vmem>>) dst(%dma_wait3A_211 : memref<40x128xf32, #tpu.memory_space<vmem_shared>>)
    %dma_wait3A_216 = arith.constant 4 : i32
    %dma_wait3A_217 = arith.constant 4 : i32
    %dma_wait3A_218 = arith.constant 0 : i32
    %dma_wait3A_219 = arith.constant 0 : i32
    %dma_wait3A_220 = tpu.memref_slice %arg9[%dma_wait3A_216, %dma_wait3A_218, %dma_wait3A_219] : memref<5x40x128xf32, #tpu.memory_space<vmem>> -> memref<1x40x128xf32, #tpu.memory_space<vmem>>
    %dma_wait3A_221 = tpu.memref_squeeze %dma_wait3A_220 : memref<1x40x128xf32, #tpu.memory_space<vmem>> -> memref<40x128xf32, #tpu.memory_space<vmem>>
    %dma_wait3A_222 = arith.constant 0 : i32
    %dma_wait3A_223 = arith.constant 0 : i32
    %dma_wait3A_224 = tpu.memref_slice %arg10[%dma_wait3A_222, %dma_wait3A_223] : memref<10000x128xf32, #tpu.memory_space<vmem_shared>> -> memref<40x128xf32, #tpu.memory_space<vmem_shared>>
    %dma_wait3A_225 = tpu.memref_slice %arg12[%dma_wait3A_217] : memref<5x!tpu.dma_semaphore, #tpu.memory_space<semaphore_mem>> -> memref<1x!tpu.dma_semaphore, #tpu.memory_space<semaphore_mem>>
    %dma_wait3A_226 = tpu.memref_squeeze %dma_wait3A_225 : memref<1x!tpu.dma_semaphore, #tpu.memory_space<semaphore_mem>> -> memref<!tpu.dma_semaphore, #tpu.memory_space<semaphore_mem>>
    %dma_wait3A_227 = arith.constant 0 : i32
    %dma_wait3A_228 = arith.constant 0 : i32
    %dma_wait3A_229 = tpu.memref_slice %arg10[%dma_wait3A_227, %dma_wait3A_228] : memref<10000x128xf32, #tpu.memory_space<vmem_shared>> -> memref<40x128xf32, #tpu.memory_space<vmem_shared>>
    %dma_wait3A_230 = arith.constant 0 : i32
    %dma_wait3A_231 = arith.constant 0 : i32
    %dma_wait3A_232 = tpu.memref_slice %arg9[%dma_wait3A_216, %dma_wait3A_230, %dma_wait3A_231] : memref<5x40x128xf32, #tpu.memory_space<vmem>> -> memref<1x40x128xf32, #tpu.memory_space<vmem>>
    %dma_wait3A_233 = tpu.memref_squeeze %dma_wait3A_232 : memref<1x40x128xf32, #tpu.memory_space<vmem>> -> memref<40x128xf32, #tpu.memory_space<vmem>>
    tpu.wait_dma2 semaphore(%dma_wait3A_226 : memref<!tpu.dma_semaphore, #tpu.memory_space<semaphore_mem>>) src(%dma_wait3A_233 : memref<40x128xf32, #tpu.memory_space<vmem>>) dst(%dma_wait3A_229 : memref<40x128xf32, #tpu.memory_space<vmem_shared>>)
    %barrier3A_234 = arith.constant 0 : index
    tpu.barrier barrier_id(%barrier3A_234)
    %mul3A_235 = arith.constant 624 : i32
    %mul3A_236 = arith.muli %arg1, %mul3A_235 : i32
    %mul3A_237 = arith.constant 624 : i32
    %mul3A_238 = arith.muli %arg1, %mul3A_237 : i32
    "tpu.region"() ({
      %run_scoped3A = tpu.sem_alloc : memref<!tpu.dma_semaphore, #tpu.memory_space<semaphore_mem>>
      %dma_start3A_244 = arith.constant 0 : i32
      %dma_start3A_245 = tpu.memref_slice %arg6[%arg0, %mul3A_238, %dma_start3A_244] : memref<2x10000x128xf32, #tpu.memory_space<hbm>> -> memref<1x624x128xf32, #tpu.memory_space<hbm>>
      %dma_start3A_246 = tpu.memref_squeeze %dma_start3A_245 : memref<1x624x128xf32, #tpu.memory_space<hbm>> -> memref<624x128xf32, #tpu.memory_space<hbm>>
      %dma_start3A_247 = arith.constant 0 : i32
      %dma_start3A_248 = tpu.memref_slice %arg10[%mul3A_236, %dma_start3A_247] : memref<10000x128xf32, #tpu.memory_space<vmem_shared>> -> memref<624x128xf32, #tpu.memory_space<vmem_shared>>
      tpu.enqueue_dma source(%dma_start3A_248 : memref<624x128xf32, #tpu.memory_space<vmem_shared>>) target(%dma_start3A_246 : memref<624x128xf32, #tpu.memory_space<hbm>>) target_semaphore(%run_scoped3A : memref<!tpu.dma_semaphore, #tpu.memory_space<semaphore_mem>>)
      %dma_wait3A_249 = arith.constant 0 : i32
      %dma_wait3A_250 = tpu.memref_slice %arg6[%arg0, %mul3A_238, %dma_wait3A_249] : memref<2x10000x128xf32, #tpu.memory_space<hbm>> -> memref<1x624x128xf32, #tpu.memory_space<hbm>>
      %dma_wait3A_251 = tpu.memref_squeeze %dma_wait3A_250 : memref<1x624x128xf32, #tpu.memory_space<hbm>> -> memref<624x128xf32, #tpu.memory_space<hbm>>
      %dma_wait3A_252 = arith.constant 0 : i32
      %dma_wait3A_253 = tpu.memref_slice %arg10[%mul3A_236, %dma_wait3A_252] : memref<10000x128xf32, #tpu.memory_space<vmem_shared>> -> memref<624x128xf32, #tpu.memory_space<vmem_shared>>
      tpu.wait_dma2 semaphore(%run_scoped3A : memref<!tpu.dma_semaphore, #tpu.memory_space<semaphore_mem>>) src(%dma_wait3A_253 : memref<624x128xf32, #tpu.memory_space<vmem_shared>>) dst(%dma_wait3A_251 : memref<624x128xf32, #tpu.memory_space<hbm>>)
      tpu.yield
    }) : () -> ()
    %eq3A_239 = arith.constant 15 : i32
    %eq3A_240 = arith.cmpi eq, %arg1, %eq3A_239 : i32
    %convert_element_type3A_241 = arith.extui %eq3A_240 : i1 to i32
    %cond3A_242 = arith.constant 0 : i32
    %cond3A_243 = arith.cmpi ne, %convert_element_type3A_241, %cond3A_242 : i32
    scf.if %cond3A_243 {
      "tpu.region"() ({
        %run_scoped3A = tpu.sem_alloc : memref<!tpu.dma_semaphore, #tpu.memory_space<semaphore_mem>>
        %dma_start3A_244 = arith.constant 9984 : i32
        %dma_start3A_245 = arith.constant 0 : i32
        %dma_start3A_246 = tpu.memref_slice %arg6[%arg0, %dma_start3A_244, %dma_start3A_245] : memref<2x10000x128xf32, #tpu.memory_space<hbm>> -> memref<1x16x128xf32, #tpu.memory_space<hbm>>
        %dma_start3A_247 = tpu.memref_squeeze %dma_start3A_246 : memref<1x16x128xf32, #tpu.memory_space<hbm>> -> memref<16x128xf32, #tpu.memory_space<hbm>>
        %dma_start3A_248 = arith.constant 9984 : i32
        %dma_start3A_249 = arith.constant 0 : i32
        %dma_start3A_250 = tpu.memref_slice %arg10[%dma_start3A_248, %dma_start3A_249] : memref<10000x128xf32, #tpu.memory_space<vmem_shared>> -> memref<16x128xf32, #tpu.memory_space<vmem_shared>>
        tpu.enqueue_dma source(%dma_start3A_250 : memref<16x128xf32, #tpu.memory_space<vmem_shared>>) target(%dma_start3A_247 : memref<16x128xf32, #tpu.memory_space<hbm>>) target_semaphore(%run_scoped3A : memref<!tpu.dma_semaphore, #tpu.memory_space<semaphore_mem>>)
        %dma_wait3A_251 = arith.constant 9984 : i32
        %dma_wait3A_252 = arith.constant 0 : i32
        %dma_wait3A_253 = tpu.memref_slice %arg6[%arg0, %dma_wait3A_251, %dma_wait3A_252] : memref<2x10000x128xf32, #tpu.memory_space<hbm>> -> memref<1x16x128xf32, #tpu.memory_space<hbm>>
        %dma_wait3A_254 = tpu.memref_squeeze %dma_wait3A_253 : memref<1x16x128xf32, #tpu.memory_space<hbm>> -> memref<16x128xf32, #tpu.memory_space<hbm>>
        %dma_wait3A_255 = arith.constant 9984 : i32
        %dma_wait3A_256 = arith.constant 0 : i32
        %dma_wait3A_257 = tpu.memref_slice %arg10[%dma_wait3A_255, %dma_wait3A_256] : memref<10000x128xf32, #tpu.memory_space<vmem_shared>> -> memref<16x128xf32, #tpu.memory_space<vmem_shared>>
        tpu.wait_dma2 semaphore(%run_scoped3A : memref<!tpu.dma_semaphore, #tpu.memory_space<semaphore_mem>>) src(%dma_wait3A_257 : memref<16x128xf32, #tpu.memory_space<vmem_shared>>) dst(%dma_wait3A_254 : memref<16x128xf32, #tpu.memory_space<hbm>>)
        tpu.yield
      }) : () -> ()
    } else {
    }
    return
  }
}

module attributes {stable_mosaic.version = 14 : i64} {
  func.func @_mlp_body(%arg0: i32, %arg1: memref<1000x128xf32, #tpu.memory_space<vmem>>, %arg2: memref<2x1000x128xf32, #tpu.memory_space<vmem>>, %arg3: memref<128x128xf32, #tpu.memory_space<vmem>>, %arg4: memref<1x128xf32, #tpu.memory_space<vmem>>, %arg5: memref<128x128xf32, #tpu.memory_space<vmem>>, %arg6: memref<1x128xf32, #tpu.memory_space<vmem>>, %arg7: memref<1000x128xf32, #tpu.memory_space<vmem>>) attributes {dimension_semantics = [#tpu.dimension_semantics<arbitrary>], iteration_bounds = array<i64: 10>, scalar_prefetch = 0 : i64, scratch_operands = 0 : i64, tpu.core_type = #tpu.core_type<tc>, window_params = [{transform_indices = @transform_0, window_bounds = array<i64: 1000, 128>}, {transform_indices = @transform_1, window_bounds = array<i64: 2, 1000, 128>}, {pipeline_mode = #tpu.pipeline_mode<synchronous>, transform_indices = @transform_2, window_bounds = array<i64: 128, 128>}, {pipeline_mode = #tpu.pipeline_mode<synchronous>, transform_indices = @transform_3, window_bounds = array<i64: 1, 128>}, {pipeline_mode = #tpu.pipeline_mode<synchronous>, transform_indices = @transform_4, window_bounds = array<i64: 128, 128>}, {pipeline_mode = #tpu.pipeline_mode<synchronous>, transform_indices = @transform_5, window_bounds = array<i64: 1, 128>}, {transform_indices = @transform_6, window_bounds = array<i64: 1000, 128>}]} {
    %get3A = arith.constant 0 : index
    %get3A_0 = arith.constant 0 : index
    %get3A_1 = vector.load %arg1[%get3A, %get3A_0] : memref<1000x128xf32, #tpu.memory_space<vmem>>, vector<1000x128xf32>
    %get3A_2 = arith.constant 0 : index
    %get3A_3 = arith.constant 0 : index
    %get3A_4 = arith.constant 0 : index
    %get3A_5 = vector.load %arg2[%get3A_2, %get3A_3, %get3A_4] : memref<2x1000x128xf32, #tpu.memory_space<vmem>>, vector<1x1000x128xf32>
    %get3A_6 = vector.shape_cast %get3A_5 : vector<1x1000x128xf32> to vector<1000x128xf32>
    %add3A = arith.addf %get3A_1, %get3A_6 : vector<1000x128xf32>
    %get3A_7 = arith.constant 1 : index
    %get3A_8 = arith.constant 0 : index
    %get3A_9 = arith.constant 0 : index
    %get3A_10 = vector.load %arg2[%get3A_7, %get3A_8, %get3A_9] : memref<2x1000x128xf32, #tpu.memory_space<vmem>>, vector<1x1000x128xf32>
    %get3A_11 = vector.shape_cast %get3A_10 : vector<1x1000x128xf32> to vector<1000x128xf32>
    %add3A_12 = arith.addf %add3A, %get3A_11 : vector<1000x128xf32>
    %get3A_13 = arith.constant 0 : index
    %get3A_14 = arith.constant 0 : index
    %get3A_15 = vector.load %arg3[%get3A_13, %get3A_14] : memref<128x128xf32, #tpu.memory_space<vmem>>, vector<128x128xf32>
    %dot_general3A = arith.constant dense<0.000000e+00> : vector<1000x128xf32>
    %dot_general3A_16 = tpu.matmul %add3A_12, %get3A_15, %dot_general3A {dimension_numbers = #tpu.dot_dimension_numbers<[1], [0], [0], [1], [0, 0, 1, 1], [], []>, transpose_lhs_hint = false} : vector<1000x128xf32>, vector<128x128xf32>, vector<1000x128xf32> -> vector<1000x128xf32>
    %get3A_17 = arith.constant 0 : index
    %get3A_18 = arith.constant 0 : index
    %get3A_19 = vector.load %arg4[%get3A_17, %get3A_18] : memref<1x128xf32, #tpu.memory_space<vmem>>, vector<1x128xf32>
    %add3A_20 = vector.broadcast %get3A_19 : vector<1x128xf32> to vector<1000x128xf32>
    %add3A_21 = arith.addf %dot_general3A_16, %add3A_20 : vector<1000x128xf32>
    %max3A = arith.constant 0.000000e+00 : f32
    %max3A_22 = vector.broadcast %max3A : f32 to vector<1000x128xf32>
    %max3A_23 = arith.maximumf %add3A_21, %max3A_22 : vector<1000x128xf32>
    %get3A_24 = arith.constant 0 : index
    %get3A_25 = arith.constant 0 : index
    %get3A_26 = vector.load %arg5[%get3A_24, %get3A_25] : memref<128x128xf32, #tpu.memory_space<vmem>>, vector<128x128xf32>
    %dot_general3A_27 = arith.constant dense<0.000000e+00> : vector<1000x128xf32>
    %dot_general3A_28 = tpu.matmul %max3A_23, %get3A_26, %dot_general3A_27 {dimension_numbers = #tpu.dot_dimension_numbers<[1], [0], [0], [1], [0, 0, 1, 1], [], []>, transpose_lhs_hint = false} : vector<1000x128xf32>, vector<128x128xf32>, vector<1000x128xf32> -> vector<1000x128xf32>
    %get3A_29 = arith.constant 0 : index
    %get3A_30 = arith.constant 0 : index
    %get3A_31 = vector.load %arg6[%get3A_29, %get3A_30] : memref<1x128xf32, #tpu.memory_space<vmem>>, vector<1x128xf32>
    %add3A_32 = vector.broadcast %get3A_31 : vector<1x128xf32> to vector<1000x128xf32>
    %add3A_33 = arith.addf %dot_general3A_28, %add3A_32 : vector<1000x128xf32>
    %max3A_34 = arith.constant 0.000000e+00 : f32
    %max3A_35 = vector.broadcast %max3A_34 : f32 to vector<1000x128xf32>
    %max3A_36 = arith.maximumf %add3A_33, %max3A_35 : vector<1000x128xf32>
    %swap3A = arith.constant 0 : index
    %swap3A_37 = arith.constant 0 : index
    %swap3A_38 = vector.load %arg7[%swap3A, %swap3A_37] : memref<1000x128xf32, #tpu.memory_space<vmem>>, vector<1000x128xf32>
    tpu.vector_store %arg7[%swap3A, %swap3A_37], %max3A_36 {strides = array<i32>} : memref<1000x128xf32, #tpu.memory_space<vmem>>, vector<1000x128xf32>,
    return
  }
  func.func @transform_0(%arg0: i32) -> (i32, i32) {
    %c0_i32 = arith.constant 0 : i32
    %c0_i32_0 = arith.constant 0 : i32
    return %arg0, %c0_i32 : i32, i32
  }
  func.func @transform_1(%arg0: i32) -> (i32, i32, i32) {
    %c0_i32 = arith.constant 0 : i32
    %c0_i32_0 = arith.constant 0 : i32
    %c0_i32_1 = arith.constant 0 : i32
    return %c0_i32, %arg0, %c0_i32_0 : i32, i32, i32
  }
  func.func @transform_2(%arg0: i32) -> (i32, i32) {
    %c0_i32 = arith.constant 0 : i32
    %c0_i32_0 = arith.constant 0 : i32
    %c0_i32_1 = arith.constant 0 : i32
    return %c0_i32, %c0_i32_0 : i32, i32
  }
  func.func @transform_3(%arg0: i32) -> (i32, i32) {
    %c0_i32 = arith.constant 0 : i32
    %c0_i32_0 = arith.constant 0 : i32
    %c0_i32_1 = arith.constant 0 : i32
    return %c0_i32, %c0_i32_0 : i32, i32
  }
  func.func @transform_4(%arg0: i32) -> (i32, i32) {
    %c0_i32 = arith.constant 0 : i32
    %c0_i32_0 = arith.constant 0 : i32
    %c0_i32_1 = arith.constant 0 : i32
    return %c0_i32, %c0_i32_0 : i32, i32
  }
  func.func @transform_5(%arg0: i32) -> (i32, i32) {
    %c0_i32 = arith.constant 0 : i32
    %c0_i32_0 = arith.constant 0 : i32
    %c0_i32_1 = arith.constant 0 : i32
    return %c0_i32, %c0_i32_0 : i32, i32
  }
  func.func @transform_6(%arg0: i32) -> (i32, i32) {
    %c0_i32 = arith.constant 0 : i32
    %c0_i32_0 = arith.constant 0 : i32
    return %arg0, %c0_i32 : i32, i32
  }
}

module attributes {stable_mosaic.version = 14 : i64} {
  func.func @_mlp_pool_body(%arg0: i32, %arg1: memref<1000x128xf32, #tpu.memory_space<vmem>>, %arg2: memref<2x1000x128xf32, #tpu.memory_space<vmem>>, %arg3: memref<128x128xf32, #tpu.memory_space<vmem>>, %arg4: memref<1x128xf32, #tpu.memory_space<vmem>>, %arg5: memref<128x128xf32, #tpu.memory_space<vmem>>, %arg6: memref<1x128xf32, #tpu.memory_space<vmem>>, %arg7: memref<1x1x1000xi32, #tpu.memory_space<vmem>>, %arg8: memref<128x1xf32, #tpu.memory_space<vmem>>, %arg9: memref<1x1xf32, #tpu.memory_space<vmem>>, %arg10: memref<64x1xf32, #tpu.memory_space<vmem>>, %arg11: memref<64x128xf32, #tpu.memory_space<vmem>>) attributes {dimension_semantics = [#tpu.dimension_semantics<arbitrary>], iteration_bounds = array<i64: 10>, scalar_prefetch = 0 : i64, scratch_operands = 1 : i64, tpu.core_type = #tpu.core_type<tc>, window_params = [{transform_indices = @transform_0, window_bounds = array<i64: 1000, 128>}, {transform_indices = @transform_1, window_bounds = array<i64: 2, 1000, 128>}, {pipeline_mode = #tpu.pipeline_mode<synchronous>, transform_indices = @transform_2, window_bounds = array<i64: 128, 128>}, {pipeline_mode = #tpu.pipeline_mode<synchronous>, transform_indices = @transform_3, window_bounds = array<i64: 1, 128>}, {pipeline_mode = #tpu.pipeline_mode<synchronous>, transform_indices = @transform_4, window_bounds = array<i64: 128, 128>}, {pipeline_mode = #tpu.pipeline_mode<synchronous>, transform_indices = @transform_5, window_bounds = array<i64: 1, 128>}, {transform_indices = @transform_6, window_bounds = array<i64: 1, 1, 1000>}, {pipeline_mode = #tpu.pipeline_mode<synchronous>, transform_indices = @transform_7, window_bounds = array<i64: 128, 1>}, {pipeline_mode = #tpu.pipeline_mode<synchronous>, transform_indices = @transform_8, window_bounds = array<i64: 1, 1>}, {pipeline_mode = #tpu.pipeline_mode<synchronous>, transform_indices = @transform_9, window_bounds = array<i64: 64, 1>}]} {
    %get3A = arith.constant 0 : index
    %get3A_0 = arith.constant 0 : index
    %get3A_1 = vector.load %arg1[%get3A, %get3A_0] : memref<1000x128xf32, #tpu.memory_space<vmem>>, vector<1000x128xf32>
    %get3A_2 = arith.constant 0 : index
    %get3A_3 = arith.constant 0 : index
    %get3A_4 = arith.constant 0 : index
    %get3A_5 = vector.load %arg2[%get3A_2, %get3A_3, %get3A_4] : memref<2x1000x128xf32, #tpu.memory_space<vmem>>, vector<1x1000x128xf32>
    %get3A_6 = vector.shape_cast %get3A_5 : vector<1x1000x128xf32> to vector<1000x128xf32>
    %add3A = arith.addf %get3A_1, %get3A_6 : vector<1000x128xf32>
    %get3A_7 = arith.constant 1 : index
    %get3A_8 = arith.constant 0 : index
    %get3A_9 = arith.constant 0 : index
    %get3A_10 = vector.load %arg2[%get3A_7, %get3A_8, %get3A_9] : memref<2x1000x128xf32, #tpu.memory_space<vmem>>, vector<1x1000x128xf32>
    %get3A_11 = vector.shape_cast %get3A_10 : vector<1x1000x128xf32> to vector<1000x128xf32>
    %add3A_12 = arith.addf %add3A, %get3A_11 : vector<1000x128xf32>
    %get3A_13 = arith.constant 0 : index
    %get3A_14 = arith.constant 0 : index
    %get3A_15 = vector.load %arg3[%get3A_13, %get3A_14] : memref<128x128xf32, #tpu.memory_space<vmem>>, vector<128x128xf32>
    %dot_general3A = arith.constant dense<0.000000e+00> : vector<1000x128xf32>
    %dot_general3A_16 = tpu.matmul %add3A_12, %get3A_15, %dot_general3A {dimension_numbers = #tpu.dot_dimension_numbers<[1], [0], [0], [1], [0, 0, 1, 1], [], []>, transpose_lhs_hint = false} : vector<1000x128xf32>, vector<128x128xf32>, vector<1000x128xf32> -> vector<1000x128xf32>
    %get3A_17 = arith.constant 0 : index
    %get3A_18 = arith.constant 0 : index
    %get3A_19 = vector.load %arg4[%get3A_17, %get3A_18] : memref<1x128xf32, #tpu.memory_space<vmem>>, vector<1x128xf32>
    %add3A_20 = vector.broadcast %get3A_19 : vector<1x128xf32> to vector<1000x128xf32>
    %add3A_21 = arith.addf %dot_general3A_16, %add3A_20 : vector<1000x128xf32>
    %max3A = arith.constant 0.000000e+00 : f32
    %max3A_22 = vector.broadcast %max3A : f32 to vector<1000x128xf32>
    %max3A_23 = arith.maximumf %add3A_21, %max3A_22 : vector<1000x128xf32>
    %get3A_24 = arith.constant 0 : index
    %get3A_25 = arith.constant 0 : index
    %get3A_26 = vector.load %arg5[%get3A_24, %get3A_25] : memref<128x128xf32, #tpu.memory_space<vmem>>, vector<128x128xf32>
    %dot_general3A_27 = arith.constant dense<0.000000e+00> : vector<1000x128xf32>
    %dot_general3A_28 = tpu.matmul %max3A_23, %get3A_26, %dot_general3A_27 {dimension_numbers = #tpu.dot_dimension_numbers<[1], [0], [0], [1], [0, 0, 1, 1], [], []>, transpose_lhs_hint = false} : vector<1000x128xf32>, vector<128x128xf32>, vector<1000x128xf32> -> vector<1000x128xf32>
    %get3A_29 = arith.constant 0 : index
    %get3A_30 = arith.constant 0 : index
    %get3A_31 = vector.load %arg6[%get3A_29, %get3A_30] : memref<1x128xf32, #tpu.memory_space<vmem>>, vector<1x128xf32>
    %add3A_32 = vector.broadcast %get3A_31 : vector<1x128xf32> to vector<1000x128xf32>
    %add3A_33 = arith.addf %dot_general3A_28, %add3A_32 : vector<1000x128xf32>
    %max3A_34 = arith.constant 0.000000e+00 : f32
    %max3A_35 = vector.broadcast %max3A_34 : f32 to vector<1000x128xf32>
    %max3A_36 = arith.maximumf %add3A_33, %max3A_35 : vector<1000x128xf32>
    %get3A_37 = arith.constant 0 : index
    %get3A_38 = arith.constant 0 : index
    %get3A_39 = arith.constant 0 : index
    %get3A_40 = vector.load %arg7[%get3A_37, %get3A_38, %get3A_39] : memref<1x1x1000xi32, #tpu.memory_space<vmem>>, vector<1x1x1000xi32>
    %reshape3A = vector.shape_cast %get3A_40 : vector<1x1x1000xi32> to vector<1x1000xi32>
    %iota3A = tpu.iota {dimensions = array<i32: 0>} : vector<64x1000xi32>
    %eq3A = vector.broadcast %reshape3A : vector<1x1000xi32> to vector<64x1000xi32>
    %eq3A_41 = arith.cmpi eq, %iota3A, %eq3A : vector<64x1000xi32>
    %convert_element_type3A = arith.extui %eq3A_41 : vector<64x1000xi1> to vector<64x1000xi32>
    %convert_element_type3A_42 = arith.sitofp %convert_element_type3A : vector<64x1000xi32> to vector<64x1000xf32>
    %dot_general3A_43 = arith.constant dense<0.000000e+00> : vector<64x128xf32>
    %dot_general3A_44 = tpu.matmul %convert_element_type3A_42, %max3A_36, %dot_general3A_43 {dimension_numbers = #tpu.dot_dimension_numbers<[1], [0], [0], [1], [0, 0, 1, 1], [], []>, transpose_lhs_hint = false} : vector<64x1000xf32>, vector<1000x128xf32>, vector<64x128xf32> -> vector<64x128xf32>
    %eq3A_45 = arith.constant 0 : i32
    %eq3A_46 = arith.cmpi eq, %arg0, %eq3A_45 : i32
    %convert_element_type3A_47 = arith.extui %eq3A_46 : i1 to i32
    %cond3A = arith.constant 0 : i32
    %cond3A_48 = arith.cmpi ne, %convert_element_type3A_47, %cond3A : i32
    scf.if %cond3A_48 {
      %broadcast_in_dim3A = arith.constant 0.000000e+00 : f32
      %broadcast_in_dim3A_60 = vector.broadcast %broadcast_in_dim3A : f32 to vector<64x128xf32>
      %swap3A_61 = arith.constant 0 : index
      %swap3A_62 = arith.constant 0 : index
      %swap3A_63 = vector.load %arg11[%swap3A_61, %swap3A_62] : memref<64x128xf32, #tpu.memory_space<vmem>>, vector<64x128xf32>
      tpu.vector_store %arg11[%swap3A_61, %swap3A_62], %broadcast_in_dim3A_60 {strides = array<i32>} : memref<64x128xf32, #tpu.memory_space<vmem>>, vector<64x128xf32>,
    } else {
    }
    %get3A_49 = arith.constant 0 : index
    %get3A_50 = arith.constant 0 : index
    %get3A_51 = vector.load %arg11[%get3A_49, %get3A_50] : memref<64x128xf32, #tpu.memory_space<vmem>>, vector<64x128xf32>
    %add3A_52 = arith.addf %get3A_51, %dot_general3A_44 : vector<64x128xf32>
    %swap3A = arith.constant 0 : index
    %swap3A_53 = arith.constant 0 : index
    %swap3A_54 = vector.load %arg11[%swap3A, %swap3A_53] : memref<64x128xf32, #tpu.memory_space<vmem>>, vector<64x128xf32>
    tpu.vector_store %arg11[%swap3A, %swap3A_53], %add3A_52 {strides = array<i32>} : memref<64x128xf32, #tpu.memory_space<vmem>>, vector<64x128xf32>,
    %eq3A_55 = arith.constant 9 : i32
    %eq3A_56 = arith.cmpi eq, %arg0, %eq3A_55 : i32
    %convert_element_type3A_57 = arith.extui %eq3A_56 : i1 to i32
    %cond3A_58 = arith.constant 0 : i32
    %cond3A_59 = arith.cmpi ne, %convert_element_type3A_57, %cond3A_58 : i32
    scf.if %cond3A_59 {
      %get3A_60 = arith.constant 0 : index
      %get3A_61 = arith.constant 0 : index
      %get3A_62 = vector.load %arg11[%get3A_60, %get3A_61] : memref<64x128xf32, #tpu.memory_space<vmem>>, vector<64x128xf32>
      %get3A_63 = arith.constant 0 : index
      %get3A_64 = arith.constant 0 : index
      %get3A_65 = vector.load %arg8[%get3A_63, %get3A_64] : memref<128x1xf32, #tpu.memory_space<vmem>>, vector<128x1xf32>
      %dot_general3A_66 = arith.constant dense<0.000000e+00> : vector<64x1xf32>
      %dot_general3A_67 = tpu.matmul %get3A_62, %get3A_65, %dot_general3A_66 {dimension_numbers = #tpu.dot_dimension_numbers<[1], [0], [0], [1], [0, 0, 1, 1], [], []>, transpose_lhs_hint = false} : vector<64x128xf32>, vector<128x1xf32>, vector<64x1xf32> -> vector<64x1xf32>
      %get3A_68 = arith.constant 0 : index
      %get3A_69 = arith.constant 0 : index
      %get3A_70 = vector.load %arg9[%get3A_68, %get3A_69] : memref<1x1xf32, #tpu.memory_space<vmem>>, vector<1x1xf32>
      %add3A_71 = vector.broadcast %get3A_70 : vector<1x1xf32> to vector<64x1xf32>
      %add3A_72 = arith.addf %dot_general3A_67, %add3A_71 : vector<64x1xf32>
      %swap3A_73 = arith.constant 0 : index
      %swap3A_74 = arith.constant 0 : index
      %swap3A_75 = vector.load %arg10[%swap3A_73, %swap3A_74] : memref<64x1xf32, #tpu.memory_space<vmem>>, vector<64x1xf32>
      tpu.vector_store %arg10[%swap3A_73, %swap3A_74], %add3A_72 {strides = array<i32>} : memref<64x1xf32, #tpu.memory_space<vmem>>, vector<64x1xf32>,
    } else {
    }
    return
  }
  func.func @transform_0(%arg0: i32) -> (i32, i32) {
    %c0_i32 = arith.constant 0 : i32
    %c0_i32_0 = arith.constant 0 : i32
    return %arg0, %c0_i32 : i32, i32
  }
  func.func @transform_1(%arg0: i32) -> (i32, i32, i32) {
    %c0_i32 = arith.constant 0 : i32
    %c0_i32_0 = arith.constant 0 : i32
    %c0_i32_1 = arith.constant 0 : i32
    return %c0_i32, %arg0, %c0_i32_0 : i32, i32, i32
  }
  func.func @transform_2(%arg0: i32) -> (i32, i32) {
    %c0_i32 = arith.constant 0 : i32
    %c0_i32_0 = arith.constant 0 : i32
    %c0_i32_1 = arith.constant 0 : i32
    return %c0_i32, %c0_i32_0 : i32, i32
  }
  func.func @transform_3(%arg0: i32) -> (i32, i32) {
    %c0_i32 = arith.constant 0 : i32
    %c0_i32_0 = arith.constant 0 : i32
    %c0_i32_1 = arith.constant 0 : i32
    return %c0_i32, %c0_i32_0 : i32, i32
  }
  func.func @transform_4(%arg0: i32) -> (i32, i32) {
    %c0_i32 = arith.constant 0 : i32
    %c0_i32_0 = arith.constant 0 : i32
    %c0_i32_1 = arith.constant 0 : i32
    return %c0_i32, %c0_i32_0 : i32, i32
  }
  func.func @transform_5(%arg0: i32) -> (i32, i32) {
    %c0_i32 = arith.constant 0 : i32
    %c0_i32_0 = arith.constant 0 : i32
    %c0_i32_1 = arith.constant 0 : i32
    return %c0_i32, %c0_i32_0 : i32, i32
  }
  func.func @transform_6(%arg0: i32) -> (i32, i32, i32) {
    %c0_i32 = arith.constant 0 : i32
    %c0_i32_0 = arith.constant 0 : i32
    %c0_i32_1 = arith.constant 0 : i32
    return %arg0, %c0_i32, %c0_i32_0 : i32, i32, i32
  }
  func.func @transform_7(%arg0: i32) -> (i32, i32) {
    %c0_i32 = arith.constant 0 : i32
    %c0_i32_0 = arith.constant 0 : i32
    %c0_i32_1 = arith.constant 0 : i32
    return %c0_i32, %c0_i32_0 : i32, i32
  }
  func.func @transform_8(%arg0: i32) -> (i32, i32) {
    %c0_i32 = arith.constant 0 : i32
    %c0_i32_0 = arith.constant 0 : i32
    %c0_i32_1 = arith.constant 0 : i32
    return %c0_i32, %c0_i32_0 : i32, i32
  }
  func.func @transform_9(%arg0: i32) -> (i32, i32) {
    %c0_i32 = arith.constant 0 : i32
    %c0_i32_0 = arith.constant 0 : i32
    %c0_i32_1 = arith.constant 0 : i32
    return %c0_i32, %c0_i32_0 : i32, i32
  }
}

</mosaic_0001>

<sc_bundles>
// kernel: kernel.11.cloned.1.call-start
scs
__scs_entry_jumppad:
0x0: {  	(pc) =	sbr.rel $0x88, $3  }
0x1: {  	(tag) =	ssettag $0x0;
	lr =	simm.s32 $0x1  }
0x2: {  	[smem:$0x3F8A] =	sst lr;
	_ =	strace $0xD0000000  }
0x3: {  	_ = 	snop  }
0x4: {  	_ = 	snop  }
0x5: {  	_ = 	snop  }
0x6: {  	_ = 	snop  }
0x7: {  	_ = 	snop  }
__scs_overlays_trampoline_lowered:
0x8: {  	[smem:$0x3F99] =	sst s0  }
0x9: {  	[smem:$0x3F9A] =	sst s1  }
0xa: {  	[smem:$0x3F9B] =	sst s2  }
0xb: {  	[smem:$0x3F9C] =	sst s3  }
0xc: {  	[smem:$0x3F9D] =	sst s4  }
0xd: {  	[smem:$0x3F9E] =	sst s5  }
0xe: {  	[smem:$0x3F9F] =	sst s6  }
0xf: {  	[smem:$0x3FA0] =	sst s7  }
0x10: {  	[smem:$0x3FA1] =	sst s8  }
0x11: {  	[smem:$0x3FA2] =	sst s9;
	s0 =	simm.s32 @!p0 $0x0  }
0x12: {  	s1 =	sld [smem:$0x3F88];
	s0 =	simm.s32 @p0 $0x1  }
0x13: {  	[smem:$0x3FA3] =	sst s0;
	s0 =	simm.s32 @!p1 $0x0  }
0x14: {  	s2 =	sld [smem:$0x3F87];
	s0 =	simm.s32 @p1 $0x1  }
0x15: {  	[smem:$0x3FA4] =	sst s0;
	s0 =	simm.s32 @!p2 $0x0  }
0x16: {  	s3 =	sld [smem:$0x3FDB];
	s0 =	simm.s32 @p2 $0x1  }
0x17: {  	s4 =	simm.s32 $0x1BF5;
	[smem:$0x3FA6] =	sst s0  }
0x18: {  	s0 =	sld [smem:$0x3F89];
	_ =	swait.ge [sflag:s4], $0x0  }
0x19: {  	s7 =	sld [smem:$0x3F8A]  }
0x1a: {  	s8 =	sadd.s32 $0xFFFFE003, lr  }
0x1b: {  	s9 =	sadd.s32 $0xFFFFFEF7, lr;
	s5 =	simm.s32 $0xFFFFFFFF;
	p2 =	slt.u32 s8, $0xFFFFF086  }
0x1c: {  	p1 =	slt.u32 s9, $0xF7A;
	s5 =	simm.s32 @!p2 $0x0  }
0x1d: {  	s5 =	simm.s32 @p1 $0x1;
	p0 =	seq.s32 s7, s2  }
0x1e: {  	s7 =	smul.u32 @!p0 $0xF7A, s2;
	p2 =	seq.s32 @!p0 s5, $0x0  }
0x1f: {  	s9 =	smul.u32 $0xF7A, s1;
	s8 =	simm.s32 @!p0 $0x1BF5;
	p2 =	por !p2, p0  }
0x20: {  	[sflag:s8] =	ssyncset.s32 @!p0 $0xFFFFF086;
	s6 =	sadd.s32 @!p0 s3, s7;
	s7 =	simm.s32 @!p0 $0x108  }
0x21: {  	s3 =	sadd.s32 s3, s9;
	s6 =	sadd.s32 @!p0 $0x88, s6;
	s7 =	simm.s32 @p2 $0x1082  }
0x22: {  	[simem:s7], [sflag:s8] =	dma.local @!p0 [hbm:s6], $0xF7A  }
0x23: {  	s9 =	sor.u32 $0xD0000000, s2;
	s6 =	simm.s32 $0x108;
	_ =	swait.ge @!p0 [sflag:s8], $0x0  }
0x24: {  	s3 =	sadd.s32 $0x88, s3;
	s6 =	simm.s32 @!p1 $0x1082;
	[sflag:s4] =	ssyncset.s32 $0xFFFFF086  }
0x25: {  	[simem:s6], [sflag:s4] =	dma.local [hbm:s3], $0xF7A  }
0x26: {  	[smem:$0x3F8A] =	sst s1;
	(tag) =	ssettag s2;
	_ =	strace s9  }
0x27: {  	s1 =	sld [smem:$0x3F9A]  }
0x28: {  	s2 =	sld [smem:$0x3F9B]  }
0x29: {  	s4 =	sld [smem:$0x3F9D]  }
0x2a: {  	p0 =	seq.s32 s5, $0x0;
	s5 =	sld [smem:$0x3F9E]  }
0x2b: {  	s6 =	sld [smem:$0x3F9F]  }
0x2c: {  	s7 =	sld [smem:$0x3FA0]  }
0x2d: {  	s3 =	simm.s32 $0x108;
	s8 =	sld [smem:$0x3FA1]  }
0x2e: {  	s3 =	simm.s32 @!p0 $0x1082;
	s9 =	sld [smem:$0x3FA2]  }
0x2f: {  	lr =	sadd.s32 s0, s3;
	s0 =	sld [smem:$0x3F99]  }
0x30: {  	s3 =	sld [smem:$0x3F9C]  }
0x31: {  	[smem:$0x3FA5] =	sst s10  }
0x32: {  	s10 =	sld [smem:$0x3FA3];
	_ =	sdelay $0x3  }
0x33: {  	p0 =	seq.s32 s10, $0x1;
	s10 =	sld [smem:$0x3FA5];
	_ =	sdelay $0x3  }
0x34: {  	[smem:$0x3FA5] =	sst s10  }
0x35: {  	s10 =	sld [smem:$0x3FA4];
	_ =	sdelay $0x3  }
0x36: {  	p1 =	seq.s32 s10, $0x1;
	s10 =	sld [smem:$0x3FA5];
	_ =	sdelay $0x3  }
0x37: {  	[smem:$0x3FA5] =	sst s10  }
0x38: {  	s10 =	sld [smem:$0x3FA6]  }
0x39: {  	_ = 	snop;
	(pc) =	sbr.ind lr, $3  }
0x3a: {  	_ = 	snop  }
0x3b: {  	_ = 	snop  }
0x3c: {  	p2 =	seq.s32 s10, $0x1;
	s10 =	sld [smem:$0x3FA5]  }
0x3d: {  	_ =	shalt  }
0x3e: {  	_ =	shalt  }
0x3f: {  	_ =	shalt  }
0x40: {  	_ =	shalt  }
0x41: {  	_ =	shalt  }
0x42: {  	_ =	shalt  }
0x43: {  	_ =	shalt  }
0x44: {  	_ =	shalt  }
0x45: {  	_ =	shalt  }
0x46: {  	_ =	shalt  }
0x47: {  	_ =	shalt  }
0x48: {  	_ =	shalt  }
0x49: {  	_ =	shalt  }
0x4a: {  	_ =	shalt  }
0x4b: {  	_ =	shalt  }
0x4c: {  	_ =	shalt  }
0x4d: {  	_ =	shalt  }
0x4e: {  	_ =	shalt  }
0x4f: {  	_ =	shalt  }
0x50: {  	_ =	shalt  }
0x51: {  	_ =	shalt  }
0x52: {  	_ =	shalt  }
0x53: {  	_ =	shalt  }
0x54: {  	_ =	shalt  }
0x55: {  	_ =	shalt  }
0x56: {  	_ =	shalt  }
0x57: {  	_ =	shalt  }
0x58: {  	_ =	shalt  }
0x59: {  	_ =	shalt  }
0x5a: {  	_ =	shalt  }
0x5b: {  	_ =	shalt  }
0x5c: {  	_ =	shalt  }
0x5d: {  	_ =	shalt  }
0x5e: {  	_ =	shalt  }
0x5f: {  	_ =	shalt  }
0x60: {  	_ =	shalt  }
0x61: {  	_ =	shalt  }
0x62: {  	_ =	shalt  }
0x63: {  	_ =	shalt  }
0x64: {  	_ =	shalt  }
0x65: {  	_ =	shalt  }
0x66: {  	_ =	shalt  }
0x67: {  	_ =	shalt  }
0x68: {  	_ =	shalt  }
0x69: {  	_ =	shalt  }
0x6a: {  	_ =	shalt  }
0x6b: {  	_ =	shalt  }
0x6c: {  	_ =	shalt  }
0x6d: {  	_ =	shalt  }
0x6e: {  	_ =	shalt  }
0x6f: {  	_ =	shalt  }
0x70: {  	_ =	shalt  }
0x71: {  	_ =	shalt  }
0x72: {  	_ =	shalt  }
0x73: {  	_ =	shalt  }
0x74: {  	_ =	shalt  }
0x75: {  	_ =	shalt  }
0x76: {  	_ =	shalt  }
0x77: {  	_ =	shalt  }
0x78: {  	_ =	shalt  }
0x79: {  	_ =	shalt  }
0x7a: {  	_ =	shalt  }
0x7b: {  	_ =	shalt  }
0x7c: {  	_ =	shalt  }
0x7d: {  	_ =	shalt  }
0x7e: {  	_ =	shalt  }
0x7f: {  	_ =	shalt  }
0x80: {  	_ =	shalt  }
0x81: {  	_ =	shalt  }
0x82: {  	_ =	shalt  }
0x83: {  	_ =	shalt  }
0x84: {  	_ =	shalt  }
0x85: {  	_ =	shalt  }
0x86: {  	_ =	shalt  }
0x87: {  	_ =	shalt  }
.Lfunc_end0:
.L_simem_size_0:
called_computation.1_lowered:
.L_overlay_start_0:
0x88: {  	s2 =	sld [smem:$0x3FD9]  }
0x89: {  	s3 =	sld [smem:$0x3FFE];
	_ =	sdelay $0x1  }
0x8a: {  	s1 =	srdreg.scid  }
0x8b: {  	s0 =	sand.u32 $0x1, s1  }
0x8c: {  	s16 =	sshll.u32 s0, $0xA;
	s2 =	sadd.s32 s3, s2  }
0x8d: {  	s2 =	sadd.s32 s2, s16  }
0x8e: {  	[smem:$0x3FB1] =	sst s2  }
0x8f: {  	_ = 	snop  }
0x90: {  	(tm) =	ssettm $0x1  }
0x91: {  	s17 =	sld [smem:$0x3FFB];
	_ =	sdelay $0x3  }
0x92: {  	_ =	strace s17  }
0x93: {  	s2 =	sld [smem:$0x3FFC];
	_ =	sdelay $0x3  }
0x94: {  	_ =	strace s2  }
0x95: {  	s2 =	sld [smem:$0x3FFD];
	_ =	sdelay $0x3  }
0x96: {  	_ =	strace s2  }
0x97: {  	_ =	strace $0x8FFFFFFF  }
0x98: {  	s18 =	sld [smem:$0x3FDB];
	_ =	sdelay $0x1  }
0x99: {  	s19 =	simm.s32 $_scs_section_size  }
0x9a: {  	s4 =	simm.s32 $_size__tile_overlayer_lowered;
	s5 =	simm.s32 $_tile_overlayer_lowered  }
0x9b: {  	s22 =	simm.s32 $0x1BFF;
	s21 =	sshll.u32 s5, $0x1;
	s2 =	sadd.s32 s19, s18  }
0x9c: {  	s6 =	simm.s32 $0x0;
	s20 =	sshll.u32 s4, $0x1;
	s4 =	sadd.s32 s21, s2  }
0x9d: {  	[timem:s6], [sflag:s22] =	dma.local [hbm:s4], s20  }
0x9e: {  	_ =	swait.ge [sflag:s22], s20  }
0x9f: {  	s3 =	ssub.s32 $0x0, s20;
	[sflag:s22] =	ssyncset.done $0x0  }
0xa0: {  	[sflag:s22] =	ssyncadd.s32 s3;
	_ =	sdelay $0x1  }
0xa1: {  	s23 =	simm.s32 $0x1B8B  }
0xa2: {  	_ =	swait.ge [sflag:s23], $0x1  }
0xa3: {  	[sflag:s23] =	ssyncset.done $0x0  }
0xa4: {  	s25 =	simm.s32 $0x1B8E;
	s24 =	sld [smem:$0x3FFE];
	[sflag:s23] =	ssyncadd.s32 $0xFFFFFFFF  }
0xa5: {  	s26 =	simm.s32 $execute0_lowered;
	[smem:$0x3FD2] =	sst s25  }
0xa6: {  	s4 =	sshll.u32 s26, $0x1;
	_ =	strace $0x80000049;
	[dreg:$0x1] =	wrdreg $0xFFFFFFFF  }
0xa7: {  	s28 =	simm.s32 $_size_execute0_lowered;
	s2 =	sadd.s32 s2, s4;
	[dreg:$0x0] =	wrdreg $0x0  }
0xa8: {  	s4 =	sshll.u32 s28, $0x1;
	[dreg:$0x2] =	wrdreg s2  }
0xa9: {  	[dreg:$0x3] =	wrdreg s4  }
0xaa: {  	[dreg:$0x4] =	wrdreg $0xC0  }
0xab: {  	_ =	task [dreg:s6], $0x5FFFF  }
0xac: {  	[dreg:$0x1] =	wrdreg $0xFFFFFFFF  }
0xad: {  	[dreg:$0x0] =	wrdreg $0x60  }
0xae: {  	[dreg:$0x2] =	wrdreg s24  }
0xaf: {  	[dreg:$0x3] =	wrdreg $0x8F800  }
0xb0: {  	[dreg:$0x4] =	wrdreg $0x9  }
0xb1: {  	_ =	task.clear_ibuf [dreg:s6], $0x5FFFF;
	_ =	strace $0x90000049  }
0xb2: {  	s29 =	simm.s32 $0x9;
	_ =	strace $0x8000004B  }
0xb3: {  	_ =	swait.ge [sflag:s29], $0x1  }
0xb4: {  	[sflag:s29] =	ssyncadd.s32 $0xFFFFFFFF  }
0xb5: {  	_ =	strace $0x9000004B  }
0xb6: {  	_ =	sfence  }
0xb7: {  	s30 =	sld [smem:$0x0];
	_ =	sdelay $0x2  }
0xb8: {  	s31 =	sshll.u32 s1, $0xD;
	s1 =	sshrl.u32 s1, $0x2  }
0xb9: {  	s3 =	sand.u32 $0x4000, s31;
	s1 =	sadd.s32 s1, s30  }
0xba: {  	s0 =	sor.u32 s3, s0;
	s1 =	sshll.u32 s1, $0x11  }
0xbb: {  	s0 =	sor.u32 s1, s0  }
0xbc: {  	s0 =	sadd.s32 $0x8F2B, s0  }
0xbd: {  	[sflag:s0] =	ssyncadd.remote.s32 $0x1  }
0xbe: {  	_ =	sfence.sel $0xFFFF  }
0xbf: {  	[dreg:$0x0] =	wrdreg $0xFFFFFFFF;
	(pc) =	sbr.abs _section_cstart, $3  }
0xc0: {  	[dreg:$0x1] =	wrdreg $0xFFFFFFFF  }
0xc1: {  	_ =	task.clear_ibuf [dreg:s6], $0x2FFFF;
	_ =	strace $0x9FFFFFFF  }
0xc2: {  	(tm) =	ssettm $0x7FFFFFFF  }
0xc3: {  	_ =	shalt  }
tec
execute0_lowered:
.L_overlay_start_1:
0x0: {  	(tag) =	ssettag $0x1  }
0x1: {  	s0 =	srdreg.scid;
	s1 =	rddreg [dreg:$0x0]  }
0x2: {  	s11 =	stileid.u32;
	s2 =	rddreg [dreg:$0x1]  }
0x3: {  	s30 =	simm.s32 $0x2B80;
	s31 =	simm.s32 $0x2780;
	s10 =	smul.u32 $0x4E000, s11  }
0x4: {  	s0 =	sand.u32 $0x1, s0;
	s3 =	sshll.u32 s11, $0x1;
	s29 =	smul.u32 $0x13800, s11  }
0x5: {  	s12 =	sadd.s32 $0x4800, s1;
	s9 =	sadd.s32 $0x18400, s1;
	s15 =	smul.u32 $0x4E20, s11  }
0x6: {  	s18 =	sadd.s32 $0x138000, s2;
	p0 =	sne.s32 s11, $0xF;
	s26 =	smul.u32 $0x138800, s0  }
0x7: {  	s4 =	sor.u32 s0, s3;
	s8 =	ssub.s32 $0x2, s0;
	s0 =	smul.u32 $0x2710, s0  }
0x8: {  	s11 =	simm.s32 $0x0;
	s3 =	simm.s32 $0x0;
	s5 =	smul.u32 $0x2710, s4  }
0x9: {  	[smem:$0x7FF] =	sst s3;
	s4 =	sadd.s32 $0x1AC00, s1;
	s23 =	sshrl.u32 s8, $0x1  }
0xa: {  	s10 =	sshrl.u32 s10, $0x2;
	_ =	strace $0x8000004A;
	[dreg:$0x4] =	wrdreg s9  }
0xb: {  	s8 =	ssub.s32 s8, s23;
	s17 =	sadd.s32 s10, s2;
	[dreg:$0xc] =	wrdreg s18  }
0xc: {  	s19 =	sadd.s32 s29, s26;
	s0 =	sadd.s32 s0, s15;
	s20 =	sshrl.u32 s26, $0x3  }
0xd: {  	[dreg:$0x3] =	wrdreg s12;
	s9 =	simm.s32 $0x2880;
	s10 =	simm.s32 $0x2980  }
0xe: {  	s15 =	simm.s32 $0x4;
	s18 =	simm.s32 $0xF;
	s6 =	sshrl.u32 s5, $0x3  }
0xf: {  	s24 =	sadd.s32 $0x28, s5;
	s5 =	sadd.s32 $0x78, s5;
	[dreg:$0xb] =	wrdreg s17  }
0x10: {  	s22 =	smax.u32 s8, $0x1;
	s26 =	sadd.s32 $0xF0, s0;
	s8 =	simm.s32 $0xD  }
0x11: {  	s17 =	simm.s32 $0x5;
	s7 =	sadd.s32 s6, s1;
	s1 =	sadd.s32 $0x41E00, s1  }
0x12: {  	s25 =	sshrl.u32 s24, $0x3;
	s13 =	sadd.s32 s12, s6;
	s5 =	sshrl.u32 s5, $0x3  }
0x13: {  	[dreg:$0xf] =	wrdreg s22;
	s24 =	sadd.s32 $0x140, s0;
	s6 =	sshrl.u32 s26, $0x3  }
0x14: {  	s26 =	simm.s32 $0x2900;
	s7 =	sadd.s32 $0xE600, s7;
	[dreg:$0x6] =	wrdreg s13  }
0x15: {  	s22 =	simm.s32 $0x9;
	s28 =	sadd.s32 s12, s25;
	[dreg:$0x5] =	wrdreg s7  }
0x16: {  	s14 =	sadd.s32 $0xA, s13;
	s5 =	sadd.s32 s12, s5;
	[dreg:$0x7] =	wrdreg s28  }
0x17: {  	s16 =	sadd.s32 $0x14, s13;
	s25 =	sadd.s32 $0x118, s0;
	[dreg:$0x8] =	wrdreg s14  }
0x18: {  	s29 =	sadd.s32 s6, s12;
	s13 =	simm.s32 $0xC;
	[dreg:$0x9] =	wrdreg s5  }
0x19: {  	s6 =	simm.s32 $0xA;
	[dreg:$0xa] =	wrdreg s16;
	s5 =	sshrl.u32 s19, $0x3  }
0x1a: {  	s7 =	sadd.s32 $0x168, s0;
	[dreg:$0x13] =	wrdreg s29;
	s0 =	sadd.s32 $0xC8, s0  }
0x1b: {  	s14 =	simm.s32 $0x3;
	s16 =	simm.s32 $0xE;
	s19 =	simm.s32 $0x6  }
0x1c: {  	s5 =	sadd.s32 s1, s5;
	s1 =	sadd.s32 s1, s20;
	s21 =	sshrl.u32 s7, $0x3  }
0x1d: {  	[dreg:$0x14] =	wrdreg s0;
	s0 =	simm.s32 $0x3F80;
	s7 =	simm.s32 $0x5380  }
0x1e: {  	s20 =	simm.s32 $0x7;
	[dreg:$0xd] =	wrdreg s5;
	s1 =	sadd.s32 $0x27000, s1  }
.Ltmp0:
0x1f: {  	s23 =	sadd.s32 s21, s12;
	s5 =	sshrl.u32 s25, $0x3;
	(pc) =	sbr.rel .LBB2_1-.Ltmp0, $4  }
0x20: {  	s25 =	simm.s32 $0x6780;
	s21 =	simm.s32 $0x8;
	[dreg:$0xe] =	wrdreg s1  }
0x21: {  	[dreg:$0x10] =	wrdreg s23;
	s1 =	sshrl.u32 s24, $0x3;
	s28 =	sadd.s32 s5, s12  }
0x22: {  	s23 =	simm.s32 $0x10;
	s1 =	sadd.s32 s1, s12;
	[dreg:$0x12] =	wrdreg s28  }
0x23: {  	s24 =	simm.s32 $0x28;
	s5 =	simm.s32 $0x2800;
	[dreg:$0x11] =	wrdreg s1  }
.LBB2_4:
0x24: {  	_ =	swait.ge [sflag:s20], $0x1400  }
0x25: {  	[sflag:s20] =	ssyncset.done $0x0  }
0x26: {  	[sflag:s20] =	ssyncadd.s32 $0xFFFFEC00  }
0x27: {  	_ =	swait.ge [sflag:s21], $0x1400  }
0x28: {  	[sflag:s21] =	ssyncset.done $0x0  }
0x29: {  	[sflag:s21] =	ssyncadd.s32 $0xFFFFEC00  }
0x2a: {  	_ =	swait.ge [sflag:s22], $0x1400  }
0x2b: {  	[sflag:s22] =	ssyncset.done $0x0  }
0x2c: {  	[sflag:s22] =	ssyncadd.s32 $0xFFFFEC00  }
0x2d: {  	_ =	swait.ge [sflag:s6], $0x1400  }
0x2e: {  	[sflag:s6] =	ssyncset.done $0x0  }
0x2f: {  	[sflag:s6] =	ssyncadd.s32 $0xFFFFEC00  }
0x30: {  	[bflag:$0x0] =	sbarrier.arrive $0xFFFF  }
0x31: {  	s1 =	rddreg [dreg:$0xd]  }
0x32: {  	s5 =	rddreg [dreg:$0x16]  }
0x33: {  	s23 =	simm.s32 $0x10;
	s7 =	rddreg [dreg:$0x17]  }
0x34: {  	[hbm:s1], [sflag:s5] =	dma.local [spmem:s7], $0x2700  }
0x35: {  	_ =	swait.ge [sflag:s23], $0x2700  }
0x36: {  	[sflag:s23] =	ssyncset.done $0x0;
	s1 =	rddreg [dreg:$0xe]  }
0x37: {  	s7 =	rddreg [dreg:$0x18];
	[sflag:s23] =	ssyncadd.s32 $0xFFFFD900  }
0x38: {  	[hbm:s1], [sflag:s5] =	dma.local @!p0 [spmem:s7], $0x100  }
0x39: {  	s1 =	simm.s32 @!p0 $0x10  }
0x3a: {  	_ =	swait.ge @!p0 [sflag:s1], $0x100  }
0x3b: {  	s11 =	rddreg [dreg:$0x15]  }
0x3c: {  	s29 =	rddreg [dreg:$0xf];
	s11 =	sadd.s32 $0x1, s11  }
0x3d: {  	p1 =	sne.s32 s11, s29  }
.Ltmp1:
0x3e: {  	_ = 	snop;
	(pc) =	sbr.rel @!p1 .LBB2_5-.Ltmp1, $4  }
0x3f: {  	_ = 	snop  }
0x40: {  	s9 =	simm.s32 $0x2880;
	s25 =	simm.s32 $0x6780  }
0x41: {  	s26 =	simm.s32 $0x2900;
	s10 =	simm.s32 $0x2980;
	[sflag:s1] =	ssyncset.done @!p0 $0x0  }
0x42: {  	s5 =	simm.s32 $0x2800;
	s7 =	simm.s32 $0x5380;
	[sflag:s1] =	ssyncadd.s32 @!p0 $0xFFFFFF00  }
.LBB2_1:
0x43: {  	[dreg:$0x15] =	wrdreg s11  }
0x44: {  	s1 =	rddreg [dreg:$0x5]  }
0x45: {  	[tilespmem:s3], [sflag:$0x10] =	stream.linear.gather [hbm4b:s1+s3], $0x2710, $0x38;
	[tilespmem:$0x1C800] =	vst v63  }
0x46: {  	_ =	swait.ge [sflag:s23], $0x2710  }
0x47: {  	[sflag:s23] =	ssyncset.done $0x0  }
0x48: {  	[sflag:s23] =	ssyncadd.s32 $0xFFFFD8F0  }
0x49: {  	[tilespmem:s30], [sflag:$0x1] =	stream.indirect.gather [hbm4b:s4+s24], $0x80, s3, s24, $0xb8;
	[tilespmem:$0x1C800] =	vst v63  }
0x4a: {  	s11 =	rddreg [dreg:$0x6]  }
0x4b: {  	[tilespmem:s31], [sflag:$0xB] =	stream.linear.gather [hbm4b:s11+s3], $0x28, $0x38;
	[tilespmem:$0x1C800] =	vst v63  }
0x4c: {  	_ = 	snop  }
0x4d: {  	[tilespmem:s0], [sflag:$0x2] =	stream.indirect.gather [hbm4b:s4+s24], $0x80, s24, s24, $0xb8;
	[tilespmem:$0x1C800] =	vst v63  }
0x4e: {  	s12 =	rddreg [dreg:$0x7]  }
0x4f: {  	[tilespmem:s5], [sflag:$0xC] =	stream.linear.gather [hbm4b:s12+s3], $0x28, $0x38;
	[tilespmem:$0x1C800] =	vst v63  }
0x50: {  	s5 =	simm.s32 $0x50  }
0x51: {  	[tilespmem:s7], [sflag:$0x3] =	stream.indirect.gather [hbm4b:s4+s24], $0x80, s5, s24, $0xb8;
	[tilespmem:$0x1C800] =	vst v63  }
0x52: {  	s11 =	rddreg [dreg:$0x8]  }
0x53: {  	[tilespmem:s9], [sflag:$0xD] =	stream.linear.gather [hbm4b:s11+s3], $0x28, $0x38;
	[tilespmem:$0x1C800] =	vst v63  }
0x54: {  	s1 =	rddreg [dreg:$0x4];
	s12 =	simm.s32 $0x78  }
0x55: {  	[tilespmem:s25], [sflag:$0x4] =	stream.indirect.gather [hbm4b:s4+s24], $0x80, s12, s24, $0xb8;
	[tilespmem:$0x1C800] =	vst v63  }
0x56: {  	s5 =	simm.s32 $0xA0;
	s25 =	rddreg [dreg:$0x9]  }
0x57: {  	[tilespmem:s26], [sflag:$0xE] =	stream.linear.gather [hbm4b:s25+s3], $0x28, $0x38;
	[tilespmem:$0x1C800] =	vst v63  }
0x58: {  	s7 =	simm.s32 $0x7B80;
	s11 =	stileid.u32;
	s25 =	rddreg [dreg:$0xb]  }
0x59: {  	s9 =	rddreg [dreg:$0xa];
	s12 =	sshll.u32 s11, $0x6;
	s26 =	sshrl.u32 s25, $0x3  }
0x5a: {  	[tilespmem:s7], [sflag:$0x5] =	stream.indirect.gather [hbm4b:s4+s24], $0x80, s5, s24, $0xb8;
	[tilespmem:$0x1C800] =	vst v63  }
0x5b: {  	s7 =	sor.u32 $0x1C10, s12;
	[dreg:$0x17] =	wrdreg s26  }
0x5c: {  	[tilespmem:s10], [sflag:$0xF] =	stream.linear.gather [hbm4b:s9+s3], $0x28, $0x38;
	[tilespmem:$0x1C800] =	vst v63  }
0x5d: {  	[spmem:s26], [sflag:s7] =	dma.local [hbm:s1], $0x2700  }
0x5e: {  	_ =	swait.ge [sflag:s23], $0x2700  }
0x5f: {  	s5 =	rddreg [dreg:$0xc]  }
0x60: {  	[dreg:$0x16] =	wrdreg s7;
	[sflag:s23] =	ssyncset.done $0x0;
	s5 =	sshrl.u32 @!p0 s5, $0x3  }
0x61: {  	[sflag:s23] =	ssyncadd.s32 $0xFFFFD900;
	[dreg:$0x18] =	wrdreg s5  }
0x62: {  	[spmem:s5], [sflag:s7] =	dma.local @!p0 [hbm:s1], $0x100  }
0x63: {  	s5 =	simm.s32 @!p0 $0x10  }
0x64: {  	_ =	swait.ge @!p0 [sflag:s5], $0x100  }
0x65: {  	[sflag:s5] =	ssyncset.done @!p0 $0x0  }
0x66: {  	[sflag:s5] =	ssyncadd.s32 @!p0 $0xFFFFFF00  }
0x67: {  	[bflag:$0x0] =	sbarrier.arrive $0xFFFF  }
0x68: {  	s23 =	rddreg [dreg:$0x14]  }
0x69: {  	s5 =	rddreg [dreg:$0x13]  }
0x6a: {  	s25 =	rddreg [dreg:$0x12]  }
0x6b: {  	s28 =	simm.s32 $0x0;
	s9 =	simm.s32 $0x2900;
	s26 =	rddreg [dreg:$0x11]  }
0x6c: {  	s1 =	simm.s32 $0x7B80;
	s7 =	simm.s32 $0x6780;
	s29 =	rddreg [dreg:$0x10]  }
.LBB2_2:
0x6d: {  	s11 =	simm.s32 $0x1  }
0x6e: {  	_ =	swait.ge [sflag:s11], $0x1400  }
0x6f: {  	[sflag:s11] =	ssyncset.done $0x0  }
0x70: {  	s12 =	simm.s32 $0xB;
	[sflag:s11] =	ssyncadd.s32 $0xFFFFEC00  }
0x71: {  	_ =	swait.ge [sflag:s12], $0x28  }
0x72: {  	[sflag:s12] =	ssyncset.done $0x0  }
0x73: {  	[sflag:s12] =	ssyncadd.s32 $0xFFFFFFD8;
	s12 =	simm.s32 $0x2  }
0x74: {  	[spmem:s2] =	stream.indirect.scatter.add.f32 [tilespmem:s30], [sflag:$0x6], $0x80, s31, s24, $0xb8;
	[tilespmem:$0x1C800] =	vst v63  }
0x75: {  	_ =	swait.ge [sflag:s12], $0x1400  }
0x76: {  	[sflag:s12] =	ssyncset.done $0x0  }
0x77: {  	[sflag:s12] =	ssyncadd.s32 $0xFFFFEC00  }
0x78: {  	_ =	swait.ge [sflag:s13], $0x28  }
0x79: {  	[sflag:s13] =	ssyncset.done $0x0  }
0x7a: {  	s12 =	simm.s32 $0x2800;
	[sflag:s13] =	ssyncadd.s32 $0xFFFFFFD8  }
0x7b: {  	[spmem:s2] =	stream.indirect.scatter.add.f32 [tilespmem:s0], [sflag:$0x7], $0x80, s12, s24, $0xb8;
	[tilespmem:$0x1C800] =	vst v63  }
0x7c: {  	_ =	swait.ge [sflag:s14], $0x1400  }
0x7d: {  	[sflag:s14] =	ssyncset.done $0x0  }
0x7e: {  	[sflag:s14] =	ssyncadd.s32 $0xFFFFEC00  }
0x7f: {  	_ =	swait.ge [sflag:s8], $0x28  }
0x80: {  	[sflag:s8] =	ssyncset.done $0x0  }
0x81: {  	s11 =	simm.s32 $0x2880;
	s12 =	simm.s32 $0x5380;
	[sflag:s8] =	ssyncadd.s32 $0xFFFFFFD8  }
0x82: {  	[spmem:s2] =	stream.indirect.scatter.add.f32 [tilespmem:s12], [sflag:$0x8], $0x80, s11, s24, $0xb8;
	[tilespmem:$0x1C800] =	vst v63  }
0x83: {  	_ =	swait.ge [sflag:s15], $0x1400  }
0x84: {  	[sflag:s15] =	ssyncset.done $0x0  }
0x85: {  	[sflag:s15] =	ssyncadd.s32 $0xFFFFEC00  }
0x86: {  	_ =	swait.ge [sflag:s16], $0x28  }
0x87: {  	[sflag:s16] =	ssyncset.done $0x0  }
0x88: {  	[sflag:s16] =	ssyncadd.s32 $0xFFFFFFD8  }
0x89: {  	[spmem:s2] =	stream.indirect.scatter.add.f32 [tilespmem:s7], [sflag:$0x9], $0x80, s9, s24, $0xb8;
	[tilespmem:$0x1C800] =	vst v63  }
0x8a: {  	_ =	swait.ge [sflag:s17], $0x1400  }
0x8b: {  	[sflag:s17] =	ssyncset.done $0x0  }
0x8c: {  	[sflag:s17] =	ssyncadd.s32 $0xFFFFEC00  }
0x8d: {  	_ =	swait.ge [sflag:s18], $0x28  }
0x8e: {  	p1 =	seq.s32 s28, $0x9920;
	[sflag:s18] =	ssyncset.done $0x0  }
.Ltmp2:
0x8f: {  	[sflag:s18] =	ssyncadd.s32 $0xFFFFFFD8;
	(pc) =	sbr.rel @p1 .LBB2_4-.Ltmp2, $4  }
0x90: {  	[spmem:s2] =	stream.indirect.scatter.add.f32 [tilespmem:s1], [sflag:$0xA], $0x80, s10, s24, $0xb8;
	[tilespmem:$0x1C800] =	vst v63  }
0x91: {  	_ =	swait.ge [sflag:s19], $0x1400  }
0x92: {  	[sflag:s19] =	ssyncset.done $0x0  }
0x93: {  	s11 =	simm.s32 $0x2980;
	s10 =	simm.s32 $0x7B80;
	[sflag:s19] =	ssyncadd.s32 $0xFFFFEC00  }
0x94: {  	s31 =	sshra.s32 s28, $0x2  }
0x95: {  	s1 =	sadd.s32 $0xC8, s31  }
0x96: {  	[tilespmem:s30], [sflag:$0x1] =	stream.indirect.gather [hbm4b:s4+s24], $0x80, s1, s24, $0xb8;
	[tilespmem:$0x1C800] =	vst v63  }
0x97: {  	s12 =	sshrl.u32 s23, $0x3;
	s30 =	rddreg [dreg:$0x3]  }
0x98: {  	s0 =	simm.s32 $0x2780;
	s1 =	sadd.s32 s30, s12  }
0x99: {  	[tilespmem:s0], [sflag:$0xB] =	stream.linear.gather [hbm4b:s1+s3], $0x28, $0x38;
	[tilespmem:$0x1C800] =	vst v63  }
0x9a: {  	_ =	swait.ge [sflag:s20], $0x1400  }
0x9b: {  	[sflag:s20] =	ssyncset.done $0x0  }
0x9c: {  	s12 =	sadd.s32 $0xF0, s31;
	s0 =	simm.s32 $0x3F80;
	[sflag:s20] =	ssyncadd.s32 $0xFFFFEC00  }
0x9d: {  	[tilespmem:s0], [sflag:$0x2] =	stream.indirect.gather [hbm4b:s4+s24], $0x80, s12, s24, $0xb8;
	[tilespmem:$0x1C800] =	vst v63  }
0x9e: {  	s12 =	simm.s32 $0x2800  }
0x9f: {  	[tilespmem:s12], [sflag:$0xC] =	stream.linear.gather [hbm4b:s5+s3], $0x28, $0x38;
	[tilespmem:$0x1C800] =	vst v63  }
0xa0: {  	_ =	swait.ge [sflag:s21], $0x1400  }
0xa1: {  	[sflag:s21] =	ssyncset.done $0x0  }
0xa2: {  	s1 =	sadd.s32 $0x118, s31;
	s12 =	simm.s32 $0x5380;
	[sflag:s21] =	ssyncadd.s32 $0xFFFFEC00  }
0xa3: {  	[tilespmem:s12], [sflag:$0x3] =	stream.indirect.gather [hbm4b:s4+s24], $0x80, s1, s24, $0xb8;
	[tilespmem:$0x1C800] =	vst v63  }
0xa4: {  	s12 =	simm.s32 $0x2880  }
0xa5: {  	[tilespmem:s12], [sflag:$0xD] =	stream.linear.gather [hbm4b:s25+s3], $0x28, $0x38;
	[tilespmem:$0x1C800] =	vst v63  }
0xa6: {  	_ =	swait.ge [sflag:s22], $0x1400  }
0xa7: {  	[sflag:s22] =	ssyncset.done $0x0  }
0xa8: {  	s12 =	sadd.s32 $0x140, s31;
	[sflag:s22] =	ssyncadd.s32 $0xFFFFEC00  }
0xa9: {  	[tilespmem:s7], [sflag:$0x4] =	stream.indirect.gather [hbm4b:s4+s24], $0x80, s12, s24, $0xb8;
	[tilespmem:$0x1C800] =	vst v63  }
0xaa: {  	_ = 	snop  }
0xab: {  	[tilespmem:s9], [sflag:$0xE] =	stream.linear.gather [hbm4b:s26+s3], $0x28, $0x38;
	[tilespmem:$0x1C800] =	vst v63  }
0xac: {  	s28 =	sadd.s32 $0x320, s28;
	s23 =	sadd.s32 $0xC8, s23;
	_ =	swait.ge [sflag:s6], $0x1400  }
0xad: {  	s30 =	simm.s32 $0x2B80;
	s5 =	sadd.s32 $0x19, s5;
	[sflag:s6] =	ssyncset.done $0x0  }
.Ltmp3:
0xae: {  	s12 =	sadd.s32 $0x168, s31;
	[sflag:s6] =	ssyncadd.s32 $0xFFFFEC00;
	(pc) =	sbr.rel .LBB2_2-.Ltmp3, $4  }
0xaf: {  	[tilespmem:s10], [sflag:$0x5] =	stream.indirect.gather [hbm4b:s4+s24], $0x80, s12, s24, $0xb8;
	[tilespmem:$0x1C800] =	vst v63  }
0xb0: {  	s1 =	simm.s32 $0x7B80;
	s25 =	sadd.s32 $0x19, s25;
	s31 =	simm.s32 $0x2780  }
0xb1: {  	[tilespmem:s11], [sflag:$0xF] =	stream.linear.gather [hbm4b:s29+s3], $0x28, $0x38;
	[tilespmem:$0x1C800] =	vst v63  }
0xb2: {  	s26 =	sadd.s32 $0x19, s26;
	s10 =	simm.s32 $0x2980;
	s29 =	sadd.s32 $0x19, s29  }
.LBB2_5:
0xb3: {  	_ =	sfence.sel $0x180000  }
0xb4: {  	[bflag:$0x0] =	sbarrier.arrive $0xFFFF  }
0xb5: {  	_ =	strace $0x9000004A  }
0xb6: {  	s0 =	stileid.u32;
	[bflag:$0x2] =	sbarrier.arrive $0xFFFF  }
0xb7: {  	p0 =	sne.s32 s0, $0x0;
	s0 =	rddreg [dreg:$0x2]  }
0xb8: {  	s0 =	sadd.s32 @!p0 $0x100000, s0  }
0xb9: {  	[sflag:s0] =	ssyncadd.tile.s32 @!p0 $0x1;
	_ =	shalt  }
.Lfunc_end2:
_tile_overlayer_lowered:
.L_overlay_start_2:
0xba: {  	(tag) =	ssettag $0x2  }
0xbb: {  	s0 =	rddreg [dreg:$0x0];
	s2 =	stileid.u32  }
0xbc: {  	s1 =	rddreg [dreg:$0x1];
	p0 =	sne.s32 s2, $0x0  }
0xbd: {  	s3 =	rddreg [dreg:$0x2];
	[bflag:$0x3] =	sbarrier.arrive $0xFFFF;
	s2 =	simm.s32 @!p0 $0x1C10  }
0xbe: {  	[timem:s3], [sflag:s2] =	dma.local @!p0 [hbm:s0], s1  }
0xbf: {  	s0 =	simm.s32 @!p0 $0x10  }
0xc0: {  	_ =	swait.ge @!p0 [sflag:s0], s1  }
0xc1: {  	s1 =	ssub.s32 @!p0 $0x0, s1;
	[sflag:s0] =	ssyncset.done @!p0 $0x0  }
0xc2: {  	[sflag:s0] =	ssyncadd.s32 @!p0 s1  }
0xc3: {  	[bflag:$0x3] =	sbarrier.arrive $0xFFFF  }
0xc4: {  	_ =	shalt  }

// kernel: kernel.14.cloned.1.call-start
scs
__scs_entry_jumppad:
0x0: {  	(pc) =	sbr.rel $0x88, $3  }
0x1: {  	(tag) =	ssettag $0x0;
	lr =	simm.s32 $0x1  }
0x2: {  	[smem:$0x3F8A] =	sst lr;
	_ =	strace $0xD0000000  }
0x3: {  	_ = 	snop  }
0x4: {  	_ = 	snop  }
0x5: {  	_ = 	snop  }
0x6: {  	_ = 	snop  }
0x7: {  	_ = 	snop  }
__scs_overlays_trampoline_lowered:
0x8: {  	[smem:$0x3F99] =	sst s0  }
0x9: {  	[smem:$0x3F9A] =	sst s1  }
0xa: {  	[smem:$0x3F9B] =	sst s2  }
0xb: {  	[smem:$0x3F9C] =	sst s3  }
0xc: {  	[smem:$0x3F9D] =	sst s4  }
0xd: {  	[smem:$0x3F9E] =	sst s5  }
0xe: {  	[smem:$0x3F9F] =	sst s6  }
0xf: {  	[smem:$0x3FA0] =	sst s7  }
0x10: {  	[smem:$0x3FA1] =	sst s8  }
0x11: {  	[smem:$0x3FA2] =	sst s9;
	s0 =	simm.s32 @!p0 $0x0  }
0x12: {  	s1 =	sld [smem:$0x3F88];
	s0 =	simm.s32 @p0 $0x1  }
0x13: {  	[smem:$0x3FA3] =	sst s0;
	s0 =	simm.s32 @!p1 $0x0  }
0x14: {  	s2 =	sld [smem:$0x3F87];
	s0 =	simm.s32 @p1 $0x1  }
0x15: {  	[smem:$0x3FA4] =	sst s0;
	s0 =	simm.s32 @!p2 $0x0  }
0x16: {  	s3 =	sld [smem:$0x3FDB];
	s0 =	simm.s32 @p2 $0x1  }
0x17: {  	s4 =	simm.s32 $0x1BF5;
	[smem:$0x3FA6] =	sst s0  }
0x18: {  	s0 =	sld [smem:$0x3F89];
	_ =	swait.ge [sflag:s4], $0x0  }
0x19: {  	s7 =	sld [smem:$0x3F8A]  }
0x1a: {  	s8 =	sadd.s32 $0xFFFFE003, lr  }
0x1b: {  	s9 =	sadd.s32 $0xFFFFFEF7, lr;
	s5 =	simm.s32 $0xFFFFFFFF;
	p2 =	slt.u32 s8, $0xFFFFF086  }
0x1c: {  	p1 =	slt.u32 s9, $0xF7A;
	s5 =	simm.s32 @!p2 $0x0  }
0x1d: {  	s5 =	simm.s32 @p1 $0x1;
	p0 =	seq.s32 s7, s2  }
0x1e: {  	s7 =	smul.u32 @!p0 $0xF7A, s2;
	p2 =	seq.s32 @!p0 s5, $0x0  }
0x1f: {  	s9 =	smul.u32 $0xF7A, s1;
	s8 =	simm.s32 @!p0 $0x1BF5;
	p2 =	por !p2, p0  }
0x20: {  	[sflag:s8] =	ssyncset.s32 @!p0 $0xFFFFF086;
	s6 =	sadd.s32 @!p0 s3, s7;
	s7 =	simm.s32 @!p0 $0x108  }
0x21: {  	s3 =	sadd.s32 s3, s9;
	s6 =	sadd.s32 @!p0 $0x88, s6;
	s7 =	simm.s32 @p2 $0x1082  }
0x22: {  	[simem:s7], [sflag:s8] =	dma.local @!p0 [hbm:s6], $0xF7A  }
0x23: {  	s9 =	sor.u32 $0xD0000000, s2;
	s6 =	simm.s32 $0x108;
	_ =	swait.ge @!p0 [sflag:s8], $0x0  }
0x24: {  	s3 =	sadd.s32 $0x88, s3;
	s6 =	simm.s32 @!p1 $0x1082;
	[sflag:s4] =	ssyncset.s32 $0xFFFFF086  }
0x25: {  	[simem:s6], [sflag:s4] =	dma.local [hbm:s3], $0xF7A  }
0x26: {  	[smem:$0x3F8A] =	sst s1;
	(tag) =	ssettag s2;
	_ =	strace s9  }
0x27: {  	s1 =	sld [smem:$0x3F9A]  }
0x28: {  	s2 =	sld [smem:$0x3F9B]  }
0x29: {  	s4 =	sld [smem:$0x3F9D]  }
0x2a: {  	p0 =	seq.s32 s5, $0x0;
	s5 =	sld [smem:$0x3F9E]  }
0x2b: {  	s6 =	sld [smem:$0x3F9F]  }
0x2c: {  	s7 =	sld [smem:$0x3FA0]  }
0x2d: {  	s3 =	simm.s32 $0x108;
	s8 =	sld [smem:$0x3FA1]  }
0x2e: {  	s3 =	simm.s32 @!p0 $0x1082;
	s9 =	sld [smem:$0x3FA2]  }
0x2f: {  	lr =	sadd.s32 s0, s3;
	s0 =	sld [smem:$0x3F99]  }
0x30: {  	s3 =	sld [smem:$0x3F9C]  }
0x31: {  	[smem:$0x3FA5] =	sst s10  }
0x32: {  	s10 =	sld [smem:$0x3FA3];
	_ =	sdelay $0x3  }
0x33: {  	p0 =	seq.s32 s10, $0x1;
	s10 =	sld [smem:$0x3FA5];
	_ =	sdelay $0x3  }
0x34: {  	[smem:$0x3FA5] =	sst s10  }
0x35: {  	s10 =	sld [smem:$0x3FA4];
	_ =	sdelay $0x3  }
0x36: {  	p1 =	seq.s32 s10, $0x1;
	s10 =	sld [smem:$0x3FA5];
	_ =	sdelay $0x3  }
0x37: {  	[smem:$0x3FA5] =	sst s10  }
0x38: {  	s10 =	sld [smem:$0x3FA6]  }
0x39: {  	_ = 	snop;
	(pc) =	sbr.ind lr, $3  }
0x3a: {  	_ = 	snop  }
0x3b: {  	_ = 	snop  }
0x3c: {  	p2 =	seq.s32 s10, $0x1;
	s10 =	sld [smem:$0x3FA5]  }
0x3d: {  	_ =	shalt  }
0x3e: {  	_ =	shalt  }
0x3f: {  	_ =	shalt  }
0x40: {  	_ =	shalt  }
0x41: {  	_ =	shalt  }
0x42: {  	_ =	shalt  }
0x43: {  	_ =	shalt  }
0x44: {  	_ =	shalt  }
0x45: {  	_ =	shalt  }
0x46: {  	_ =	shalt  }
0x47: {  	_ =	shalt  }
0x48: {  	_ =	shalt  }
0x49: {  	_ =	shalt  }
0x4a: {  	_ =	shalt  }
0x4b: {  	_ =	shalt  }
0x4c: {  	_ =	shalt  }
0x4d: {  	_ =	shalt  }
0x4e: {  	_ =	shalt  }
0x4f: {  	_ =	shalt  }
0x50: {  	_ =	shalt  }
0x51: {  	_ =	shalt  }
0x52: {  	_ =	shalt  }
0x53: {  	_ =	shalt  }
0x54: {  	_ =	shalt  }
0x55: {  	_ =	shalt  }
0x56: {  	_ =	shalt  }
0x57: {  	_ =	shalt  }
0x58: {  	_ =	shalt  }
0x59: {  	_ =	shalt  }
0x5a: {  	_ =	shalt  }
0x5b: {  	_ =	shalt  }
0x5c: {  	_ =	shalt  }
0x5d: {  	_ =	shalt  }
0x5e: {  	_ =	shalt  }
0x5f: {  	_ =	shalt  }
0x60: {  	_ =	shalt  }
0x61: {  	_ =	shalt  }
0x62: {  	_ =	shalt  }
0x63: {  	_ =	shalt  }
0x64: {  	_ =	shalt  }
0x65: {  	_ =	shalt  }
0x66: {  	_ =	shalt  }
0x67: {  	_ =	shalt  }
0x68: {  	_ =	shalt  }
0x69: {  	_ =	shalt  }
0x6a: {  	_ =	shalt  }
0x6b: {  	_ =	shalt  }
0x6c: {  	_ =	shalt  }
0x6d: {  	_ =	shalt  }
0x6e: {  	_ =	shalt  }
0x6f: {  	_ =	shalt  }
0x70: {  	_ =	shalt  }
0x71: {  	_ =	shalt  }
0x72: {  	_ =	shalt  }
0x73: {  	_ =	shalt  }
0x74: {  	_ =	shalt  }
0x75: {  	_ =	shalt  }
0x76: {  	_ =	shalt  }
0x77: {  	_ =	shalt  }
0x78: {  	_ =	shalt  }
0x79: {  	_ =	shalt  }
0x7a: {  	_ =	shalt  }
0x7b: {  	_ =	shalt  }
0x7c: {  	_ =	shalt  }
0x7d: {  	_ =	shalt  }
0x7e: {  	_ =	shalt  }
0x7f: {  	_ =	shalt  }
0x80: {  	_ =	shalt  }
0x81: {  	_ =	shalt  }
0x82: {  	_ =	shalt  }
0x83: {  	_ =	shalt  }
0x84: {  	_ =	shalt  }
0x85: {  	_ =	shalt  }
0x86: {  	_ =	shalt  }
0x87: {  	_ =	shalt  }
.Lfunc_end0:
.L_simem_size_0:
called_computation.2_lowered:
.L_overlay_start_0:
0x88: {  	s2 =	sld [smem:$0x3FD9]  }
0x89: {  	s3 =	sld [smem:$0x3FFE];
	_ =	sdelay $0x1  }
0x8a: {  	s1 =	srdreg.scid  }
0x8b: {  	s0 =	sand.u32 $0x1, s1  }
0x8c: {  	s16 =	sshll.u32 s0, $0xA;
	s2 =	sadd.s32 s3, s2  }
0x8d: {  	s2 =	sadd.s32 s2, s16  }
0x8e: {  	[smem:$0x3FB1] =	sst s2  }
0x8f: {  	_ = 	snop  }
0x90: {  	(tm) =	ssettm $0x1  }
0x91: {  	s17 =	sld [smem:$0x3FFB];
	_ =	sdelay $0x3  }
0x92: {  	_ =	strace s17  }
0x93: {  	s2 =	sld [smem:$0x3FFC];
	_ =	sdelay $0x3  }
0x94: {  	_ =	strace s2  }
0x95: {  	s2 =	sld [smem:$0x3FFD];
	_ =	sdelay $0x3  }
0x96: {  	_ =	strace s2  }
0x97: {  	_ =	strace $0x8FFFFFFF  }
0x98: {  	s18 =	sld [smem:$0x3FDB];
	_ =	sdelay $0x1  }
0x99: {  	s19 =	simm.s32 $_scs_section_size  }
0x9a: {  	s4 =	simm.s32 $_size__tile_overlayer_lowered;
	s5 =	simm.s32 $_tile_overlayer_lowered  }
0x9b: {  	s22 =	simm.s32 $0x1BFF;
	s21 =	sshll.u32 s5, $0x1;
	s2 =	sadd.s32 s19, s18  }
0x9c: {  	s6 =	simm.s32 $0x0;
	s20 =	sshll.u32 s4, $0x1;
	s4 =	sadd.s32 s21, s2  }
0x9d: {  	[timem:s6], [sflag:s22] =	dma.local [hbm:s4], s20  }
0x9e: {  	_ =	swait.ge [sflag:s22], s20  }
0x9f: {  	s3 =	ssub.s32 $0x0, s20;
	[sflag:s22] =	ssyncset.done $0x0  }
0xa0: {  	[sflag:s22] =	ssyncadd.s32 s3;
	_ =	sdelay $0x1  }
0xa1: {  	s23 =	simm.s32 $0x1B8B  }
0xa2: {  	_ =	swait.ge [sflag:s23], $0x1  }
0xa3: {  	[sflag:s23] =	ssyncset.done $0x0  }
0xa4: {  	s25 =	simm.s32 $0x1B8E;
	s24 =	sld [smem:$0x3FFE];
	[sflag:s23] =	ssyncadd.s32 $0xFFFFFFFF  }
0xa5: {  	s26 =	simm.s32 $execute0_lowered;
	[smem:$0x3FD2] =	sst s25  }
0xa6: {  	s4 =	sshll.u32 s26, $0x1;
	_ =	strace $0x8000004C;
	[dreg:$0x1] =	wrdreg $0xFFFFFFFF  }
0xa7: {  	s28 =	simm.s32 $_size_execute0_lowered;
	s2 =	sadd.s32 s2, s4;
	[dreg:$0x0] =	wrdreg $0x0  }
0xa8: {  	s4 =	sshll.u32 s28, $0x1;
	[dreg:$0x2] =	wrdreg s2  }
0xa9: {  	[dreg:$0x3] =	wrdreg s4  }
0xaa: {  	[dreg:$0x4] =	wrdreg $0xC0  }
0xab: {  	_ =	task [dreg:s6], $0x5FFFF  }
0xac: {  	[dreg:$0x1] =	wrdreg $0xFFFFFFFF  }
0xad: {  	[dreg:$0x0] =	wrdreg $0x60  }
0xae: {  	[dreg:$0x2] =	wrdreg s24  }
0xaf: {  	[dreg:$0x3] =	wrdreg $0x8F800  }
0xb0: {  	[dreg:$0x4] =	wrdreg $0x9  }
0xb1: {  	_ =	task.clear_ibuf [dreg:s6], $0x5FFFF;
	_ =	strace $0x9000004C  }
0xb2: {  	s29 =	simm.s32 $0x9;
	_ =	strace $0x8000004E  }
0xb3: {  	_ =	swait.ge [sflag:s29], $0x1  }
0xb4: {  	[sflag:s29] =	ssyncadd.s32 $0xFFFFFFFF  }
0xb5: {  	_ =	strace $0x9000004E  }
0xb6: {  	_ =	sfence  }
0xb7: {  	s30 =	sld [smem:$0x0];
	_ =	sdelay $0x2  }
0xb8: {  	s31 =	sshll.u32 s1, $0xD;
	s1 =	sshrl.u32 s1, $0x2  }
0xb9: {  	s3 =	sand.u32 $0x4000, s31;
	s1 =	sadd.s32 s1, s30  }
0xba: {  	s0 =	sor.u32 s3, s0;
	s1 =	sshll.u32 s1, $0x11  }
0xbb: {  	s0 =	sor.u32 s1, s0  }
0xbc: {  	s0 =	sadd.s32 $0x8F2B, s0  }
0xbd: {  	[sflag:s0] =	ssyncadd.remote.s32 $0x1  }
0xbe: {  	_ =	sfence.sel $0xFFFF  }
0xbf: {  	[dreg:$0x0] =	wrdreg $0xFFFFFFFF;
	(pc) =	sbr.abs _section_cstart, $3  }
0xc0: {  	[dreg:$0x1] =	wrdreg $0xFFFFFFFF  }
0xc1: {  	_ =	task.clear_ibuf [dreg:s6], $0x2FFFF;
	_ =	strace $0x9FFFFFFF  }
0xc2: {  	(tm) =	ssettm $0x7FFFFFFF  }
0xc3: {  	_ =	shalt  }
tec
execute0_lowered:
.L_overlay_start_1:
0x0: {  	(tag) =	ssettag $0x1  }
0x1: {  	s0 =	srdreg.scid;
	s1 =	rddreg [dreg:$0x0]  }
0x2: {  	s11 =	stileid.u32;
	s2 =	rddreg [dreg:$0x1]  }
0x3: {  	s30 =	simm.s32 $0x2B80;
	s31 =	simm.s32 $0x2780;
	s10 =	smul.u32 $0x4E000, s11  }
0x4: {  	s0 =	sand.u32 $0x1, s0;
	s3 =	sshll.u32 s11, $0x1;
	s29 =	smul.u32 $0x13800, s11  }
0x5: {  	s12 =	sadd.s32 $0x4800, s1;
	s9 =	sadd.s32 $0x18400, s1;
	s15 =	smul.u32 $0x4E20, s11  }
0x6: {  	s18 =	sadd.s32 $0x138000, s2;
	p0 =	sne.s32 s11, $0xF;
	s26 =	smul.u32 $0x138800, s0  }
0x7: {  	s4 =	sor.u32 s0, s3;
	s8 =	ssub.s32 $0x2, s0;
	s0 =	smul.u32 $0x2710, s0  }
0x8: {  	s11 =	simm.s32 $0x0;
	s3 =	simm.s32 $0x0;
	s5 =	smul.u32 $0x2710, s4  }
0x9: {  	[smem:$0x7FF] =	sst s3;
	s4 =	sadd.s32 $0x1AC00, s1;
	s23 =	sshrl.u32 s8, $0x1  }
0xa: {  	s10 =	sshrl.u32 s10, $0x2;
	_ =	strace $0x8000004D;
	[dreg:$0x4] =	wrdreg s9  }
0xb: {  	s8 =	ssub.s32 s8, s23;
	s17 =	sadd.s32 s10, s2;
	[dreg:$0xc] =	wrdreg s18  }
0xc: {  	s19 =	sadd.s32 s29, s26;
	s0 =	sadd.s32 s0, s15;
	s20 =	sshrl.u32 s26, $0x3  }
0xd: {  	[dreg:$0x3] =	wrdreg s12;
	s9 =	simm.s32 $0x2880;
	s10 =	simm.s32 $0x2980  }
0xe: {  	s15 =	simm.s32 $0x4;
	s18 =	simm.s32 $0xF;
	s6 =	sshrl.u32 s5, $0x3  }
0xf: {  	s24 =	sadd.s32 $0x28, s5;
	s5 =	sadd.s32 $0x78, s5;
	[dreg:$0xb] =	wrdreg s17  }
0x10: {  	s22 =	smax.u32 s8, $0x1;
	s26 =	sadd.s32 $0xF0, s0;
	s8 =	simm.s32 $0xD  }
0x11: {  	s17 =	simm.s32 $0x5;
	s7 =	sadd.s32 s6, s1;
	s1 =	sadd.s32 $0x41E00, s1  }
0x12: {  	s25 =	sshrl.u32 s24, $0x3;
	s13 =	sadd.s32 s12, s6;
	s5 =	sshrl.u32 s5, $0x3  }
0x13: {  	[dreg:$0xf] =	wrdreg s22;
	s24 =	sadd.s32 $0x140, s0;
	s6 =	sshrl.u32 s26, $0x3  }
0x14: {  	s26 =	simm.s32 $0x2900;
	s7 =	sadd.s32 $0xE600, s7;
	[dreg:$0x6] =	wrdreg s13  }
0x15: {  	s22 =	simm.s32 $0x9;
	s28 =	sadd.s32 s12, s25;
	[dreg:$0x5] =	wrdreg s7  }
0x16: {  	s14 =	sadd.s32 $0xA, s13;
	s5 =	sadd.s32 s12, s5;
	[dreg:$0x7] =	wrdreg s28  }
0x17: {  	s16 =	sadd.s32 $0x14, s13;
	s25 =	sadd.s32 $0x118, s0;
	[dreg:$0x8] =	wrdreg s14  }
0x18: {  	s29 =	sadd.s32 s6, s12;
	s13 =	simm.s32 $0xC;
	[dreg:$0x9] =	wrdreg s5  }
0x19: {  	s6 =	simm.s32 $0xA;
	[dreg:$0xa] =	wrdreg s16;
	s5 =	sshrl.u32 s19, $0x3  }
0x1a: {  	s7 =	sadd.s32 $0x168, s0;
	[dreg:$0x13] =	wrdreg s29;
	s0 =	sadd.s32 $0xC8, s0  }
0x1b: {  	s14 =	simm.s32 $0x3;
	s16 =	simm.s32 $0xE;
	s19 =	simm.s32 $0x6  }
0x1c: {  	s5 =	sadd.s32 s1, s5;
	s1 =	sadd.s32 s1, s20;
	s21 =	sshrl.u32 s7, $0x3  }
0x1d: {  	[dreg:$0x14] =	wrdreg s0;
	s0 =	simm.s32 $0x3F80;
	s7 =	simm.s32 $0x5380  }
0x1e: {  	s20 =	simm.s32 $0x7;
	[dreg:$0xd] =	wrdreg s5;
	s1 =	sadd.s32 $0x27000, s1  }
.Ltmp0:
0x1f: {  	s23 =	sadd.s32 s21, s12;
	s5 =	sshrl.u32 s25, $0x3;
	(pc) =	sbr.rel .LBB2_1-.Ltmp0, $4  }
0x20: {  	s25 =	simm.s32 $0x6780;
	s21 =	simm.s32 $0x8;
	[dreg:$0xe] =	wrdreg s1  }
0x21: {  	[dreg:$0x10] =	wrdreg s23;
	s1 =	sshrl.u32 s24, $0x3;
	s28 =	sadd.s32 s5, s12  }
0x22: {  	s23 =	simm.s32 $0x10;
	s1 =	sadd.s32 s1, s12;
	[dreg:$0x12] =	wrdreg s28  }
0x23: {  	s24 =	simm.s32 $0x28;
	s5 =	simm.s32 $0x2800;
	[dreg:$0x11] =	wrdreg s1  }
.LBB2_4:
0x24: {  	_ =	swait.ge [sflag:s20], $0x1400  }
0x25: {  	[sflag:s20] =	ssyncset.done $0x0  }
0x26: {  	[sflag:s20] =	ssyncadd.s32 $0xFFFFEC00  }
0x27: {  	_ =	swait.ge [sflag:s21], $0x1400  }
0x28: {  	[sflag:s21] =	ssyncset.done $0x0  }
0x29: {  	[sflag:s21] =	ssyncadd.s32 $0xFFFFEC00  }
0x2a: {  	_ =	swait.ge [sflag:s22], $0x1400  }
0x2b: {  	[sflag:s22] =	ssyncset.done $0x0  }
0x2c: {  	[sflag:s22] =	ssyncadd.s32 $0xFFFFEC00  }
0x2d: {  	_ =	swait.ge [sflag:s6], $0x1400  }
0x2e: {  	[sflag:s6] =	ssyncset.done $0x0  }
0x2f: {  	[sflag:s6] =	ssyncadd.s32 $0xFFFFEC00  }
0x30: {  	[bflag:$0x0] =	sbarrier.arrive $0xFFFF  }
0x31: {  	s1 =	rddreg [dreg:$0xd]  }
0x32: {  	s5 =	rddreg [dreg:$0x16]  }
0x33: {  	s23 =	simm.s32 $0x10;
	s7 =	rddreg [dreg:$0x17]  }
0x34: {  	[hbm:s1], [sflag:s5] =	dma.local [spmem:s7], $0x2700  }
0x35: {  	_ =	swait.ge [sflag:s23], $0x2700  }
0x36: {  	[sflag:s23] =	ssyncset.done $0x0;
	s1 =	rddreg [dreg:$0xe]  }
0x37: {  	s7 =	rddreg [dreg:$0x18];
	[sflag:s23] =	ssyncadd.s32 $0xFFFFD900  }
0x38: {  	[hbm:s1], [sflag:s5] =	dma.local @!p0 [spmem:s7], $0x100  }
0x39: {  	s1 =	simm.s32 @!p0 $0x10  }
0x3a: {  	_ =	swait.ge @!p0 [sflag:s1], $0x100  }
0x3b: {  	s11 =	rddreg [dreg:$0x15]  }
0x3c: {  	s29 =	rddreg [dreg:$0xf];
	s11 =	sadd.s32 $0x1, s11  }
0x3d: {  	p1 =	sne.s32 s11, s29  }
.Ltmp1:
0x3e: {  	_ = 	snop;
	(pc) =	sbr.rel @!p1 .LBB2_5-.Ltmp1, $4  }
0x3f: {  	_ = 	snop  }
0x40: {  	s9 =	simm.s32 $0x2880;
	s25 =	simm.s32 $0x6780  }
0x41: {  	s26 =	simm.s32 $0x2900;
	s10 =	simm.s32 $0x2980;
	[sflag:s1] =	ssyncset.done @!p0 $0x0  }
0x42: {  	s5 =	simm.s32 $0x2800;
	s7 =	simm.s32 $0x5380;
	[sflag:s1] =	ssyncadd.s32 @!p0 $0xFFFFFF00  }
.LBB2_1:
0x43: {  	[dreg:$0x15] =	wrdreg s11  }
0x44: {  	s1 =	rddreg [dreg:$0x5]  }
0x45: {  	[tilespmem:s3], [sflag:$0x10] =	stream.linear.gather [hbm4b:s1+s3], $0x2710, $0x38;
	[tilespmem:$0x1C800] =	vst v63  }
0x46: {  	_ =	swait.ge [sflag:s23], $0x2710  }
0x47: {  	[sflag:s23] =	ssyncset.done $0x0  }
0x48: {  	[sflag:s23] =	ssyncadd.s32 $0xFFFFD8F0  }
0x49: {  	[tilespmem:s30], [sflag:$0x1] =	stream.indirect.gather [hbm4b:s4+s24], $0x80, s3, s24, $0xb8;
	[tilespmem:$0x1C800] =	vst v63  }
0x4a: {  	s11 =	rddreg [dreg:$0x6]  }
0x4b: {  	[tilespmem:s31], [sflag:$0xB] =	stream.linear.gather [hbm4b:s11+s3], $0x28, $0x38;
	[tilespmem:$0x1C800] =	vst v63  }
0x4c: {  	_ = 	snop  }
0x4d: {  	[tilespmem:s0], [sflag:$0x2] =	stream.indirect.gather [hbm4b:s4+s24], $0x80, s24, s24, $0xb8;
	[tilespmem:$0x1C800] =	vst v63  }
0x4e: {  	s12 =	rddreg [dreg:$0x7]  }
0x4f: {  	[tilespmem:s5], [sflag:$0xC] =	stream.linear.gather [hbm4b:s12+s3], $0x28, $0x38;
	[tilespmem:$0x1C800] =	vst v63  }
0x50: {  	s5 =	simm.s32 $0x50  }
0x51: {  	[tilespmem:s7], [sflag:$0x3] =	stream.indirect.gather [hbm4b:s4+s24], $0x80, s5, s24, $0xb8;
	[tilespmem:$0x1C800] =	vst v63  }
0x52: {  	s11 =	rddreg [dreg:$0x8]  }
0x53: {  	[tilespmem:s9], [sflag:$0xD] =	stream.linear.gather [hbm4b:s11+s3], $0x28, $0x38;
	[tilespmem:$0x1C800] =	vst v63  }
0x54: {  	s1 =	rddreg [dreg:$0x4];
	s12 =	simm.s32 $0x78  }
0x55: {  	[tilespmem:s25], [sflag:$0x4] =	stream.indirect.gather [hbm4b:s4+s24], $0x80, s12, s24, $0xb8;
	[tilespmem:$0x1C800] =	vst v63  }
0x56: {  	s5 =	simm.s32 $0xA0;
	s25 =	rddreg [dreg:$0x9]  }
0x57: {  	[tilespmem:s26], [sflag:$0xE] =	stream.linear.gather [hbm4b:s25+s3], $0x28, $0x38;
	[tilespmem:$0x1C800] =	vst v63  }
0x58: {  	s7 =	simm.s32 $0x7B80;
	s11 =	stileid.u32;
	s25 =	rddreg [dreg:$0xb]  }
0x59: {  	s9 =	rddreg [dreg:$0xa];
	s12 =	sshll.u32 s11, $0x6;
	s26 =	sshrl.u32 s25, $0x3  }
0x5a: {  	[tilespmem:s7], [sflag:$0x5] =	stream.indirect.gather [hbm4b:s4+s24], $0x80, s5, s24, $0xb8;
	[tilespmem:$0x1C800] =	vst v63  }
0x5b: {  	s7 =	sor.u32 $0x1C10, s12;
	[dreg:$0x17] =	wrdreg s26  }
0x5c: {  	[tilespmem:s10], [sflag:$0xF] =	stream.linear.gather [hbm4b:s9+s3], $0x28, $0x38;
	[tilespmem:$0x1C800] =	vst v63  }
0x5d: {  	[spmem:s26], [sflag:s7] =	dma.local [hbm:s1], $0x2700  }
0x5e: {  	_ =	swait.ge [sflag:s23], $0x2700  }
0x5f: {  	s5 =	rddreg [dreg:$0xc]  }
0x60: {  	[dreg:$0x16] =	wrdreg s7;
	[sflag:s23] =	ssyncset.done $0x0;
	s5 =	sshrl.u32 @!p0 s5, $0x3  }
0x61: {  	[sflag:s23] =	ssyncadd.s32 $0xFFFFD900;
	[dreg:$0x18] =	wrdreg s5  }
0x62: {  	[spmem:s5], [sflag:s7] =	dma.local @!p0 [hbm:s1], $0x100  }
0x63: {  	s5 =	simm.s32 @!p0 $0x10  }
0x64: {  	_ =	swait.ge @!p0 [sflag:s5], $0x100  }
0x65: {  	[sflag:s5] =	ssyncset.done @!p0 $0x0  }
0x66: {  	[sflag:s5] =	ssyncadd.s32 @!p0 $0xFFFFFF00  }
0x67: {  	[bflag:$0x0] =	sbarrier.arrive $0xFFFF  }
0x68: {  	s23 =	rddreg [dreg:$0x14]  }
0x69: {  	s5 =	rddreg [dreg:$0x13]  }
0x6a: {  	s25 =	rddreg [dreg:$0x12]  }
0x6b: {  	s28 =	simm.s32 $0x0;
	s9 =	simm.s32 $0x2900;
	s26 =	rddreg [dreg:$0x11]  }
0x6c: {  	s1 =	simm.s32 $0x7B80;
	s7 =	simm.s32 $0x6780;
	s29 =	rddreg [dreg:$0x10]  }
.LBB2_2:
0x6d: {  	s11 =	simm.s32 $0x1  }
0x6e: {  	_ =	swait.ge [sflag:s11], $0x1400  }
0x6f: {  	[sflag:s11] =	ssyncset.done $0x0  }
0x70: {  	s12 =	simm.s32 $0xB;
	[sflag:s11] =	ssyncadd.s32 $0xFFFFEC00  }
0x71: {  	_ =	swait.ge [sflag:s12], $0x28  }
0x72: {  	[sflag:s12] =	ssyncset.done $0x0  }
0x73: {  	[sflag:s12] =	ssyncadd.s32 $0xFFFFFFD8;
	s12 =	simm.s32 $0x2  }
0x74: {  	[spmem:s2] =	stream.indirect.scatter.add.f32 [tilespmem:s30], [sflag:$0x6], $0x80, s31, s24, $0xb8;
	[tilespmem:$0x1C800] =	vst v63  }
0x75: {  	_ =	swait.ge [sflag:s12], $0x1400  }
0x76: {  	[sflag:s12] =	ssyncset.done $0x0  }
0x77: {  	[sflag:s12] =	ssyncadd.s32 $0xFFFFEC00  }
0x78: {  	_ =	swait.ge [sflag:s13], $0x28  }
0x79: {  	[sflag:s13] =	ssyncset.done $0x0  }
0x7a: {  	s12 =	simm.s32 $0x2800;
	[sflag:s13] =	ssyncadd.s32 $0xFFFFFFD8  }
0x7b: {  	[spmem:s2] =	stream.indirect.scatter.add.f32 [tilespmem:s0], [sflag:$0x7], $0x80, s12, s24, $0xb8;
	[tilespmem:$0x1C800] =	vst v63  }
0x7c: {  	_ =	swait.ge [sflag:s14], $0x1400  }
0x7d: {  	[sflag:s14] =	ssyncset.done $0x0  }
0x7e: {  	[sflag:s14] =	ssyncadd.s32 $0xFFFFEC00  }
0x7f: {  	_ =	swait.ge [sflag:s8], $0x28  }
0x80: {  	[sflag:s8] =	ssyncset.done $0x0  }
0x81: {  	s11 =	simm.s32 $0x2880;
	s12 =	simm.s32 $0x5380;
	[sflag:s8] =	ssyncadd.s32 $0xFFFFFFD8  }
0x82: {  	[spmem:s2] =	stream.indirect.scatter.add.f32 [tilespmem:s12], [sflag:$0x8], $0x80, s11, s24, $0xb8;
	[tilespmem:$0x1C800] =	vst v63  }
0x83: {  	_ =	swait.ge [sflag:s15], $0x1400  }
0x84: {  	[sflag:s15] =	ssyncset.done $0x0  }
0x85: {  	[sflag:s15] =	ssyncadd.s32 $0xFFFFEC00  }
0x86: {  	_ =	swait.ge [sflag:s16], $0x28  }
0x87: {  	[sflag:s16] =	ssyncset.done $0x0  }
0x88: {  	[sflag:s16] =	ssyncadd.s32 $0xFFFFFFD8  }
0x89: {  	[spmem:s2] =	stream.indirect.scatter.add.f32 [tilespmem:s7], [sflag:$0x9], $0x80, s9, s24, $0xb8;
	[tilespmem:$0x1C800] =	vst v63  }
0x8a: {  	_ =	swait.ge [sflag:s17], $0x1400  }
0x8b: {  	[sflag:s17] =	ssyncset.done $0x0  }
0x8c: {  	[sflag:s17] =	ssyncadd.s32 $0xFFFFEC00  }
0x8d: {  	_ =	swait.ge [sflag:s18], $0x28  }
0x8e: {  	p1 =	seq.s32 s28, $0x9920;
	[sflag:s18] =	ssyncset.done $0x0  }
.Ltmp2:
0x8f: {  	[sflag:s18] =	ssyncadd.s32 $0xFFFFFFD8;
	(pc) =	sbr.rel @p1 .LBB2_4-.Ltmp2, $4  }
0x90: {  	[spmem:s2] =	stream.indirect.scatter.add.f32 [tilespmem:s1], [sflag:$0xA], $0x80, s10, s24, $0xb8;
	[tilespmem:$0x1C800] =	vst v63  }
0x91: {  	_ =	swait.ge [sflag:s19], $0x1400  }
0x92: {  	[sflag:s19] =	ssyncset.done $0x0  }
0x93: {  	s11 =	simm.s32 $0x2980;
	s10 =	simm.s32 $0x7B80;
	[sflag:s19] =	ssyncadd.s32 $0xFFFFEC00  }
0x94: {  	s31 =	sshra.s32 s28, $0x2  }
0x95: {  	s1 =	sadd.s32 $0xC8, s31  }
0x96: {  	[tilespmem:s30], [sflag:$0x1] =	stream.indirect.gather [hbm4b:s4+s24], $0x80, s1, s24, $0xb8;
	[tilespmem:$0x1C800] =	vst v63  }
0x97: {  	s12 =	sshrl.u32 s23, $0x3;
	s30 =	rddreg [dreg:$0x3]  }
0x98: {  	s0 =	simm.s32 $0x2780;
	s1 =	sadd.s32 s30, s12  }
0x99: {  	[tilespmem:s0], [sflag:$0xB] =	stream.linear.gather [hbm4b:s1+s3], $0x28, $0x38;
	[tilespmem:$0x1C800] =	vst v63  }
0x9a: {  	_ =	swait.ge [sflag:s20], $0x1400  }
0x9b: {  	[sflag:s20] =	ssyncset.done $0x0  }
0x9c: {  	s12 =	sadd.s32 $0xF0, s31;
	s0 =	simm.s32 $0x3F80;
	[sflag:s20] =	ssyncadd.s32 $0xFFFFEC00  }
0x9d: {  	[tilespmem:s0], [sflag:$0x2] =	stream.indirect.gather [hbm4b:s4+s24], $0x80, s12, s24, $0xb8;
	[tilespmem:$0x1C800] =	vst v63  }
0x9e: {  	s12 =	simm.s32 $0x2800  }
0x9f: {  	[tilespmem:s12], [sflag:$0xC] =	stream.linear.gather [hbm4b:s5+s3], $0x28, $0x38;
	[tilespmem:$0x1C800] =	vst v63  }
0xa0: {  	_ =	swait.ge [sflag:s21], $0x1400  }
0xa1: {  	[sflag:s21] =	ssyncset.done $0x0  }
0xa2: {  	s1 =	sadd.s32 $0x118, s31;
	s12 =	simm.s32 $0x5380;
	[sflag:s21] =	ssyncadd.s32 $0xFFFFEC00  }
0xa3: {  	[tilespmem:s12], [sflag:$0x3] =	stream.indirect.gather [hbm4b:s4+s24], $0x80, s1, s24, $0xb8;
	[tilespmem:$0x1C800] =	vst v63  }
0xa4: {  	s12 =	simm.s32 $0x2880  }
0xa5: {  	[tilespmem:s12], [sflag:$0xD] =	stream.linear.gather [hbm4b:s25+s3], $0x28, $0x38;
	[tilespmem:$0x1C800] =	vst v63  }
0xa6: {  	_ =	swait.ge [sflag:s22], $0x1400  }
0xa7: {  	[sflag:s22] =	ssyncset.done $0x0  }
0xa8: {  	s12 =	sadd.s32 $0x140, s31;
	[sflag:s22] =	ssyncadd.s32 $0xFFFFEC00  }
0xa9: {  	[tilespmem:s7], [sflag:$0x4] =	stream.indirect.gather [hbm4b:s4+s24], $0x80, s12, s24, $0xb8;
	[tilespmem:$0x1C800] =	vst v63  }
0xaa: {  	_ = 	snop  }
0xab: {  	[tilespmem:s9], [sflag:$0xE] =	stream.linear.gather [hbm4b:s26+s3], $0x28, $0x38;
	[tilespmem:$0x1C800] =	vst v63  }
0xac: {  	s28 =	sadd.s32 $0x320, s28;
	s23 =	sadd.s32 $0xC8, s23;
	_ =	swait.ge [sflag:s6], $0x1400  }
0xad: {  	s30 =	simm.s32 $0x2B80;
	s5 =	sadd.s32 $0x19, s5;
	[sflag:s6] =	ssyncset.done $0x0  }
.Ltmp3:
0xae: {  	s12 =	sadd.s32 $0x168, s31;
	[sflag:s6] =	ssyncadd.s32 $0xFFFFEC00;
	(pc) =	sbr.rel .LBB2_2-.Ltmp3, $4  }
0xaf: {  	[tilespmem:s10], [sflag:$0x5] =	stream.indirect.gather [hbm4b:s4+s24], $0x80, s12, s24, $0xb8;
	[tilespmem:$0x1C800] =	vst v63  }
0xb0: {  	s1 =	simm.s32 $0x7B80;
	s25 =	sadd.s32 $0x19, s25;
	s31 =	simm.s32 $0x2780  }
0xb1: {  	[tilespmem:s11], [sflag:$0xF] =	stream.linear.gather [hbm4b:s29+s3], $0x28, $0x38;
	[tilespmem:$0x1C800] =	vst v63  }
0xb2: {  	s26 =	sadd.s32 $0x19, s26;
	s10 =	simm.s32 $0x2980;
	s29 =	sadd.s32 $0x19, s29  }
.LBB2_5:
0xb3: {  	_ =	sfence.sel $0x180000  }
0xb4: {  	[bflag:$0x0] =	sbarrier.arrive $0xFFFF  }
0xb5: {  	_ =	strace $0x9000004D  }
0xb6: {  	s0 =	stileid.u32;
	[bflag:$0x2] =	sbarrier.arrive $0xFFFF  }
0xb7: {  	p0 =	sne.s32 s0, $0x0;
	s0 =	rddreg [dreg:$0x2]  }
0xb8: {  	s0 =	sadd.s32 @!p0 $0x100000, s0  }
0xb9: {  	[sflag:s0] =	ssyncadd.tile.s32 @!p0 $0x1;
	_ =	shalt  }
.Lfunc_end2:
_tile_overlayer_lowered:
.L_overlay_start_2:
0xba: {  	(tag) =	ssettag $0x2  }
0xbb: {  	s0 =	rddreg [dreg:$0x0];
	s2 =	stileid.u32  }
0xbc: {  	s1 =	rddreg [dreg:$0x1];
	p0 =	sne.s32 s2, $0x0  }
0xbd: {  	s3 =	rddreg [dreg:$0x2];
	[bflag:$0x3] =	sbarrier.arrive $0xFFFF;
	s2 =	simm.s32 @!p0 $0x1C10  }
0xbe: {  	[timem:s3], [sflag:s2] =	dma.local @!p0 [hbm:s0], s1  }
0xbf: {  	s0 =	simm.s32 @!p0 $0x10  }
0xc0: {  	_ =	swait.ge @!p0 [sflag:s0], s1  }
0xc1: {  	s1 =	ssub.s32 @!p0 $0x0, s1;
	[sflag:s0] =	ssyncset.done @!p0 $0x0  }
0xc2: {  	[sflag:s0] =	ssyncadd.s32 @!p0 s1  }
0xc3: {  	[bflag:$0x3] =	sbarrier.arrive $0xFFFF  }
0xc4: {  	_ =	shalt  }

// kernel: kernel.8.cloned.1.call-start
scs
__scs_entry_jumppad:
0x0: {  	(pc) =	sbr.rel $0x88, $3  }
0x1: {  	(tag) =	ssettag $0x0;
	lr =	simm.s32 $0x1  }
0x2: {  	[smem:$0x3F8A] =	sst lr;
	_ =	strace $0xD0000000  }
0x3: {  	_ = 	snop  }
0x4: {  	_ = 	snop  }
0x5: {  	_ = 	snop  }
0x6: {  	_ = 	snop  }
0x7: {  	_ = 	snop  }
__scs_overlays_trampoline_lowered:
0x8: {  	[smem:$0x3F99] =	sst s0  }
0x9: {  	[smem:$0x3F9A] =	sst s1  }
0xa: {  	[smem:$0x3F9B] =	sst s2  }
0xb: {  	[smem:$0x3F9C] =	sst s3  }
0xc: {  	[smem:$0x3F9D] =	sst s4  }
0xd: {  	[smem:$0x3F9E] =	sst s5  }
0xe: {  	[smem:$0x3F9F] =	sst s6  }
0xf: {  	[smem:$0x3FA0] =	sst s7  }
0x10: {  	[smem:$0x3FA1] =	sst s8  }
0x11: {  	[smem:$0x3FA2] =	sst s9;
	s0 =	simm.s32 @!p0 $0x0  }
0x12: {  	s1 =	sld [smem:$0x3F88];
	s0 =	simm.s32 @p0 $0x1  }
0x13: {  	[smem:$0x3FA3] =	sst s0;
	s0 =	simm.s32 @!p1 $0x0  }
0x14: {  	s2 =	sld [smem:$0x3F87];
	s0 =	simm.s32 @p1 $0x1  }
0x15: {  	[smem:$0x3FA4] =	sst s0;
	s0 =	simm.s32 @!p2 $0x0  }
0x16: {  	s3 =	sld [smem:$0x3FDB];
	s0 =	simm.s32 @p2 $0x1  }
0x17: {  	s4 =	simm.s32 $0x1BF5;
	[smem:$0x3FA6] =	sst s0  }
0x18: {  	s0 =	sld [smem:$0x3F89];
	_ =	swait.ge [sflag:s4], $0x0  }
0x19: {  	s7 =	sld [smem:$0x3F8A]  }
0x1a: {  	s8 =	sadd.s32 $0xFFFFE003, lr  }
0x1b: {  	s9 =	sadd.s32 $0xFFFFFEF7, lr;
	s5 =	simm.s32 $0xFFFFFFFF;
	p2 =	slt.u32 s8, $0xFFFFF086  }
0x1c: {  	p1 =	slt.u32 s9, $0xF7A;
	s5 =	simm.s32 @!p2 $0x0  }
0x1d: {  	s5 =	simm.s32 @p1 $0x1;
	p0 =	seq.s32 s7, s2  }
0x1e: {  	s7 =	smul.u32 @!p0 $0xF7A, s2;
	p2 =	seq.s32 @!p0 s5, $0x0  }
0x1f: {  	s9 =	smul.u32 $0xF7A, s1;
	s8 =	simm.s32 @!p0 $0x1BF5;
	p2 =	por !p2, p0  }
0x20: {  	[sflag:s8] =	ssyncset.s32 @!p0 $0xFFFFF086;
	s6 =	sadd.s32 @!p0 s3, s7;
	s7 =	simm.s32 @!p0 $0x108  }
0x21: {  	s3 =	sadd.s32 s3, s9;
	s6 =	sadd.s32 @!p0 $0x88, s6;
	s7 =	simm.s32 @p2 $0x1082  }
0x22: {  	[simem:s7], [sflag:s8] =	dma.local @!p0 [hbm:s6], $0xF7A  }
0x23: {  	s9 =	sor.u32 $0xD0000000, s2;
	s6 =	simm.s32 $0x108;
	_ =	swait.ge @!p0 [sflag:s8], $0x0  }
0x24: {  	s3 =	sadd.s32 $0x88, s3;
	s6 =	simm.s32 @!p1 $0x1082;
	[sflag:s4] =	ssyncset.s32 $0xFFFFF086  }
0x25: {  	[simem:s6], [sflag:s4] =	dma.local [hbm:s3], $0xF7A  }
0x26: {  	[smem:$0x3F8A] =	sst s1;
	(tag) =	ssettag s2;
	_ =	strace s9  }
0x27: {  	s1 =	sld [smem:$0x3F9A]  }
0x28: {  	s2 =	sld [smem:$0x3F9B]  }
0x29: {  	s4 =	sld [smem:$0x3F9D]  }
0x2a: {  	p0 =	seq.s32 s5, $0x0;
	s5 =	sld [smem:$0x3F9E]  }
0x2b: {  	s6 =	sld [smem:$0x3F9F]  }
0x2c: {  	s7 =	sld [smem:$0x3FA0]  }
0x2d: {  	s3 =	simm.s32 $0x108;
	s8 =	sld [smem:$0x3FA1]  }
0x2e: {  	s3 =	simm.s32 @!p0 $0x1082;
	s9 =	sld [smem:$0x3FA2]  }
0x2f: {  	lr =	sadd.s32 s0, s3;
	s0 =	sld [smem:$0x3F99]  }
0x30: {  	s3 =	sld [smem:$0x3F9C]  }
0x31: {  	[smem:$0x3FA5] =	sst s10  }
0x32: {  	s10 =	sld [smem:$0x3FA3];
	_ =	sdelay $0x3  }
0x33: {  	p0 =	seq.s32 s10, $0x1;
	s10 =	sld [smem:$0x3FA5];
	_ =	sdelay $0x3  }
0x34: {  	[smem:$0x3FA5] =	sst s10  }
0x35: {  	s10 =	sld [smem:$0x3FA4];
	_ =	sdelay $0x3  }
0x36: {  	p1 =	seq.s32 s10, $0x1;
	s10 =	sld [smem:$0x3FA5];
	_ =	sdelay $0x3  }
0x37: {  	[smem:$0x3FA5] =	sst s10  }
0x38: {  	s10 =	sld [smem:$0x3FA6]  }
0x39: {  	_ = 	snop;
	(pc) =	sbr.ind lr, $3  }
0x3a: {  	_ = 	snop  }
0x3b: {  	_ = 	snop  }
0x3c: {  	p2 =	seq.s32 s10, $0x1;
	s10 =	sld [smem:$0x3FA5]  }
0x3d: {  	_ =	shalt  }
0x3e: {  	_ =	shalt  }
0x3f: {  	_ =	shalt  }
0x40: {  	_ =	shalt  }
0x41: {  	_ =	shalt  }
0x42: {  	_ =	shalt  }
0x43: {  	_ =	shalt  }
0x44: {  	_ =	shalt  }
0x45: {  	_ =	shalt  }
0x46: {  	_ =	shalt  }
0x47: {  	_ =	shalt  }
0x48: {  	_ =	shalt  }
0x49: {  	_ =	shalt  }
0x4a: {  	_ =	shalt  }
0x4b: {  	_ =	shalt  }
0x4c: {  	_ =	shalt  }
0x4d: {  	_ =	shalt  }
0x4e: {  	_ =	shalt  }
0x4f: {  	_ =	shalt  }
0x50: {  	_ =	shalt  }
0x51: {  	_ =	shalt  }
0x52: {  	_ =	shalt  }
0x53: {  	_ =	shalt  }
0x54: {  	_ =	shalt  }
0x55: {  	_ =	shalt  }
0x56: {  	_ =	shalt  }
0x57: {  	_ =	shalt  }
0x58: {  	_ =	shalt  }
0x59: {  	_ =	shalt  }
0x5a: {  	_ =	shalt  }
0x5b: {  	_ =	shalt  }
0x5c: {  	_ =	shalt  }
0x5d: {  	_ =	shalt  }
0x5e: {  	_ =	shalt  }
0x5f: {  	_ =	shalt  }
0x60: {  	_ =	shalt  }
0x61: {  	_ =	shalt  }
0x62: {  	_ =	shalt  }
0x63: {  	_ =	shalt  }
0x64: {  	_ =	shalt  }
0x65: {  	_ =	shalt  }
0x66: {  	_ =	shalt  }
0x67: {  	_ =	shalt  }
0x68: {  	_ =	shalt  }
0x69: {  	_ =	shalt  }
0x6a: {  	_ =	shalt  }
0x6b: {  	_ =	shalt  }
0x6c: {  	_ =	shalt  }
0x6d: {  	_ =	shalt  }
0x6e: {  	_ =	shalt  }
0x6f: {  	_ =	shalt  }
0x70: {  	_ =	shalt  }
0x71: {  	_ =	shalt  }
0x72: {  	_ =	shalt  }
0x73: {  	_ =	shalt  }
0x74: {  	_ =	shalt  }
0x75: {  	_ =	shalt  }
0x76: {  	_ =	shalt  }
0x77: {  	_ =	shalt  }
0x78: {  	_ =	shalt  }
0x79: {  	_ =	shalt  }
0x7a: {  	_ =	shalt  }
0x7b: {  	_ =	shalt  }
0x7c: {  	_ =	shalt  }
0x7d: {  	_ =	shalt  }
0x7e: {  	_ =	shalt  }
0x7f: {  	_ =	shalt  }
0x80: {  	_ =	shalt  }
0x81: {  	_ =	shalt  }
0x82: {  	_ =	shalt  }
0x83: {  	_ =	shalt  }
0x84: {  	_ =	shalt  }
0x85: {  	_ =	shalt  }
0x86: {  	_ =	shalt  }
0x87: {  	_ =	shalt  }
.Lfunc_end0:
.L_simem_size_0:
called_computation_lowered:
.L_overlay_start_0:
0x88: {  	s2 =	sld [smem:$0x3FD9]  }
0x89: {  	s3 =	sld [smem:$0x3FFE];
	_ =	sdelay $0x1  }
0x8a: {  	s1 =	srdreg.scid  }
0x8b: {  	s0 =	sand.u32 $0x1, s1  }
0x8c: {  	s17 =	sshll.u32 s0, $0xA;
	s2 =	sadd.s32 s3, s2  }
0x8d: {  	s2 =	sadd.s32 s2, s17  }
0x8e: {  	[smem:$0x3FB1] =	sst s2  }
0x8f: {  	_ = 	snop  }
0x90: {  	s2 =	sld [smem:$0x3FC9];
	(tm) =	ssettm $0x1  }
0x91: {  	s18 =	sld [smem:$0x3FFB];
	_ =	sdelay $0x3  }
0x92: {  	_ =	strace s18  }
0x93: {  	s3 =	sld [smem:$0x3FFC];
	_ =	sdelay $0x3  }
0x94: {  	_ =	strace s3  }
0x95: {  	s3 =	sld [smem:$0x3FFD];
	_ =	sdelay $0x3  }
0x96: {  	_ =	strace s3  }
0x97: {  	_ =	strace $0x8FFFFFFF  }
0x98: {  	s19 =	sld [smem:$0x3FDB];
	_ =	sdelay $0x1  }
0x99: {  	s4 =	simm.s32 $_scs_section_size  }
0x9a: {  	s5 =	simm.s32 $_size__tile_overlayer_lowered;
	s6 =	simm.s32 $_tile_overlayer_lowered  }
0x9b: {  	s22 =	simm.s32 $0x1BFF;
	s21 =	sshll.u32 s6, $0x1;
	s3 =	sadd.s32 s4, s19  }
0x9c: {  	s7 =	simm.s32 $0x0;
	s20 =	sshll.u32 s5, $0x1;
	s5 =	sadd.s32 s21, s3  }
0x9d: {  	[timem:s7], [sflag:s22] =	dma.local [hbm:s5], s20  }
0x9e: {  	_ =	swait.ge [sflag:s22], s20  }
0x9f: {  	s4 =	ssub.s32 $0x0, s20;
	[sflag:s22] =	ssyncset.done $0x0  }
0xa0: {  	[sflag:s22] =	ssyncadd.s32 s4;
	_ =	sdelay $0x1  }
0xa1: {  	s23 =	simm.s32 $0x1B8B  }
0xa2: {  	_ =	swait.ge [sflag:s23], $0x1  }
0xa3: {  	[sflag:s23] =	ssyncset.done $0x0  }
0xa4: {  	s25 =	simm.s32 $0x1B8E;
	s24 =	sld [smem:$0x3FFE];
	[sflag:s23] =	ssyncadd.s32 $0xFFFFFFFF  }
0xa5: {  	s26 =	simm.s32 $execute0_lowered;
	[smem:$0x3FD2] =	sst s25  }
0xa6: {  	s5 =	sshll.u32 s26, $0x1;
	_ =	strace $0x80000046;
	[dreg:$0x1] =	wrdreg $0xFFFFFFFF  }
0xa7: {  	s28 =	simm.s32 $_size_execute0_lowered;
	s3 =	sadd.s32 s3, s5;
	[dreg:$0x0] =	wrdreg $0x0  }
0xa8: {  	s5 =	sshll.u32 s28, $0x1;
	[dreg:$0x2] =	wrdreg s3  }
0xa9: {  	[dreg:$0x3] =	wrdreg s5  }
0xaa: {  	[dreg:$0x4] =	wrdreg $0xC0  }
0xab: {  	_ =	task [dreg:s7], $0x5FFFF  }
0xac: {  	[dreg:$0x1] =	wrdreg $0xFFFFFFFF  }
0xad: {  	[dreg:$0x0] =	wrdreg $0x60  }
0xae: {  	[dreg:$0x2] =	wrdreg s2  }
0xaf: {  	[dreg:$0x3] =	wrdreg s24  }
0xb0: {  	[dreg:$0x4] =	wrdreg $0x8F800  }
0xb1: {  	[dreg:$0x5] =	wrdreg $0x9  }
0xb2: {  	_ =	task.clear_ibuf [dreg:s7], $0x6FFFF;
	_ =	strace $0x90000046  }
0xb3: {  	s29 =	simm.s32 $0x9;
	_ =	strace $0x80000048  }
0xb4: {  	_ =	swait.ge [sflag:s29], $0x1  }
0xb5: {  	[sflag:s29] =	ssyncadd.s32 $0xFFFFFFFF  }
0xb6: {  	_ =	strace $0x90000048  }
0xb7: {  	_ =	sfence  }
0xb8: {  	s30 =	sld [smem:$0x0];
	_ =	sdelay $0x2  }
0xb9: {  	s31 =	sshll.u32 s1, $0xD;
	s1 =	sshrl.u32 s1, $0x2  }
0xba: {  	s3 =	sand.u32 $0x4000, s31;
	s1 =	sadd.s32 s1, s30  }
0xbb: {  	s0 =	sor.u32 s3, s0;
	s1 =	sshll.u32 s1, $0x11  }
0xbc: {  	s0 =	sor.u32 s1, s0  }
0xbd: {  	s0 =	sadd.s32 $0x8F2B, s0  }
0xbe: {  	[sflag:s0] =	ssyncadd.remote.s32 $0x1  }
0xbf: {  	_ =	sfence.sel $0xFFFF  }
0xc0: {  	[dreg:$0x0] =	wrdreg $0xFFFFFFFF;
	(pc) =	sbr.abs _section_cstart, $3  }
0xc1: {  	[dreg:$0x1] =	wrdreg $0xFFFFFFFF  }
0xc2: {  	_ =	task.clear_ibuf [dreg:s7], $0x2FFFF;
	_ =	strace $0x9FFFFFFF  }
0xc3: {  	(tm) =	ssettm $0x7FFFFFFF  }
tec
execute0_lowered:
.L_overlay_start_1:
0x0: {  	(tag) =	ssettag $0x1  }
0x1: {  	s1 =	rddreg [dreg:$0x0];
	s0 =	srdreg.scid  }
0x2: {  	s11 =	stileid.u32;
	s2 =	rddreg [dreg:$0x1]  }
0x3: {  	s3 =	rddreg [dreg:$0x2];
	s30 =	simm.s32 $0x2B80;
	s31 =	simm.s32 $0x2780  }
0x4: {  	s0 =	sand.u32 $0x1, s0;
	s4 =	sshll.u32 s11, $0x1;
	s10 =	smul.u32 $0x4E000, s11  }
0x5: {  	s12 =	sadd.s32 $0x4800, s2;
	s9 =	sadd.s32 $0x18400, s2;
	s29 =	smul.u32 $0x13800, s11  }
0x6: {  	s15 =	smul.u32 $0x4E20, s11;
	s18 =	sadd.s32 $0x138000, s3;
	p0 =	sne.s32 s11, $0xF  }
0x7: {  	s11 =	simm.s32 $0x0;
	s5 =	sor.u32 s0, s4;
	s26 =	smul.u32 $0x138800, s0  }
0x8: {  	s4 =	simm.s32 $0x0;
	s8 =	ssub.s32 $0x2, s0;
	s0 =	smul.u32 $0x2710, s0  }
0x9: {  	s5 =	smul.u32 $0x2710, s5;
	[smem:$0x7FF] =	sst s4;
	s23 =	sshrl.u32 s8, $0x1  }
0xa: {  	s10 =	sshrl.u32 s10, $0x2;
	_ =	strace $0x80000047;
	[dreg:$0x5] =	wrdreg s9  }
0xb: {  	s8 =	ssub.s32 s8, s23;
	s17 =	sadd.s32 s10, s3;
	[dreg:$0xd] =	wrdreg s18  }
0xc: {  	s19 =	sadd.s32 s29, s26;
	s0 =	sadd.s32 s0, s15;
	s20 =	sshrl.u32 s26, $0x3  }
0xd: {  	[dreg:$0x4] =	wrdreg s12;
	s9 =	simm.s32 $0x2880;
	s10 =	simm.s32 $0x2980  }
0xe: {  	s15 =	simm.s32 $0x4;
	s18 =	simm.s32 $0xF;
	s6 =	sshrl.u32 s5, $0x3  }
0xf: {  	s24 =	sadd.s32 $0x28, s5;
	s5 =	sadd.s32 $0x78, s5;
	[dreg:$0xc] =	wrdreg s17  }
0x10: {  	s22 =	smax.u32 s8, $0x1;
	s26 =	sadd.s32 $0xF0, s0;
	s8 =	simm.s32 $0xD  }
0x11: {  	s17 =	simm.s32 $0x5;
	s7 =	sadd.s32 s6, s2;
	s2 =	sadd.s32 $0x1AC00, s2  }
0x12: {  	s25 =	sshrl.u32 s24, $0x3;
	s13 =	sadd.s32 s12, s6;
	s5 =	sshrl.u32 s5, $0x3  }
0x13: {  	[dreg:$0x10] =	wrdreg s22;
	s24 =	sadd.s32 $0x140, s0;
	s6 =	sshrl.u32 s26, $0x3  }
0x14: {  	s26 =	simm.s32 $0x2900;
	s7 =	sadd.s32 $0xE600, s7;
	[dreg:$0x7] =	wrdreg s13  }
0x15: {  	s22 =	simm.s32 $0x9;
	s28 =	sadd.s32 s12, s25;
	[dreg:$0x6] =	wrdreg s7  }
0x16: {  	s14 =	sadd.s32 $0xA, s13;
	s5 =	sadd.s32 s12, s5;
	[dreg:$0x8] =	wrdreg s28  }
0x17: {  	s16 =	sadd.s32 $0x14, s13;
	s25 =	sadd.s32 $0x118, s0;
	[dreg:$0x9] =	wrdreg s14  }
0x18: {  	s29 =	sadd.s32 s6, s12;
	s13 =	simm.s32 $0xC;
	[dreg:$0xa] =	wrdreg s5  }
0x19: {  	s6 =	simm.s32 $0xA;
	[dreg:$0xb] =	wrdreg s16;
	s5 =	sshrl.u32 s19, $0x3  }
0x1a: {  	s7 =	sadd.s32 $0x168, s0;
	[dreg:$0x14] =	wrdreg s29;
	s0 =	sadd.s32 $0xC8, s0  }
0x1b: {  	s14 =	simm.s32 $0x3;
	s16 =	simm.s32 $0xE;
	s19 =	simm.s32 $0x6  }
0x1c: {  	s5 =	sadd.s32 s2, s5;
	s2 =	sadd.s32 s2, s20;
	s21 =	sshrl.u32 s7, $0x3  }
0x1d: {  	[dreg:$0x15] =	wrdreg s0;
	s0 =	simm.s32 $0x3F80;
	s7 =	simm.s32 $0x5380  }
0x1e: {  	s20 =	simm.s32 $0x7;
	[dreg:$0xe] =	wrdreg s5;
	s2 =	sadd.s32 $0x27000, s2  }
.Ltmp0:
0x1f: {  	s23 =	sadd.s32 s21, s12;
	s5 =	sshrl.u32 s25, $0x3;
	(pc) =	sbr.rel .LBB2_1-.Ltmp0, $4  }
0x20: {  	s25 =	simm.s32 $0x6780;
	s21 =	simm.s32 $0x8;
	[dreg:$0xf] =	wrdreg s2  }
0x21: {  	[dreg:$0x11] =	wrdreg s23;
	s2 =	sshrl.u32 s24, $0x3;
	s28 =	sadd.s32 s5, s12  }
0x22: {  	s23 =	simm.s32 $0x10;
	s2 =	sadd.s32 s2, s12;
	[dreg:$0x13] =	wrdreg s28  }
0x23: {  	s24 =	simm.s32 $0x28;
	s5 =	simm.s32 $0x2800;
	[dreg:$0x12] =	wrdreg s2  }
.LBB2_4:
0x24: {  	_ =	swait.ge [sflag:s20], $0x1400  }
0x25: {  	[sflag:s20] =	ssyncset.done $0x0  }
0x26: {  	[sflag:s20] =	ssyncadd.s32 $0xFFFFEC00  }
0x27: {  	_ =	swait.ge [sflag:s21], $0x1400  }
0x28: {  	[sflag:s21] =	ssyncset.done $0x0  }
0x29: {  	[sflag:s21] =	ssyncadd.s32 $0xFFFFEC00  }
0x2a: {  	_ =	swait.ge [sflag:s22], $0x1400  }
0x2b: {  	[sflag:s22] =	ssyncset.done $0x0  }
0x2c: {  	[sflag:s22] =	ssyncadd.s32 $0xFFFFEC00  }
0x2d: {  	_ =	swait.ge [sflag:s6], $0x1400  }
0x2e: {  	[sflag:s6] =	ssyncset.done $0x0  }
0x2f: {  	[sflag:s6] =	ssyncadd.s32 $0xFFFFEC00  }
0x30: {  	[bflag:$0x0] =	sbarrier.arrive $0xFFFF  }
0x31: {  	s2 =	rddreg [dreg:$0xe]  }
0x32: {  	s5 =	rddreg [dreg:$0x17]  }
0x33: {  	s23 =	simm.s32 $0x10;
	s7 =	rddreg [dreg:$0x18]  }
0x34: {  	[hbm:s2], [sflag:s5] =	dma.local [spmem:s7], $0x2700  }
0x35: {  	_ =	swait.ge [sflag:s23], $0x2700  }
0x36: {  	[sflag:s23] =	ssyncset.done $0x0;
	s2 =	rddreg [dreg:$0xf]  }
0x37: {  	s7 =	rddreg [dreg:$0x19];
	[sflag:s23] =	ssyncadd.s32 $0xFFFFD900  }
0x38: {  	[hbm:s2], [sflag:s5] =	dma.local @!p0 [spmem:s7], $0x100  }
0x39: {  	s2 =	simm.s32 @!p0 $0x10  }
0x3a: {  	_ =	swait.ge @!p0 [sflag:s2], $0x100  }
0x3b: {  	s11 =	rddreg [dreg:$0x16]  }
0x3c: {  	s29 =	rddreg [dreg:$0x10];
	s11 =	sadd.s32 $0x1, s11  }
0x3d: {  	p1 =	sne.s32 s11, s29  }
.Ltmp1:
0x3e: {  	_ = 	snop;
	(pc) =	sbr.rel @!p1 .LBB2_5-.Ltmp1, $4  }
0x3f: {  	_ = 	snop  }
0x40: {  	s9 =	simm.s32 $0x2880;
	s25 =	simm.s32 $0x6780  }
0x41: {  	s26 =	simm.s32 $0x2900;
	s10 =	simm.s32 $0x2980;
	[sflag:s2] =	ssyncset.done @!p0 $0x0  }
0x42: {  	s5 =	simm.s32 $0x2800;
	s7 =	simm.s32 $0x5380;
	[sflag:s2] =	ssyncadd.s32 @!p0 $0xFFFFFF00  }
.LBB2_1:
0x43: {  	[dreg:$0x16] =	wrdreg s11  }
0x44: {  	s2 =	rddreg [dreg:$0x6]  }
0x45: {  	[tilespmem:s4], [sflag:$0x10] =	stream.linear.gather [hbm4b:s2+s4], $0x2710, $0x38;
	[tilespmem:$0x1C800] =	vst v63  }
0x46: {  	_ =	swait.ge [sflag:s23], $0x2710  }
0x47: {  	[sflag:s23] =	ssyncset.done $0x0  }
0x48: {  	[sflag:s23] =	ssyncadd.s32 $0xFFFFD8F0  }
0x49: {  	[tilespmem:s30], [sflag:$0x1] =	stream.indirect.gather [hbm4b:s1+s24], $0x80, s4, s24, $0xb8;
	[tilespmem:$0x1C800] =	vst v63  }
0x4a: {  	s11 =	rddreg [dreg:$0x7]  }
0x4b: {  	[tilespmem:s31], [sflag:$0xB] =	stream.linear.gather [hbm4b:s11+s4], $0x28, $0x38;
	[tilespmem:$0x1C800] =	vst v63  }
0x4c: {  	_ = 	snop  }
0x4d: {  	[tilespmem:s0], [sflag:$0x2] =	stream.indirect.gather [hbm4b:s1+s24], $0x80, s24, s24, $0xb8;
	[tilespmem:$0x1C800] =	vst v63  }
0x4e: {  	s12 =	rddreg [dreg:$0x8]  }
0x4f: {  	[tilespmem:s5], [sflag:$0xC] =	stream.linear.gather [hbm4b:s12+s4], $0x28, $0x38;
	[tilespmem:$0x1C800] =	vst v63  }
0x50: {  	s5 =	simm.s32 $0x50  }
0x51: {  	[tilespmem:s7], [sflag:$0x3] =	stream.indirect.gather [hbm4b:s1+s24], $0x80, s5, s24, $0xb8;
	[tilespmem:$0x1C800] =	vst v63  }
0x52: {  	s11 =	rddreg [dreg:$0x9]  }
0x53: {  	[tilespmem:s9], [sflag:$0xD] =	stream.linear.gather [hbm4b:s11+s4], $0x28, $0x38;
	[tilespmem:$0x1C800] =	vst v63  }
0x54: {  	s2 =	rddreg [dreg:$0x5];
	s12 =	simm.s32 $0x78  }
0x55: {  	[tilespmem:s25], [sflag:$0x4] =	stream.indirect.gather [hbm4b:s1+s24], $0x80, s12, s24, $0xb8;
	[tilespmem:$0x1C800] =	vst v63  }
0x56: {  	s5 =	simm.s32 $0xA0;
	s25 =	rddreg [dreg:$0xa]  }
0x57: {  	[tilespmem:s26], [sflag:$0xE] =	stream.linear.gather [hbm4b:s25+s4], $0x28, $0x38;
	[tilespmem:$0x1C800] =	vst v63  }
0x58: {  	s7 =	simm.s32 $0x7B80;
	s11 =	stileid.u32;
	s25 =	rddreg [dreg:$0xc]  }
0x59: {  	s9 =	rddreg [dreg:$0xb];
	s12 =	sshll.u32 s11, $0x6;
	s26 =	sshrl.u32 s25, $0x3  }
0x5a: {  	[tilespmem:s7], [sflag:$0x5] =	stream.indirect.gather [hbm4b:s1+s24], $0x80, s5, s24, $0xb8;
	[tilespmem:$0x1C800] =	vst v63  }
0x5b: {  	s7 =	sor.u32 $0x1C10, s12;
	[dreg:$0x18] =	wrdreg s26  }
0x5c: {  	[tilespmem:s10], [sflag:$0xF] =	stream.linear.gather [hbm4b:s9+s4], $0x28, $0x38;
	[tilespmem:$0x1C800] =	vst v63  }
0x5d: {  	[spmem:s26], [sflag:s7] =	dma.local [hbm:s2], $0x2700  }
0x5e: {  	_ =	swait.ge [sflag:s23], $0x2700  }
0x5f: {  	s5 =	rddreg [dreg:$0xd]  }
0x60: {  	[dreg:$0x17] =	wrdreg s7;
	[sflag:s23] =	ssyncset.done $0x0;
	s5 =	sshrl.u32 @!p0 s5, $0x3  }
0x61: {  	[sflag:s23] =	ssyncadd.s32 $0xFFFFD900;
	[dreg:$0x19] =	wrdreg s5  }
0x62: {  	[spmem:s5], [sflag:s7] =	dma.local @!p0 [hbm:s2], $0x100  }
0x63: {  	s5 =	simm.s32 @!p0 $0x10  }
0x64: {  	_ =	swait.ge @!p0 [sflag:s5], $0x100  }
0x65: {  	[sflag:s5] =	ssyncset.done @!p0 $0x0  }
0x66: {  	[sflag:s5] =	ssyncadd.s32 @!p0 $0xFFFFFF00  }
0x67: {  	[bflag:$0x0] =	sbarrier.arrive $0xFFFF  }
0x68: {  	s23 =	rddreg [dreg:$0x15]  }
0x69: {  	s5 =	rddreg [dreg:$0x14]  }
0x6a: {  	s25 =	rddreg [dreg:$0x13]  }
0x6b: {  	s28 =	simm.s32 $0x0;
	s9 =	simm.s32 $0x2900;
	s26 =	rddreg [dreg:$0x12]  }
0x6c: {  	s2 =	simm.s32 $0x7B80;
	s7 =	simm.s32 $0x6780;
	s29 =	rddreg [dreg:$0x11]  }
.LBB2_2:
0x6d: {  	s11 =	simm.s32 $0x1  }
0x6e: {  	_ =	swait.ge [sflag:s11], $0x1400  }
0x6f: {  	[sflag:s11] =	ssyncset.done $0x0  }
0x70: {  	s12 =	simm.s32 $0xB;
	[sflag:s11] =	ssyncadd.s32 $0xFFFFEC00  }
0x71: {  	_ =	swait.ge [sflag:s12], $0x28  }
0x72: {  	[sflag:s12] =	ssyncset.done $0x0  }
0x73: {  	[sflag:s12] =	ssyncadd.s32 $0xFFFFFFD8;
	s12 =	simm.s32 $0x2  }
0x74: {  	[spmem:s3] =	stream.indirect.scatter.add.f32 [tilespmem:s30], [sflag:$0x6], $0x80, s31, s24, $0xb8;
	[tilespmem:$0x1C800] =	vst v63  }
0x75: {  	_ =	swait.ge [sflag:s12], $0x1400  }
0x76: {  	[sflag:s12] =	ssyncset.done $0x0  }
0x77: {  	[sflag:s12] =	ssyncadd.s32 $0xFFFFEC00  }
0x78: {  	_ =	swait.ge [sflag:s13], $0x28  }
0x79: {  	[sflag:s13] =	ssyncset.done $0x0  }
0x7a: {  	s12 =	simm.s32 $0x2800;
	[sflag:s13] =	ssyncadd.s32 $0xFFFFFFD8  }
0x7b: {  	[spmem:s3] =	stream.indirect.scatter.add.f32 [tilespmem:s0], [sflag:$0x7], $0x80, s12, s24, $0xb8;
	[tilespmem:$0x1C800] =	vst v63  }
0x7c: {  	_ =	swait.ge [sflag:s14], $0x1400  }
0x7d: {  	[sflag:s14] =	ssyncset.done $0x0  }
0x7e: {  	[sflag:s14] =	ssyncadd.s32 $0xFFFFEC00  }
0x7f: {  	_ =	swait.ge [sflag:s8], $0x28  }
0x80: {  	[sflag:s8] =	ssyncset.done $0x0  }
0x81: {  	s11 =	simm.s32 $0x2880;
	s12 =	simm.s32 $0x5380;
	[sflag:s8] =	ssyncadd.s32 $0xFFFFFFD8  }
0x82: {  	[spmem:s3] =	stream.indirect.scatter.add.f32 [tilespmem:s12], [sflag:$0x8], $0x80, s11, s24, $0xb8;
	[tilespmem:$0x1C800] =	vst v63  }
0x83: {  	_ =	swait.ge [sflag:s15], $0x1400  }
0x84: {  	[sflag:s15] =	ssyncset.done $0x0  }
0x85: {  	[sflag:s15] =	ssyncadd.s32 $0xFFFFEC00  }
0x86: {  	_ =	swait.ge [sflag:s16], $0x28  }
0x87: {  	[sflag:s16] =	ssyncset.done $0x0  }
0x88: {  	[sflag:s16] =	ssyncadd.s32 $0xFFFFFFD8  }
0x89: {  	[spmem:s3] =	stream.indirect.scatter.add.f32 [tilespmem:s7], [sflag:$0x9], $0x80, s9, s24, $0xb8;
	[tilespmem:$0x1C800] =	vst v63  }
0x8a: {  	_ =	swait.ge [sflag:s17], $0x1400  }
0x8b: {  	[sflag:s17] =	ssyncset.done $0x0  }
0x8c: {  	[sflag:s17] =	ssyncadd.s32 $0xFFFFEC00  }
0x8d: {  	_ =	swait.ge [sflag:s18], $0x28  }
0x8e: {  	p1 =	seq.s32 s28, $0x9920;
	[sflag:s18] =	ssyncset.done $0x0  }
.Ltmp2:
0x8f: {  	[sflag:s18] =	ssyncadd.s32 $0xFFFFFFD8;
	(pc) =	sbr.rel @p1 .LBB2_4-.Ltmp2, $4  }
0x90: {  	[spmem:s3] =	stream.indirect.scatter.add.f32 [tilespmem:s2], [sflag:$0xA], $0x80, s10, s24, $0xb8;
	[tilespmem:$0x1C800] =	vst v63  }
0x91: {  	_ =	swait.ge [sflag:s19], $0x1400  }
0x92: {  	[sflag:s19] =	ssyncset.done $0x0  }
0x93: {  	s11 =	simm.s32 $0x2980;
	s10 =	simm.s32 $0x7B80;
	[sflag:s19] =	ssyncadd.s32 $0xFFFFEC00  }
0x94: {  	s31 =	sshra.s32 s28, $0x2  }
0x95: {  	s2 =	sadd.s32 $0xC8, s31  }
0x96: {  	[tilespmem:s30], [sflag:$0x1] =	stream.indirect.gather [hbm4b:s1+s24], $0x80, s2, s24, $0xb8;
	[tilespmem:$0x1C800] =	vst v63  }
0x97: {  	s12 =	sshrl.u32 s23, $0x3;
	s30 =	rddreg [dreg:$0x4]  }
0x98: {  	s0 =	simm.s32 $0x2780;
	s2 =	sadd.s32 s30, s12  }
0x99: {  	[tilespmem:s0], [sflag:$0xB] =	stream.linear.gather [hbm4b:s2+s4], $0x28, $0x38;
	[tilespmem:$0x1C800] =	vst v63  }
0x9a: {  	_ =	swait.ge [sflag:s20], $0x1400  }
0x9b: {  	[sflag:s20] =	ssyncset.done $0x0  }
0x9c: {  	s12 =	sadd.s32 $0xF0, s31;
	s0 =	simm.s32 $0x3F80;
	[sflag:s20] =	ssyncadd.s32 $0xFFFFEC00  }
0x9d: {  	[tilespmem:s0], [sflag:$0x2] =	stream.indirect.gather [hbm4b:s1+s24], $0x80, s12, s24, $0xb8;
	[tilespmem:$0x1C800] =	vst v63  }
0x9e: {  	s12 =	simm.s32 $0x2800  }
0x9f: {  	[tilespmem:s12], [sflag:$0xC] =	stream.linear.gather [hbm4b:s5+s4], $0x28, $0x38;
	[tilespmem:$0x1C800] =	vst v63  }
0xa0: {  	_ =	swait.ge [sflag:s21], $0x1400  }
0xa1: {  	[sflag:s21] =	ssyncset.done $0x0  }
0xa2: {  	s2 =	sadd.s32 $0x118, s31;
	s12 =	simm.s32 $0x5380;
	[sflag:s21] =	ssyncadd.s32 $0xFFFFEC00  }
0xa3: {  	[tilespmem:s12], [sflag:$0x3] =	stream.indirect.gather [hbm4b:s1+s24], $0x80, s2, s24, $0xb8;
	[tilespmem:$0x1C800] =	vst v63  }
0xa4: {  	s12 =	simm.s32 $0x2880  }
0xa5: {  	[tilespmem:s12], [sflag:$0xD] =	stream.linear.gather [hbm4b:s25+s4], $0x28, $0x38;
	[tilespmem:$0x1C800] =	vst v63  }
0xa6: {  	_ =	swait.ge [sflag:s22], $0x1400  }
0xa7: {  	[sflag:s22] =	ssyncset.done $0x0  }
0xa8: {  	s12 =	sadd.s32 $0x140, s31;
	[sflag:s22] =	ssyncadd.s32 $0xFFFFEC00  }
0xa9: {  	[tilespmem:s7], [sflag:$0x4] =	stream.indirect.gather [hbm4b:s1+s24], $0x80, s12, s24, $0xb8;
	[tilespmem:$0x1C800] =	vst v63  }
0xaa: {  	_ = 	snop  }
0xab: {  	[tilespmem:s9], [sflag:$0xE] =	stream.linear.gather [hbm4b:s26+s4], $0x28, $0x38;
	[tilespmem:$0x1C800] =	vst v63  }
0xac: {  	s28 =	sadd.s32 $0x320, s28;
	s23 =	sadd.s32 $0xC8, s23;
	_ =	swait.ge [sflag:s6], $0x1400  }
0xad: {  	s30 =	simm.s32 $0x2B80;
	s5 =	sadd.s32 $0x19, s5;
	[sflag:s6] =	ssyncset.done $0x0  }
.Ltmp3:
0xae: {  	s12 =	sadd.s32 $0x168, s31;
	[sflag:s6] =	ssyncadd.s32 $0xFFFFEC00;
	(pc) =	sbr.rel .LBB2_2-.Ltmp3, $4  }
0xaf: {  	[tilespmem:s10], [sflag:$0x5] =	stream.indirect.gather [hbm4b:s1+s24], $0x80, s12, s24, $0xb8;
	[tilespmem:$0x1C800] =	vst v63  }
0xb0: {  	s2 =	simm.s32 $0x7B80;
	s25 =	sadd.s32 $0x19, s25;
	s31 =	simm.s32 $0x2780  }
0xb1: {  	[tilespmem:s11], [sflag:$0xF] =	stream.linear.gather [hbm4b:s29+s4], $0x28, $0x38;
	[tilespmem:$0x1C800] =	vst v63  }
0xb2: {  	s26 =	sadd.s32 $0x19, s26;
	s10 =	simm.s32 $0x2980;
	s29 =	sadd.s32 $0x19, s29  }
.LBB2_5:
0xb3: {  	_ =	sfence.sel $0x180000  }
0xb4: {  	[bflag:$0x0] =	sbarrier.arrive $0xFFFF  }
0xb5: {  	_ =	strace $0x90000047  }
0xb6: {  	s0 =	stileid.u32;
	[bflag:$0x2] =	sbarrier.arrive $0xFFFF  }
0xb7: {  	p0 =	sne.s32 s0, $0x0;
	s0 =	rddreg [dreg:$0x3]  }
0xb8: {  	s0 =	sadd.s32 @!p0 $0x100000, s0  }
0xb9: {  	[sflag:s0] =	ssyncadd.tile.s32 @!p0 $0x1;
	_ =	shalt  }
.Lfunc_end2:
_tile_overlayer_lowered:
.L_overlay_start_2:
0xba: {  	(tag) =	ssettag $0x2  }
0xbb: {  	s0 =	rddreg [dreg:$0x0];
	s2 =	stileid.u32  }
0xbc: {  	s1 =	rddreg [dreg:$0x1];
	p0 =	sne.s32 s2, $0x0  }
0xbd: {  	s3 =	rddreg [dreg:$0x2];
	[bflag:$0x3] =	sbarrier.arrive $0xFFFF;
	s2 =	simm.s32 @!p0 $0x1C10  }
0xbe: {  	[timem:s3], [sflag:s2] =	dma.local @!p0 [hbm:s0], s1  }
0xbf: {  	s0 =	simm.s32 @!p0 $0x10  }
0xc0: {  	_ =	swait.ge @!p0 [sflag:s0], s1  }
0xc1: {  	s1 =	ssub.s32 @!p0 $0x0, s1;
	[sflag:s0] =	ssyncset.done @!p0 $0x0  }
0xc2: {  	[sflag:s0] =	ssyncadd.s32 @!p0 s1  }
0xc3: {  	[bflag:$0x3] =	sbarrier.arrive $0xFFFF  }
0xc4: {  	_ =	shalt  }

</sc_bundles>
